<compile_context>
chip_gen: v7x
topology: tpu7x:2x2x1
jax: 0.10.2.dev20260603
libtpu: 0.0.44.dev20260713+nightly
codegen_flags: <defaults>
</compile_context>

<pallas_src>
import functools

import jax
import jax.numpy as jnp
from jax import lax
from jax.experimental import pallas as pl
from jax.experimental.pallas import tpu as pltpu
from jax.experimental.pallas import tpu_sc as plsc

N = 10000
NPAD = 10112
F_IN = 128
H = 64
C = 40
E = 320000
EP = 100000

NC = 2
NS = 16
NT = NC * NS
RPT = NPAD // NS

CHUNK = 128
NBUF = 4
LBUF = 2

NCH_E = 2560
EPAD = NCH_E * CHUNK
Q0_E = 148
Q1_E = NCH_E // NS - Q0_E
QM_E = max(Q0_E, Q1_E)

NCH_L = 1600
LPAD = NCH_L * CHUNK
Q0_L = 92
Q1_L = NCH_L // NS - Q0_L
QM_L = max(Q0_L, Q1_L)

_mesh = plsc.VectorSubcoreMesh(
    core_axis_name="c", subcore_axis_name="s", num_cores=NC, num_subcores=NS)


def _tile_ids():
    c = lax.axis_index("c")
    s = lax.axis_index("s")
    return c, s, c * NS + s


def _split(c, s, q0, q1):
    q = jnp.where(c == 0, q0, q1)
    start = jnp.where(c == 0, s * q0, NS * q0 + s * q1)
    return q, start


def _deg_body(dsts_hbm, out_hbm, didx, deg):
    c, s, t = _tile_ids()
    cpt = NCH_E // NT
    pltpu.sync_copy(dsts_hbm.at[pl.ds(t * cpt, cpt)], didx)

    def z(i, carry):
        deg[pl.ds(i * 16, 16)] = jnp.zeros((16,), jnp.float32)
        return carry

    lax.fori_loop(0, NPAD // 16, z, 0)

    def g(i, carry):
        iv = didx[i // (CHUNK // 16), pl.ds((i % (CHUNK // 16)) * 16, 16)]
        plsc.addupdate_scatter(deg, [iv], jnp.ones((16,), jnp.float32))
        return carry

    lax.fori_loop(0, cpt * (CHUNK // 16), g, 0)
    pltpu.sync_copy(deg, out_hbm.at[t])


_deg_call = pl.kernel(
    _deg_body,
    out_type=jax.ShapeDtypeStruct((NT, NPAD), jnp.float32),
    mesh=_mesh,
    compiler_params=pltpu.CompilerParams(
        use_tc_tiling_on_sc=False, needs_layout_passes=False),
    scratch_types=[
        pltpu.VMEM((NCH_E // NT, CHUNK), jnp.int32),
        pltpu.VMEM((NPAD,), jnp.float32),
    ],
)


def _prop_body(srcs_hbm, dsts_hbm, y_hbm, zeros_hbm, out_hbm,
               sidx, didx, r0, r1, r2, r3, acc, g0, g1, g2, g3):
    c, s, t = _tile_ids()
    rows = [r0, r1, r2, r3]
    gsem = [g0, g1, g2, g3]
    q, start = _split(c, s, Q0_E, Q1_E)
    pltpu.sync_copy(srcs_hbm.at[pl.ds(start, QM_E)], sidx)
    pltpu.sync_copy(dsts_hbm.at[pl.ds(start, QM_E)], didx)
    pltpu.sync_copy(zeros_hbm.at[pl.ds(s * RPT, RPT)], acc.at[pl.ds(s * RPT, RPT)])
    plsc.subcore_barrier()
    for b in range(NBUF):
        pltpu.make_async_copy(y_hbm.at[sidx.at[b]], rows[b], gsem[b]).start()

    def grp(g, carry):
        for b in range(NBUF):
            k = g * NBUF + b
            pltpu.make_async_copy(y_hbm.at[sidx.at[k]], rows[b], gsem[b]).wait()
            pltpu.sync_copy(rows[b], acc.at[didx.at[k]], add=True)

            @pl.when(k + NBUF < q)
            def _():
                pltpu.make_async_copy(
                    y_hbm.at[sidx.at[k + NBUF]], rows[b], gsem[b]).start()
        return carry

    lax.fori_loop(0, q // NBUF, grp, 0)
    plsc.subcore_barrier()
    pltpu.sync_copy(acc.at[pl.ds(s * RPT, RPT)], out_hbm.at[c, pl.ds(s * RPT, RPT)])


_prop_call = pl.kernel(
    _prop_body,
    out_type=jax.ShapeDtypeStruct((NC, NPAD, H), jnp.float32),
    mesh=_mesh,
    compiler_params=pltpu.CompilerParams(use_tc_tiling_on_sc=False),
    scratch_types=[
        pltpu.VMEM((QM_E, CHUNK), jnp.int32),
        pltpu.VMEM((QM_E, CHUNK), jnp.int32),
        pltpu.VMEM((CHUNK, H), jnp.float32),
        pltpu.VMEM((CHUNK, H), jnp.float32),
        pltpu.VMEM((CHUNK, H), jnp.float32),
        pltpu.VMEM((CHUNK, H), jnp.float32),
        pltpu.VMEM_SHARED((NPAD, H), jnp.float32),
        pltpu.SemaphoreType.DMA,
        pltpu.SemaphoreType.DMA,
        pltpu.SemaphoreType.DMA,
        pltpu.SemaphoreType.DMA,
    ],
)


def _link_body(li_hbm, lj_hbm, feat_hbm, out_hbm, ai, aj,
               ra0, ra1, rb0, rb1, sbuf, ga0, ga1, gb0, gb1):
    c, s, t = _tile_ids()
    rowsa = [ra0, ra1]
    rowsb = [rb0, rb1]
    gsa = [ga0, ga1]
    gsb = [gb0, gb1]
    q, start = _split(c, s, Q0_L, Q1_L)
    pltpu.sync_copy(li_hbm.at[pl.ds(start, QM_L)], ai)
    pltpu.sync_copy(lj_hbm.at[pl.ds(start, QM_L)], aj)
    for b in range(LBUF):
        pltpu.make_async_copy(feat_hbm.at[ai.at[b]], rowsa[b], gsa[b]).start()
        pltpu.make_async_copy(feat_hbm.at[aj.at[b]], rowsb[b], gsb[b]).start()

    def grp(g, carry):
        for b in range(LBUF):
            k = g * LBUF + b
            pltpu.make_async_copy(feat_hbm.at[ai.at[k]], rowsa[b], gsa[b]).wait()
            pltpu.make_async_copy(feat_hbm.at[aj.at[k]], rowsb[b], gsb[b]).wait()

            def edge(e, c2):
                p = rowsa[b][e, pl.ds(0, 16)] * rowsb[b][e, pl.ds(0, 16)]
                p = p + rowsa[b][e, pl.ds(16, 16)] * rowsb[b][e, pl.ds(16, 16)]
                p = p + rowsa[b][e, pl.ds(32, 16)] * rowsb[b][e, pl.ds(32, 16)]
                p = p + rowsa[b][e, pl.ds(48, 16)] * rowsb[b][e, pl.ds(48, 16)]
                sbuf[e, :] = p
                return c2

            lax.fori_loop(0, CHUNK, edge, 0)

            @pl.when(k + LBUF < q)
            def _():
                pltpu.make_async_copy(
                    feat_hbm.at[ai.at[k + LBUF]], rowsa[b], gsa[b]).start()
                pltpu.make_async_copy(
                    feat_hbm.at[aj.at[k + LBUF]], rowsb[b], gsb[b]).start()

            pltpu.sync_copy(sbuf, out_hbm.at[pl.ds((start + k) * CHUNK, CHUNK)])
        return carry

    lax.fori_loop(0, q // LBUF, grp, 0)


_link_call = pl.kernel(
    _link_body,
    out_type=jax.ShapeDtypeStruct((LPAD, 16), jnp.float32),
    mesh=_mesh,
    compiler_params=pltpu.CompilerParams(use_tc_tiling_on_sc=False),
    scratch_types=[
        pltpu.VMEM((QM_L, CHUNK), jnp.int32),
        pltpu.VMEM((QM_L, CHUNK), jnp.int32),
        pltpu.VMEM((CHUNK, H), jnp.float32),
        pltpu.VMEM((CHUNK, H), jnp.float32),
        pltpu.VMEM((CHUNK, H), jnp.float32),
        pltpu.VMEM((CHUNK, H), jnp.float32),
        pltpu.VMEM((CHUNK, 16), jnp.float32),
        pltpu.SemaphoreType.DMA,
        pltpu.SemaphoreType.DMA,
        pltpu.SemaphoreType.DMA,
        pltpu.SemaphoreType.DMA,
    ],
)


def _tc_layer1(degp_ref, x_ref, g_ref, w1_ref, dinv_ref, y1_ref):
    deg = jnp.sum(degp_ref[...], axis=1, keepdims=True) + 1.0
    dinv = lax.rsqrt(jnp.maximum(deg, 1.0))
    xg = jnp.dot(x_ref[...], g_ref[...], preferred_element_type=jnp.float32)
    xw = jnp.dot(xg, w1_ref[...], preferred_element_type=jnp.float32)
    dinv_ref[...] = dinv
    y1_ref[...] = xw * dinv


def _tc_mid(accp_ref, y_ref, dinv_ref, b_ref, w_ref, out_ref, *, use_relu):
    dinv = dinv_ref[...]
    tot = accp_ref[0] + accp_ref[1] + y_ref[...]
    h = dinv * tot + b_ref[...][None, :]
    if use_relu:
        h = jnp.maximum(h, 0.0)
    out_ref[...] = jnp.dot(h, w_ref[...], preferred_element_type=jnp.float32) * dinv


def _tc_feat(accp_ref, y_ref, dinv_ref, b_ref, feat_ref, y4_ref):
    dinv = dinv_ref[...]
    tot = accp_ref[0] + accp_ref[1] + y_ref[...]
    feat = dinv * tot + b_ref[...][None, :]
    feat_ref[...] = feat
    y4_ref[...] = feat * dinv


def _tc_final(accp_ref, y4_ref, dinv_ref, wr_ref, br_ref, wk_ref, bk_ref,
              s2_ref, g16_ref, attr_ref, att_ref, res_ref):
    dinv = dinv_ref[...]
    p = dinv * (accp_ref[0] + accp_ref[1] + y4_ref[...])
    attr_l = jnp.dot(p, wr_ref[...], preferred_element_type=jnp.float32) + br_ref[...][None, :]
    att = jnp.dot(p, wk_ref[...], preferred_element_type=jnp.float32) + bk_ref[...][None, :]
    m = jnp.max(attr_l, axis=1, keepdims=True)
    lse = m + jnp.log(jnp.sum(jnp.exp(attr_l - m), axis=1, keepdims=True))
    attr_ref[...] = attr_l - lse
    att_ref[...] = att
    res_ref[...] = jnp.dot(s2_ref[...], g16_ref[...], preferred_element_type=jnp.float32)


def kernel(input, glove_matrix, W1, b1, W2, b2, W3, b3, Wattr, battr,
           Wattk, battk, edge_index, pos_edge_index, neg_edge_index):
    f32 = jnp.float32
    pad_e = jnp.full((EPAD - E,), N, jnp.int32)
    srcs2 = jnp.concatenate([edge_index[0], pad_e]).reshape(NCH_E, CHUNK)
    dsts2 = jnp.concatenate([edge_index[1], pad_e]).reshape(NCH_E, CHUNK)
    pad_l = jnp.full((LPAD - 2 * EP,), N, jnp.int32)
    li2 = jnp.concatenate([pos_edge_index[0], neg_edge_index[0], pad_l]).reshape(NCH_L, CHUNK)
    lj2 = jnp.concatenate([pos_edge_index[1], neg_edge_index[1], pad_l]).reshape(NCH_L, CHUNK)
    xpad = jnp.pad(input, ((0, NPAD - N), (0, 0)))
    zeros2 = jnp.zeros((NPAD, H), f32)
    g16 = (jnp.arange(256)[:, None] // 16 == jnp.arange(16)[None, :]).astype(f32)

    degp = jnp.transpose(_deg_call(dsts2))

    dinv, y1 = pl.pallas_call(
        _tc_layer1,
        out_shape=(jax.ShapeDtypeStruct((NPAD, 1), f32),
                   jax.ShapeDtypeStruct((NPAD, H), f32)),
    )(degp, xpad, glove_matrix, W1)

    acc1 = _prop_call(srcs2, dsts2, y1, zeros2)
    y2 = pl.pallas_call(
        functools.partial(_tc_mid, use_relu=True),
        out_shape=jax.ShapeDtypeStruct((NPAD, H), f32),
    )(acc1, y1, dinv, b1, W2)

    acc2 = _prop_call(srcs2, dsts2, y2, zeros2)
    y3 = pl.pallas_call(
        functools.partial(_tc_mid, use_relu=False),
        out_shape=jax.ShapeDtypeStruct((NPAD, H), f32),
    )(acc2, y2, dinv, b2, W3)

    acc3 = _prop_call(srcs2, dsts2, y3, zeros2)
    feat_pad, y4 = pl.pallas_call(
        _tc_feat,
        out_shape=(jax.ShapeDtypeStruct((NPAD, H), f32),
                   jax.ShapeDtypeStruct((NPAD, H), f32)),
    )(acc3, y3, dinv, b3)

    acc4 = _prop_call(srcs2, dsts2, y4, zeros2)
    smat = _link_call(li2, lj2, feat_pad)
    s2 = smat.reshape(LPAD * 16 // 256, 256)

    attr_ls, att, res2 = pl.pallas_call(
        _tc_final,
        out_shape=(jax.ShapeDtypeStruct((NPAD, C), f32),
                   jax.ShapeDtypeStruct((NPAD, C), f32),
                   jax.ShapeDtypeStruct((LPAD * 16 // 256, 16), f32)),
        compiler_params=pltpu.CompilerParams(vmem_limit_bytes=100 * 1024 * 1024),
    )(acc4, y4, dinv, Wattr, battr, Wattk, battk, s2, g16)

    res = res2.reshape(LPAD)[:2 * EP]
    return (res, attr_ls[:N], att[:N], feat_pad[:N])

# --- scband reference (transcript-rebuilt; emitter-appended) ---
"""Pipeline reference for scband-gal-model-10213432230317 (READ-ONLY COPY).

The authoritative reference and input builder live on the scoring server;
editing this copy changes nothing except your own understanding.
"""

import jax, jax.numpy as jnp
import numpy as np

N = 10000
F_IN = 128
H = 64
C = 40
E = 320000
EP = 100000


def _glorot(key, shape):
    fan_in, fan_out = shape[0], shape[1]
    s = (6.0 / (fan_in + fan_out)) ** 0.5
    return jax.random.uniform(key, shape, jnp.float32, -s, s)


def gcn_conv(x, W, b, edge_index):
    # GCNConv (Kipf & Welling) with added self loops and symmetric normalization
    n = x.shape[0]
    loops = jnp.arange(n, dtype=edge_index.dtype)
    src = jnp.concatenate([edge_index[0], loops])
    dst = jnp.concatenate([edge_index[1], loops])
    xw = x @ W
    deg = jnp.zeros((n,), xw.dtype).at[dst].add(1.0)
    dinv = 1.0 / jnp.sqrt(deg)
    norm = dinv[src] * dinv[dst]
    msg = jnp.take(xw, src, axis=0) * norm[:, None]
    out = jnp.zeros_like(xw).at[dst].add(msg)
    return out + b


def setup_inputs(seed: int = 0) -> dict:
    key = jax.random.key(seed)
    ks = jax.random.split(key, 16)
    inp = {}
    inp["input"] = jax.random.normal(ks[0], (N, F_IN), jnp.float32)
    inp["glove_matrix"] = jnp.eye(F_IN, dtype=jnp.float32)
    inp["W1"] = _glorot(ks[1], (F_IN, H))
    inp["b1"] = jnp.zeros((H,), jnp.float32)
    inp["W2"] = _glorot(ks[2], (H, H))
    inp["b2"] = jnp.zeros((H,), jnp.float32)
    inp["W3"] = _glorot(ks[3], (H, H))
    inp["b3"] = jnp.zeros((H,), jnp.float32)
    inp["Wattr"] = _glorot(ks[4], (H, C))
    inp["battr"] = jnp.zeros((C,), jnp.float32)
    inp["Wattk"] = _glorot(ks[5], (H, C))
    inp["battk"] = jnp.zeros((C,), jnp.float32)
    inp["edge_index"] = jax.random.randint(ks[6], (2, E), 0, N, jnp.int32)
    inp["pos_edge_index"] = jax.random.randint(ks[7], (2, EP), 0, N, jnp.int32)
    inp["neg_edge_index"] = jax.random.randint(ks[8], (2, EP), 0, N, jnp.int32)
    return inp


def reference(input, glove_matrix, W1, b1, W2, b2, W3, b3, Wattr, battr, Wattk, battk, edge_index, pos_edge_index, neg_edge_index):
    x = input @ glove_matrix
    x = jax.nn.relu(gcn_conv(x, W1, b1, edge_index))
    x = gcn_conv(x, W2, b2, edge_index)
    x = gcn_conv(x, W3, b3, edge_index)
    feat = x
    attr = gcn_conv(x, Wattr, battr, edge_index)
    # gradient reversal layer is identity in the forward pass
    att = gcn_conv(x, Wattk, battk, edge_index)
    total_edge_index = jnp.concatenate([pos_edge_index, neg_edge_index], axis=-1)
    x_j = jnp.take(x, total_edge_index[0], axis=0)
    x_i = jnp.take(x, total_edge_index[1], axis=0)
    res = jnp.einsum('ef,ef->e', x_i, x_j)
    return (res, jax.nn.log_softmax(attr, axis=1), att, feat)

if __name__ == "__main__":
    import jax
    _d = setup_inputs()
    print(jax.jit(kernel)(*tuple(_d.values())))

</pallas_src>

<mosaic_0001>
#map = affine_map<(d0, d1) -> (0, 0)>
#map1 = affine_map<(d0, d1) -> (0, 0, 0)>
module attributes {stable_mosaic.version = 14 : i64} {
  func.func @_prop_body(%arg0: i32, %arg1: i32, %arg2: memref<2560x128xi32, #tpu.memory_space<hbm>>, %arg3: memref<2560x128xi32, #tpu.memory_space<hbm>>, %arg4: memref<10112x64xf32, #tpu.memory_space<hbm>>, %arg5: memref<10112x64xf32, #tpu.memory_space<hbm>>, %arg6: memref<2x10112x64xf32, #tpu.memory_space<hbm>>, %arg7: memref<148x128xi32, #tpu.memory_space<vmem>>, %arg8: memref<148x128xi32, #tpu.memory_space<vmem>>, %arg9: memref<128x64xf32, #tpu.memory_space<vmem>>, %arg10: memref<128x64xf32, #tpu.memory_space<vmem>>, %arg11: memref<128x64xf32, #tpu.memory_space<vmem>>, %arg12: memref<128x64xf32, #tpu.memory_space<vmem>>, %arg13: memref<10112x64xf32, #tpu.memory_space<vmem_shared>>, %arg14: memref<!tpu.dma_semaphore, #tpu.memory_space<semaphore_mem>>, %arg15: memref<!tpu.dma_semaphore, #tpu.memory_space<semaphore_mem>>, %arg16: memref<!tpu.dma_semaphore, #tpu.memory_space<semaphore_mem>>, %arg17: memref<!tpu.dma_semaphore, #tpu.memory_space<semaphore_mem>>) attributes {dimension_semantics = [#tpu.dimension_semantics<core_parallel>, #tpu.dimension_semantics<subcore_parallel>], iteration_bounds = array<i64: 2, 16>, scalar_prefetch = 0 : i64, scratch_operands = 11 : i64, tpu.core_type = #tpu.core_type<sc_vector_subcore>, window_params = [{transform_indices = #map}, {transform_indices = #map}, {transform_indices = #map}, {transform_indices = #map}, {transform_indices = #map1}]} {
    %mul3A = arith.constant 16 : i32
    %mul3A_0 = arith.muli %arg0, %mul3A : i32
    %add3A = arith.addi %mul3A_0, %arg1 : i32
    %eq3A = arith.constant 0 : i32
    %eq3A_1 = arith.cmpi eq, %arg0, %eq3A : i32
    %jit3A = arith.constant 148 : i32
    %jit3A_2 = arith.constant 12 : i32
    %select_n3A = arith.select %eq3A_1, %jit3A, %jit3A_2 : i32
    %eq3A_3 = arith.constant 0 : i32
    %eq3A_4 = arith.cmpi eq, %arg0, %eq3A_3 : i32
    %mul3A_5 = arith.constant 148 : i32
    %mul3A_6 = arith.muli %arg1, %mul3A_5 : i32
    %mul3A_7 = arith.constant 12 : i32
    %mul3A_8 = arith.muli %arg1, %mul3A_7 : i32
    %add3A_9 = arith.constant 2368 : i32
    %add3A_10 = arith.addi %add3A_9, %mul3A_8 : i32
    %select_n3A_11 = arith.select %eq3A_4, %mul3A_6, %add3A_10 : i32
    "tpu.region"() ({
      %run_scoped3A = tpu.sem_alloc : memref<!tpu.dma_semaphore, #tpu.memory_space<semaphore_mem>>
      %dma_start3A_75 = arith.constant 0 : i32
      %dma_start3A_76 = tpu.memref_slice %arg2[%select_n3A_11, %dma_start3A_75] : memref<2560x128xi32, #tpu.memory_space<hbm>> -> memref<148x128xi32, #tpu.memory_space<hbm>>
      %dma_start3A_77 = arith.constant 0 : i32
      %dma_start3A_78 = tpu.memref_slice %arg2[%select_n3A_11, %dma_start3A_77] : memref<2560x128xi32, #tpu.memory_space<hbm>> -> memref<148x128xi32, #tpu.memory_space<hbm>>
      tpu.enqueue_dma source(%dma_start3A_78 : memref<148x128xi32, #tpu.memory_space<hbm>>) target(%arg7 : memref<148x128xi32, #tpu.memory_space<vmem>>) target_semaphore(%run_scoped3A : memref<!tpu.dma_semaphore, #tpu.memory_space<semaphore_mem>>)
      %dma_wait3A = arith.constant 0 : i32
      %dma_wait3A_79 = tpu.memref_slice %arg2[%select_n3A_11, %dma_wait3A] : memref<2560x128xi32, #tpu.memory_space<hbm>> -> memref<148x128xi32, #tpu.memory_space<hbm>>
      %dma_wait3A_80 = arith.constant 0 : i32
      %dma_wait3A_81 = tpu.memref_slice %arg2[%select_n3A_11, %dma_wait3A_80] : memref<2560x128xi32, #tpu.memory_space<hbm>> -> memref<148x128xi32, #tpu.memory_space<hbm>>
      tpu.wait_dma2 semaphore(%run_scoped3A : memref<!tpu.dma_semaphore, #tpu.memory_space<semaphore_mem>>) src(%dma_wait3A_81 : memref<148x128xi32, #tpu.memory_space<hbm>>) dst(%arg7 : memref<148x128xi32, #tpu.memory_space<vmem>>)
      tpu.yield
    }) : () -> ()
    "tpu.region"() ({
      %run_scoped3A = tpu.sem_alloc : memref<!tpu.dma_semaphore, #tpu.memory_space<semaphore_mem>>
      %dma_start3A_75 = arith.constant 0 : i32
      %dma_start3A_76 = tpu.memref_slice %arg3[%select_n3A_11, %dma_start3A_75] : memref<2560x128xi32, #tpu.memory_space<hbm>> -> memref<148x128xi32, #tpu.memory_space<hbm>>
      %dma_start3A_77 = arith.constant 0 : i32
      %dma_start3A_78 = tpu.memref_slice %arg3[%select_n3A_11, %dma_start3A_77] : memref<2560x128xi32, #tpu.memory_space<hbm>> -> memref<148x128xi32, #tpu.memory_space<hbm>>
      tpu.enqueue_dma source(%dma_start3A_78 : memref<148x128xi32, #tpu.memory_space<hbm>>) target(%arg8 : memref<148x128xi32, #tpu.memory_space<vmem>>) target_semaphore(%run_scoped3A : memref<!tpu.dma_semaphore, #tpu.memory_space<semaphore_mem>>)
      %dma_wait3A = arith.constant 0 : i32
      %dma_wait3A_79 = tpu.memref_slice %arg3[%select_n3A_11, %dma_wait3A] : memref<2560x128xi32, #tpu.memory_space<hbm>> -> memref<148x128xi32, #tpu.memory_space<hbm>>
      %dma_wait3A_80 = arith.constant 0 : i32
      %dma_wait3A_81 = tpu.memref_slice %arg3[%select_n3A_11, %dma_wait3A_80] : memref<2560x128xi32, #tpu.memory_space<hbm>> -> memref<148x128xi32, #tpu.memory_space<hbm>>
      tpu.wait_dma2 semaphore(%run_scoped3A : memref<!tpu.dma_semaphore, #tpu.memory_space<semaphore_mem>>) src(%dma_wait3A_81 : memref<148x128xi32, #tpu.memory_space<hbm>>) dst(%arg8 : memref<148x128xi32, #tpu.memory_space<vmem>>)
      tpu.yield
    }) : () -> ()
    %mul3A_12 = arith.constant 632 : i32
    %mul3A_13 = arith.muli %arg1, %mul3A_12 : i32
    %mul3A_14 = arith.constant 632 : i32
    %mul3A_15 = arith.muli %arg1, %mul3A_14 : i32
    "tpu.region"() ({
      %run_scoped3A = tpu.sem_alloc : memref<!tpu.dma_semaphore, #tpu.memory_space<semaphore_mem>>
      %dma_start3A_75 = arith.constant 0 : i32
      %dma_start3A_76 = tpu.memref_slice %arg13[%mul3A_15, %dma_start3A_75] : memref<10112x64xf32, #tpu.memory_space<vmem_shared>> -> memref<632x64xf32, #tpu.memory_space<vmem_shared>>
      %dma_start3A_77 = arith.constant 0 : i32
      %dma_start3A_78 = tpu.memref_slice %arg5[%mul3A_13, %dma_start3A_77] : memref<10112x64xf32, #tpu.memory_space<hbm>> -> memref<632x64xf32, #tpu.memory_space<hbm>>
      tpu.enqueue_dma source(%dma_start3A_78 : memref<632x64xf32, #tpu.memory_space<hbm>>) target(%dma_start3A_76 : memref<632x64xf32, #tpu.memory_space<vmem_shared>>) target_semaphore(%run_scoped3A : memref<!tpu.dma_semaphore, #tpu.memory_space<semaphore_mem>>)
      %dma_wait3A = arith.constant 0 : i32
      %dma_wait3A_79 = tpu.memref_slice %arg13[%mul3A_15, %dma_wait3A] : memref<10112x64xf32, #tpu.memory_space<vmem_shared>> -> memref<632x64xf32, #tpu.memory_space<vmem_shared>>
      %dma_wait3A_80 = arith.constant 0 : i32
      %dma_wait3A_81 = tpu.memref_slice %arg5[%mul3A_13, %dma_wait3A_80] : memref<10112x64xf32, #tpu.memory_space<hbm>> -> memref<632x64xf32, #tpu.memory_space<hbm>>
      tpu.wait_dma2 semaphore(%run_scoped3A : memref<!tpu.dma_semaphore, #tpu.memory_space<semaphore_mem>>) src(%dma_wait3A_81 : memref<632x64xf32, #tpu.memory_space<hbm>>) dst(%dma_wait3A_79 : memref<632x64xf32, #tpu.memory_space<vmem_shared>>)
      tpu.yield
    }) : () -> ()
    %barrier3A = arith.constant 0 : index
    tpu.barrier barrier_id(%barrier3A)
    %dma_start3A = arith.constant 0 : i32
    %dma_start3A_16 = arith.constant 0 : i32
    %dma_start3A_17 = tpu.memref_slice %arg7[%dma_start3A, %dma_start3A_16] : memref<148x128xi32, #tpu.memory_space<vmem>> -> memref<1x128xi32, #tpu.memory_space<vmem>>
    %dma_start3A_18 = tpu.memref_squeeze %dma_start3A_17 : memref<1x128xi32, #tpu.memory_space<vmem>> -> memref<128xi32, #tpu.memory_space<vmem>>
    %dma_start3A_19 = arith.constant 0 : i32
    %dma_start3A_20 = arith.constant 0 : i32
    %dma_start3A_21 = tpu.memref_slice %arg4[%dma_start3A_19, %dma_start3A_20] : memref<10112x64xf32, #tpu.memory_space<hbm>> -> memref<10112x64xf32, #tpu.memory_space<hbm>>
    tpu.enqueue_indirect_dma source(%dma_start3A_21 : memref<10112x64xf32, #tpu.memory_space<hbm>>) target(%arg9 : memref<128x64xf32, #tpu.memory_space<vmem>>) offsets(%dma_start3A_18 : memref<128xi32, #tpu.memory_space<vmem>>) semaphore(%arg14 : memref<!tpu.dma_semaphore, #tpu.memory_space<semaphore_mem>>)
    %dma_start3A_22 = arith.constant 1 : i32
    %dma_start3A_23 = arith.constant 0 : i32
    %dma_start3A_24 = tpu.memref_slice %arg7[%dma_start3A_22, %dma_start3A_23] : memref<148x128xi32, #tpu.memory_space<vmem>> -> memref<1x128xi32, #tpu.memory_space<vmem>>
    %dma_start3A_25 = tpu.memref_squeeze %dma_start3A_24 : memref<1x128xi32, #tpu.memory_space<vmem>> -> memref<128xi32, #tpu.memory_space<vmem>>
    %dma_start3A_26 = arith.constant 0 : i32
    %dma_start3A_27 = arith.constant 0 : i32
    %dma_start3A_28 = tpu.memref_slice %arg4[%dma_start3A_26, %dma_start3A_27] : memref<10112x64xf32, #tpu.memory_space<hbm>> -> memref<10112x64xf32, #tpu.memory_space<hbm>>
    tpu.enqueue_indirect_dma source(%dma_start3A_28 : memref<10112x64xf32, #tpu.memory_space<hbm>>) target(%arg10 : memref<128x64xf32, #tpu.memory_space<vmem>>) offsets(%dma_start3A_25 : memref<128xi32, #tpu.memory_space<vmem>>) semaphore(%arg15 : memref<!tpu.dma_semaphore, #tpu.memory_space<semaphore_mem>>)
    %dma_start3A_29 = arith.constant 2 : i32
    %dma_start3A_30 = arith.constant 0 : i32
    %dma_start3A_31 = tpu.memref_slice %arg7[%dma_start3A_29, %dma_start3A_30] : memref<148x128xi32, #tpu.memory_space<vmem>> -> memref<1x128xi32, #tpu.memory_space<vmem>>
    %dma_start3A_32 = tpu.memref_squeeze %dma_start3A_31 : memref<1x128xi32, #tpu.memory_space<vmem>> -> memref<128xi32, #tpu.memory_space<vmem>>
    %dma_start3A_33 = arith.constant 0 : i32
    %dma_start3A_34 = arith.constant 0 : i32
    %dma_start3A_35 = tpu.memref_slice %arg4[%dma_start3A_33, %dma_start3A_34] : memref<10112x64xf32, #tpu.memory_space<hbm>> -> memref<10112x64xf32, #tpu.memory_space<hbm>>
    tpu.enqueue_indirect_dma source(%dma_start3A_35 : memref<10112x64xf32, #tpu.memory_space<hbm>>) target(%arg11 : memref<128x64xf32, #tpu.memory_space<vmem>>) offsets(%dma_start3A_32 : memref<128xi32, #tpu.memory_space<vmem>>) semaphore(%arg16 : memref<!tpu.dma_semaphore, #tpu.memory_space<semaphore_mem>>)
    %dma_start3A_36 = arith.constant 3 : i32
    %dma_start3A_37 = arith.constant 0 : i32
    %dma_start3A_38 = tpu.memref_slice %arg7[%dma_start3A_36, %dma_start3A_37] : memref<148x128xi32, #tpu.memory_space<vmem>> -> memref<1x128xi32, #tpu.memory_space<vmem>>
    %dma_start3A_39 = tpu.memref_squeeze %dma_start3A_38 : memref<1x128xi32, #tpu.memory_space<vmem>> -> memref<128xi32, #tpu.memory_space<vmem>>
    %dma_start3A_40 = arith.constant 0 : i32
    %dma_start3A_41 = arith.constant 0 : i32
    %dma_start3A_42 = tpu.memref_slice %arg4[%dma_start3A_40, %dma_start3A_41] : memref<10112x64xf32, #tpu.memory_space<hbm>> -> memref<10112x64xf32, #tpu.memory_space<hbm>>
    tpu.enqueue_indirect_dma source(%dma_start3A_42 : memref<10112x64xf32, #tpu.memory_space<hbm>>) target(%arg12 : memref<128x64xf32, #tpu.memory_space<vmem>>) offsets(%dma_start3A_39 : memref<128xi32, #tpu.memory_space<vmem>>) semaphore(%arg17 : memref<!tpu.dma_semaphore, #tpu.memory_space<semaphore_mem>>)
    %jit3A_43 = arith.constant 4 : i32
    %div3A = arith.divsi %select_n3A, %jit3A_43 : i32
    %sign3A = arith.constant 0 : i32
    %sign3A_44 = arith.cmpi sgt, %select_n3A, %sign3A : i32
    %sign3A_45 = arith.extui %sign3A_44 : i1 to i32
    %sign3A_46 = arith.constant 0 : i32
    %sign3A_47 = arith.cmpi slt, %select_n3A, %sign3A_46 : i32
    %sign3A_48 = arith.extui %sign3A_47 : i1 to i32
    %sign3A_49 = arith.subi %sign3A_45, %sign3A_48 : i32
    %sign3A_50 = arith.constant 0 : i32
    %sign3A_51 = arith.cmpi sgt, %jit3A_43, %sign3A_50 : i32
    %sign3A_52 = arith.extui %sign3A_51 : i1 to i32
    %sign3A_53 = arith.constant 0 : i32
    %sign3A_54 = arith.cmpi slt, %jit3A_43, %sign3A_53 : i32
    %sign3A_55 = arith.extui %sign3A_54 : i1 to i32
    %sign3A_56 = arith.subi %sign3A_52, %sign3A_55 : i32
    %ne3A = arith.cmpi ne, %sign3A_49, %sign3A_56 : i32
    %rem3A = arith.remsi %select_n3A, %jit3A_43 : i32
    %ne3A_57 = arith.constant 0 : i32
    %ne3A_58 = arith.cmpi ne, %rem3A, %ne3A_57 : i32
    %and3A = arith.andi %ne3A, %ne3A_58 : i1
    %sub3A = arith.constant 1 : i32
    %sub3A_59 = arith.subi %div3A, %sub3A : i32
    %select_n3A_60 = arith.select %and3A, %sub3A_59, %div3A : i32
    %while3A = arith.constant 0 : i32
    %while3A_61 = arith.constant 0 : i32
    %while3A_62 = arith.subi %select_n3A_60, %while3A_61 : i32
    %while3A_63 = arith.addi %while3A_61, %while3A_62 : i32
    %while3A_64 = arith.constant 1 : i32
    %while3A_65 = arith.divsi %while3A_62, %while3A_64 : i32
    %while3A_66 = arith.muli %while3A_65, %while3A_64 : i32
    %while3A_67 = arith.addi %while3A_61, %while3A_66 : i32
    %while3A_68 = arith.constant 1 : i32
    scf.for %while3A_75 = %while3A_61 to %while3A_67 step %while3A_68  : i32 {
      %mul3A_76 = arith.constant 4 : i32
      %mul3A_77 = arith.muli %while3A_75, %mul3A_76 : i32
      %add3A_78 = arith.constant 0 : i32
      %add3A_79 = arith.addi %mul3A_77, %add3A_78 : i32
      %dma_wait3A = arith.constant 0 : i32
      %dma_wait3A_80 = tpu.memref_slice %arg7[%add3A_79, %dma_wait3A] : memref<148x128xi32, #tpu.memory_space<vmem>> -> memref<1x128xi32, #tpu.memory_space<vmem>>
      %dma_wait3A_81 = tpu.memref_squeeze %dma_wait3A_80 : memref<1x128xi32, #tpu.memory_space<vmem>> -> memref<128xi32, #tpu.memory_space<vmem>>
      %dma_wait3A_82 = arith.constant 0 : i32
      %dma_wait3A_83 = arith.constant 0 : i32
      %dma_wait3A_84 = tpu.memref_slice %arg4[%dma_wait3A_82, %dma_wait3A_83] : memref<10112x64xf32, #tpu.memory_space<hbm>> -> memref<10112x64xf32, #tpu.memory_space<hbm>>
      tpu.wait_indirect_dma semaphore(%arg14 : memref<!tpu.dma_semaphore, #tpu.memory_space<semaphore_mem>>) src(%dma_wait3A_84 : memref<10112x64xf32, #tpu.memory_space<hbm>>) dst(%arg9 : memref<128x64xf32, #tpu.memory_space<vmem>>)
      "tpu.region"() ({
        %run_scoped3A = tpu.sem_alloc : memref<!tpu.dma_semaphore, #tpu.memory_space<semaphore_mem>>
        %dma_start3A_136 = arith.constant 0 : i32
        %dma_start3A_137 = tpu.memref_slice %arg8[%add3A_79, %dma_start3A_136] : memref<148x128xi32, #tpu.memory_space<vmem>> -> memref<1x128xi32, #tpu.memory_space<vmem>>
        %dma_start3A_138 = tpu.memref_squeeze %dma_start3A_137 : memref<1x128xi32, #tpu.memory_space<vmem>> -> memref<128xi32, #tpu.memory_space<vmem>>
        %dma_start3A_139 = arith.constant 0 : i32
        %dma_start3A_140 = arith.constant 0 : i32
        %dma_start3A_141 = tpu.memref_slice %arg13[%dma_start3A_139, %dma_start3A_140] : memref<10112x64xf32, #tpu.memory_space<vmem_shared>> -> memref<10112x64xf32, #tpu.memory_space<vmem_shared>>
        tpu.enqueue_indirect_dma source(%arg9 : memref<128x64xf32, #tpu.memory_space<vmem>>) target(%dma_start3A_141 : memref<10112x64xf32, #tpu.memory_space<vmem_shared>>) offsets(%dma_start3A_138 : memref<128xi32, #tpu.memory_space<vmem>>) semaphore(%run_scoped3A : memref<!tpu.dma_semaphore, #tpu.memory_space<semaphore_mem>>) {add = true}
        %dma_wait3A_142 = arith.constant 0 : i32
        %dma_wait3A_143 = tpu.memref_slice %arg8[%add3A_79, %dma_wait3A_142] : memref<148x128xi32, #tpu.memory_space<vmem>> -> memref<1x128xi32, #tpu.memory_space<vmem>>
        %dma_wait3A_144 = tpu.memref_squeeze %dma_wait3A_143 : memref<1x128xi32, #tpu.memory_space<vmem>> -> memref<128xi32, #tpu.memory_space<vmem>>
        %dma_wait3A_145 = arith.constant 0 : i32
        %dma_wait3A_146 = arith.constant 0 : i32
        %dma_wait3A_147 = tpu.memref_slice %arg13[%dma_wait3A_145, %dma_wait3A_146] : memref<10112x64xf32, #tpu.memory_space<vmem_shared>> -> memref<10112x64xf32, #tpu.memory_space<vmem_shared>>
        tpu.wait_indirect_dma semaphore(%run_scoped3A : memref<!tpu.dma_semaphore, #tpu.memory_space<semaphore_mem>>) src(%arg9 : memref<128x64xf32, #tpu.memory_space<vmem>>) dst(%dma_wait3A_147 : memref<10112x64xf32, #tpu.memory_space<vmem_shared>>)
        tpu.yield
      }) : () -> ()
      %add3A_85 = arith.constant 4 : i32
      %add3A_86 = arith.addi %add3A_79, %add3A_85 : i32
      %lt3A = arith.cmpi slt, %add3A_86, %select_n3A : i32
      %convert_element_type3A = arith.extui %lt3A : i1 to i32
      %cond3A = arith.constant 0 : i32
      %cond3A_87 = arith.cmpi ne, %convert_element_type3A, %cond3A : i32
      scf.if %cond3A_87 {
        %add3A_136 = arith.constant 4 : i32
        %add3A_137 = arith.addi %add3A_79, %add3A_136 : i32
        %dma_start3A_138 = arith.constant 0 : i32
        %dma_start3A_139 = tpu.memref_slice %arg7[%add3A_137, %dma_start3A_138] : memref<148x128xi32, #tpu.memory_space<vmem>> -> memref<1x128xi32, #tpu.memory_space<vmem>>
        %dma_start3A_140 = tpu.memref_squeeze %dma_start3A_139 : memref<1x128xi32, #tpu.memory_space<vmem>> -> memref<128xi32, #tpu.memory_space<vmem>>
        %dma_start3A_141 = arith.constant 0 : i32
        %dma_start3A_142 = arith.constant 0 : i32
        %dma_start3A_143 = tpu.memref_slice %arg4[%dma_start3A_141, %dma_start3A_142] : memref<10112x64xf32, #tpu.memory_space<hbm>> -> memref<10112x64xf32, #tpu.memory_space<hbm>>
        tpu.enqueue_indirect_dma source(%dma_start3A_143 : memref<10112x64xf32, #tpu.memory_space<hbm>>) target(%arg9 : memref<128x64xf32, #tpu.memory_space<vmem>>) offsets(%dma_start3A_140 : memref<128xi32, #tpu.memory_space<vmem>>) semaphore(%arg14 : memref<!tpu.dma_semaphore, #tpu.memory_space<semaphore_mem>>)
      } else {
      }
      %mul3A_88 = arith.constant 4 : i32
      %mul3A_89 = arith.muli %while3A_75, %mul3A_88 : i32
      %add3A_90 = arith.constant 1 : i32
      %add3A_91 = arith.addi %mul3A_89, %add3A_90 : i32
      %dma_wait3A_92 = arith.constant 0 : i32
      %dma_wait3A_93 = tpu.memref_slice %arg7[%add3A_91, %dma_wait3A_92] : memref<148x128xi32, #tpu.memory_space<vmem>> -> memref<1x128xi32, #tpu.memory_space<vmem>>
      %dma_wait3A_94 = tpu.memref_squeeze %dma_wait3A_93 : memref<1x128xi32, #tpu.memory_space<vmem>> -> memref<128xi32, #tpu.memory_space<vmem>>
      %dma_wait3A_95 = arith.constant 0 : i32
      %dma_wait3A_96 = arith.constant 0 : i32
      %dma_wait3A_97 = tpu.memref_slice %arg4[%dma_wait3A_95, %dma_wait3A_96] : memref<10112x64xf32, #tpu.memory_space<hbm>> -> memref<10112x64xf32, #tpu.memory_space<hbm>>
      tpu.wait_indirect_dma semaphore(%arg15 : memref<!tpu.dma_semaphore, #tpu.memory_space<semaphore_mem>>) src(%dma_wait3A_97 : memref<10112x64xf32, #tpu.memory_space<hbm>>) dst(%arg10 : memref<128x64xf32, #tpu.memory_space<vmem>>)
      "tpu.region"() ({
        %run_scoped3A = tpu.sem_alloc : memref<!tpu.dma_semaphore, #tpu.memory_space<semaphore_mem>>
        %dma_start3A_136 = arith.constant 0 : i32
        %dma_start3A_137 = tpu.memref_slice %arg8[%add3A_91, %dma_start3A_136] : memref<148x128xi32, #tpu.memory_space<vmem>> -> memref<1x128xi32, #tpu.memory_space<vmem>>
        %dma_start3A_138 = tpu.memref_squeeze %dma_start3A_137 : memref<1x128xi32, #tpu.memory_space<vmem>> -> memref<128xi32, #tpu.memory_space<vmem>>
        %dma_start3A_139 = arith.constant 0 : i32
        %dma_start3A_140 = arith.constant 0 : i32
        %dma_start3A_141 = tpu.memref_slice %arg13[%dma_start3A_139, %dma_start3A_140] : memref<10112x64xf32, #tpu.memory_space<vmem_shared>> -> memref<10112x64xf32, #tpu.memory_space<vmem_shared>>
        tpu.enqueue_indirect_dma source(%arg10 : memref<128x64xf32, #tpu.memory_space<vmem>>) target(%dma_start3A_141 : memref<10112x64xf32, #tpu.memory_space<vmem_shared>>) offsets(%dma_start3A_138 : memref<128xi32, #tpu.memory_space<vmem>>) semaphore(%run_scoped3A : memref<!tpu.dma_semaphore, #tpu.memory_space<semaphore_mem>>) {add = true}
        %dma_wait3A_142 = arith.constant 0 : i32
        %dma_wait3A_143 = tpu.memref_slice %arg8[%add3A_91, %dma_wait3A_142] : memref<148x128xi32, #tpu.memory_space<vmem>> -> memref<1x128xi32, #tpu.memory_space<vmem>>
        %dma_wait3A_144 = tpu.memref_squeeze %dma_wait3A_143 : memref<1x128xi32, #tpu.memory_space<vmem>> -> memref<128xi32, #tpu.memory_space<vmem>>
        %dma_wait3A_145 = arith.constant 0 : i32
        %dma_wait3A_146 = arith.constant 0 : i32
        %dma_wait3A_147 = tpu.memref_slice %arg13[%dma_wait3A_145, %dma_wait3A_146] : memref<10112x64xf32, #tpu.memory_space<vmem_shared>> -> memref<10112x64xf32, #tpu.memory_space<vmem_shared>>
        tpu.wait_indirect_dma semaphore(%run_scoped3A : memref<!tpu.dma_semaphore, #tpu.memory_space<semaphore_mem>>) src(%arg10 : memref<128x64xf32, #tpu.memory_space<vmem>>) dst(%dma_wait3A_147 : memref<10112x64xf32, #tpu.memory_space<vmem_shared>>)
        tpu.yield
      }) : () -> ()
      %add3A_98 = arith.constant 4 : i32
      %add3A_99 = arith.addi %add3A_91, %add3A_98 : i32
      %lt3A_100 = arith.cmpi slt, %add3A_99, %select_n3A : i32
      %convert_element_type3A_101 = arith.extui %lt3A_100 : i1 to i32
      %cond3A_102 = arith.constant 0 : i32
      %cond3A_103 = arith.cmpi ne, %convert_element_type3A_101, %cond3A_102 : i32
      scf.if %cond3A_103 {
        %add3A_136 = arith.constant 4 : i32
        %add3A_137 = arith.addi %add3A_91, %add3A_136 : i32
        %dma_start3A_138 = arith.constant 0 : i32
        %dma_start3A_139 = tpu.memref_slice %arg7[%add3A_137, %dma_start3A_138] : memref<148x128xi32, #tpu.memory_space<vmem>> -> memref<1x128xi32, #tpu.memory_space<vmem>>
        %dma_start3A_140 = tpu.memref_squeeze %dma_start3A_139 : memref<1x128xi32, #tpu.memory_space<vmem>> -> memref<128xi32, #tpu.memory_space<vmem>>
        %dma_start3A_141 = arith.constant 0 : i32
        %dma_start3A_142 = arith.constant 0 : i32
        %dma_start3A_143 = tpu.memref_slice %arg4[%dma_start3A_141, %dma_start3A_142] : memref<10112x64xf32, #tpu.memory_space<hbm>> -> memref<10112x64xf32, #tpu.memory_space<hbm>>
        tpu.enqueue_indirect_dma source(%dma_start3A_143 : memref<10112x64xf32, #tpu.memory_space<hbm>>) target(%arg10 : memref<128x64xf32, #tpu.memory_space<vmem>>) offsets(%dma_start3A_140 : memref<128xi32, #tpu.memory_space<vmem>>) semaphore(%arg15 : memref<!tpu.dma_semaphore, #tpu.memory_space<semaphore_mem>>)
      } else {
      }
      %mul3A_104 = arith.constant 4 : i32
      %mul3A_105 = arith.muli %while3A_75, %mul3A_104 : i32
      %add3A_106 = arith.constant 2 : i32
      %add3A_107 = arith.addi %mul3A_105, %add3A_106 : i32
      %dma_wait3A_108 = arith.constant 0 : i32
      %dma_wait3A_109 = tpu.memref_slice %arg7[%add3A_107, %dma_wait3A_108] : memref<148x128xi32, #tpu.memory_space<vmem>> -> memref<1x128xi32, #tpu.memory_space<vmem>>
      %dma_wait3A_110 = tpu.memref_squeeze %dma_wait3A_109 : memref<1x128xi32, #tpu.memory_space<vmem>> -> memref<128xi32, #tpu.memory_space<vmem>>
      %dma_wait3A_111 = arith.constant 0 : i32
      %dma_wait3A_112 = arith.constant 0 : i32
      %dma_wait3A_113 = tpu.memref_slice %arg4[%dma_wait3A_111, %dma_wait3A_112] : memref<10112x64xf32, #tpu.memory_space<hbm>> -> memref<10112x64xf32, #tpu.memory_space<hbm>>
      tpu.wait_indirect_dma semaphore(%arg16 : memref<!tpu.dma_semaphore, #tpu.memory_space<semaphore_mem>>) src(%dma_wait3A_113 : memref<10112x64xf32, #tpu.memory_space<hbm>>) dst(%arg11 : memref<128x64xf32, #tpu.memory_space<vmem>>)
      "tpu.region"() ({
        %run_scoped3A = tpu.sem_alloc : memref<!tpu.dma_semaphore, #tpu.memory_space<semaphore_mem>>
        %dma_start3A_136 = arith.constant 0 : i32
        %dma_start3A_137 = tpu.memref_slice %arg8[%add3A_107, %dma_start3A_136] : memref<148x128xi32, #tpu.memory_space<vmem>> -> memref<1x128xi32, #tpu.memory_space<vmem>>
        %dma_start3A_138 = tpu.memref_squeeze %dma_start3A_137 : memref<1x128xi32, #tpu.memory_space<vmem>> -> memref<128xi32, #tpu.memory_space<vmem>>
        %dma_start3A_139 = arith.constant 0 : i32
        %dma_start3A_140 = arith.constant 0 : i32
        %dma_start3A_141 = tpu.memref_slice %arg13[%dma_start3A_139, %dma_start3A_140] : memref<10112x64xf32, #tpu.memory_space<vmem_shared>> -> memref<10112x64xf32, #tpu.memory_space<vmem_shared>>
        tpu.enqueue_indirect_dma source(%arg11 : memref<128x64xf32, #tpu.memory_space<vmem>>) target(%dma_start3A_141 : memref<10112x64xf32, #tpu.memory_space<vmem_shared>>) offsets(%dma_start3A_138 : memref<128xi32, #tpu.memory_space<vmem>>) semaphore(%run_scoped3A : memref<!tpu.dma_semaphore, #tpu.memory_space<semaphore_mem>>) {add = true}
        %dma_wait3A_142 = arith.constant 0 : i32
        %dma_wait3A_143 = tpu.memref_slice %arg8[%add3A_107, %dma_wait3A_142] : memref<148x128xi32, #tpu.memory_space<vmem>> -> memref<1x128xi32, #tpu.memory_space<vmem>>
        %dma_wait3A_144 = tpu.memref_squeeze %dma_wait3A_143 : memref<1x128xi32, #tpu.memory_space<vmem>> -> memref<128xi32, #tpu.memory_space<vmem>>
        %dma_wait3A_145 = arith.constant 0 : i32
        %dma_wait3A_146 = arith.constant 0 : i32
        %dma_wait3A_147 = tpu.memref_slice %arg13[%dma_wait3A_145, %dma_wait3A_146] : memref<10112x64xf32, #tpu.memory_space<vmem_shared>> -> memref<10112x64xf32, #tpu.memory_space<vmem_shared>>
        tpu.wait_indirect_dma semaphore(%run_scoped3A : memref<!tpu.dma_semaphore, #tpu.memory_space<semaphore_mem>>) src(%arg11 : memref<128x64xf32, #tpu.memory_space<vmem>>) dst(%dma_wait3A_147 : memref<10112x64xf32, #tpu.memory_space<vmem_shared>>)
        tpu.yield
      }) : () -> ()
      %add3A_114 = arith.constant 4 : i32
      %add3A_115 = arith.addi %add3A_107, %add3A_114 : i32
      %lt3A_116 = arith.cmpi slt, %add3A_115, %select_n3A : i32
      %convert_element_type3A_117 = arith.extui %lt3A_116 : i1 to i32
      %cond3A_118 = arith.constant 0 : i32
      %cond3A_119 = arith.cmpi ne, %convert_element_type3A_117, %cond3A_118 : i32
      scf.if %cond3A_119 {
        %add3A_136 = arith.constant 4 : i32
        %add3A_137 = arith.addi %add3A_107, %add3A_136 : i32
        %dma_start3A_138 = arith.constant 0 : i32
        %dma_start3A_139 = tpu.memref_slice %arg7[%add3A_137, %dma_start3A_138] : memref<148x128xi32, #tpu.memory_space<vmem>> -> memref<1x128xi32, #tpu.memory_space<vmem>>
        %dma_start3A_140 = tpu.memref_squeeze %dma_start3A_139 : memref<1x128xi32, #tpu.memory_space<vmem>> -> memref<128xi32, #tpu.memory_space<vmem>>
        %dma_start3A_141 = arith.constant 0 : i32
        %dma_start3A_142 = arith.constant 0 : i32
        %dma_start3A_143 = tpu.memref_slice %arg4[%dma_start3A_141, %dma_start3A_142] : memref<10112x64xf32, #tpu.memory_space<hbm>> -> memref<10112x64xf32, #tpu.memory_space<hbm>>
        tpu.enqueue_indirect_dma source(%dma_start3A_143 : memref<10112x64xf32, #tpu.memory_space<hbm>>) target(%arg11 : memref<128x64xf32, #tpu.memory_space<vmem>>) offsets(%dma_start3A_140 : memref<128xi32, #tpu.memory_space<vmem>>) semaphore(%arg16 : memref<!tpu.dma_semaphore, #tpu.memory_space<semaphore_mem>>)
      } else {
      }
      %mul3A_120 = arith.constant 4 : i32
      %mul3A_121 = arith.muli %while3A_75, %mul3A_120 : i32
      %add3A_122 = arith.constant 3 : i32
      %add3A_123 = arith.addi %mul3A_121, %add3A_122 : i32
      %dma_wait3A_124 = arith.constant 0 : i32
      %dma_wait3A_125 = tpu.memref_slice %arg7[%add3A_123, %dma_wait3A_124] : memref<148x128xi32, #tpu.memory_space<vmem>> -> memref<1x128xi32, #tpu.memory_space<vmem>>
      %dma_wait3A_126 = tpu.memref_squeeze %dma_wait3A_125 : memref<1x128xi32, #tpu.memory_space<vmem>> -> memref<128xi32, #tpu.memory_space<vmem>>
      %dma_wait3A_127 = arith.constant 0 : i32
      %dma_wait3A_128 = arith.constant 0 : i32
      %dma_wait3A_129 = tpu.memref_slice %arg4[%dma_wait3A_127, %dma_wait3A_128] : memref<10112x64xf32, #tpu.memory_space<hbm>> -> memref<10112x64xf32, #tpu.memory_space<hbm>>
      tpu.wait_indirect_dma semaphore(%arg17 : memref<!tpu.dma_semaphore, #tpu.memory_space<semaphore_mem>>) src(%dma_wait3A_129 : memref<10112x64xf32, #tpu.memory_space<hbm>>) dst(%arg12 : memref<128x64xf32, #tpu.memory_space<vmem>>)
      "tpu.region"() ({
        %run_scoped3A = tpu.sem_alloc : memref<!tpu.dma_semaphore, #tpu.memory_space<semaphore_mem>>
        %dma_start3A_136 = arith.constant 0 : i32
        %dma_start3A_137 = tpu.memref_slice %arg8[%add3A_123, %dma_start3A_136] : memref<148x128xi32, #tpu.memory_space<vmem>> -> memref<1x128xi32, #tpu.memory_space<vmem>>
        %dma_start3A_138 = tpu.memref_squeeze %dma_start3A_137 : memref<1x128xi32, #tpu.memory_space<vmem>> -> memref<128xi32, #tpu.memory_space<vmem>>
        %dma_start3A_139 = arith.constant 0 : i32
        %dma_start3A_140 = arith.constant 0 : i32
        %dma_start3A_141 = tpu.memref_slice %arg13[%dma_start3A_139, %dma_start3A_140] : memref<10112x64xf32, #tpu.memory_space<vmem_shared>> -> memref<10112x64xf32, #tpu.memory_space<vmem_shared>>
        tpu.enqueue_indirect_dma source(%arg12 : memref<128x64xf32, #tpu.memory_space<vmem>>) target(%dma_start3A_141 : memref<10112x64xf32, #tpu.memory_space<vmem_shared>>) offsets(%dma_start3A_138 : memref<128xi32, #tpu.memory_space<vmem>>) semaphore(%run_scoped3A : memref<!tpu.dma_semaphore, #tpu.memory_space<semaphore_mem>>) {add = true}
        %dma_wait3A_142 = arith.constant 0 : i32
        %dma_wait3A_143 = tpu.memref_slice %arg8[%add3A_123, %dma_wait3A_142] : memref<148x128xi32, #tpu.memory_space<vmem>> -> memref<1x128xi32, #tpu.memory_space<vmem>>
        %dma_wait3A_144 = tpu.memref_squeeze %dma_wait3A_143 : memref<1x128xi32, #tpu.memory_space<vmem>> -> memref<128xi32, #tpu.memory_space<vmem>>
        %dma_wait3A_145 = arith.constant 0 : i32
        %dma_wait3A_146 = arith.constant 0 : i32
        %dma_wait3A_147 = tpu.memref_slice %arg13[%dma_wait3A_145, %dma_wait3A_146] : memref<10112x64xf32, #tpu.memory_space<vmem_shared>> -> memref<10112x64xf32, #tpu.memory_space<vmem_shared>>
        tpu.wait_indirect_dma semaphore(%run_scoped3A : memref<!tpu.dma_semaphore, #tpu.memory_space<semaphore_mem>>) src(%arg12 : memref<128x64xf32, #tpu.memory_space<vmem>>) dst(%dma_wait3A_147 : memref<10112x64xf32, #tpu.memory_space<vmem_shared>>)
        tpu.yield
      }) : () -> ()
      %add3A_130 = arith.constant 4 : i32
      %add3A_131 = arith.addi %add3A_123, %add3A_130 : i32
      %lt3A_132 = arith.cmpi slt, %add3A_131, %select_n3A : i32
      %convert_element_type3A_133 = arith.extui %lt3A_132 : i1 to i32
      %cond3A_134 = arith.constant 0 : i32
      %cond3A_135 = arith.cmpi ne, %convert_element_type3A_133, %cond3A_134 : i32
      scf.if %cond3A_135 {
        %add3A_136 = arith.constant 4 : i32
        %add3A_137 = arith.addi %add3A_123, %add3A_136 : i32
        %dma_start3A_138 = arith.constant 0 : i32
        %dma_start3A_139 = tpu.memref_slice %arg7[%add3A_137, %dma_start3A_138] : memref<148x128xi32, #tpu.memory_space<vmem>> -> memref<1x128xi32, #tpu.memory_space<vmem>>
        %dma_start3A_140 = tpu.memref_squeeze %dma_start3A_139 : memref<1x128xi32, #tpu.memory_space<vmem>> -> memref<128xi32, #tpu.memory_space<vmem>>
        %dma_start3A_141 = arith.constant 0 : i32
        %dma_start3A_142 = arith.constant 0 : i32
        %dma_start3A_143 = tpu.memref_slice %arg4[%dma_start3A_141, %dma_start3A_142] : memref<10112x64xf32, #tpu.memory_space<hbm>> -> memref<10112x64xf32, #tpu.memory_space<hbm>>
        tpu.enqueue_indirect_dma source(%dma_start3A_143 : memref<10112x64xf32, #tpu.memory_space<hbm>>) target(%arg12 : memref<128x64xf32, #tpu.memory_space<vmem>>) offsets(%dma_start3A_140 : memref<128xi32, #tpu.memory_space<vmem>>) semaphore(%arg17 : memref<!tpu.dma_semaphore, #tpu.memory_space<semaphore_mem>>)
      } else {
      }
    }
    %while3A_69 = arith.constant 1 : i32
    scf.for %while3A_75 = %while3A_67 to %while3A_63 step %while3A_69  : i32 {
      %mul3A_76 = arith.constant 4 : i32
      %mul3A_77 = arith.muli %while3A_75, %mul3A_76 : i32
      %add3A_78 = arith.constant 0 : i32
      %add3A_79 = arith.addi %mul3A_77, %add3A_78 : i32
      %dma_wait3A = arith.constant 0 : i32
      %dma_wait3A_80 = tpu.memref_slice %arg7[%add3A_79, %dma_wait3A] : memref<148x128xi32, #tpu.memory_space<vmem>> -> memref<1x128xi32, #tpu.memory_space<vmem>>
      %dma_wait3A_81 = tpu.memref_squeeze %dma_wait3A_80 : memref<1x128xi32, #tpu.memory_space<vmem>> -> memref<128xi32, #tpu.memory_space<vmem>>
      %dma_wait3A_82 = arith.constant 0 : i32
      %dma_wait3A_83 = arith.constant 0 : i32
      %dma_wait3A_84 = tpu.memref_slice %arg4[%dma_wait3A_82, %dma_wait3A_83] : memref<10112x64xf32, #tpu.memory_space<hbm>> -> memref<10112x64xf32, #tpu.memory_space<hbm>>
      tpu.wait_indirect_dma semaphore(%arg14 : memref<!tpu.dma_semaphore, #tpu.memory_space<semaphore_mem>>) src(%dma_wait3A_84 : memref<10112x64xf32, #tpu.memory_space<hbm>>) dst(%arg9 : memref<128x64xf32, #tpu.memory_space<vmem>>)
      "tpu.region"() ({
        %run_scoped3A = tpu.sem_alloc : memref<!tpu.dma_semaphore, #tpu.memory_space<semaphore_mem>>
        %dma_start3A_136 = arith.constant 0 : i32
        %dma_start3A_137 = tpu.memref_slice %arg8[%add3A_79, %dma_start3A_136] : memref<148x128xi32, #tpu.memory_space<vmem>> -> memref<1x128xi32, #tpu.memory_space<vmem>>
        %dma_start3A_138 = tpu.memref_squeeze %dma_start3A_137 : memref<1x128xi32, #tpu.memory_space<vmem>> -> memref<128xi32, #tpu.memory_space<vmem>>
        %dma_start3A_139 = arith.constant 0 : i32
        %dma_start3A_140 = arith.constant 0 : i32
        %dma_start3A_141 = tpu.memref_slice %arg13[%dma_start3A_139, %dma_start3A_140] : memref<10112x64xf32, #tpu.memory_space<vmem_shared>> -> memref<10112x64xf32, #tpu.memory_space<vmem_shared>>
        tpu.enqueue_indirect_dma source(%arg9 : memref<128x64xf32, #tpu.memory_space<vmem>>) target(%dma_start3A_141 : memref<10112x64xf32, #tpu.memory_space<vmem_shared>>) offsets(%dma_start3A_138 : memref<128xi32, #tpu.memory_space<vmem>>) semaphore(%run_scoped3A : memref<!tpu.dma_semaphore, #tpu.memory_space<semaphore_mem>>) {add = true}
        %dma_wait3A_142 = arith.constant 0 : i32
        %dma_wait3A_143 = tpu.memref_slice %arg8[%add3A_79, %dma_wait3A_142] : memref<148x128xi32, #tpu.memory_space<vmem>> -> memref<1x128xi32, #tpu.memory_space<vmem>>
        %dma_wait3A_144 = tpu.memref_squeeze %dma_wait3A_143 : memref<1x128xi32, #tpu.memory_space<vmem>> -> memref<128xi32, #tpu.memory_space<vmem>>
        %dma_wait3A_145 = arith.constant 0 : i32
        %dma_wait3A_146 = arith.constant 0 : i32
        %dma_wait3A_147 = tpu.memref_slice %arg13[%dma_wait3A_145, %dma_wait3A_146] : memref<10112x64xf32, #tpu.memory_space<vmem_shared>> -> memref<10112x64xf32, #tpu.memory_space<vmem_shared>>
        tpu.wait_indirect_dma semaphore(%run_scoped3A : memref<!tpu.dma_semaphore, #tpu.memory_space<semaphore_mem>>) src(%arg9 : memref<128x64xf32, #tpu.memory_space<vmem>>) dst(%dma_wait3A_147 : memref<10112x64xf32, #tpu.memory_space<vmem_shared>>)
        tpu.yield
      }) : () -> ()
      %add3A_85 = arith.constant 4 : i32
      %add3A_86 = arith.addi %add3A_79, %add3A_85 : i32
      %lt3A = arith.cmpi slt, %add3A_86, %select_n3A : i32
      %convert_element_type3A = arith.extui %lt3A : i1 to i32
      %cond3A = arith.constant 0 : i32
      %cond3A_87 = arith.cmpi ne, %convert_element_type3A, %cond3A : i32
      scf.if %cond3A_87 {
        %add3A_136 = arith.constant 4 : i32
        %add3A_137 = arith.addi %add3A_79, %add3A_136 : i32
        %dma_start3A_138 = arith.constant 0 : i32
        %dma_start3A_139 = tpu.memref_slice %arg7[%add3A_137, %dma_start3A_138] : memref<148x128xi32, #tpu.memory_space<vmem>> -> memref<1x128xi32, #tpu.memory_space<vmem>>
        %dma_start3A_140 = tpu.memref_squeeze %dma_start3A_139 : memref<1x128xi32, #tpu.memory_space<vmem>> -> memref<128xi32, #tpu.memory_space<vmem>>
        %dma_start3A_141 = arith.constant 0 : i32
        %dma_start3A_142 = arith.constant 0 : i32
        %dma_start3A_143 = tpu.memref_slice %arg4[%dma_start3A_141, %dma_start3A_142] : memref<10112x64xf32, #tpu.memory_space<hbm>> -> memref<10112x64xf32, #tpu.memory_space<hbm>>
        tpu.enqueue_indirect_dma source(%dma_start3A_143 : memref<10112x64xf32, #tpu.memory_space<hbm>>) target(%arg9 : memref<128x64xf32, #tpu.memory_space<vmem>>) offsets(%dma_start3A_140 : memref<128xi32, #tpu.memory_space<vmem>>) semaphore(%arg14 : memref<!tpu.dma_semaphore, #tpu.memory_space<semaphore_mem>>)
      } else {
      }
      %mul3A_88 = arith.constant 4 : i32
      %mul3A_89 = arith.muli %while3A_75, %mul3A_88 : i32
      %add3A_90 = arith.constant 1 : i32
      %add3A_91 = arith.addi %mul3A_89, %add3A_90 : i32
      %dma_wait3A_92 = arith.constant 0 : i32
      %dma_wait3A_93 = tpu.memref_slice %arg7[%add3A_91, %dma_wait3A_92] : memref<148x128xi32, #tpu.memory_space<vmem>> -> memref<1x128xi32, #tpu.memory_space<vmem>>
      %dma_wait3A_94 = tpu.memref_squeeze %dma_wait3A_93 : memref<1x128xi32, #tpu.memory_space<vmem>> -> memref<128xi32, #tpu.memory_space<vmem>>
      %dma_wait3A_95 = arith.constant 0 : i32
      %dma_wait3A_96 = arith.constant 0 : i32
      %dma_wait3A_97 = tpu.memref_slice %arg4[%dma_wait3A_95, %dma_wait3A_96] : memref<10112x64xf32, #tpu.memory_space<hbm>> -> memref<10112x64xf32, #tpu.memory_space<hbm>>
      tpu.wait_indirect_dma semaphore(%arg15 : memref<!tpu.dma_semaphore, #tpu.memory_space<semaphore_mem>>) src(%dma_wait3A_97 : memref<10112x64xf32, #tpu.memory_space<hbm>>) dst(%arg10 : memref<128x64xf32, #tpu.memory_space<vmem>>)
      "tpu.region"() ({
        %run_scoped3A = tpu.sem_alloc : memref<!tpu.dma_semaphore, #tpu.memory_space<semaphore_mem>>
        %dma_start3A_136 = arith.constant 0 : i32
        %dma_start3A_137 = tpu.memref_slice %arg8[%add3A_91, %dma_start3A_136] : memref<148x128xi32, #tpu.memory_space<vmem>> -> memref<1x128xi32, #tpu.memory_space<vmem>>
        %dma_start3A_138 = tpu.memref_squeeze %dma_start3A_137 : memref<1x128xi32, #tpu.memory_space<vmem>> -> memref<128xi32, #tpu.memory_space<vmem>>
        %dma_start3A_139 = arith.constant 0 : i32
        %dma_start3A_140 = arith.constant 0 : i32
        %dma_start3A_141 = tpu.memref_slice %arg13[%dma_start3A_139, %dma_start3A_140] : memref<10112x64xf32, #tpu.memory_space<vmem_shared>> -> memref<10112x64xf32, #tpu.memory_space<vmem_shared>>
        tpu.enqueue_indirect_dma source(%arg10 : memref<128x64xf32, #tpu.memory_space<vmem>>) target(%dma_start3A_141 : memref<10112x64xf32, #tpu.memory_space<vmem_shared>>) offsets(%dma_start3A_138 : memref<128xi32, #tpu.memory_space<vmem>>) semaphore(%run_scoped3A : memref<!tpu.dma_semaphore, #tpu.memory_space<semaphore_mem>>) {add = true}
        %dma_wait3A_142 = arith.constant 0 : i32
        %dma_wait3A_143 = tpu.memref_slice %arg8[%add3A_91, %dma_wait3A_142] : memref<148x128xi32, #tpu.memory_space<vmem>> -> memref<1x128xi32, #tpu.memory_space<vmem>>
        %dma_wait3A_144 = tpu.memref_squeeze %dma_wait3A_143 : memref<1x128xi32, #tpu.memory_space<vmem>> -> memref<128xi32, #tpu.memory_space<vmem>>
        %dma_wait3A_145 = arith.constant 0 : i32
        %dma_wait3A_146 = arith.constant 0 : i32
        %dma_wait3A_147 = tpu.memref_slice %arg13[%dma_wait3A_145, %dma_wait3A_146] : memref<10112x64xf32, #tpu.memory_space<vmem_shared>> -> memref<10112x64xf32, #tpu.memory_space<vmem_shared>>
        tpu.wait_indirect_dma semaphore(%run_scoped3A : memref<!tpu.dma_semaphore, #tpu.memory_space<semaphore_mem>>) src(%arg10 : memref<128x64xf32, #tpu.memory_space<vmem>>) dst(%dma_wait3A_147 : memref<10112x64xf32, #tpu.memory_space<vmem_shared>>)
        tpu.yield
      }) : () -> ()
      %add3A_98 = arith.constant 4 : i32
      %add3A_99 = arith.addi %add3A_91, %add3A_98 : i32
      %lt3A_100 = arith.cmpi slt, %add3A_99, %select_n3A : i32
      %convert_element_type3A_101 = arith.extui %lt3A_100 : i1 to i32
      %cond3A_102 = arith.constant 0 : i32
      %cond3A_103 = arith.cmpi ne, %convert_element_type3A_101, %cond3A_102 : i32
      scf.if %cond3A_103 {
        %add3A_136 = arith.constant 4 : i32
        %add3A_137 = arith.addi %add3A_91, %add3A_136 : i32
        %dma_start3A_138 = arith.constant 0 : i32
        %dma_start3A_139 = tpu.memref_slice %arg7[%add3A_137, %dma_start3A_138] : memref<148x128xi32, #tpu.memory_space<vmem>> -> memref<1x128xi32, #tpu.memory_space<vmem>>
        %dma_start3A_140 = tpu.memref_squeeze %dma_start3A_139 : memref<1x128xi32, #tpu.memory_space<vmem>> -> memref<128xi32, #tpu.memory_space<vmem>>
        %dma_start3A_141 = arith.constant 0 : i32
        %dma_start3A_142 = arith.constant 0 : i32
        %dma_start3A_143 = tpu.memref_slice %arg4[%dma_start3A_141, %dma_start3A_142] : memref<10112x64xf32, #tpu.memory_space<hbm>> -> memref<10112x64xf32, #tpu.memory_space<hbm>>
        tpu.enqueue_indirect_dma source(%dma_start3A_143 : memref<10112x64xf32, #tpu.memory_space<hbm>>) target(%arg10 : memref<128x64xf32, #tpu.memory_space<vmem>>) offsets(%dma_start3A_140 : memref<128xi32, #tpu.memory_space<vmem>>) semaphore(%arg15 : memref<!tpu.dma_semaphore, #tpu.memory_space<semaphore_mem>>)
      } else {
      }
      %mul3A_104 = arith.constant 4 : i32
      %mul3A_105 = arith.muli %while3A_75, %mul3A_104 : i32
      %add3A_106 = arith.constant 2 : i32
      %add3A_107 = arith.addi %mul3A_105, %add3A_106 : i32
      %dma_wait3A_108 = arith.constant 0 : i32
      %dma_wait3A_109 = tpu.memref_slice %arg7[%add3A_107, %dma_wait3A_108] : memref<148x128xi32, #tpu.memory_space<vmem>> -> memref<1x128xi32, #tpu.memory_space<vmem>>
      %dma_wait3A_110 = tpu.memref_squeeze %dma_wait3A_109 : memref<1x128xi32, #tpu.memory_space<vmem>> -> memref<128xi32, #tpu.memory_space<vmem>>
      %dma_wait3A_111 = arith.constant 0 : i32
      %dma_wait3A_112 = arith.constant 0 : i32
      %dma_wait3A_113 = tpu.memref_slice %arg4[%dma_wait3A_111, %dma_wait3A_112] : memref<10112x64xf32, #tpu.memory_space<hbm>> -> memref<10112x64xf32, #tpu.memory_space<hbm>>
      tpu.wait_indirect_dma semaphore(%arg16 : memref<!tpu.dma_semaphore, #tpu.memory_space<semaphore_mem>>) src(%dma_wait3A_113 : memref<10112x64xf32, #tpu.memory_space<hbm>>) dst(%arg11 : memref<128x64xf32, #tpu.memory_space<vmem>>)
      "tpu.region"() ({
        %run_scoped3A = tpu.sem_alloc : memref<!tpu.dma_semaphore, #tpu.memory_space<semaphore_mem>>
        %dma_start3A_136 = arith.constant 0 : i32
        %dma_start3A_137 = tpu.memref_slice %arg8[%add3A_107, %dma_start3A_136] : memref<148x128xi32, #tpu.memory_space<vmem>> -> memref<1x128xi32, #tpu.memory_space<vmem>>
        %dma_start3A_138 = tpu.memref_squeeze %dma_start3A_137 : memref<1x128xi32, #tpu.memory_space<vmem>> -> memref<128xi32, #tpu.memory_space<vmem>>
        %dma_start3A_139 = arith.constant 0 : i32
        %dma_start3A_140 = arith.constant 0 : i32
        %dma_start3A_141 = tpu.memref_slice %arg13[%dma_start3A_139, %dma_start3A_140] : memref<10112x64xf32, #tpu.memory_space<vmem_shared>> -> memref<10112x64xf32, #tpu.memory_space<vmem_shared>>
        tpu.enqueue_indirect_dma source(%arg11 : memref<128x64xf32, #tpu.memory_space<vmem>>) target(%dma_start3A_141 : memref<10112x64xf32, #tpu.memory_space<vmem_shared>>) offsets(%dma_start3A_138 : memref<128xi32, #tpu.memory_space<vmem>>) semaphore(%run_scoped3A : memref<!tpu.dma_semaphore, #tpu.memory_space<semaphore_mem>>) {add = true}
        %dma_wait3A_142 = arith.constant 0 : i32
        %dma_wait3A_143 = tpu.memref_slice %arg8[%add3A_107, %dma_wait3A_142] : memref<148x128xi32, #tpu.memory_space<vmem>> -> memref<1x128xi32, #tpu.memory_space<vmem>>
        %dma_wait3A_144 = tpu.memref_squeeze %dma_wait3A_143 : memref<1x128xi32, #tpu.memory_space<vmem>> -> memref<128xi32, #tpu.memory_space<vmem>>
        %dma_wait3A_145 = arith.constant 0 : i32
        %dma_wait3A_146 = arith.constant 0 : i32
        %dma_wait3A_147 = tpu.memref_slice %arg13[%dma_wait3A_145, %dma_wait3A_146] : memref<10112x64xf32, #tpu.memory_space<vmem_shared>> -> memref<10112x64xf32, #tpu.memory_space<vmem_shared>>
        tpu.wait_indirect_dma semaphore(%run_scoped3A : memref<!tpu.dma_semaphore, #tpu.memory_space<semaphore_mem>>) src(%arg11 : memref<128x64xf32, #tpu.memory_space<vmem>>) dst(%dma_wait3A_147 : memref<10112x64xf32, #tpu.memory_space<vmem_shared>>)
        tpu.yield
      }) : () -> ()
      %add3A_114 = arith.constant 4 : i32
      %add3A_115 = arith.addi %add3A_107, %add3A_114 : i32
      %lt3A_116 = arith.cmpi slt, %add3A_115, %select_n3A : i32
      %convert_element_type3A_117 = arith.extui %lt3A_116 : i1 to i32
      %cond3A_118 = arith.constant 0 : i32
      %cond3A_119 = arith.cmpi ne, %convert_element_type3A_117, %cond3A_118 : i32
      scf.if %cond3A_119 {
        %add3A_136 = arith.constant 4 : i32
        %add3A_137 = arith.addi %add3A_107, %add3A_136 : i32
        %dma_start3A_138 = arith.constant 0 : i32
        %dma_start3A_139 = tpu.memref_slice %arg7[%add3A_137, %dma_start3A_138] : memref<148x128xi32, #tpu.memory_space<vmem>> -> memref<1x128xi32, #tpu.memory_space<vmem>>
        %dma_start3A_140 = tpu.memref_squeeze %dma_start3A_139 : memref<1x128xi32, #tpu.memory_space<vmem>> -> memref<128xi32, #tpu.memory_space<vmem>>
        %dma_start3A_141 = arith.constant 0 : i32
        %dma_start3A_142 = arith.constant 0 : i32
        %dma_start3A_143 = tpu.memref_slice %arg4[%dma_start3A_141, %dma_start3A_142] : memref<10112x64xf32, #tpu.memory_space<hbm>> -> memref<10112x64xf32, #tpu.memory_space<hbm>>
        tpu.enqueue_indirect_dma source(%dma_start3A_143 : memref<10112x64xf32, #tpu.memory_space<hbm>>) target(%arg11 : memref<128x64xf32, #tpu.memory_space<vmem>>) offsets(%dma_start3A_140 : memref<128xi32, #tpu.memory_space<vmem>>) semaphore(%arg16 : memref<!tpu.dma_semaphore, #tpu.memory_space<semaphore_mem>>)
      } else {
      }
      %mul3A_120 = arith.constant 4 : i32
      %mul3A_121 = arith.muli %while3A_75, %mul3A_120 : i32
      %add3A_122 = arith.constant 3 : i32
      %add3A_123 = arith.addi %mul3A_121, %add3A_122 : i32
      %dma_wait3A_124 = arith.constant 0 : i32
      %dma_wait3A_125 = tpu.memref_slice %arg7[%add3A_123, %dma_wait3A_124] : memref<148x128xi32, #tpu.memory_space<vmem>> -> memref<1x128xi32, #tpu.memory_space<vmem>>
      %dma_wait3A_126 = tpu.memref_squeeze %dma_wait3A_125 : memref<1x128xi32, #tpu.memory_space<vmem>> -> memref<128xi32, #tpu.memory_space<vmem>>
      %dma_wait3A_127 = arith.constant 0 : i32
      %dma_wait3A_128 = arith.constant 0 : i32
      %dma_wait3A_129 = tpu.memref_slice %arg4[%dma_wait3A_127, %dma_wait3A_128] : memref<10112x64xf32, #tpu.memory_space<hbm>> -> memref<10112x64xf32, #tpu.memory_space<hbm>>
      tpu.wait_indirect_dma semaphore(%arg17 : memref<!tpu.dma_semaphore, #tpu.memory_space<semaphore_mem>>) src(%dma_wait3A_129 : memref<10112x64xf32, #tpu.memory_space<hbm>>) dst(%arg12 : memref<128x64xf32, #tpu.memory_space<vmem>>)
      "tpu.region"() ({
        %run_scoped3A = tpu.sem_alloc : memref<!tpu.dma_semaphore, #tpu.memory_space<semaphore_mem>>
        %dma_start3A_136 = arith.constant 0 : i32
        %dma_start3A_137 = tpu.memref_slice %arg8[%add3A_123, %dma_start3A_136] : memref<148x128xi32, #tpu.memory_space<vmem>> -> memref<1x128xi32, #tpu.memory_space<vmem>>
        %dma_start3A_138 = tpu.memref_squeeze %dma_start3A_137 : memref<1x128xi32, #tpu.memory_space<vmem>> -> memref<128xi32, #tpu.memory_space<vmem>>
        %dma_start3A_139 = arith.constant 0 : i32
        %dma_start3A_140 = arith.constant 0 : i32
        %dma_start3A_141 = tpu.memref_slice %arg13[%dma_start3A_139, %dma_start3A_140] : memref<10112x64xf32, #tpu.memory_space<vmem_shared>> -> memref<10112x64xf32, #tpu.memory_space<vmem_shared>>
        tpu.enqueue_indirect_dma source(%arg12 : memref<128x64xf32, #tpu.memory_space<vmem>>) target(%dma_start3A_141 : memref<10112x64xf32, #tpu.memory_space<vmem_shared>>) offsets(%dma_start3A_138 : memref<128xi32, #tpu.memory_space<vmem>>) semaphore(%run_scoped3A : memref<!tpu.dma_semaphore, #tpu.memory_space<semaphore_mem>>) {add = true}
        %dma_wait3A_142 = arith.constant 0 : i32
        %dma_wait3A_143 = tpu.memref_slice %arg8[%add3A_123, %dma_wait3A_142] : memref<148x128xi32, #tpu.memory_space<vmem>> -> memref<1x128xi32, #tpu.memory_space<vmem>>
        %dma_wait3A_144 = tpu.memref_squeeze %dma_wait3A_143 : memref<1x128xi32, #tpu.memory_space<vmem>> -> memref<128xi32, #tpu.memory_space<vmem>>
        %dma_wait3A_145 = arith.constant 0 : i32
        %dma_wait3A_146 = arith.constant 0 : i32
        %dma_wait3A_147 = tpu.memref_slice %arg13[%dma_wait3A_145, %dma_wait3A_146] : memref<10112x64xf32, #tpu.memory_space<vmem_shared>> -> memref<10112x64xf32, #tpu.memory_space<vmem_shared>>
        tpu.wait_indirect_dma semaphore(%run_scoped3A : memref<!tpu.dma_semaphore, #tpu.memory_space<semaphore_mem>>) src(%arg12 : memref<128x64xf32, #tpu.memory_space<vmem>>) dst(%dma_wait3A_147 : memref<10112x64xf32, #tpu.memory_space<vmem_shared>>)
        tpu.yield
      }) : () -> ()
      %add3A_130 = arith.constant 4 : i32
      %add3A_131 = arith.addi %add3A_123, %add3A_130 : i32
      %lt3A_132 = arith.cmpi slt, %add3A_131, %select_n3A : i32
      %convert_element_type3A_133 = arith.extui %lt3A_132 : i1 to i32
      %cond3A_134 = arith.constant 0 : i32
      %cond3A_135 = arith.cmpi ne, %convert_element_type3A_133, %cond3A_134 : i32
      scf.if %cond3A_135 {
        %add3A_136 = arith.constant 4 : i32
        %add3A_137 = arith.addi %add3A_123, %add3A_136 : i32
        %dma_start3A_138 = arith.constant 0 : i32
        %dma_start3A_139 = tpu.memref_slice %arg7[%add3A_137, %dma_start3A_138] : memref<148x128xi32, #tpu.memory_space<vmem>> -> memref<1x128xi32, #tpu.memory_space<vmem>>
        %dma_start3A_140 = tpu.memref_squeeze %dma_start3A_139 : memref<1x128xi32, #tpu.memory_space<vmem>> -> memref<128xi32, #tpu.memory_space<vmem>>
        %dma_start3A_141 = arith.constant 0 : i32
        %dma_start3A_142 = arith.constant 0 : i32
        %dma_start3A_143 = tpu.memref_slice %arg4[%dma_start3A_141, %dma_start3A_142] : memref<10112x64xf32, #tpu.memory_space<hbm>> -> memref<10112x64xf32, #tpu.memory_space<hbm>>
        tpu.enqueue_indirect_dma source(%dma_start3A_143 : memref<10112x64xf32, #tpu.memory_space<hbm>>) target(%arg12 : memref<128x64xf32, #tpu.memory_space<vmem>>) offsets(%dma_start3A_140 : memref<128xi32, #tpu.memory_space<vmem>>) semaphore(%arg17 : memref<!tpu.dma_semaphore, #tpu.memory_space<semaphore_mem>>)
      } else {
      }
    }
    %barrier3A_70 = arith.constant 0 : index
    tpu.barrier barrier_id(%barrier3A_70)
    %mul3A_71 = arith.constant 632 : i32
    %mul3A_72 = arith.muli %arg1, %mul3A_71 : i32
    %mul3A_73 = arith.constant 632 : i32
    %mul3A_74 = arith.muli %arg1, %mul3A_73 : i32
    "tpu.region"() ({
      %run_scoped3A = tpu.sem_alloc : memref<!tpu.dma_semaphore, #tpu.memory_space<semaphore_mem>>
      %dma_start3A_75 = arith.constant 0 : i32
      %dma_start3A_76 = tpu.memref_slice %arg6[%arg0, %mul3A_74, %dma_start3A_75] : memref<2x10112x64xf32, #tpu.memory_space<hbm>> -> memref<1x632x64xf32, #tpu.memory_space<hbm>>
      %dma_start3A_77 = tpu.memref_squeeze %dma_start3A_76 : memref<1x632x64xf32, #tpu.memory_space<hbm>> -> memref<632x64xf32, #tpu.memory_space<hbm>>
      %dma_start3A_78 = arith.constant 0 : i32
      %dma_start3A_79 = tpu.memref_slice %arg13[%mul3A_72, %dma_start3A_78] : memref<10112x64xf32, #tpu.memory_space<vmem_shared>> -> memref<632x64xf32, #tpu.memory_space<vmem_shared>>
      tpu.enqueue_dma source(%dma_start3A_79 : memref<632x64xf32, #tpu.memory_space<vmem_shared>>) target(%dma_start3A_77 : memref<632x64xf32, #tpu.memory_space<hbm>>) target_semaphore(%run_scoped3A : memref<!tpu.dma_semaphore, #tpu.memory_space<semaphore_mem>>)
      %dma_wait3A = arith.constant 0 : i32
      %dma_wait3A_80 = tpu.memref_slice %arg6[%arg0, %mul3A_74, %dma_wait3A] : memref<2x10112x64xf32, #tpu.memory_space<hbm>> -> memref<1x632x64xf32, #tpu.memory_space<hbm>>
      %dma_wait3A_81 = tpu.memref_squeeze %dma_wait3A_80 : memref<1x632x64xf32, #tpu.memory_space<hbm>> -> memref<632x64xf32, #tpu.memory_space<hbm>>
      %dma_wait3A_82 = arith.constant 0 : i32
      %dma_wait3A_83 = tpu.memref_slice %arg13[%mul3A_72, %dma_wait3A_82] : memref<10112x64xf32, #tpu.memory_space<vmem_shared>> -> memref<632x64xf32, #tpu.memory_space<vmem_shared>>
      tpu.wait_dma2 semaphore(%run_scoped3A : memref<!tpu.dma_semaphore, #tpu.memory_space<semaphore_mem>>) src(%dma_wait3A_83 : memref<632x64xf32, #tpu.memory_space<vmem_shared>>) dst(%dma_wait3A_81 : memref<632x64xf32, #tpu.memory_space<hbm>>)
      tpu.yield
    }) : () -> ()
    return
  }
}

#map = affine_map<(d0, d1) -> (0, 0)>
#map1 = affine_map<(d0, d1) -> (0, 0, 0)>
module attributes {stable_mosaic.version = 14 : i64} {
  func.func @_prop_body(%arg0: i32, %arg1: i32, %arg2: memref<2560x128xi32, #tpu.memory_space<hbm>>, %arg3: memref<2560x128xi32, #tpu.memory_space<hbm>>, %arg4: memref<10112x64xf32, #tpu.memory_space<hbm>>, %arg5: memref<10112x64xf32, #tpu.memory_space<hbm>>, %arg6: memref<2x10112x64xf32, #tpu.memory_space<hbm>>, %arg7: memref<148x128xi32, #tpu.memory_space<vmem>>, %arg8: memref<148x128xi32, #tpu.memory_space<vmem>>, %arg9: memref<128x64xf32, #tpu.memory_space<vmem>>, %arg10: memref<128x64xf32, #tpu.memory_space<vmem>>, %arg11: memref<128x64xf32, #tpu.memory_space<vmem>>, %arg12: memref<128x64xf32, #tpu.memory_space<vmem>>, %arg13: memref<10112x64xf32, #tpu.memory_space<vmem_shared>>, %arg14: memref<!tpu.dma_semaphore, #tpu.memory_space<semaphore_mem>>, %arg15: memref<!tpu.dma_semaphore, #tpu.memory_space<semaphore_mem>>, %arg16: memref<!tpu.dma_semaphore, #tpu.memory_space<semaphore_mem>>, %arg17: memref<!tpu.dma_semaphore, #tpu.memory_space<semaphore_mem>>) attributes {dimension_semantics = [#tpu.dimension_semantics<core_parallel>, #tpu.dimension_semantics<subcore_parallel>], iteration_bounds = array<i64: 2, 16>, scalar_prefetch = 0 : i64, scratch_operands = 11 : i64, tpu.core_type = #tpu.core_type<sc_vector_subcore>, window_params = [{transform_indices = #map}, {transform_indices = #map}, {transform_indices = #map}, {transform_indices = #map}, {transform_indices = #map1}]} {
    %mul3A = arith.constant 16 : i32
    %mul3A_0 = arith.muli %arg0, %mul3A : i32
    %add3A = arith.addi %mul3A_0, %arg1 : i32
    %eq3A = arith.constant 0 : i32
    %eq3A_1 = arith.cmpi eq, %arg0, %eq3A : i32
    %jit3A = arith.constant 148 : i32
    %jit3A_2 = arith.constant 12 : i32
    %select_n3A = arith.select %eq3A_1, %jit3A, %jit3A_2 : i32
    %eq3A_3 = arith.constant 0 : i32
    %eq3A_4 = arith.cmpi eq, %arg0, %eq3A_3 : i32
    %mul3A_5 = arith.constant 148 : i32
    %mul3A_6 = arith.muli %arg1, %mul3A_5 : i32
    %mul3A_7 = arith.constant 12 : i32
    %mul3A_8 = arith.muli %arg1, %mul3A_7 : i32
    %add3A_9 = arith.constant 2368 : i32
    %add3A_10 = arith.addi %add3A_9, %mul3A_8 : i32
    %select_n3A_11 = arith.select %eq3A_4, %mul3A_6, %add3A_10 : i32
    "tpu.region"() ({
      %run_scoped3A = tpu.sem_alloc : memref<!tpu.dma_semaphore, #tpu.memory_space<semaphore_mem>>
      %dma_start3A_75 = arith.constant 0 : i32
      %dma_start3A_76 = tpu.memref_slice %arg2[%select_n3A_11, %dma_start3A_75] : memref<2560x128xi32, #tpu.memory_space<hbm>> -> memref<148x128xi32, #tpu.memory_space<hbm>>
      %dma_start3A_77 = arith.constant 0 : i32
      %dma_start3A_78 = tpu.memref_slice %arg2[%select_n3A_11, %dma_start3A_77] : memref<2560x128xi32, #tpu.memory_space<hbm>> -> memref<148x128xi32, #tpu.memory_space<hbm>>
      tpu.enqueue_dma source(%dma_start3A_78 : memref<148x128xi32, #tpu.memory_space<hbm>>) target(%arg7 : memref<148x128xi32, #tpu.memory_space<vmem>>) target_semaphore(%run_scoped3A : memref<!tpu.dma_semaphore, #tpu.memory_space<semaphore_mem>>)
      %dma_wait3A = arith.constant 0 : i32
      %dma_wait3A_79 = tpu.memref_slice %arg2[%select_n3A_11, %dma_wait3A] : memref<2560x128xi32, #tpu.memory_space<hbm>> -> memref<148x128xi32, #tpu.memory_space<hbm>>
      %dma_wait3A_80 = arith.constant 0 : i32
      %dma_wait3A_81 = tpu.memref_slice %arg2[%select_n3A_11, %dma_wait3A_80] : memref<2560x128xi32, #tpu.memory_space<hbm>> -> memref<148x128xi32, #tpu.memory_space<hbm>>
      tpu.wait_dma2 semaphore(%run_scoped3A : memref<!tpu.dma_semaphore, #tpu.memory_space<semaphore_mem>>) src(%dma_wait3A_81 : memref<148x128xi32, #tpu.memory_space<hbm>>) dst(%arg7 : memref<148x128xi32, #tpu.memory_space<vmem>>)
      tpu.yield
    }) : () -> ()
    "tpu.region"() ({
      %run_scoped3A = tpu.sem_alloc : memref<!tpu.dma_semaphore, #tpu.memory_space<semaphore_mem>>
      %dma_start3A_75 = arith.constant 0 : i32
      %dma_start3A_76 = tpu.memref_slice %arg3[%select_n3A_11, %dma_start3A_75] : memref<2560x128xi32, #tpu.memory_space<hbm>> -> memref<148x128xi32, #tpu.memory_space<hbm>>
      %dma_start3A_77 = arith.constant 0 : i32
      %dma_start3A_78 = tpu.memref_slice %arg3[%select_n3A_11, %dma_start3A_77] : memref<2560x128xi32, #tpu.memory_space<hbm>> -> memref<148x128xi32, #tpu.memory_space<hbm>>
      tpu.enqueue_dma source(%dma_start3A_78 : memref<148x128xi32, #tpu.memory_space<hbm>>) target(%arg8 : memref<148x128xi32, #tpu.memory_space<vmem>>) target_semaphore(%run_scoped3A : memref<!tpu.dma_semaphore, #tpu.memory_space<semaphore_mem>>)
      %dma_wait3A = arith.constant 0 : i32
      %dma_wait3A_79 = tpu.memref_slice %arg3[%select_n3A_11, %dma_wait3A] : memref<2560x128xi32, #tpu.memory_space<hbm>> -> memref<148x128xi32, #tpu.memory_space<hbm>>
      %dma_wait3A_80 = arith.constant 0 : i32
      %dma_wait3A_81 = tpu.memref_slice %arg3[%select_n3A_11, %dma_wait3A_80] : memref<2560x128xi32, #tpu.memory_space<hbm>> -> memref<148x128xi32, #tpu.memory_space<hbm>>
      tpu.wait_dma2 semaphore(%run_scoped3A : memref<!tpu.dma_semaphore, #tpu.memory_space<semaphore_mem>>) src(%dma_wait3A_81 : memref<148x128xi32, #tpu.memory_space<hbm>>) dst(%arg8 : memref<148x128xi32, #tpu.memory_space<vmem>>)
      tpu.yield
    }) : () -> ()
    %mul3A_12 = arith.constant 632 : i32
    %mul3A_13 = arith.muli %arg1, %mul3A_12 : i32
    %mul3A_14 = arith.constant 632 : i32
    %mul3A_15 = arith.muli %arg1, %mul3A_14 : i32
    "tpu.region"() ({
      %run_scoped3A = tpu.sem_alloc : memref<!tpu.dma_semaphore, #tpu.memory_space<semaphore_mem>>
      %dma_start3A_75 = arith.constant 0 : i32
      %dma_start3A_76 = tpu.memref_slice %arg13[%mul3A_15, %dma_start3A_75] : memref<10112x64xf32, #tpu.memory_space<vmem_shared>> -> memref<632x64xf32, #tpu.memory_space<vmem_shared>>
      %dma_start3A_77 = arith.constant 0 : i32
      %dma_start3A_78 = tpu.memref_slice %arg5[%mul3A_13, %dma_start3A_77] : memref<10112x64xf32, #tpu.memory_space<hbm>> -> memref<632x64xf32, #tpu.memory_space<hbm>>
      tpu.enqueue_dma source(%dma_start3A_78 : memref<632x64xf32, #tpu.memory_space<hbm>>) target(%dma_start3A_76 : memref<632x64xf32, #tpu.memory_space<vmem_shared>>) target_semaphore(%run_scoped3A : memref<!tpu.dma_semaphore, #tpu.memory_space<semaphore_mem>>)
      %dma_wait3A = arith.constant 0 : i32
      %dma_wait3A_79 = tpu.memref_slice %arg13[%mul3A_15, %dma_wait3A] : memref<10112x64xf32, #tpu.memory_space<vmem_shared>> -> memref<632x64xf32, #tpu.memory_space<vmem_shared>>
      %dma_wait3A_80 = arith.constant 0 : i32
      %dma_wait3A_81 = tpu.memref_slice %arg5[%mul3A_13, %dma_wait3A_80] : memref<10112x64xf32, #tpu.memory_space<hbm>> -> memref<632x64xf32, #tpu.memory_space<hbm>>
      tpu.wait_dma2 semaphore(%run_scoped3A : memref<!tpu.dma_semaphore, #tpu.memory_space<semaphore_mem>>) src(%dma_wait3A_81 : memref<632x64xf32, #tpu.memory_space<hbm>>) dst(%dma_wait3A_79 : memref<632x64xf32, #tpu.memory_space<vmem_shared>>)
      tpu.yield
    }) : () -> ()
    %barrier3A = arith.constant 0 : index
    tpu.barrier barrier_id(%barrier3A)
    %dma_start3A = arith.constant 0 : i32
    %dma_start3A_16 = arith.constant 0 : i32
    %dma_start3A_17 = tpu.memref_slice %arg7[%dma_start3A, %dma_start3A_16] : memref<148x128xi32, #tpu.memory_space<vmem>> -> memref<1x128xi32, #tpu.memory_space<vmem>>
    %dma_start3A_18 = tpu.memref_squeeze %dma_start3A_17 : memref<1x128xi32, #tpu.memory_space<vmem>> -> memref<128xi32, #tpu.memory_space<vmem>>
    %dma_start3A_19 = arith.constant 0 : i32
    %dma_start3A_20 = arith.constant 0 : i32
    %dma_start3A_21 = tpu.memref_slice %arg4[%dma_start3A_19, %dma_start3A_20] : memref<10112x64xf32, #tpu.memory_space<hbm>> -> memref<10112x64xf32, #tpu.memory_space<hbm>>
    tpu.enqueue_indirect_dma source(%dma_start3A_21 : memref<10112x64xf32, #tpu.memory_space<hbm>>) target(%arg9 : memref<128x64xf32, #tpu.memory_space<vmem>>) offsets(%dma_start3A_18 : memref<128xi32, #tpu.memory_space<vmem>>) semaphore(%arg14 : memref<!tpu.dma_semaphore, #tpu.memory_space<semaphore_mem>>)
    %dma_start3A_22 = arith.constant 1 : i32
    %dma_start3A_23 = arith.constant 0 : i32
    %dma_start3A_24 = tpu.memref_slice %arg7[%dma_start3A_22, %dma_start3A_23] : memref<148x128xi32, #tpu.memory_space<vmem>> -> memref<1x128xi32, #tpu.memory_space<vmem>>
    %dma_start3A_25 = tpu.memref_squeeze %dma_start3A_24 : memref<1x128xi32, #tpu.memory_space<vmem>> -> memref<128xi32, #tpu.memory_space<vmem>>
    %dma_start3A_26 = arith.constant 0 : i32
    %dma_start3A_27 = arith.constant 0 : i32
    %dma_start3A_28 = tpu.memref_slice %arg4[%dma_start3A_26, %dma_start3A_27] : memref<10112x64xf32, #tpu.memory_space<hbm>> -> memref<10112x64xf32, #tpu.memory_space<hbm>>
    tpu.enqueue_indirect_dma source(%dma_start3A_28 : memref<10112x64xf32, #tpu.memory_space<hbm>>) target(%arg10 : memref<128x64xf32, #tpu.memory_space<vmem>>) offsets(%dma_start3A_25 : memref<128xi32, #tpu.memory_space<vmem>>) semaphore(%arg15 : memref<!tpu.dma_semaphore, #tpu.memory_space<semaphore_mem>>)
    %dma_start3A_29 = arith.constant 2 : i32
    %dma_start3A_30 = arith.constant 0 : i32
    %dma_start3A_31 = tpu.memref_slice %arg7[%dma_start3A_29, %dma_start3A_30] : memref<148x128xi32, #tpu.memory_space<vmem>> -> memref<1x128xi32, #tpu.memory_space<vmem>>
    %dma_start3A_32 = tpu.memref_squeeze %dma_start3A_31 : memref<1x128xi32, #tpu.memory_space<vmem>> -> memref<128xi32, #tpu.memory_space<vmem>>
    %dma_start3A_33 = arith.constant 0 : i32
    %dma_start3A_34 = arith.constant 0 : i32
    %dma_start3A_35 = tpu.memref_slice %arg4[%dma_start3A_33, %dma_start3A_34] : memref<10112x64xf32, #tpu.memory_space<hbm>> -> memref<10112x64xf32, #tpu.memory_space<hbm>>
    tpu.enqueue_indirect_dma source(%dma_start3A_35 : memref<10112x64xf32, #tpu.memory_space<hbm>>) target(%arg11 : memref<128x64xf32, #tpu.memory_space<vmem>>) offsets(%dma_start3A_32 : memref<128xi32, #tpu.memory_space<vmem>>) semaphore(%arg16 : memref<!tpu.dma_semaphore, #tpu.memory_space<semaphore_mem>>)
    %dma_start3A_36 = arith.constant 3 : i32
    %dma_start3A_37 = arith.constant 0 : i32
    %dma_start3A_38 = tpu.memref_slice %arg7[%dma_start3A_36, %dma_start3A_37] : memref<148x128xi32, #tpu.memory_space<vmem>> -> memref<1x128xi32, #tpu.memory_space<vmem>>
    %dma_start3A_39 = tpu.memref_squeeze %dma_start3A_38 : memref<1x128xi32, #tpu.memory_space<vmem>> -> memref<128xi32, #tpu.memory_space<vmem>>
    %dma_start3A_40 = arith.constant 0 : i32
    %dma_start3A_41 = arith.constant 0 : i32
    %dma_start3A_42 = tpu.memref_slice %arg4[%dma_start3A_40, %dma_start3A_41] : memref<10112x64xf32, #tpu.memory_space<hbm>> -> memref<10112x64xf32, #tpu.memory_space<hbm>>
    tpu.enqueue_indirect_dma source(%dma_start3A_42 : memref<10112x64xf32, #tpu.memory_space<hbm>>) target(%arg12 : memref<128x64xf32, #tpu.memory_space<vmem>>) offsets(%dma_start3A_39 : memref<128xi32, #tpu.memory_space<vmem>>) semaphore(%arg17 : memref<!tpu.dma_semaphore, #tpu.memory_space<semaphore_mem>>)
    %jit3A_43 = arith.constant 4 : i32
    %div3A = arith.divsi %select_n3A, %jit3A_43 : i32
    %sign3A = arith.constant 0 : i32
    %sign3A_44 = arith.cmpi sgt, %select_n3A, %sign3A : i32
    %sign3A_45 = arith.extui %sign3A_44 : i1 to i32
    %sign3A_46 = arith.constant 0 : i32
    %sign3A_47 = arith.cmpi slt, %select_n3A, %sign3A_46 : i32
    %sign3A_48 = arith.extui %sign3A_47 : i1 to i32
    %sign3A_49 = arith.subi %sign3A_45, %sign3A_48 : i32
    %sign3A_50 = arith.constant 0 : i32
    %sign3A_51 = arith.cmpi sgt, %jit3A_43, %sign3A_50 : i32
    %sign3A_52 = arith.extui %sign3A_51 : i1 to i32
    %sign3A_53 = arith.constant 0 : i32
    %sign3A_54 = arith.cmpi slt, %jit3A_43, %sign3A_53 : i32
    %sign3A_55 = arith.extui %sign3A_54 : i1 to i32
    %sign3A_56 = arith.subi %sign3A_52, %sign3A_55 : i32
    %ne3A = arith.cmpi ne, %sign3A_49, %sign3A_56 : i32
    %rem3A = arith.remsi %select_n3A, %jit3A_43 : i32
    %ne3A_57 = arith.constant 0 : i32
    %ne3A_58 = arith.cmpi ne, %rem3A, %ne3A_57 : i32
    %and3A = arith.andi %ne3A, %ne3A_58 : i1
    %sub3A = arith.constant 1 : i32
    %sub3A_59 = arith.subi %div3A, %sub3A : i32
    %select_n3A_60 = arith.select %and3A, %sub3A_59, %div3A : i32
    %while3A = arith.constant 0 : i32
    %while3A_61 = arith.constant 0 : i32
    %while3A_62 = arith.subi %select_n3A_60, %while3A_61 : i32
    %while3A_63 = arith.addi %while3A_61, %while3A_62 : i32
    %while3A_64 = arith.constant 1 : i32
    %while3A_65 = arith.divsi %while3A_62, %while3A_64 : i32
    %while3A_66 = arith.muli %while3A_65, %while3A_64 : i32
    %while3A_67 = arith.addi %while3A_61, %while3A_66 : i32
    %while3A_68 = arith.constant 1 : i32
    scf.for %while3A_75 = %while3A_61 to %while3A_67 step %while3A_68  : i32 {
      %mul3A_76 = arith.constant 4 : i32
      %mul3A_77 = arith.muli %while3A_75, %mul3A_76 : i32
      %add3A_78 = arith.constant 0 : i32
      %add3A_79 = arith.addi %mul3A_77, %add3A_78 : i32
      %dma_wait3A = arith.constant 0 : i32
      %dma_wait3A_80 = tpu.memref_slice %arg7[%add3A_79, %dma_wait3A] : memref<148x128xi32, #tpu.memory_space<vmem>> -> memref<1x128xi32, #tpu.memory_space<vmem>>
      %dma_wait3A_81 = tpu.memref_squeeze %dma_wait3A_80 : memref<1x128xi32, #tpu.memory_space<vmem>> -> memref<128xi32, #tpu.memory_space<vmem>>
      %dma_wait3A_82 = arith.constant 0 : i32
      %dma_wait3A_83 = arith.constant 0 : i32
      %dma_wait3A_84 = tpu.memref_slice %arg4[%dma_wait3A_82, %dma_wait3A_83] : memref<10112x64xf32, #tpu.memory_space<hbm>> -> memref<10112x64xf32, #tpu.memory_space<hbm>>
      tpu.wait_indirect_dma semaphore(%arg14 : memref<!tpu.dma_semaphore, #tpu.memory_space<semaphore_mem>>) src(%dma_wait3A_84 : memref<10112x64xf32, #tpu.memory_space<hbm>>) dst(%arg9 : memref<128x64xf32, #tpu.memory_space<vmem>>)
      "tpu.region"() ({
        %run_scoped3A = tpu.sem_alloc : memref<!tpu.dma_semaphore, #tpu.memory_space<semaphore_mem>>
        %dma_start3A_136 = arith.constant 0 : i32
        %dma_start3A_137 = tpu.memref_slice %arg8[%add3A_79, %dma_start3A_136] : memref<148x128xi32, #tpu.memory_space<vmem>> -> memref<1x128xi32, #tpu.memory_space<vmem>>
        %dma_start3A_138 = tpu.memref_squeeze %dma_start3A_137 : memref<1x128xi32, #tpu.memory_space<vmem>> -> memref<128xi32, #tpu.memory_space<vmem>>
        %dma_start3A_139 = arith.constant 0 : i32
        %dma_start3A_140 = arith.constant 0 : i32
        %dma_start3A_141 = tpu.memref_slice %arg13[%dma_start3A_139, %dma_start3A_140] : memref<10112x64xf32, #tpu.memory_space<vmem_shared>> -> memref<10112x64xf32, #tpu.memory_space<vmem_shared>>
        tpu.enqueue_indirect_dma source(%arg9 : memref<128x64xf32, #tpu.memory_space<vmem>>) target(%dma_start3A_141 : memref<10112x64xf32, #tpu.memory_space<vmem_shared>>) offsets(%dma_start3A_138 : memref<128xi32, #tpu.memory_space<vmem>>) semaphore(%run_scoped3A : memref<!tpu.dma_semaphore, #tpu.memory_space<semaphore_mem>>) {add = true}
        %dma_wait3A_142 = arith.constant 0 : i32
        %dma_wait3A_143 = tpu.memref_slice %arg8[%add3A_79, %dma_wait3A_142] : memref<148x128xi32, #tpu.memory_space<vmem>> -> memref<1x128xi32, #tpu.memory_space<vmem>>
        %dma_wait3A_144 = tpu.memref_squeeze %dma_wait3A_143 : memref<1x128xi32, #tpu.memory_space<vmem>> -> memref<128xi32, #tpu.memory_space<vmem>>
        %dma_wait3A_145 = arith.constant 0 : i32
        %dma_wait3A_146 = arith.constant 0 : i32
        %dma_wait3A_147 = tpu.memref_slice %arg13[%dma_wait3A_145, %dma_wait3A_146] : memref<10112x64xf32, #tpu.memory_space<vmem_shared>> -> memref<10112x64xf32, #tpu.memory_space<vmem_shared>>
        tpu.wait_indirect_dma semaphore(%run_scoped3A : memref<!tpu.dma_semaphore, #tpu.memory_space<semaphore_mem>>) src(%arg9 : memref<128x64xf32, #tpu.memory_space<vmem>>) dst(%dma_wait3A_147 : memref<10112x64xf32, #tpu.memory_space<vmem_shared>>)
        tpu.yield
      }) : () -> ()
      %add3A_85 = arith.constant 4 : i32
      %add3A_86 = arith.addi %add3A_79, %add3A_85 : i32
      %lt3A = arith.cmpi slt, %add3A_86, %select_n3A : i32
      %convert_element_type3A = arith.extui %lt3A : i1 to i32
      %cond3A = arith.constant 0 : i32
      %cond3A_87 = arith.cmpi ne, %convert_element_type3A, %cond3A : i32
      scf.if %cond3A_87 {
        %add3A_136 = arith.constant 4 : i32
        %add3A_137 = arith.addi %add3A_79, %add3A_136 : i32
        %dma_start3A_138 = arith.constant 0 : i32
        %dma_start3A_139 = tpu.memref_slice %arg7[%add3A_137, %dma_start3A_138] : memref<148x128xi32, #tpu.memory_space<vmem>> -> memref<1x128xi32, #tpu.memory_space<vmem>>
        %dma_start3A_140 = tpu.memref_squeeze %dma_start3A_139 : memref<1x128xi32, #tpu.memory_space<vmem>> -> memref<128xi32, #tpu.memory_space<vmem>>
        %dma_start3A_141 = arith.constant 0 : i32
        %dma_start3A_142 = arith.constant 0 : i32
        %dma_start3A_143 = tpu.memref_slice %arg4[%dma_start3A_141, %dma_start3A_142] : memref<10112x64xf32, #tpu.memory_space<hbm>> -> memref<10112x64xf32, #tpu.memory_space<hbm>>
        tpu.enqueue_indirect_dma source(%dma_start3A_143 : memref<10112x64xf32, #tpu.memory_space<hbm>>) target(%arg9 : memref<128x64xf32, #tpu.memory_space<vmem>>) offsets(%dma_start3A_140 : memref<128xi32, #tpu.memory_space<vmem>>) semaphore(%arg14 : memref<!tpu.dma_semaphore, #tpu.memory_space<semaphore_mem>>)
      } else {
      }
      %mul3A_88 = arith.constant 4 : i32
      %mul3A_89 = arith.muli %while3A_75, %mul3A_88 : i32
      %add3A_90 = arith.constant 1 : i32
      %add3A_91 = arith.addi %mul3A_89, %add3A_90 : i32
      %dma_wait3A_92 = arith.constant 0 : i32
      %dma_wait3A_93 = tpu.memref_slice %arg7[%add3A_91, %dma_wait3A_92] : memref<148x128xi32, #tpu.memory_space<vmem>> -> memref<1x128xi32, #tpu.memory_space<vmem>>
      %dma_wait3A_94 = tpu.memref_squeeze %dma_wait3A_93 : memref<1x128xi32, #tpu.memory_space<vmem>> -> memref<128xi32, #tpu.memory_space<vmem>>
      %dma_wait3A_95 = arith.constant 0 : i32
      %dma_wait3A_96 = arith.constant 0 : i32
      %dma_wait3A_97 = tpu.memref_slice %arg4[%dma_wait3A_95, %dma_wait3A_96] : memref<10112x64xf32, #tpu.memory_space<hbm>> -> memref<10112x64xf32, #tpu.memory_space<hbm>>
      tpu.wait_indirect_dma semaphore(%arg15 : memref<!tpu.dma_semaphore, #tpu.memory_space<semaphore_mem>>) src(%dma_wait3A_97 : memref<10112x64xf32, #tpu.memory_space<hbm>>) dst(%arg10 : memref<128x64xf32, #tpu.memory_space<vmem>>)
      "tpu.region"() ({
        %run_scoped3A = tpu.sem_alloc : memref<!tpu.dma_semaphore, #tpu.memory_space<semaphore_mem>>
        %dma_start3A_136 = arith.constant 0 : i32
        %dma_start3A_137 = tpu.memref_slice %arg8[%add3A_91, %dma_start3A_136] : memref<148x128xi32, #tpu.memory_space<vmem>> -> memref<1x128xi32, #tpu.memory_space<vmem>>
        %dma_start3A_138 = tpu.memref_squeeze %dma_start3A_137 : memref<1x128xi32, #tpu.memory_space<vmem>> -> memref<128xi32, #tpu.memory_space<vmem>>
        %dma_start3A_139 = arith.constant 0 : i32
        %dma_start3A_140 = arith.constant 0 : i32
        %dma_start3A_141 = tpu.memref_slice %arg13[%dma_start3A_139, %dma_start3A_140] : memref<10112x64xf32, #tpu.memory_space<vmem_shared>> -> memref<10112x64xf32, #tpu.memory_space<vmem_shared>>
        tpu.enqueue_indirect_dma source(%arg10 : memref<128x64xf32, #tpu.memory_space<vmem>>) target(%dma_start3A_141 : memref<10112x64xf32, #tpu.memory_space<vmem_shared>>) offsets(%dma_start3A_138 : memref<128xi32, #tpu.memory_space<vmem>>) semaphore(%run_scoped3A : memref<!tpu.dma_semaphore, #tpu.memory_space<semaphore_mem>>) {add = true}
        %dma_wait3A_142 = arith.constant 0 : i32
        %dma_wait3A_143 = tpu.memref_slice %arg8[%add3A_91, %dma_wait3A_142] : memref<148x128xi32, #tpu.memory_space<vmem>> -> memref<1x128xi32, #tpu.memory_space<vmem>>
        %dma_wait3A_144 = tpu.memref_squeeze %dma_wait3A_143 : memref<1x128xi32, #tpu.memory_space<vmem>> -> memref<128xi32, #tpu.memory_space<vmem>>
        %dma_wait3A_145 = arith.constant 0 : i32
        %dma_wait3A_146 = arith.constant 0 : i32
        %dma_wait3A_147 = tpu.memref_slice %arg13[%dma_wait3A_145, %dma_wait3A_146] : memref<10112x64xf32, #tpu.memory_space<vmem_shared>> -> memref<10112x64xf32, #tpu.memory_space<vmem_shared>>
        tpu.wait_indirect_dma semaphore(%run_scoped3A : memref<!tpu.dma_semaphore, #tpu.memory_space<semaphore_mem>>) src(%arg10 : memref<128x64xf32, #tpu.memory_space<vmem>>) dst(%dma_wait3A_147 : memref<10112x64xf32, #tpu.memory_space<vmem_shared>>)
        tpu.yield
      }) : () -> ()
      %add3A_98 = arith.constant 4 : i32
      %add3A_99 = arith.addi %add3A_91, %add3A_98 : i32
      %lt3A_100 = arith.cmpi slt, %add3A_99, %select_n3A : i32
      %convert_element_type3A_101 = arith.extui %lt3A_100 : i1 to i32
      %cond3A_102 = arith.constant 0 : i32
      %cond3A_103 = arith.cmpi ne, %convert_element_type3A_101, %cond3A_102 : i32
      scf.if %cond3A_103 {
        %add3A_136 = arith.constant 4 : i32
        %add3A_137 = arith.addi %add3A_91, %add3A_136 : i32
        %dma_start3A_138 = arith.constant 0 : i32
        %dma_start3A_139 = tpu.memref_slice %arg7[%add3A_137, %dma_start3A_138] : memref<148x128xi32, #tpu.memory_space<vmem>> -> memref<1x128xi32, #tpu.memory_space<vmem>>
        %dma_start3A_140 = tpu.memref_squeeze %dma_start3A_139 : memref<1x128xi32, #tpu.memory_space<vmem>> -> memref<128xi32, #tpu.memory_space<vmem>>
        %dma_start3A_141 = arith.constant 0 : i32
        %dma_start3A_142 = arith.constant 0 : i32
        %dma_start3A_143 = tpu.memref_slice %arg4[%dma_start3A_141, %dma_start3A_142] : memref<10112x64xf32, #tpu.memory_space<hbm>> -> memref<10112x64xf32, #tpu.memory_space<hbm>>
        tpu.enqueue_indirect_dma source(%dma_start3A_143 : memref<10112x64xf32, #tpu.memory_space<hbm>>) target(%arg10 : memref<128x64xf32, #tpu.memory_space<vmem>>) offsets(%dma_start3A_140 : memref<128xi32, #tpu.memory_space<vmem>>) semaphore(%arg15 : memref<!tpu.dma_semaphore, #tpu.memory_space<semaphore_mem>>)
      } else {
      }
      %mul3A_104 = arith.constant 4 : i32
      %mul3A_105 = arith.muli %while3A_75, %mul3A_104 : i32
      %add3A_106 = arith.constant 2 : i32
      %add3A_107 = arith.addi %mul3A_105, %add3A_106 : i32
      %dma_wait3A_108 = arith.constant 0 : i32
      %dma_wait3A_109 = tpu.memref_slice %arg7[%add3A_107, %dma_wait3A_108] : memref<148x128xi32, #tpu.memory_space<vmem>> -> memref<1x128xi32, #tpu.memory_space<vmem>>
      %dma_wait3A_110 = tpu.memref_squeeze %dma_wait3A_109 : memref<1x128xi32, #tpu.memory_space<vmem>> -> memref<128xi32, #tpu.memory_space<vmem>>
      %dma_wait3A_111 = arith.constant 0 : i32
      %dma_wait3A_112 = arith.constant 0 : i32
      %dma_wait3A_113 = tpu.memref_slice %arg4[%dma_wait3A_111, %dma_wait3A_112] : memref<10112x64xf32, #tpu.memory_space<hbm>> -> memref<10112x64xf32, #tpu.memory_space<hbm>>
      tpu.wait_indirect_dma semaphore(%arg16 : memref<!tpu.dma_semaphore, #tpu.memory_space<semaphore_mem>>) src(%dma_wait3A_113 : memref<10112x64xf32, #tpu.memory_space<hbm>>) dst(%arg11 : memref<128x64xf32, #tpu.memory_space<vmem>>)
      "tpu.region"() ({
        %run_scoped3A = tpu.sem_alloc : memref<!tpu.dma_semaphore, #tpu.memory_space<semaphore_mem>>
        %dma_start3A_136 = arith.constant 0 : i32
        %dma_start3A_137 = tpu.memref_slice %arg8[%add3A_107, %dma_start3A_136] : memref<148x128xi32, #tpu.memory_space<vmem>> -> memref<1x128xi32, #tpu.memory_space<vmem>>
        %dma_start3A_138 = tpu.memref_squeeze %dma_start3A_137 : memref<1x128xi32, #tpu.memory_space<vmem>> -> memref<128xi32, #tpu.memory_space<vmem>>
        %dma_start3A_139 = arith.constant 0 : i32
        %dma_start3A_140 = arith.constant 0 : i32
        %dma_start3A_141 = tpu.memref_slice %arg13[%dma_start3A_139, %dma_start3A_140] : memref<10112x64xf32, #tpu.memory_space<vmem_shared>> -> memref<10112x64xf32, #tpu.memory_space<vmem_shared>>
        tpu.enqueue_indirect_dma source(%arg11 : memref<128x64xf32, #tpu.memory_space<vmem>>) target(%dma_start3A_141 : memref<10112x64xf32, #tpu.memory_space<vmem_shared>>) offsets(%dma_start3A_138 : memref<128xi32, #tpu.memory_space<vmem>>) semaphore(%run_scoped3A : memref<!tpu.dma_semaphore, #tpu.memory_space<semaphore_mem>>) {add = true}
        %dma_wait3A_142 = arith.constant 0 : i32
        %dma_wait3A_143 = tpu.memref_slice %arg8[%add3A_107, %dma_wait3A_142] : memref<148x128xi32, #tpu.memory_space<vmem>> -> memref<1x128xi32, #tpu.memory_space<vmem>>
        %dma_wait3A_144 = tpu.memref_squeeze %dma_wait3A_143 : memref<1x128xi32, #tpu.memory_space<vmem>> -> memref<128xi32, #tpu.memory_space<vmem>>
        %dma_wait3A_145 = arith.constant 0 : i32
        %dma_wait3A_146 = arith.constant 0 : i32
        %dma_wait3A_147 = tpu.memref_slice %arg13[%dma_wait3A_145, %dma_wait3A_146] : memref<10112x64xf32, #tpu.memory_space<vmem_shared>> -> memref<10112x64xf32, #tpu.memory_space<vmem_shared>>
        tpu.wait_indirect_dma semaphore(%run_scoped3A : memref<!tpu.dma_semaphore, #tpu.memory_space<semaphore_mem>>) src(%arg11 : memref<128x64xf32, #tpu.memory_space<vmem>>) dst(%dma_wait3A_147 : memref<10112x64xf32, #tpu.memory_space<vmem_shared>>)
        tpu.yield
      }) : () -> ()
      %add3A_114 = arith.constant 4 : i32
      %add3A_115 = arith.addi %add3A_107, %add3A_114 : i32
      %lt3A_116 = arith.cmpi slt, %add3A_115, %select_n3A : i32
      %convert_element_type3A_117 = arith.extui %lt3A_116 : i1 to i32
      %cond3A_118 = arith.constant 0 : i32
      %cond3A_119 = arith.cmpi ne, %convert_element_type3A_117, %cond3A_118 : i32
      scf.if %cond3A_119 {
        %add3A_136 = arith.constant 4 : i32
        %add3A_137 = arith.addi %add3A_107, %add3A_136 : i32
        %dma_start3A_138 = arith.constant 0 : i32
        %dma_start3A_139 = tpu.memref_slice %arg7[%add3A_137, %dma_start3A_138] : memref<148x128xi32, #tpu.memory_space<vmem>> -> memref<1x128xi32, #tpu.memory_space<vmem>>
        %dma_start3A_140 = tpu.memref_squeeze %dma_start3A_139 : memref<1x128xi32, #tpu.memory_space<vmem>> -> memref<128xi32, #tpu.memory_space<vmem>>
        %dma_start3A_141 = arith.constant 0 : i32
        %dma_start3A_142 = arith.constant 0 : i32
        %dma_start3A_143 = tpu.memref_slice %arg4[%dma_start3A_141, %dma_start3A_142] : memref<10112x64xf32, #tpu.memory_space<hbm>> -> memref<10112x64xf32, #tpu.memory_space<hbm>>
        tpu.enqueue_indirect_dma source(%dma_start3A_143 : memref<10112x64xf32, #tpu.memory_space<hbm>>) target(%arg11 : memref<128x64xf32, #tpu.memory_space<vmem>>) offsets(%dma_start3A_140 : memref<128xi32, #tpu.memory_space<vmem>>) semaphore(%arg16 : memref<!tpu.dma_semaphore, #tpu.memory_space<semaphore_mem>>)
      } else {
      }
      %mul3A_120 = arith.constant 4 : i32
      %mul3A_121 = arith.muli %while3A_75, %mul3A_120 : i32
      %add3A_122 = arith.constant 3 : i32
      %add3A_123 = arith.addi %mul3A_121, %add3A_122 : i32
      %dma_wait3A_124 = arith.constant 0 : i32
      %dma_wait3A_125 = tpu.memref_slice %arg7[%add3A_123, %dma_wait3A_124] : memref<148x128xi32, #tpu.memory_space<vmem>> -> memref<1x128xi32, #tpu.memory_space<vmem>>
      %dma_wait3A_126 = tpu.memref_squeeze %dma_wait3A_125 : memref<1x128xi32, #tpu.memory_space<vmem>> -> memref<128xi32, #tpu.memory_space<vmem>>
      %dma_wait3A_127 = arith.constant 0 : i32
      %dma_wait3A_128 = arith.constant 0 : i32
      %dma_wait3A_129 = tpu.memref_slice %arg4[%dma_wait3A_127, %dma_wait3A_128] : memref<10112x64xf32, #tpu.memory_space<hbm>> -> memref<10112x64xf32, #tpu.memory_space<hbm>>
      tpu.wait_indirect_dma semaphore(%arg17 : memref<!tpu.dma_semaphore, #tpu.memory_space<semaphore_mem>>) src(%dma_wait3A_129 : memref<10112x64xf32, #tpu.memory_space<hbm>>) dst(%arg12 : memref<128x64xf32, #tpu.memory_space<vmem>>)
      "tpu.region"() ({
        %run_scoped3A = tpu.sem_alloc : memref<!tpu.dma_semaphore, #tpu.memory_space<semaphore_mem>>
        %dma_start3A_136 = arith.constant 0 : i32
        %dma_start3A_137 = tpu.memref_slice %arg8[%add3A_123, %dma_start3A_136] : memref<148x128xi32, #tpu.memory_space<vmem>> -> memref<1x128xi32, #tpu.memory_space<vmem>>
        %dma_start3A_138 = tpu.memref_squeeze %dma_start3A_137 : memref<1x128xi32, #tpu.memory_space<vmem>> -> memref<128xi32, #tpu.memory_space<vmem>>
        %dma_start3A_139 = arith.constant 0 : i32
        %dma_start3A_140 = arith.constant 0 : i32
        %dma_start3A_141 = tpu.memref_slice %arg13[%dma_start3A_139, %dma_start3A_140] : memref<10112x64xf32, #tpu.memory_space<vmem_shared>> -> memref<10112x64xf32, #tpu.memory_space<vmem_shared>>
        tpu.enqueue_indirect_dma source(%arg12 : memref<128x64xf32, #tpu.memory_space<vmem>>) target(%dma_start3A_141 : memref<10112x64xf32, #tpu.memory_space<vmem_shared>>) offsets(%dma_start3A_138 : memref<128xi32, #tpu.memory_space<vmem>>) semaphore(%run_scoped3A : memref<!tpu.dma_semaphore, #tpu.memory_space<semaphore_mem>>) {add = true}
        %dma_wait3A_142 = arith.constant 0 : i32
        %dma_wait3A_143 = tpu.memref_slice %arg8[%add3A_123, %dma_wait3A_142] : memref<148x128xi32, #tpu.memory_space<vmem>> -> memref<1x128xi32, #tpu.memory_space<vmem>>
        %dma_wait3A_144 = tpu.memref_squeeze %dma_wait3A_143 : memref<1x128xi32, #tpu.memory_space<vmem>> -> memref<128xi32, #tpu.memory_space<vmem>>
        %dma_wait3A_145 = arith.constant 0 : i32
        %dma_wait3A_146 = arith.constant 0 : i32
        %dma_wait3A_147 = tpu.memref_slice %arg13[%dma_wait3A_145, %dma_wait3A_146] : memref<10112x64xf32, #tpu.memory_space<vmem_shared>> -> memref<10112x64xf32, #tpu.memory_space<vmem_shared>>
        tpu.wait_indirect_dma semaphore(%run_scoped3A : memref<!tpu.dma_semaphore, #tpu.memory_space<semaphore_mem>>) src(%arg12 : memref<128x64xf32, #tpu.memory_space<vmem>>) dst(%dma_wait3A_147 : memref<10112x64xf32, #tpu.memory_space<vmem_shared>>)
        tpu.yield
      }) : () -> ()
      %add3A_130 = arith.constant 4 : i32
      %add3A_131 = arith.addi %add3A_123, %add3A_130 : i32
      %lt3A_132 = arith.cmpi slt, %add3A_131, %select_n3A : i32
      %convert_element_type3A_133 = arith.extui %lt3A_132 : i1 to i32
      %cond3A_134 = arith.constant 0 : i32
      %cond3A_135 = arith.cmpi ne, %convert_element_type3A_133, %cond3A_134 : i32
      scf.if %cond3A_135 {
        %add3A_136 = arith.constant 4 : i32
        %add3A_137 = arith.addi %add3A_123, %add3A_136 : i32
        %dma_start3A_138 = arith.constant 0 : i32
        %dma_start3A_139 = tpu.memref_slice %arg7[%add3A_137, %dma_start3A_138] : memref<148x128xi32, #tpu.memory_space<vmem>> -> memref<1x128xi32, #tpu.memory_space<vmem>>
        %dma_start3A_140 = tpu.memref_squeeze %dma_start3A_139 : memref<1x128xi32, #tpu.memory_space<vmem>> -> memref<128xi32, #tpu.memory_space<vmem>>
        %dma_start3A_141 = arith.constant 0 : i32
        %dma_start3A_142 = arith.constant 0 : i32
        %dma_start3A_143 = tpu.memref_slice %arg4[%dma_start3A_141, %dma_start3A_142] : memref<10112x64xf32, #tpu.memory_space<hbm>> -> memref<10112x64xf32, #tpu.memory_space<hbm>>
        tpu.enqueue_indirect_dma source(%dma_start3A_143 : memref<10112x64xf32, #tpu.memory_space<hbm>>) target(%arg12 : memref<128x64xf32, #tpu.memory_space<vmem>>) offsets(%dma_start3A_140 : memref<128xi32, #tpu.memory_space<vmem>>) semaphore(%arg17 : memref<!tpu.dma_semaphore, #tpu.memory_space<semaphore_mem>>)
      } else {
      }
    }
    %while3A_69 = arith.constant 1 : i32
    scf.for %while3A_75 = %while3A_67 to %while3A_63 step %while3A_69  : i32 {
      %mul3A_76 = arith.constant 4 : i32
      %mul3A_77 = arith.muli %while3A_75, %mul3A_76 : i32
      %add3A_78 = arith.constant 0 : i32
      %add3A_79 = arith.addi %mul3A_77, %add3A_78 : i32
      %dma_wait3A = arith.constant 0 : i32
      %dma_wait3A_80 = tpu.memref_slice %arg7[%add3A_79, %dma_wait3A] : memref<148x128xi32, #tpu.memory_space<vmem>> -> memref<1x128xi32, #tpu.memory_space<vmem>>
      %dma_wait3A_81 = tpu.memref_squeeze %dma_wait3A_80 : memref<1x128xi32, #tpu.memory_space<vmem>> -> memref<128xi32, #tpu.memory_space<vmem>>
      %dma_wait3A_82 = arith.constant 0 : i32
      %dma_wait3A_83 = arith.constant 0 : i32
      %dma_wait3A_84 = tpu.memref_slice %arg4[%dma_wait3A_82, %dma_wait3A_83] : memref<10112x64xf32, #tpu.memory_space<hbm>> -> memref<10112x64xf32, #tpu.memory_space<hbm>>
      tpu.wait_indirect_dma semaphore(%arg14 : memref<!tpu.dma_semaphore, #tpu.memory_space<semaphore_mem>>) src(%dma_wait3A_84 : memref<10112x64xf32, #tpu.memory_space<hbm>>) dst(%arg9 : memref<128x64xf32, #tpu.memory_space<vmem>>)
      "tpu.region"() ({
        %run_scoped3A = tpu.sem_alloc : memref<!tpu.dma_semaphore, #tpu.memory_space<semaphore_mem>>
        %dma_start3A_136 = arith.constant 0 : i32
        %dma_start3A_137 = tpu.memref_slice %arg8[%add3A_79, %dma_start3A_136] : memref<148x128xi32, #tpu.memory_space<vmem>> -> memref<1x128xi32, #tpu.memory_space<vmem>>
        %dma_start3A_138 = tpu.memref_squeeze %dma_start3A_137 : memref<1x128xi32, #tpu.memory_space<vmem>> -> memref<128xi32, #tpu.memory_space<vmem>>
        %dma_start3A_139 = arith.constant 0 : i32
        %dma_start3A_140 = arith.constant 0 : i32
        %dma_start3A_141 = tpu.memref_slice %arg13[%dma_start3A_139, %dma_start3A_140] : memref<10112x64xf32, #tpu.memory_space<vmem_shared>> -> memref<10112x64xf32, #tpu.memory_space<vmem_shared>>
        tpu.enqueue_indirect_dma source(%arg9 : memref<128x64xf32, #tpu.memory_space<vmem>>) target(%dma_start3A_141 : memref<10112x64xf32, #tpu.memory_space<vmem_shared>>) offsets(%dma_start3A_138 : memref<128xi32, #tpu.memory_space<vmem>>) semaphore(%run_scoped3A : memref<!tpu.dma_semaphore, #tpu.memory_space<semaphore_mem>>) {add = true}
        %dma_wait3A_142 = arith.constant 0 : i32
        %dma_wait3A_143 = tpu.memref_slice %arg8[%add3A_79, %dma_wait3A_142] : memref<148x128xi32, #tpu.memory_space<vmem>> -> memref<1x128xi32, #tpu.memory_space<vmem>>
        %dma_wait3A_144 = tpu.memref_squeeze %dma_wait3A_143 : memref<1x128xi32, #tpu.memory_space<vmem>> -> memref<128xi32, #tpu.memory_space<vmem>>
        %dma_wait3A_145 = arith.constant 0 : i32
        %dma_wait3A_146 = arith.constant 0 : i32
        %dma_wait3A_147 = tpu.memref_slice %arg13[%dma_wait3A_145, %dma_wait3A_146] : memref<10112x64xf32, #tpu.memory_space<vmem_shared>> -> memref<10112x64xf32, #tpu.memory_space<vmem_shared>>
        tpu.wait_indirect_dma semaphore(%run_scoped3A : memref<!tpu.dma_semaphore, #tpu.memory_space<semaphore_mem>>) src(%arg9 : memref<128x64xf32, #tpu.memory_space<vmem>>) dst(%dma_wait3A_147 : memref<10112x64xf32, #tpu.memory_space<vmem_shared>>)
        tpu.yield
      }) : () -> ()
      %add3A_85 = arith.constant 4 : i32
      %add3A_86 = arith.addi %add3A_79, %add3A_85 : i32
      %lt3A = arith.cmpi slt, %add3A_86, %select_n3A : i32
      %convert_element_type3A = arith.extui %lt3A : i1 to i32
      %cond3A = arith.constant 0 : i32
      %cond3A_87 = arith.cmpi ne, %convert_element_type3A, %cond3A : i32
      scf.if %cond3A_87 {
        %add3A_136 = arith.constant 4 : i32
        %add3A_137 = arith.addi %add3A_79, %add3A_136 : i32
        %dma_start3A_138 = arith.constant 0 : i32
        %dma_start3A_139 = tpu.memref_slice %arg7[%add3A_137, %dma_start3A_138] : memref<148x128xi32, #tpu.memory_space<vmem>> -> memref<1x128xi32, #tpu.memory_space<vmem>>
        %dma_start3A_140 = tpu.memref_squeeze %dma_start3A_139 : memref<1x128xi32, #tpu.memory_space<vmem>> -> memref<128xi32, #tpu.memory_space<vmem>>
        %dma_start3A_141 = arith.constant 0 : i32
        %dma_start3A_142 = arith.constant 0 : i32
        %dma_start3A_143 = tpu.memref_slice %arg4[%dma_start3A_141, %dma_start3A_142] : memref<10112x64xf32, #tpu.memory_space<hbm>> -> memref<10112x64xf32, #tpu.memory_space<hbm>>
        tpu.enqueue_indirect_dma source(%dma_start3A_143 : memref<10112x64xf32, #tpu.memory_space<hbm>>) target(%arg9 : memref<128x64xf32, #tpu.memory_space<vmem>>) offsets(%dma_start3A_140 : memref<128xi32, #tpu.memory_space<vmem>>) semaphore(%arg14 : memref<!tpu.dma_semaphore, #tpu.memory_space<semaphore_mem>>)
      } else {
      }
      %mul3A_88 = arith.constant 4 : i32
      %mul3A_89 = arith.muli %while3A_75, %mul3A_88 : i32
      %add3A_90 = arith.constant 1 : i32
      %add3A_91 = arith.addi %mul3A_89, %add3A_90 : i32
      %dma_wait3A_92 = arith.constant 0 : i32
      %dma_wait3A_93 = tpu.memref_slice %arg7[%add3A_91, %dma_wait3A_92] : memref<148x128xi32, #tpu.memory_space<vmem>> -> memref<1x128xi32, #tpu.memory_space<vmem>>
      %dma_wait3A_94 = tpu.memref_squeeze %dma_wait3A_93 : memref<1x128xi32, #tpu.memory_space<vmem>> -> memref<128xi32, #tpu.memory_space<vmem>>
      %dma_wait3A_95 = arith.constant 0 : i32
      %dma_wait3A_96 = arith.constant 0 : i32
      %dma_wait3A_97 = tpu.memref_slice %arg4[%dma_wait3A_95, %dma_wait3A_96] : memref<10112x64xf32, #tpu.memory_space<hbm>> -> memref<10112x64xf32, #tpu.memory_space<hbm>>
      tpu.wait_indirect_dma semaphore(%arg15 : memref<!tpu.dma_semaphore, #tpu.memory_space<semaphore_mem>>) src(%dma_wait3A_97 : memref<10112x64xf32, #tpu.memory_space<hbm>>) dst(%arg10 : memref<128x64xf32, #tpu.memory_space<vmem>>)
      "tpu.region"() ({
        %run_scoped3A = tpu.sem_alloc : memref<!tpu.dma_semaphore, #tpu.memory_space<semaphore_mem>>
        %dma_start3A_136 = arith.constant 0 : i32
        %dma_start3A_137 = tpu.memref_slice %arg8[%add3A_91, %dma_start3A_136] : memref<148x128xi32, #tpu.memory_space<vmem>> -> memref<1x128xi32, #tpu.memory_space<vmem>>
        %dma_start3A_138 = tpu.memref_squeeze %dma_start3A_137 : memref<1x128xi32, #tpu.memory_space<vmem>> -> memref<128xi32, #tpu.memory_space<vmem>>
        %dma_start3A_139 = arith.constant 0 : i32
        %dma_start3A_140 = arith.constant 0 : i32
        %dma_start3A_141 = tpu.memref_slice %arg13[%dma_start3A_139, %dma_start3A_140] : memref<10112x64xf32, #tpu.memory_space<vmem_shared>> -> memref<10112x64xf32, #tpu.memory_space<vmem_shared>>
        tpu.enqueue_indirect_dma source(%arg10 : memref<128x64xf32, #tpu.memory_space<vmem>>) target(%dma_start3A_141 : memref<10112x64xf32, #tpu.memory_space<vmem_shared>>) offsets(%dma_start3A_138 : memref<128xi32, #tpu.memory_space<vmem>>) semaphore(%run_scoped3A : memref<!tpu.dma_semaphore, #tpu.memory_space<semaphore_mem>>) {add = true}
        %dma_wait3A_142 = arith.constant 0 : i32
        %dma_wait3A_143 = tpu.memref_slice %arg8[%add3A_91, %dma_wait3A_142] : memref<148x128xi32, #tpu.memory_space<vmem>> -> memref<1x128xi32, #tpu.memory_space<vmem>>
        %dma_wait3A_144 = tpu.memref_squeeze %dma_wait3A_143 : memref<1x128xi32, #tpu.memory_space<vmem>> -> memref<128xi32, #tpu.memory_space<vmem>>
        %dma_wait3A_145 = arith.constant 0 : i32
        %dma_wait3A_146 = arith.constant 0 : i32
        %dma_wait3A_147 = tpu.memref_slice %arg13[%dma_wait3A_145, %dma_wait3A_146] : memref<10112x64xf32, #tpu.memory_space<vmem_shared>> -> memref<10112x64xf32, #tpu.memory_space<vmem_shared>>
        tpu.wait_indirect_dma semaphore(%run_scoped3A : memref<!tpu.dma_semaphore, #tpu.memory_space<semaphore_mem>>) src(%arg10 : memref<128x64xf32, #tpu.memory_space<vmem>>) dst(%dma_wait3A_147 : memref<10112x64xf32, #tpu.memory_space<vmem_shared>>)
        tpu.yield
      }) : () -> ()
      %add3A_98 = arith.constant 4 : i32
      %add3A_99 = arith.addi %add3A_91, %add3A_98 : i32
      %lt3A_100 = arith.cmpi slt, %add3A_99, %select_n3A : i32
      %convert_element_type3A_101 = arith.extui %lt3A_100 : i1 to i32
      %cond3A_102 = arith.constant 0 : i32
      %cond3A_103 = arith.cmpi ne, %convert_element_type3A_101, %cond3A_102 : i32
      scf.if %cond3A_103 {
        %add3A_136 = arith.constant 4 : i32
        %add3A_137 = arith.addi %add3A_91, %add3A_136 : i32
        %dma_start3A_138 = arith.constant 0 : i32
        %dma_start3A_139 = tpu.memref_slice %arg7[%add3A_137, %dma_start3A_138] : memref<148x128xi32, #tpu.memory_space<vmem>> -> memref<1x128xi32, #tpu.memory_space<vmem>>
        %dma_start3A_140 = tpu.memref_squeeze %dma_start3A_139 : memref<1x128xi32, #tpu.memory_space<vmem>> -> memref<128xi32, #tpu.memory_space<vmem>>
        %dma_start3A_141 = arith.constant 0 : i32
        %dma_start3A_142 = arith.constant 0 : i32
        %dma_start3A_143 = tpu.memref_slice %arg4[%dma_start3A_141, %dma_start3A_142] : memref<10112x64xf32, #tpu.memory_space<hbm>> -> memref<10112x64xf32, #tpu.memory_space<hbm>>
        tpu.enqueue_indirect_dma source(%dma_start3A_143 : memref<10112x64xf32, #tpu.memory_space<hbm>>) target(%arg10 : memref<128x64xf32, #tpu.memory_space<vmem>>) offsets(%dma_start3A_140 : memref<128xi32, #tpu.memory_space<vmem>>) semaphore(%arg15 : memref<!tpu.dma_semaphore, #tpu.memory_space<semaphore_mem>>)
      } else {
      }
      %mul3A_104 = arith.constant 4 : i32
      %mul3A_105 = arith.muli %while3A_75, %mul3A_104 : i32
      %add3A_106 = arith.constant 2 : i32
      %add3A_107 = arith.addi %mul3A_105, %add3A_106 : i32
      %dma_wait3A_108 = arith.constant 0 : i32
      %dma_wait3A_109 = tpu.memref_slice %arg7[%add3A_107, %dma_wait3A_108] : memref<148x128xi32, #tpu.memory_space<vmem>> -> memref<1x128xi32, #tpu.memory_space<vmem>>
      %dma_wait3A_110 = tpu.memref_squeeze %dma_wait3A_109 : memref<1x128xi32, #tpu.memory_space<vmem>> -> memref<128xi32, #tpu.memory_space<vmem>>
      %dma_wait3A_111 = arith.constant 0 : i32
      %dma_wait3A_112 = arith.constant 0 : i32
      %dma_wait3A_113 = tpu.memref_slice %arg4[%dma_wait3A_111, %dma_wait3A_112] : memref<10112x64xf32, #tpu.memory_space<hbm>> -> memref<10112x64xf32, #tpu.memory_space<hbm>>
      tpu.wait_indirect_dma semaphore(%arg16 : memref<!tpu.dma_semaphore, #tpu.memory_space<semaphore_mem>>) src(%dma_wait3A_113 : memref<10112x64xf32, #tpu.memory_space<hbm>>) dst(%arg11 : memref<128x64xf32, #tpu.memory_space<vmem>>)
      "tpu.region"() ({
        %run_scoped3A = tpu.sem_alloc : memref<!tpu.dma_semaphore, #tpu.memory_space<semaphore_mem>>
        %dma_start3A_136 = arith.constant 0 : i32
        %dma_start3A_137 = tpu.memref_slice %arg8[%add3A_107, %dma_start3A_136] : memref<148x128xi32, #tpu.memory_space<vmem>> -> memref<1x128xi32, #tpu.memory_space<vmem>>
        %dma_start3A_138 = tpu.memref_squeeze %dma_start3A_137 : memref<1x128xi32, #tpu.memory_space<vmem>> -> memref<128xi32, #tpu.memory_space<vmem>>
        %dma_start3A_139 = arith.constant 0 : i32
        %dma_start3A_140 = arith.constant 0 : i32
        %dma_start3A_141 = tpu.memref_slice %arg13[%dma_start3A_139, %dma_start3A_140] : memref<10112x64xf32, #tpu.memory_space<vmem_shared>> -> memref<10112x64xf32, #tpu.memory_space<vmem_shared>>
        tpu.enqueue_indirect_dma source(%arg11 : memref<128x64xf32, #tpu.memory_space<vmem>>) target(%dma_start3A_141 : memref<10112x64xf32, #tpu.memory_space<vmem_shared>>) offsets(%dma_start3A_138 : memref<128xi32, #tpu.memory_space<vmem>>) semaphore(%run_scoped3A : memref<!tpu.dma_semaphore, #tpu.memory_space<semaphore_mem>>) {add = true}
        %dma_wait3A_142 = arith.constant 0 : i32
        %dma_wait3A_143 = tpu.memref_slice %arg8[%add3A_107, %dma_wait3A_142] : memref<148x128xi32, #tpu.memory_space<vmem>> -> memref<1x128xi32, #tpu.memory_space<vmem>>
        %dma_wait3A_144 = tpu.memref_squeeze %dma_wait3A_143 : memref<1x128xi32, #tpu.memory_space<vmem>> -> memref<128xi32, #tpu.memory_space<vmem>>
        %dma_wait3A_145 = arith.constant 0 : i32
        %dma_wait3A_146 = arith.constant 0 : i32
        %dma_wait3A_147 = tpu.memref_slice %arg13[%dma_wait3A_145, %dma_wait3A_146] : memref<10112x64xf32, #tpu.memory_space<vmem_shared>> -> memref<10112x64xf32, #tpu.memory_space<vmem_shared>>
        tpu.wait_indirect_dma semaphore(%run_scoped3A : memref<!tpu.dma_semaphore, #tpu.memory_space<semaphore_mem>>) src(%arg11 : memref<128x64xf32, #tpu.memory_space<vmem>>) dst(%dma_wait3A_147 : memref<10112x64xf32, #tpu.memory_space<vmem_shared>>)
        tpu.yield
      }) : () -> ()
      %add3A_114 = arith.constant 4 : i32
      %add3A_115 = arith.addi %add3A_107, %add3A_114 : i32
      %lt3A_116 = arith.cmpi slt, %add3A_115, %select_n3A : i32
      %convert_element_type3A_117 = arith.extui %lt3A_116 : i1 to i32
      %cond3A_118 = arith.constant 0 : i32
      %cond3A_119 = arith.cmpi ne, %convert_element_type3A_117, %cond3A_118 : i32
      scf.if %cond3A_119 {
        %add3A_136 = arith.constant 4 : i32
        %add3A_137 = arith.addi %add3A_107, %add3A_136 : i32
        %dma_start3A_138 = arith.constant 0 : i32
        %dma_start3A_139 = tpu.memref_slice %arg7[%add3A_137, %dma_start3A_138] : memref<148x128xi32, #tpu.memory_space<vmem>> -> memref<1x128xi32, #tpu.memory_space<vmem>>
        %dma_start3A_140 = tpu.memref_squeeze %dma_start3A_139 : memref<1x128xi32, #tpu.memory_space<vmem>> -> memref<128xi32, #tpu.memory_space<vmem>>
        %dma_start3A_141 = arith.constant 0 : i32
        %dma_start3A_142 = arith.constant 0 : i32
        %dma_start3A_143 = tpu.memref_slice %arg4[%dma_start3A_141, %dma_start3A_142] : memref<10112x64xf32, #tpu.memory_space<hbm>> -> memref<10112x64xf32, #tpu.memory_space<hbm>>
        tpu.enqueue_indirect_dma source(%dma_start3A_143 : memref<10112x64xf32, #tpu.memory_space<hbm>>) target(%arg11 : memref<128x64xf32, #tpu.memory_space<vmem>>) offsets(%dma_start3A_140 : memref<128xi32, #tpu.memory_space<vmem>>) semaphore(%arg16 : memref<!tpu.dma_semaphore, #tpu.memory_space<semaphore_mem>>)
      } else {
      }
      %mul3A_120 = arith.constant 4 : i32
      %mul3A_121 = arith.muli %while3A_75, %mul3A_120 : i32
      %add3A_122 = arith.constant 3 : i32
      %add3A_123 = arith.addi %mul3A_121, %add3A_122 : i32
      %dma_wait3A_124 = arith.constant 0 : i32
      %dma_wait3A_125 = tpu.memref_slice %arg7[%add3A_123, %dma_wait3A_124] : memref<148x128xi32, #tpu.memory_space<vmem>> -> memref<1x128xi32, #tpu.memory_space<vmem>>
      %dma_wait3A_126 = tpu.memref_squeeze %dma_wait3A_125 : memref<1x128xi32, #tpu.memory_space<vmem>> -> memref<128xi32, #tpu.memory_space<vmem>>
      %dma_wait3A_127 = arith.constant 0 : i32
      %dma_wait3A_128 = arith.constant 0 : i32
      %dma_wait3A_129 = tpu.memref_slice %arg4[%dma_wait3A_127, %dma_wait3A_128] : memref<10112x64xf32, #tpu.memory_space<hbm>> -> memref<10112x64xf32, #tpu.memory_space<hbm>>
      tpu.wait_indirect_dma semaphore(%arg17 : memref<!tpu.dma_semaphore, #tpu.memory_space<semaphore_mem>>) src(%dma_wait3A_129 : memref<10112x64xf32, #tpu.memory_space<hbm>>) dst(%arg12 : memref<128x64xf32, #tpu.memory_space<vmem>>)
      "tpu.region"() ({
        %run_scoped3A = tpu.sem_alloc : memref<!tpu.dma_semaphore, #tpu.memory_space<semaphore_mem>>
        %dma_start3A_136 = arith.constant 0 : i32
        %dma_start3A_137 = tpu.memref_slice %arg8[%add3A_123, %dma_start3A_136] : memref<148x128xi32, #tpu.memory_space<vmem>> -> memref<1x128xi32, #tpu.memory_space<vmem>>
        %dma_start3A_138 = tpu.memref_squeeze %dma_start3A_137 : memref<1x128xi32, #tpu.memory_space<vmem>> -> memref<128xi32, #tpu.memory_space<vmem>>
        %dma_start3A_139 = arith.constant 0 : i32
        %dma_start3A_140 = arith.constant 0 : i32
        %dma_start3A_141 = tpu.memref_slice %arg13[%dma_start3A_139, %dma_start3A_140] : memref<10112x64xf32, #tpu.memory_space<vmem_shared>> -> memref<10112x64xf32, #tpu.memory_space<vmem_shared>>
        tpu.enqueue_indirect_dma source(%arg12 : memref<128x64xf32, #tpu.memory_space<vmem>>) target(%dma_start3A_141 : memref<10112x64xf32, #tpu.memory_space<vmem_shared>>) offsets(%dma_start3A_138 : memref<128xi32, #tpu.memory_space<vmem>>) semaphore(%run_scoped3A : memref<!tpu.dma_semaphore, #tpu.memory_space<semaphore_mem>>) {add = true}
        %dma_wait3A_142 = arith.constant 0 : i32
        %dma_wait3A_143 = tpu.memref_slice %arg8[%add3A_123, %dma_wait3A_142] : memref<148x128xi32, #tpu.memory_space<vmem>> -> memref<1x128xi32, #tpu.memory_space<vmem>>
        %dma_wait3A_144 = tpu.memref_squeeze %dma_wait3A_143 : memref<1x128xi32, #tpu.memory_space<vmem>> -> memref<128xi32, #tpu.memory_space<vmem>>
        %dma_wait3A_145 = arith.constant 0 : i32
        %dma_wait3A_146 = arith.constant 0 : i32
        %dma_wait3A_147 = tpu.memref_slice %arg13[%dma_wait3A_145, %dma_wait3A_146] : memref<10112x64xf32, #tpu.memory_space<vmem_shared>> -> memref<10112x64xf32, #tpu.memory_space<vmem_shared>>
        tpu.wait_indirect_dma semaphore(%run_scoped3A : memref<!tpu.dma_semaphore, #tpu.memory_space<semaphore_mem>>) src(%arg12 : memref<128x64xf32, #tpu.memory_space<vmem>>) dst(%dma_wait3A_147 : memref<10112x64xf32, #tpu.memory_space<vmem_shared>>)
        tpu.yield
      }) : () -> ()
      %add3A_130 = arith.constant 4 : i32
      %add3A_131 = arith.addi %add3A_123, %add3A_130 : i32
      %lt3A_132 = arith.cmpi slt, %add3A_131, %select_n3A : i32
      %convert_element_type3A_133 = arith.extui %lt3A_132 : i1 to i32
      %cond3A_134 = arith.constant 0 : i32
      %cond3A_135 = arith.cmpi ne, %convert_element_type3A_133, %cond3A_134 : i32
      scf.if %cond3A_135 {
        %add3A_136 = arith.constant 4 : i32
        %add3A_137 = arith.addi %add3A_123, %add3A_136 : i32
        %dma_start3A_138 = arith.constant 0 : i32
        %dma_start3A_139 = tpu.memref_slice %arg7[%add3A_137, %dma_start3A_138] : memref<148x128xi32, #tpu.memory_space<vmem>> -> memref<1x128xi32, #tpu.memory_space<vmem>>
        %dma_start3A_140 = tpu.memref_squeeze %dma_start3A_139 : memref<1x128xi32, #tpu.memory_space<vmem>> -> memref<128xi32, #tpu.memory_space<vmem>>
        %dma_start3A_141 = arith.constant 0 : i32
        %dma_start3A_142 = arith.constant 0 : i32
        %dma_start3A_143 = tpu.memref_slice %arg4[%dma_start3A_141, %dma_start3A_142] : memref<10112x64xf32, #tpu.memory_space<hbm>> -> memref<10112x64xf32, #tpu.memory_space<hbm>>
        tpu.enqueue_indirect_dma source(%dma_start3A_143 : memref<10112x64xf32, #tpu.memory_space<hbm>>) target(%arg12 : memref<128x64xf32, #tpu.memory_space<vmem>>) offsets(%dma_start3A_140 : memref<128xi32, #tpu.memory_space<vmem>>) semaphore(%arg17 : memref<!tpu.dma_semaphore, #tpu.memory_space<semaphore_mem>>)
      } else {
      }
    }
    %barrier3A_70 = arith.constant 0 : index
    tpu.barrier barrier_id(%barrier3A_70)
    %mul3A_71 = arith.constant 632 : i32
    %mul3A_72 = arith.muli %arg1, %mul3A_71 : i32
    %mul3A_73 = arith.constant 632 : i32
    %mul3A_74 = arith.muli %arg1, %mul3A_73 : i32
    "tpu.region"() ({
      %run_scoped3A = tpu.sem_alloc : memref<!tpu.dma_semaphore, #tpu.memory_space<semaphore_mem>>
      %dma_start3A_75 = arith.constant 0 : i32
      %dma_start3A_76 = tpu.memref_slice %arg6[%arg0, %mul3A_74, %dma_start3A_75] : memref<2x10112x64xf32, #tpu.memory_space<hbm>> -> memref<1x632x64xf32, #tpu.memory_space<hbm>>
      %dma_start3A_77 = tpu.memref_squeeze %dma_start3A_76 : memref<1x632x64xf32, #tpu.memory_space<hbm>> -> memref<632x64xf32, #tpu.memory_space<hbm>>
      %dma_start3A_78 = arith.constant 0 : i32
      %dma_start3A_79 = tpu.memref_slice %arg13[%mul3A_72, %dma_start3A_78] : memref<10112x64xf32, #tpu.memory_space<vmem_shared>> -> memref<632x64xf32, #tpu.memory_space<vmem_shared>>
      tpu.enqueue_dma source(%dma_start3A_79 : memref<632x64xf32, #tpu.memory_space<vmem_shared>>) target(%dma_start3A_77 : memref<632x64xf32, #tpu.memory_space<hbm>>) target_semaphore(%run_scoped3A : memref<!tpu.dma_semaphore, #tpu.memory_space<semaphore_mem>>)
      %dma_wait3A = arith.constant 0 : i32
      %dma_wait3A_80 = tpu.memref_slice %arg6[%arg0, %mul3A_74, %dma_wait3A] : memref<2x10112x64xf32, #tpu.memory_space<hbm>> -> memref<1x632x64xf32, #tpu.memory_space<hbm>>
      %dma_wait3A_81 = tpu.memref_squeeze %dma_wait3A_80 : memref<1x632x64xf32, #tpu.memory_space<hbm>> -> memref<632x64xf32, #tpu.memory_space<hbm>>
      %dma_wait3A_82 = arith.constant 0 : i32
      %dma_wait3A_83 = tpu.memref_slice %arg13[%mul3A_72, %dma_wait3A_82] : memref<10112x64xf32, #tpu.memory_space<vmem_shared>> -> memref<632x64xf32, #tpu.memory_space<vmem_shared>>
      tpu.wait_dma2 semaphore(%run_scoped3A : memref<!tpu.dma_semaphore, #tpu.memory_space<semaphore_mem>>) src(%dma_wait3A_83 : memref<632x64xf32, #tpu.memory_space<vmem_shared>>) dst(%dma_wait3A_81 : memref<632x64xf32, #tpu.memory_space<hbm>>)
      tpu.yield
    }) : () -> ()
    return
  }
}

#map = affine_map<(d0, d1) -> (0, 0)>
module attributes {stable_mosaic.version = 14 : i64} {
  func.func @_deg_body(%arg0: i32, %arg1: i32, %arg2: memref<2560x128xi32, #tpu.memory_space<hbm>>, %arg3: memref<32x10112xf32, #tpu.memory_space<hbm>>, %arg4: memref<80x128xi32, #tpu.memory_space<vmem>>, %arg5: memref<10112xf32, #tpu.memory_space<vmem>>) attributes {dimension_semantics = [#tpu.dimension_semantics<core_parallel>, #tpu.dimension_semantics<subcore_parallel>], iteration_bounds = array<i64: 2, 16>, scalar_prefetch = 0 : i64, scratch_operands = 2 : i64, tpu.core_type = #tpu.core_type<sc_vector_subcore>, window_params = [{transform_indices = #map}, {transform_indices = #map}]} {
    %mul3A = arith.constant 16 : i32
    %mul3A_0 = arith.muli %arg0, %mul3A : i32
    %add3A = arith.addi %mul3A_0, %arg1 : i32
    %mul3A_1 = arith.constant 80 : i32
    %mul3A_2 = arith.muli %add3A, %mul3A_1 : i32
    "tpu.region"() ({
      %run_scoped3A = tpu.sem_alloc : memref<!tpu.dma_semaphore, #tpu.memory_space<semaphore_mem>>
      %dma_start3A = arith.constant 0 : i32
      %dma_start3A_14 = tpu.memref_slice %arg2[%mul3A_2, %dma_start3A] : memref<2560x128xi32, #tpu.memory_space<hbm>> -> memref<80x128xi32, #tpu.memory_space<hbm>>
      %dma_start3A_15 = arith.constant 0 : i32
      %dma_start3A_16 = tpu.memref_slice %arg2[%mul3A_2, %dma_start3A_15] : memref<2560x128xi32, #tpu.memory_space<hbm>> -> memref<80x128xi32, #tpu.memory_space<hbm>>
      tpu.enqueue_dma source(%dma_start3A_16 : memref<80x128xi32, #tpu.memory_space<hbm>>) target(%arg4 : memref<80x128xi32, #tpu.memory_space<vmem>>) target_semaphore(%run_scoped3A : memref<!tpu.dma_semaphore, #tpu.memory_space<semaphore_mem>>)
      %dma_wait3A = arith.constant 0 : i32
      %dma_wait3A_17 = tpu.memref_slice %arg2[%mul3A_2, %dma_wait3A] : memref<2560x128xi32, #tpu.memory_space<hbm>> -> memref<80x128xi32, #tpu.memory_space<hbm>>
      %dma_wait3A_18 = arith.constant 0 : i32
      %dma_wait3A_19 = tpu.memref_slice %arg2[%mul3A_2, %dma_wait3A_18] : memref<2560x128xi32, #tpu.memory_space<hbm>> -> memref<80x128xi32, #tpu.memory_space<hbm>>
      tpu.wait_dma2 semaphore(%run_scoped3A : memref<!tpu.dma_semaphore, #tpu.memory_space<semaphore_mem>>) src(%dma_wait3A_19 : memref<80x128xi32, #tpu.memory_space<hbm>>) dst(%arg4 : memref<80x128xi32, #tpu.memory_space<vmem>>)
      tpu.yield
    }) : () -> ()
    %scan3A = arith.constant 0 : i32
    %scan3A_3 = arith.constant 0 : i32
    %scan3A_4 = arith.constant 632 : i32
    %scan3A_5 = arith.addi %scan3A_3, %scan3A_4 : i32
    %scan3A_6 = arith.constant 1 : i32
    scf.for %scan3A_14 = %scan3A_3 to %scan3A_5 step %scan3A_6  : i32 {
      %broadcast_in_dim3A = arith.constant 0.000000e+00 : f32
      %broadcast_in_dim3A_15 = vector.broadcast %broadcast_in_dim3A : f32 to vector<16xf32>
      %mul3A_16 = arith.constant 16 : i32
      %mul3A_17 = arith.muli %scan3A_14, %mul3A_16 : i32
      %swap3A = arith.index_cast %mul3A_17 : i32 to index
      %swap3A_18 = tpu.vector_load %arg5[%swap3A] {strides = array<i32>} : memref<10112xf32, #tpu.memory_space<vmem>>, vector<16xf32>,
      tpu.vector_store %arg5[%swap3A], %broadcast_in_dim3A_15 {strides = array<i32>} : memref<10112xf32, #tpu.memory_space<vmem>>, vector<16xf32>,
    }
    %scan3A_7 = arith.constant 632 : i32
    %scan3A_8 = arith.constant 0 : i32
    %scan3A_9 = arith.constant 0 : i32
    %scan3A_10 = arith.constant 640 : i32
    %scan3A_11 = arith.addi %scan3A_9, %scan3A_10 : i32
    %scan3A_12 = arith.constant 1 : i32
    scf.for %scan3A_14 = %scan3A_9 to %scan3A_11 step %scan3A_12  : i32 {
      %jit3A = arith.constant 8 : i32
      %div3A = arith.divsi %scan3A_14, %jit3A : i32
      %sign3A = arith.constant 0 : i32
      %sign3A_15 = arith.cmpi sgt, %scan3A_14, %sign3A : i32
      %sign3A_16 = arith.extui %sign3A_15 : i1 to i32
      %sign3A_17 = arith.constant 0 : i32
      %sign3A_18 = arith.cmpi slt, %scan3A_14, %sign3A_17 : i32
      %sign3A_19 = arith.extui %sign3A_18 : i1 to i32
      %sign3A_20 = arith.subi %sign3A_16, %sign3A_19 : i32
      %sign3A_21 = arith.constant 0 : i32
      %sign3A_22 = arith.cmpi sgt, %jit3A, %sign3A_21 : i32
      %sign3A_23 = arith.extui %sign3A_22 : i1 to i32
      %sign3A_24 = arith.constant 0 : i32
      %sign3A_25 = arith.cmpi slt, %jit3A, %sign3A_24 : i32
      %sign3A_26 = arith.extui %sign3A_25 : i1 to i32
      %sign3A_27 = arith.subi %sign3A_23, %sign3A_26 : i32
      %ne3A = arith.cmpi ne, %sign3A_20, %sign3A_27 : i32
      %rem3A = arith.remsi %scan3A_14, %jit3A : i32
      %ne3A_28 = arith.constant 0 : i32
      %ne3A_29 = arith.cmpi ne, %rem3A, %ne3A_28 : i32
      %and3A = arith.andi %ne3A, %ne3A_29 : i1
      %sub3A = arith.constant 1 : i32
      %sub3A_30 = arith.subi %div3A, %sub3A : i32
      %select_n3A = arith.select %and3A, %sub3A_30, %div3A : i32
      %jit3A_31 = arith.constant 8 : i32
      %eq3A = arith.constant 0 : i32
      %eq3A_32 = arith.cmpi eq, %jit3A_31, %eq3A : i32
      %jit3A_33 = arith.constant 1 : i32
      %select_n3A_34 = arith.select %eq3A_32, %jit3A_33, %jit3A_31 : i32
      %rem3A_35 = arith.remsi %scan3A_14, %select_n3A_34 : i32
      %ne3A_36 = arith.constant 0 : i32
      %ne3A_37 = arith.cmpi ne, %rem3A_35, %ne3A_36 : i32
      %lt3A = arith.constant 0 : i32
      %lt3A_38 = arith.cmpi slt, %rem3A_35, %lt3A : i32
      %lt3A_39 = arith.constant 0 : i32
      %lt3A_40 = arith.cmpi slt, %select_n3A_34, %lt3A_39 : i32
      %ne3A_41 = arith.xori %lt3A_38, %lt3A_40 : i1
      %and3A_42 = arith.andi %ne3A_41, %ne3A_37 : i1
      %add3A_43 = arith.addi %rem3A_35, %select_n3A_34 : i32
      %select_n3A_44 = arith.select %and3A_42, %add3A_43, %rem3A_35 : i32
      %mul3A_45 = arith.constant 16 : i32
      %mul3A_46 = arith.muli %select_n3A_44, %mul3A_45 : i32
      %get3A = arith.index_cast %select_n3A : i32 to index
      %get3A_47 = arith.index_cast %mul3A_46 : i32 to index
      %get3A_48 = tpu.vector_load %arg4[%get3A, %get3A_47] {strides = array<i32>} : memref<80x128xi32, #tpu.memory_space<vmem>>, vector<16xi32>,
      %broadcast_in_dim3A = arith.constant 1.000000e+00 : f32
      %broadcast_in_dim3A_49 = vector.broadcast %broadcast_in_dim3A : f32 to vector<16xf32>
      tpu.vector_store_idx %arg5[%get3A_48], %broadcast_in_dim3A_49 {add = true} : memref<10112xf32, #tpu.memory_space<vmem>>[vector<16xi32>], vector<16xf32>,
    }
    %scan3A_13 = arith.constant 640 : i32
    "tpu.region"() ({
      %run_scoped3A = tpu.sem_alloc : memref<!tpu.dma_semaphore, #tpu.memory_space<semaphore_mem>>
      %dma_start3A = arith.constant 0 : i32
      %dma_start3A_14 = tpu.memref_slice %arg3[%add3A, %dma_start3A] : memref<32x10112xf32, #tpu.memory_space<hbm>> -> memref<1x10112xf32, #tpu.memory_space<hbm>>
      %dma_start3A_15 = tpu.memref_squeeze %dma_start3A_14 : memref<1x10112xf32, #tpu.memory_space<hbm>> -> memref<10112xf32, #tpu.memory_space<hbm>>
      %dma_start3A_16 = arith.constant 0 : i32
      %dma_start3A_17 = tpu.memref_slice %arg3[%add3A, %dma_start3A_16] : memref<32x10112xf32, #tpu.memory_space<hbm>> -> memref<1x10112xf32, #tpu.memory_space<hbm>>
      %dma_start3A_18 = tpu.memref_squeeze %dma_start3A_17 : memref<1x10112xf32, #tpu.memory_space<hbm>> -> memref<10112xf32, #tpu.memory_space<hbm>>
      tpu.enqueue_dma source(%arg5 : memref<10112xf32, #tpu.memory_space<vmem>>) target(%dma_start3A_18 : memref<10112xf32, #tpu.memory_space<hbm>>) target_semaphore(%run_scoped3A : memref<!tpu.dma_semaphore, #tpu.memory_space<semaphore_mem>>)
      %dma_wait3A = arith.constant 0 : i32
      %dma_wait3A_19 = tpu.memref_slice %arg3[%add3A, %dma_wait3A] : memref<32x10112xf32, #tpu.memory_space<hbm>> -> memref<1x10112xf32, #tpu.memory_space<hbm>>
      %dma_wait3A_20 = tpu.memref_squeeze %dma_wait3A_19 : memref<1x10112xf32, #tpu.memory_space<hbm>> -> memref<10112xf32, #tpu.memory_space<hbm>>
      %dma_wait3A_21 = arith.constant 0 : i32
      %dma_wait3A_22 = tpu.memref_slice %arg3[%add3A, %dma_wait3A_21] : memref<32x10112xf32, #tpu.memory_space<hbm>> -> memref<1x10112xf32, #tpu.memory_space<hbm>>
      %dma_wait3A_23 = tpu.memref_squeeze %dma_wait3A_22 : memref<1x10112xf32, #tpu.memory_space<hbm>> -> memref<10112xf32, #tpu.memory_space<hbm>>
      tpu.wait_dma2 semaphore(%run_scoped3A : memref<!tpu.dma_semaphore, #tpu.memory_space<semaphore_mem>>) src(%arg5 : memref<10112xf32, #tpu.memory_space<vmem>>) dst(%dma_wait3A_23 : memref<10112xf32, #tpu.memory_space<hbm>>)
      tpu.yield
    }) : () -> ()
    return
  }
}

#map = affine_map<(d0, d1) -> (0, 0)>
#map1 = affine_map<(d0, d1) -> (0, 0, 0)>
module attributes {stable_mosaic.version = 14 : i64} {
  func.func @_prop_body(%arg0: i32, %arg1: i32, %arg2: memref<2560x128xi32, #tpu.memory_space<hbm>>, %arg3: memref<2560x128xi32, #tpu.memory_space<hbm>>, %arg4: memref<10112x64xf32, #tpu.memory_space<hbm>>, %arg5: memref<10112x64xf32, #tpu.memory_space<hbm>>, %arg6: memref<2x10112x64xf32, #tpu.memory_space<hbm>>, %arg7: memref<148x128xi32, #tpu.memory_space<vmem>>, %arg8: memref<148x128xi32, #tpu.memory_space<vmem>>, %arg9: memref<128x64xf32, #tpu.memory_space<vmem>>, %arg10: memref<128x64xf32, #tpu.memory_space<vmem>>, %arg11: memref<128x64xf32, #tpu.memory_space<vmem>>, %arg12: memref<128x64xf32, #tpu.memory_space<vmem>>, %arg13: memref<10112x64xf32, #tpu.memory_space<vmem_shared>>, %arg14: memref<!tpu.dma_semaphore, #tpu.memory_space<semaphore_mem>>, %arg15: memref<!tpu.dma_semaphore, #tpu.memory_space<semaphore_mem>>, %arg16: memref<!tpu.dma_semaphore, #tpu.memory_space<semaphore_mem>>, %arg17: memref<!tpu.dma_semaphore, #tpu.memory_space<semaphore_mem>>) attributes {dimension_semantics = [#tpu.dimension_semantics<core_parallel>, #tpu.dimension_semantics<subcore_parallel>], iteration_bounds = array<i64: 2, 16>, scalar_prefetch = 0 : i64, scratch_operands = 11 : i64, tpu.core_type = #tpu.core_type<sc_vector_subcore>, window_params = [{transform_indices = #map}, {transform_indices = #map}, {transform_indices = #map}, {transform_indices = #map}, {transform_indices = #map1}]} {
    %mul3A = arith.constant 16 : i32
    %mul3A_0 = arith.muli %arg0, %mul3A : i32
    %add3A = arith.addi %mul3A_0, %arg1 : i32
    %eq3A = arith.constant 0 : i32
    %eq3A_1 = arith.cmpi eq, %arg0, %eq3A : i32
    %jit3A = arith.constant 148 : i32
    %jit3A_2 = arith.constant 12 : i32
    %select_n3A = arith.select %eq3A_1, %jit3A, %jit3A_2 : i32
    %eq3A_3 = arith.constant 0 : i32
    %eq3A_4 = arith.cmpi eq, %arg0, %eq3A_3 : i32
    %mul3A_5 = arith.constant 148 : i32
    %mul3A_6 = arith.muli %arg1, %mul3A_5 : i32
    %mul3A_7 = arith.constant 12 : i32
    %mul3A_8 = arith.muli %arg1, %mul3A_7 : i32
    %add3A_9 = arith.constant 2368 : i32
    %add3A_10 = arith.addi %add3A_9, %mul3A_8 : i32
    %select_n3A_11 = arith.select %eq3A_4, %mul3A_6, %add3A_10 : i32
    "tpu.region"() ({
      %run_scoped3A = tpu.sem_alloc : memref<!tpu.dma_semaphore, #tpu.memory_space<semaphore_mem>>
      %dma_start3A_75 = arith.constant 0 : i32
      %dma_start3A_76 = tpu.memref_slice %arg2[%select_n3A_11, %dma_start3A_75] : memref<2560x128xi32, #tpu.memory_space<hbm>> -> memref<148x128xi32, #tpu.memory_space<hbm>>
      %dma_start3A_77 = arith.constant 0 : i32
      %dma_start3A_78 = tpu.memref_slice %arg2[%select_n3A_11, %dma_start3A_77] : memref<2560x128xi32, #tpu.memory_space<hbm>> -> memref<148x128xi32, #tpu.memory_space<hbm>>
      tpu.enqueue_dma source(%dma_start3A_78 : memref<148x128xi32, #tpu.memory_space<hbm>>) target(%arg7 : memref<148x128xi32, #tpu.memory_space<vmem>>) target_semaphore(%run_scoped3A : memref<!tpu.dma_semaphore, #tpu.memory_space<semaphore_mem>>)
      %dma_wait3A = arith.constant 0 : i32
      %dma_wait3A_79 = tpu.memref_slice %arg2[%select_n3A_11, %dma_wait3A] : memref<2560x128xi32, #tpu.memory_space<hbm>> -> memref<148x128xi32, #tpu.memory_space<hbm>>
      %dma_wait3A_80 = arith.constant 0 : i32
      %dma_wait3A_81 = tpu.memref_slice %arg2[%select_n3A_11, %dma_wait3A_80] : memref<2560x128xi32, #tpu.memory_space<hbm>> -> memref<148x128xi32, #tpu.memory_space<hbm>>
      tpu.wait_dma2 semaphore(%run_scoped3A : memref<!tpu.dma_semaphore, #tpu.memory_space<semaphore_mem>>) src(%dma_wait3A_81 : memref<148x128xi32, #tpu.memory_space<hbm>>) dst(%arg7 : memref<148x128xi32, #tpu.memory_space<vmem>>)
      tpu.yield
    }) : () -> ()
    "tpu.region"() ({
      %run_scoped3A = tpu.sem_alloc : memref<!tpu.dma_semaphore, #tpu.memory_space<semaphore_mem>>
      %dma_start3A_75 = arith.constant 0 : i32
      %dma_start3A_76 = tpu.memref_slice %arg3[%select_n3A_11, %dma_start3A_75] : memref<2560x128xi32, #tpu.memory_space<hbm>> -> memref<148x128xi32, #tpu.memory_space<hbm>>
      %dma_start3A_77 = arith.constant 0 : i32
      %dma_start3A_78 = tpu.memref_slice %arg3[%select_n3A_11, %dma_start3A_77] : memref<2560x128xi32, #tpu.memory_space<hbm>> -> memref<148x128xi32, #tpu.memory_space<hbm>>
      tpu.enqueue_dma source(%dma_start3A_78 : memref<148x128xi32, #tpu.memory_space<hbm>>) target(%arg8 : memref<148x128xi32, #tpu.memory_space<vmem>>) target_semaphore(%run_scoped3A : memref<!tpu.dma_semaphore, #tpu.memory_space<semaphore_mem>>)
      %dma_wait3A = arith.constant 0 : i32
      %dma_wait3A_79 = tpu.memref_slice %arg3[%select_n3A_11, %dma_wait3A] : memref<2560x128xi32, #tpu.memory_space<hbm>> -> memref<148x128xi32, #tpu.memory_space<hbm>>
      %dma_wait3A_80 = arith.constant 0 : i32
      %dma_wait3A_81 = tpu.memref_slice %arg3[%select_n3A_11, %dma_wait3A_80] : memref<2560x128xi32, #tpu.memory_space<hbm>> -> memref<148x128xi32, #tpu.memory_space<hbm>>
      tpu.wait_dma2 semaphore(%run_scoped3A : memref<!tpu.dma_semaphore, #tpu.memory_space<semaphore_mem>>) src(%dma_wait3A_81 : memref<148x128xi32, #tpu.memory_space<hbm>>) dst(%arg8 : memref<148x128xi32, #tpu.memory_space<vmem>>)
      tpu.yield
    }) : () -> ()
    %mul3A_12 = arith.constant 632 : i32
    %mul3A_13 = arith.muli %arg1, %mul3A_12 : i32
    %mul3A_14 = arith.constant 632 : i32
    %mul3A_15 = arith.muli %arg1, %mul3A_14 : i32
    "tpu.region"() ({
      %run_scoped3A = tpu.sem_alloc : memref<!tpu.dma_semaphore, #tpu.memory_space<semaphore_mem>>
      %dma_start3A_75 = arith.constant 0 : i32
      %dma_start3A_76 = tpu.memref_slice %arg13[%mul3A_15, %dma_start3A_75] : memref<10112x64xf32, #tpu.memory_space<vmem_shared>> -> memref<632x64xf32, #tpu.memory_space<vmem_shared>>
      %dma_start3A_77 = arith.constant 0 : i32
      %dma_start3A_78 = tpu.memref_slice %arg5[%mul3A_13, %dma_start3A_77] : memref<10112x64xf32, #tpu.memory_space<hbm>> -> memref<632x64xf32, #tpu.memory_space<hbm>>
      tpu.enqueue_dma source(%dma_start3A_78 : memref<632x64xf32, #tpu.memory_space<hbm>>) target(%dma_start3A_76 : memref<632x64xf32, #tpu.memory_space<vmem_shared>>) target_semaphore(%run_scoped3A : memref<!tpu.dma_semaphore, #tpu.memory_space<semaphore_mem>>)
      %dma_wait3A = arith.constant 0 : i32
      %dma_wait3A_79 = tpu.memref_slice %arg13[%mul3A_15, %dma_wait3A] : memref<10112x64xf32, #tpu.memory_space<vmem_shared>> -> memref<632x64xf32, #tpu.memory_space<vmem_shared>>
      %dma_wait3A_80 = arith.constant 0 : i32
      %dma_wait3A_81 = tpu.memref_slice %arg5[%mul3A_13, %dma_wait3A_80] : memref<10112x64xf32, #tpu.memory_space<hbm>> -> memref<632x64xf32, #tpu.memory_space<hbm>>
      tpu.wait_dma2 semaphore(%run_scoped3A : memref<!tpu.dma_semaphore, #tpu.memory_space<semaphore_mem>>) src(%dma_wait3A_81 : memref<632x64xf32, #tpu.memory_space<hbm>>) dst(%dma_wait3A_79 : memref<632x64xf32, #tpu.memory_space<vmem_shared>>)
      tpu.yield
    }) : () -> ()
    %barrier3A = arith.constant 0 : index
    tpu.barrier barrier_id(%barrier3A)
    %dma_start3A = arith.constant 0 : i32
    %dma_start3A_16 = arith.constant 0 : i32
    %dma_start3A_17 = tpu.memref_slice %arg7[%dma_start3A, %dma_start3A_16] : memref<148x128xi32, #tpu.memory_space<vmem>> -> memref<1x128xi32, #tpu.memory_space<vmem>>
    %dma_start3A_18 = tpu.memref_squeeze %dma_start3A_17 : memref<1x128xi32, #tpu.memory_space<vmem>> -> memref<128xi32, #tpu.memory_space<vmem>>
    %dma_start3A_19 = arith.constant 0 : i32
    %dma_start3A_20 = arith.constant 0 : i32
    %dma_start3A_21 = tpu.memref_slice %arg4[%dma_start3A_19, %dma_start3A_20] : memref<10112x64xf32, #tpu.memory_space<hbm>> -> memref<10112x64xf32, #tpu.memory_space<hbm>>
    tpu.enqueue_indirect_dma source(%dma_start3A_21 : memref<10112x64xf32, #tpu.memory_space<hbm>>) target(%arg9 : memref<128x64xf32, #tpu.memory_space<vmem>>) offsets(%dma_start3A_18 : memref<128xi32, #tpu.memory_space<vmem>>) semaphore(%arg14 : memref<!tpu.dma_semaphore, #tpu.memory_space<semaphore_mem>>)
    %dma_start3A_22 = arith.constant 1 : i32
    %dma_start3A_23 = arith.constant 0 : i32
    %dma_start3A_24 = tpu.memref_slice %arg7[%dma_start3A_22, %dma_start3A_23] : memref<148x128xi32, #tpu.memory_space<vmem>> -> memref<1x128xi32, #tpu.memory_space<vmem>>
    %dma_start3A_25 = tpu.memref_squeeze %dma_start3A_24 : memref<1x128xi32, #tpu.memory_space<vmem>> -> memref<128xi32, #tpu.memory_space<vmem>>
    %dma_start3A_26 = arith.constant 0 : i32
    %dma_start3A_27 = arith.constant 0 : i32
    %dma_start3A_28 = tpu.memref_slice %arg4[%dma_start3A_26, %dma_start3A_27] : memref<10112x64xf32, #tpu.memory_space<hbm>> -> memref<10112x64xf32, #tpu.memory_space<hbm>>
    tpu.enqueue_indirect_dma source(%dma_start3A_28 : memref<10112x64xf32, #tpu.memory_space<hbm>>) target(%arg10 : memref<128x64xf32, #tpu.memory_space<vmem>>) offsets(%dma_start3A_25 : memref<128xi32, #tpu.memory_space<vmem>>) semaphore(%arg15 : memref<!tpu.dma_semaphore, #tpu.memory_space<semaphore_mem>>)
    %dma_start3A_29 = arith.constant 2 : i32
    %dma_start3A_30 = arith.constant 0 : i32
    %dma_start3A_31 = tpu.memref_slice %arg7[%dma_start3A_29, %dma_start3A_30] : memref<148x128xi32, #tpu.memory_space<vmem>> -> memref<1x128xi32, #tpu.memory_space<vmem>>
    %dma_start3A_32 = tpu.memref_squeeze %dma_start3A_31 : memref<1x128xi32, #tpu.memory_space<vmem>> -> memref<128xi32, #tpu.memory_space<vmem>>
    %dma_start3A_33 = arith.constant 0 : i32
    %dma_start3A_34 = arith.constant 0 : i32
    %dma_start3A_35 = tpu.memref_slice %arg4[%dma_start3A_33, %dma_start3A_34] : memref<10112x64xf32, #tpu.memory_space<hbm>> -> memref<10112x64xf32, #tpu.memory_space<hbm>>
    tpu.enqueue_indirect_dma source(%dma_start3A_35 : memref<10112x64xf32, #tpu.memory_space<hbm>>) target(%arg11 : memref<128x64xf32, #tpu.memory_space<vmem>>) offsets(%dma_start3A_32 : memref<128xi32, #tpu.memory_space<vmem>>) semaphore(%arg16 : memref<!tpu.dma_semaphore, #tpu.memory_space<semaphore_mem>>)
    %dma_start3A_36 = arith.constant 3 : i32
    %dma_start3A_37 = arith.constant 0 : i32
    %dma_start3A_38 = tpu.memref_slice %arg7[%dma_start3A_36, %dma_start3A_37] : memref<148x128xi32, #tpu.memory_space<vmem>> -> memref<1x128xi32, #tpu.memory_space<vmem>>
    %dma_start3A_39 = tpu.memref_squeeze %dma_start3A_38 : memref<1x128xi32, #tpu.memory_space<vmem>> -> memref<128xi32, #tpu.memory_space<vmem>>
    %dma_start3A_40 = arith.constant 0 : i32
    %dma_start3A_41 = arith.constant 0 : i32
    %dma_start3A_42 = tpu.memref_slice %arg4[%dma_start3A_40, %dma_start3A_41] : memref<10112x64xf32, #tpu.memory_space<hbm>> -> memref<10112x64xf32, #tpu.memory_space<hbm>>
    tpu.enqueue_indirect_dma source(%dma_start3A_42 : memref<10112x64xf32, #tpu.memory_space<hbm>>) target(%arg12 : memref<128x64xf32, #tpu.memory_space<vmem>>) offsets(%dma_start3A_39 : memref<128xi32, #tpu.memory_space<vmem>>) semaphore(%arg17 : memref<!tpu.dma_semaphore, #tpu.memory_space<semaphore_mem>>)
    %jit3A_43 = arith.constant 4 : i32
    %div3A = arith.divsi %select_n3A, %jit3A_43 : i32
    %sign3A = arith.constant 0 : i32
    %sign3A_44 = arith.cmpi sgt, %select_n3A, %sign3A : i32
    %sign3A_45 = arith.extui %sign3A_44 : i1 to i32
    %sign3A_46 = arith.constant 0 : i32
    %sign3A_47 = arith.cmpi slt, %select_n3A, %sign3A_46 : i32
    %sign3A_48 = arith.extui %sign3A_47 : i1 to i32
    %sign3A_49 = arith.subi %sign3A_45, %sign3A_48 : i32
    %sign3A_50 = arith.constant 0 : i32
    %sign3A_51 = arith.cmpi sgt, %jit3A_43, %sign3A_50 : i32
    %sign3A_52 = arith.extui %sign3A_51 : i1 to i32
    %sign3A_53 = arith.constant 0 : i32
    %sign3A_54 = arith.cmpi slt, %jit3A_43, %sign3A_53 : i32
    %sign3A_55 = arith.extui %sign3A_54 : i1 to i32
    %sign3A_56 = arith.subi %sign3A_52, %sign3A_55 : i32
    %ne3A = arith.cmpi ne, %sign3A_49, %sign3A_56 : i32
    %rem3A = arith.remsi %select_n3A, %jit3A_43 : i32
    %ne3A_57 = arith.constant 0 : i32
    %ne3A_58 = arith.cmpi ne, %rem3A, %ne3A_57 : i32
    %and3A = arith.andi %ne3A, %ne3A_58 : i1
    %sub3A = arith.constant 1 : i32
    %sub3A_59 = arith.subi %div3A, %sub3A : i32
    %select_n3A_60 = arith.select %and3A, %sub3A_59, %div3A : i32
    %while3A = arith.constant 0 : i32
    %while3A_61 = arith.constant 0 : i32
    %while3A_62 = arith.subi %select_n3A_60, %while3A_61 : i32
    %while3A_63 = arith.addi %while3A_61, %while3A_62 : i32
    %while3A_64 = arith.constant 1 : i32
    %while3A_65 = arith.divsi %while3A_62, %while3A_64 : i32
    %while3A_66 = arith.muli %while3A_65, %while3A_64 : i32
    %while3A_67 = arith.addi %while3A_61, %while3A_66 : i32
    %while3A_68 = arith.constant 1 : i32
    scf.for %while3A_75 = %while3A_61 to %while3A_67 step %while3A_68  : i32 {
      %mul3A_76 = arith.constant 4 : i32
      %mul3A_77 = arith.muli %while3A_75, %mul3A_76 : i32
      %add3A_78 = arith.constant 0 : i32
      %add3A_79 = arith.addi %mul3A_77, %add3A_78 : i32
      %dma_wait3A = arith.constant 0 : i32
      %dma_wait3A_80 = tpu.memref_slice %arg7[%add3A_79, %dma_wait3A] : memref<148x128xi32, #tpu.memory_space<vmem>> -> memref<1x128xi32, #tpu.memory_space<vmem>>
      %dma_wait3A_81 = tpu.memref_squeeze %dma_wait3A_80 : memref<1x128xi32, #tpu.memory_space<vmem>> -> memref<128xi32, #tpu.memory_space<vmem>>
      %dma_wait3A_82 = arith.constant 0 : i32
      %dma_wait3A_83 = arith.constant 0 : i32
      %dma_wait3A_84 = tpu.memref_slice %arg4[%dma_wait3A_82, %dma_wait3A_83] : memref<10112x64xf32, #tpu.memory_space<hbm>> -> memref<10112x64xf32, #tpu.memory_space<hbm>>
      tpu.wait_indirect_dma semaphore(%arg14 : memref<!tpu.dma_semaphore, #tpu.memory_space<semaphore_mem>>) src(%dma_wait3A_84 : memref<10112x64xf32, #tpu.memory_space<hbm>>) dst(%arg9 : memref<128x64xf32, #tpu.memory_space<vmem>>)
      "tpu.region"() ({
        %run_scoped3A = tpu.sem_alloc : memref<!tpu.dma_semaphore, #tpu.memory_space<semaphore_mem>>
        %dma_start3A_136 = arith.constant 0 : i32
        %dma_start3A_137 = tpu.memref_slice %arg8[%add3A_79, %dma_start3A_136] : memref<148x128xi32, #tpu.memory_space<vmem>> -> memref<1x128xi32, #tpu.memory_space<vmem>>
        %dma_start3A_138 = tpu.memref_squeeze %dma_start3A_137 : memref<1x128xi32, #tpu.memory_space<vmem>> -> memref<128xi32, #tpu.memory_space<vmem>>
        %dma_start3A_139 = arith.constant 0 : i32
        %dma_start3A_140 = arith.constant 0 : i32
        %dma_start3A_141 = tpu.memref_slice %arg13[%dma_start3A_139, %dma_start3A_140] : memref<10112x64xf32, #tpu.memory_space<vmem_shared>> -> memref<10112x64xf32, #tpu.memory_space<vmem_shared>>
        tpu.enqueue_indirect_dma source(%arg9 : memref<128x64xf32, #tpu.memory_space<vmem>>) target(%dma_start3A_141 : memref<10112x64xf32, #tpu.memory_space<vmem_shared>>) offsets(%dma_start3A_138 : memref<128xi32, #tpu.memory_space<vmem>>) semaphore(%run_scoped3A : memref<!tpu.dma_semaphore, #tpu.memory_space<semaphore_mem>>) {add = true}
        %dma_wait3A_142 = arith.constant 0 : i32
        %dma_wait3A_143 = tpu.memref_slice %arg8[%add3A_79, %dma_wait3A_142] : memref<148x128xi32, #tpu.memory_space<vmem>> -> memref<1x128xi32, #tpu.memory_space<vmem>>
        %dma_wait3A_144 = tpu.memref_squeeze %dma_wait3A_143 : memref<1x128xi32, #tpu.memory_space<vmem>> -> memref<128xi32, #tpu.memory_space<vmem>>
        %dma_wait3A_145 = arith.constant 0 : i32
        %dma_wait3A_146 = arith.constant 0 : i32
        %dma_wait3A_147 = tpu.memref_slice %arg13[%dma_wait3A_145, %dma_wait3A_146] : memref<10112x64xf32, #tpu.memory_space<vmem_shared>> -> memref<10112x64xf32, #tpu.memory_space<vmem_shared>>
        tpu.wait_indirect_dma semaphore(%run_scoped3A : memref<!tpu.dma_semaphore, #tpu.memory_space<semaphore_mem>>) src(%arg9 : memref<128x64xf32, #tpu.memory_space<vmem>>) dst(%dma_wait3A_147 : memref<10112x64xf32, #tpu.memory_space<vmem_shared>>)
        tpu.yield
      }) : () -> ()
      %add3A_85 = arith.constant 4 : i32
      %add3A_86 = arith.addi %add3A_79, %add3A_85 : i32
      %lt3A = arith.cmpi slt, %add3A_86, %select_n3A : i32
      %convert_element_type3A = arith.extui %lt3A : i1 to i32
      %cond3A = arith.constant 0 : i32
      %cond3A_87 = arith.cmpi ne, %convert_element_type3A, %cond3A : i32
      scf.if %cond3A_87 {
        %add3A_136 = arith.constant 4 : i32
        %add3A_137 = arith.addi %add3A_79, %add3A_136 : i32
        %dma_start3A_138 = arith.constant 0 : i32
        %dma_start3A_139 = tpu.memref_slice %arg7[%add3A_137, %dma_start3A_138] : memref<148x128xi32, #tpu.memory_space<vmem>> -> memref<1x128xi32, #tpu.memory_space<vmem>>
        %dma_start3A_140 = tpu.memref_squeeze %dma_start3A_139 : memref<1x128xi32, #tpu.memory_space<vmem>> -> memref<128xi32, #tpu.memory_space<vmem>>
        %dma_start3A_141 = arith.constant 0 : i32
        %dma_start3A_142 = arith.constant 0 : i32
        %dma_start3A_143 = tpu.memref_slice %arg4[%dma_start3A_141, %dma_start3A_142] : memref<10112x64xf32, #tpu.memory_space<hbm>> -> memref<10112x64xf32, #tpu.memory_space<hbm>>
        tpu.enqueue_indirect_dma source(%dma_start3A_143 : memref<10112x64xf32, #tpu.memory_space<hbm>>) target(%arg9 : memref<128x64xf32, #tpu.memory_space<vmem>>) offsets(%dma_start3A_140 : memref<128xi32, #tpu.memory_space<vmem>>) semaphore(%arg14 : memref<!tpu.dma_semaphore, #tpu.memory_space<semaphore_mem>>)
      } else {
      }
      %mul3A_88 = arith.constant 4 : i32
      %mul3A_89 = arith.muli %while3A_75, %mul3A_88 : i32
      %add3A_90 = arith.constant 1 : i32
      %add3A_91 = arith.addi %mul3A_89, %add3A_90 : i32
      %dma_wait3A_92 = arith.constant 0 : i32
      %dma_wait3A_93 = tpu.memref_slice %arg7[%add3A_91, %dma_wait3A_92] : memref<148x128xi32, #tpu.memory_space<vmem>> -> memref<1x128xi32, #tpu.memory_space<vmem>>
      %dma_wait3A_94 = tpu.memref_squeeze %dma_wait3A_93 : memref<1x128xi32, #tpu.memory_space<vmem>> -> memref<128xi32, #tpu.memory_space<vmem>>
      %dma_wait3A_95 = arith.constant 0 : i32
      %dma_wait3A_96 = arith.constant 0 : i32
      %dma_wait3A_97 = tpu.memref_slice %arg4[%dma_wait3A_95, %dma_wait3A_96] : memref<10112x64xf32, #tpu.memory_space<hbm>> -> memref<10112x64xf32, #tpu.memory_space<hbm>>
      tpu.wait_indirect_dma semaphore(%arg15 : memref<!tpu.dma_semaphore, #tpu.memory_space<semaphore_mem>>) src(%dma_wait3A_97 : memref<10112x64xf32, #tpu.memory_space<hbm>>) dst(%arg10 : memref<128x64xf32, #tpu.memory_space<vmem>>)
      "tpu.region"() ({
        %run_scoped3A = tpu.sem_alloc : memref<!tpu.dma_semaphore, #tpu.memory_space<semaphore_mem>>
        %dma_start3A_136 = arith.constant 0 : i32
        %dma_start3A_137 = tpu.memref_slice %arg8[%add3A_91, %dma_start3A_136] : memref<148x128xi32, #tpu.memory_space<vmem>> -> memref<1x128xi32, #tpu.memory_space<vmem>>
        %dma_start3A_138 = tpu.memref_squeeze %dma_start3A_137 : memref<1x128xi32, #tpu.memory_space<vmem>> -> memref<128xi32, #tpu.memory_space<vmem>>
        %dma_start3A_139 = arith.constant 0 : i32
        %dma_start3A_140 = arith.constant 0 : i32
        %dma_start3A_141 = tpu.memref_slice %arg13[%dma_start3A_139, %dma_start3A_140] : memref<10112x64xf32, #tpu.memory_space<vmem_shared>> -> memref<10112x64xf32, #tpu.memory_space<vmem_shared>>
        tpu.enqueue_indirect_dma source(%arg10 : memref<128x64xf32, #tpu.memory_space<vmem>>) target(%dma_start3A_141 : memref<10112x64xf32, #tpu.memory_space<vmem_shared>>) offsets(%dma_start3A_138 : memref<128xi32, #tpu.memory_space<vmem>>) semaphore(%run_scoped3A : memref<!tpu.dma_semaphore, #tpu.memory_space<semaphore_mem>>) {add = true}
        %dma_wait3A_142 = arith.constant 0 : i32
        %dma_wait3A_143 = tpu.memref_slice %arg8[%add3A_91, %dma_wait3A_142] : memref<148x128xi32, #tpu.memory_space<vmem>> -> memref<1x128xi32, #tpu.memory_space<vmem>>
        %dma_wait3A_144 = tpu.memref_squeeze %dma_wait3A_143 : memref<1x128xi32, #tpu.memory_space<vmem>> -> memref<128xi32, #tpu.memory_space<vmem>>
        %dma_wait3A_145 = arith.constant 0 : i32
        %dma_wait3A_146 = arith.constant 0 : i32
        %dma_wait3A_147 = tpu.memref_slice %arg13[%dma_wait3A_145, %dma_wait3A_146] : memref<10112x64xf32, #tpu.memory_space<vmem_shared>> -> memref<10112x64xf32, #tpu.memory_space<vmem_shared>>
        tpu.wait_indirect_dma semaphore(%run_scoped3A : memref<!tpu.dma_semaphore, #tpu.memory_space<semaphore_mem>>) src(%arg10 : memref<128x64xf32, #tpu.memory_space<vmem>>) dst(%dma_wait3A_147 : memref<10112x64xf32, #tpu.memory_space<vmem_shared>>)
        tpu.yield
      }) : () -> ()
      %add3A_98 = arith.constant 4 : i32
      %add3A_99 = arith.addi %add3A_91, %add3A_98 : i32
      %lt3A_100 = arith.cmpi slt, %add3A_99, %select_n3A : i32
      %convert_element_type3A_101 = arith.extui %lt3A_100 : i1 to i32
      %cond3A_102 = arith.constant 0 : i32
      %cond3A_103 = arith.cmpi ne, %convert_element_type3A_101, %cond3A_102 : i32
      scf.if %cond3A_103 {
        %add3A_136 = arith.constant 4 : i32
        %add3A_137 = arith.addi %add3A_91, %add3A_136 : i32
        %dma_start3A_138 = arith.constant 0 : i32
        %dma_start3A_139 = tpu.memref_slice %arg7[%add3A_137, %dma_start3A_138] : memref<148x128xi32, #tpu.memory_space<vmem>> -> memref<1x128xi32, #tpu.memory_space<vmem>>
        %dma_start3A_140 = tpu.memref_squeeze %dma_start3A_139 : memref<1x128xi32, #tpu.memory_space<vmem>> -> memref<128xi32, #tpu.memory_space<vmem>>
        %dma_start3A_141 = arith.constant 0 : i32
        %dma_start3A_142 = arith.constant 0 : i32
        %dma_start3A_143 = tpu.memref_slice %arg4[%dma_start3A_141, %dma_start3A_142] : memref<10112x64xf32, #tpu.memory_space<hbm>> -> memref<10112x64xf32, #tpu.memory_space<hbm>>
        tpu.enqueue_indirect_dma source(%dma_start3A_143 : memref<10112x64xf32, #tpu.memory_space<hbm>>) target(%arg10 : memref<128x64xf32, #tpu.memory_space<vmem>>) offsets(%dma_start3A_140 : memref<128xi32, #tpu.memory_space<vmem>>) semaphore(%arg15 : memref<!tpu.dma_semaphore, #tpu.memory_space<semaphore_mem>>)
      } else {
      }
      %mul3A_104 = arith.constant 4 : i32
      %mul3A_105 = arith.muli %while3A_75, %mul3A_104 : i32
      %add3A_106 = arith.constant 2 : i32
      %add3A_107 = arith.addi %mul3A_105, %add3A_106 : i32
      %dma_wait3A_108 = arith.constant 0 : i32
      %dma_wait3A_109 = tpu.memref_slice %arg7[%add3A_107, %dma_wait3A_108] : memref<148x128xi32, #tpu.memory_space<vmem>> -> memref<1x128xi32, #tpu.memory_space<vmem>>
      %dma_wait3A_110 = tpu.memref_squeeze %dma_wait3A_109 : memref<1x128xi32, #tpu.memory_space<vmem>> -> memref<128xi32, #tpu.memory_space<vmem>>
      %dma_wait3A_111 = arith.constant 0 : i32
      %dma_wait3A_112 = arith.constant 0 : i32
      %dma_wait3A_113 = tpu.memref_slice %arg4[%dma_wait3A_111, %dma_wait3A_112] : memref<10112x64xf32, #tpu.memory_space<hbm>> -> memref<10112x64xf32, #tpu.memory_space<hbm>>
      tpu.wait_indirect_dma semaphore(%arg16 : memref<!tpu.dma_semaphore, #tpu.memory_space<semaphore_mem>>) src(%dma_wait3A_113 : memref<10112x64xf32, #tpu.memory_space<hbm>>) dst(%arg11 : memref<128x64xf32, #tpu.memory_space<vmem>>)
      "tpu.region"() ({
        %run_scoped3A = tpu.sem_alloc : memref<!tpu.dma_semaphore, #tpu.memory_space<semaphore_mem>>
        %dma_start3A_136 = arith.constant 0 : i32
        %dma_start3A_137 = tpu.memref_slice %arg8[%add3A_107, %dma_start3A_136] : memref<148x128xi32, #tpu.memory_space<vmem>> -> memref<1x128xi32, #tpu.memory_space<vmem>>
        %dma_start3A_138 = tpu.memref_squeeze %dma_start3A_137 : memref<1x128xi32, #tpu.memory_space<vmem>> -> memref<128xi32, #tpu.memory_space<vmem>>
        %dma_start3A_139 = arith.constant 0 : i32
        %dma_start3A_140 = arith.constant 0 : i32
        %dma_start3A_141 = tpu.memref_slice %arg13[%dma_start3A_139, %dma_start3A_140] : memref<10112x64xf32, #tpu.memory_space<vmem_shared>> -> memref<10112x64xf32, #tpu.memory_space<vmem_shared>>
        tpu.enqueue_indirect_dma source(%arg11 : memref<128x64xf32, #tpu.memory_space<vmem>>) target(%dma_start3A_141 : memref<10112x64xf32, #tpu.memory_space<vmem_shared>>) offsets(%dma_start3A_138 : memref<128xi32, #tpu.memory_space<vmem>>) semaphore(%run_scoped3A : memref<!tpu.dma_semaphore, #tpu.memory_space<semaphore_mem>>) {add = true}
        %dma_wait3A_142 = arith.constant 0 : i32
        %dma_wait3A_143 = tpu.memref_slice %arg8[%add3A_107, %dma_wait3A_142] : memref<148x128xi32, #tpu.memory_space<vmem>> -> memref<1x128xi32, #tpu.memory_space<vmem>>
        %dma_wait3A_144 = tpu.memref_squeeze %dma_wait3A_143 : memref<1x128xi32, #tpu.memory_space<vmem>> -> memref<128xi32, #tpu.memory_space<vmem>>
        %dma_wait3A_145 = arith.constant 0 : i32
        %dma_wait3A_146 = arith.constant 0 : i32
        %dma_wait3A_147 = tpu.memref_slice %arg13[%dma_wait3A_145, %dma_wait3A_146] : memref<10112x64xf32, #tpu.memory_space<vmem_shared>> -> memref<10112x64xf32, #tpu.memory_space<vmem_shared>>
        tpu.wait_indirect_dma semaphore(%run_scoped3A : memref<!tpu.dma_semaphore, #tpu.memory_space<semaphore_mem>>) src(%arg11 : memref<128x64xf32, #tpu.memory_space<vmem>>) dst(%dma_wait3A_147 : memref<10112x64xf32, #tpu.memory_space<vmem_shared>>)
        tpu.yield
      }) : () -> ()
      %add3A_114 = arith.constant 4 : i32
      %add3A_115 = arith.addi %add3A_107, %add3A_114 : i32
      %lt3A_116 = arith.cmpi slt, %add3A_115, %select_n3A : i32
      %convert_element_type3A_117 = arith.extui %lt3A_116 : i1 to i32
      %cond3A_118 = arith.constant 0 : i32
      %cond3A_119 = arith.cmpi ne, %convert_element_type3A_117, %cond3A_118 : i32
      scf.if %cond3A_119 {
        %add3A_136 = arith.constant 4 : i32
        %add3A_137 = arith.addi %add3A_107, %add3A_136 : i32
        %dma_start3A_138 = arith.constant 0 : i32
        %dma_start3A_139 = tpu.memref_slice %arg7[%add3A_137, %dma_start3A_138] : memref<148x128xi32, #tpu.memory_space<vmem>> -> memref<1x128xi32, #tpu.memory_space<vmem>>
        %dma_start3A_140 = tpu.memref_squeeze %dma_start3A_139 : memref<1x128xi32, #tpu.memory_space<vmem>> -> memref<128xi32, #tpu.memory_space<vmem>>
        %dma_start3A_141 = arith.constant 0 : i32
        %dma_start3A_142 = arith.constant 0 : i32
        %dma_start3A_143 = tpu.memref_slice %arg4[%dma_start3A_141, %dma_start3A_142] : memref<10112x64xf32, #tpu.memory_space<hbm>> -> memref<10112x64xf32, #tpu.memory_space<hbm>>
        tpu.enqueue_indirect_dma source(%dma_start3A_143 : memref<10112x64xf32, #tpu.memory_space<hbm>>) target(%arg11 : memref<128x64xf32, #tpu.memory_space<vmem>>) offsets(%dma_start3A_140 : memref<128xi32, #tpu.memory_space<vmem>>) semaphore(%arg16 : memref<!tpu.dma_semaphore, #tpu.memory_space<semaphore_mem>>)
      } else {
      }
      %mul3A_120 = arith.constant 4 : i32
      %mul3A_121 = arith.muli %while3A_75, %mul3A_120 : i32
      %add3A_122 = arith.constant 3 : i32
      %add3A_123 = arith.addi %mul3A_121, %add3A_122 : i32
      %dma_wait3A_124 = arith.constant 0 : i32
      %dma_wait3A_125 = tpu.memref_slice %arg7[%add3A_123, %dma_wait3A_124] : memref<148x128xi32, #tpu.memory_space<vmem>> -> memref<1x128xi32, #tpu.memory_space<vmem>>
      %dma_wait3A_126 = tpu.memref_squeeze %dma_wait3A_125 : memref<1x128xi32, #tpu.memory_space<vmem>> -> memref<128xi32, #tpu.memory_space<vmem>>
      %dma_wait3A_127 = arith.constant 0 : i32
      %dma_wait3A_128 = arith.constant 0 : i32
      %dma_wait3A_129 = tpu.memref_slice %arg4[%dma_wait3A_127, %dma_wait3A_128] : memref<10112x64xf32, #tpu.memory_space<hbm>> -> memref<10112x64xf32, #tpu.memory_space<hbm>>
      tpu.wait_indirect_dma semaphore(%arg17 : memref<!tpu.dma_semaphore, #tpu.memory_space<semaphore_mem>>) src(%dma_wait3A_129 : memref<10112x64xf32, #tpu.memory_space<hbm>>) dst(%arg12 : memref<128x64xf32, #tpu.memory_space<vmem>>)
      "tpu.region"() ({
        %run_scoped3A = tpu.sem_alloc : memref<!tpu.dma_semaphore, #tpu.memory_space<semaphore_mem>>
        %dma_start3A_136 = arith.constant 0 : i32
        %dma_start3A_137 = tpu.memref_slice %arg8[%add3A_123, %dma_start3A_136] : memref<148x128xi32, #tpu.memory_space<vmem>> -> memref<1x128xi32, #tpu.memory_space<vmem>>
        %dma_start3A_138 = tpu.memref_squeeze %dma_start3A_137 : memref<1x128xi32, #tpu.memory_space<vmem>> -> memref<128xi32, #tpu.memory_space<vmem>>
        %dma_start3A_139 = arith.constant 0 : i32
        %dma_start3A_140 = arith.constant 0 : i32
        %dma_start3A_141 = tpu.memref_slice %arg13[%dma_start3A_139, %dma_start3A_140] : memref<10112x64xf32, #tpu.memory_space<vmem_shared>> -> memref<10112x64xf32, #tpu.memory_space<vmem_shared>>
        tpu.enqueue_indirect_dma source(%arg12 : memref<128x64xf32, #tpu.memory_space<vmem>>) target(%dma_start3A_141 : memref<10112x64xf32, #tpu.memory_space<vmem_shared>>) offsets(%dma_start3A_138 : memref<128xi32, #tpu.memory_space<vmem>>) semaphore(%run_scoped3A : memref<!tpu.dma_semaphore, #tpu.memory_space<semaphore_mem>>) {add = true}
        %dma_wait3A_142 = arith.constant 0 : i32
        %dma_wait3A_143 = tpu.memref_slice %arg8[%add3A_123, %dma_wait3A_142] : memref<148x128xi32, #tpu.memory_space<vmem>> -> memref<1x128xi32, #tpu.memory_space<vmem>>
        %dma_wait3A_144 = tpu.memref_squeeze %dma_wait3A_143 : memref<1x128xi32, #tpu.memory_space<vmem>> -> memref<128xi32, #tpu.memory_space<vmem>>
        %dma_wait3A_145 = arith.constant 0 : i32
        %dma_wait3A_146 = arith.constant 0 : i32
        %dma_wait3A_147 = tpu.memref_slice %arg13[%dma_wait3A_145, %dma_wait3A_146] : memref<10112x64xf32, #tpu.memory_space<vmem_shared>> -> memref<10112x64xf32, #tpu.memory_space<vmem_shared>>
        tpu.wait_indirect_dma semaphore(%run_scoped3A : memref<!tpu.dma_semaphore, #tpu.memory_space<semaphore_mem>>) src(%arg12 : memref<128x64xf32, #tpu.memory_space<vmem>>) dst(%dma_wait3A_147 : memref<10112x64xf32, #tpu.memory_space<vmem_shared>>)
        tpu.yield
      }) : () -> ()
      %add3A_130 = arith.constant 4 : i32
      %add3A_131 = arith.addi %add3A_123, %add3A_130 : i32
      %lt3A_132 = arith.cmpi slt, %add3A_131, %select_n3A : i32
      %convert_element_type3A_133 = arith.extui %lt3A_132 : i1 to i32
      %cond3A_134 = arith.constant 0 : i32
      %cond3A_135 = arith.cmpi ne, %convert_element_type3A_133, %cond3A_134 : i32
      scf.if %cond3A_135 {
        %add3A_136 = arith.constant 4 : i32
        %add3A_137 = arith.addi %add3A_123, %add3A_136 : i32
        %dma_start3A_138 = arith.constant 0 : i32
        %dma_start3A_139 = tpu.memref_slice %arg7[%add3A_137, %dma_start3A_138] : memref<148x128xi32, #tpu.memory_space<vmem>> -> memref<1x128xi32, #tpu.memory_space<vmem>>
        %dma_start3A_140 = tpu.memref_squeeze %dma_start3A_139 : memref<1x128xi32, #tpu.memory_space<vmem>> -> memref<128xi32, #tpu.memory_space<vmem>>
        %dma_start3A_141 = arith.constant 0 : i32
        %dma_start3A_142 = arith.constant 0 : i32
        %dma_start3A_143 = tpu.memref_slice %arg4[%dma_start3A_141, %dma_start3A_142] : memref<10112x64xf32, #tpu.memory_space<hbm>> -> memref<10112x64xf32, #tpu.memory_space<hbm>>
        tpu.enqueue_indirect_dma source(%dma_start3A_143 : memref<10112x64xf32, #tpu.memory_space<hbm>>) target(%arg12 : memref<128x64xf32, #tpu.memory_space<vmem>>) offsets(%dma_start3A_140 : memref<128xi32, #tpu.memory_space<vmem>>) semaphore(%arg17 : memref<!tpu.dma_semaphore, #tpu.memory_space<semaphore_mem>>)
      } else {
      }
    }
    %while3A_69 = arith.constant 1 : i32
    scf.for %while3A_75 = %while3A_67 to %while3A_63 step %while3A_69  : i32 {
      %mul3A_76 = arith.constant 4 : i32
      %mul3A_77 = arith.muli %while3A_75, %mul3A_76 : i32
      %add3A_78 = arith.constant 0 : i32
      %add3A_79 = arith.addi %mul3A_77, %add3A_78 : i32
      %dma_wait3A = arith.constant 0 : i32
      %dma_wait3A_80 = tpu.memref_slice %arg7[%add3A_79, %dma_wait3A] : memref<148x128xi32, #tpu.memory_space<vmem>> -> memref<1x128xi32, #tpu.memory_space<vmem>>
      %dma_wait3A_81 = tpu.memref_squeeze %dma_wait3A_80 : memref<1x128xi32, #tpu.memory_space<vmem>> -> memref<128xi32, #tpu.memory_space<vmem>>
      %dma_wait3A_82 = arith.constant 0 : i32
      %dma_wait3A_83 = arith.constant 0 : i32
      %dma_wait3A_84 = tpu.memref_slice %arg4[%dma_wait3A_82, %dma_wait3A_83] : memref<10112x64xf32, #tpu.memory_space<hbm>> -> memref<10112x64xf32, #tpu.memory_space<hbm>>
      tpu.wait_indirect_dma semaphore(%arg14 : memref<!tpu.dma_semaphore, #tpu.memory_space<semaphore_mem>>) src(%dma_wait3A_84 : memref<10112x64xf32, #tpu.memory_space<hbm>>) dst(%arg9 : memref<128x64xf32, #tpu.memory_space<vmem>>)
      "tpu.region"() ({
        %run_scoped3A = tpu.sem_alloc : memref<!tpu.dma_semaphore, #tpu.memory_space<semaphore_mem>>
        %dma_start3A_136 = arith.constant 0 : i32
        %dma_start3A_137 = tpu.memref_slice %arg8[%add3A_79, %dma_start3A_136] : memref<148x128xi32, #tpu.memory_space<vmem>> -> memref<1x128xi32, #tpu.memory_space<vmem>>
        %dma_start3A_138 = tpu.memref_squeeze %dma_start3A_137 : memref<1x128xi32, #tpu.memory_space<vmem>> -> memref<128xi32, #tpu.memory_space<vmem>>
        %dma_start3A_139 = arith.constant 0 : i32
        %dma_start3A_140 = arith.constant 0 : i32
        %dma_start3A_141 = tpu.memref_slice %arg13[%dma_start3A_139, %dma_start3A_140] : memref<10112x64xf32, #tpu.memory_space<vmem_shared>> -> memref<10112x64xf32, #tpu.memory_space<vmem_shared>>
        tpu.enqueue_indirect_dma source(%arg9 : memref<128x64xf32, #tpu.memory_space<vmem>>) target(%dma_start3A_141 : memref<10112x64xf32, #tpu.memory_space<vmem_shared>>) offsets(%dma_start3A_138 : memref<128xi32, #tpu.memory_space<vmem>>) semaphore(%run_scoped3A : memref<!tpu.dma_semaphore, #tpu.memory_space<semaphore_mem>>) {add = true}
        %dma_wait3A_142 = arith.constant 0 : i32
        %dma_wait3A_143 = tpu.memref_slice %arg8[%add3A_79, %dma_wait3A_142] : memref<148x128xi32, #tpu.memory_space<vmem>> -> memref<1x128xi32, #tpu.memory_space<vmem>>
        %dma_wait3A_144 = tpu.memref_squeeze %dma_wait3A_143 : memref<1x128xi32, #tpu.memory_space<vmem>> -> memref<128xi32, #tpu.memory_space<vmem>>
        %dma_wait3A_145 = arith.constant 0 : i32
        %dma_wait3A_146 = arith.constant 0 : i32
        %dma_wait3A_147 = tpu.memref_slice %arg13[%dma_wait3A_145, %dma_wait3A_146] : memref<10112x64xf32, #tpu.memory_space<vmem_shared>> -> memref<10112x64xf32, #tpu.memory_space<vmem_shared>>
        tpu.wait_indirect_dma semaphore(%run_scoped3A : memref<!tpu.dma_semaphore, #tpu.memory_space<semaphore_mem>>) src(%arg9 : memref<128x64xf32, #tpu.memory_space<vmem>>) dst(%dma_wait3A_147 : memref<10112x64xf32, #tpu.memory_space<vmem_shared>>)
        tpu.yield
      }) : () -> ()
      %add3A_85 = arith.constant 4 : i32
      %add3A_86 = arith.addi %add3A_79, %add3A_85 : i32
      %lt3A = arith.cmpi slt, %add3A_86, %select_n3A : i32
      %convert_element_type3A = arith.extui %lt3A : i1 to i32
      %cond3A = arith.constant 0 : i32
      %cond3A_87 = arith.cmpi ne, %convert_element_type3A, %cond3A : i32
      scf.if %cond3A_87 {
        %add3A_136 = arith.constant 4 : i32
        %add3A_137 = arith.addi %add3A_79, %add3A_136 : i32
        %dma_start3A_138 = arith.constant 0 : i32
        %dma_start3A_139 = tpu.memref_slice %arg7[%add3A_137, %dma_start3A_138] : memref<148x128xi32, #tpu.memory_space<vmem>> -> memref<1x128xi32, #tpu.memory_space<vmem>>
        %dma_start3A_140 = tpu.memref_squeeze %dma_start3A_139 : memref<1x128xi32, #tpu.memory_space<vmem>> -> memref<128xi32, #tpu.memory_space<vmem>>
        %dma_start3A_141 = arith.constant 0 : i32
        %dma_start3A_142 = arith.constant 0 : i32
        %dma_start3A_143 = tpu.memref_slice %arg4[%dma_start3A_141, %dma_start3A_142] : memref<10112x64xf32, #tpu.memory_space<hbm>> -> memref<10112x64xf32, #tpu.memory_space<hbm>>
        tpu.enqueue_indirect_dma source(%dma_start3A_143 : memref<10112x64xf32, #tpu.memory_space<hbm>>) target(%arg9 : memref<128x64xf32, #tpu.memory_space<vmem>>) offsets(%dma_start3A_140 : memref<128xi32, #tpu.memory_space<vmem>>) semaphore(%arg14 : memref<!tpu.dma_semaphore, #tpu.memory_space<semaphore_mem>>)
      } else {
      }
      %mul3A_88 = arith.constant 4 : i32
      %mul3A_89 = arith.muli %while3A_75, %mul3A_88 : i32
      %add3A_90 = arith.constant 1 : i32
      %add3A_91 = arith.addi %mul3A_89, %add3A_90 : i32
      %dma_wait3A_92 = arith.constant 0 : i32
      %dma_wait3A_93 = tpu.memref_slice %arg7[%add3A_91, %dma_wait3A_92] : memref<148x128xi32, #tpu.memory_space<vmem>> -> memref<1x128xi32, #tpu.memory_space<vmem>>
      %dma_wait3A_94 = tpu.memref_squeeze %dma_wait3A_93 : memref<1x128xi32, #tpu.memory_space<vmem>> -> memref<128xi32, #tpu.memory_space<vmem>>
      %dma_wait3A_95 = arith.constant 0 : i32
      %dma_wait3A_96 = arith.constant 0 : i32
      %dma_wait3A_97 = tpu.memref_slice %arg4[%dma_wait3A_95, %dma_wait3A_96] : memref<10112x64xf32, #tpu.memory_space<hbm>> -> memref<10112x64xf32, #tpu.memory_space<hbm>>
      tpu.wait_indirect_dma semaphore(%arg15 : memref<!tpu.dma_semaphore, #tpu.memory_space<semaphore_mem>>) src(%dma_wait3A_97 : memref<10112x64xf32, #tpu.memory_space<hbm>>) dst(%arg10 : memref<128x64xf32, #tpu.memory_space<vmem>>)
      "tpu.region"() ({
        %run_scoped3A = tpu.sem_alloc : memref<!tpu.dma_semaphore, #tpu.memory_space<semaphore_mem>>
        %dma_start3A_136 = arith.constant 0 : i32
        %dma_start3A_137 = tpu.memref_slice %arg8[%add3A_91, %dma_start3A_136] : memref<148x128xi32, #tpu.memory_space<vmem>> -> memref<1x128xi32, #tpu.memory_space<vmem>>
        %dma_start3A_138 = tpu.memref_squeeze %dma_start3A_137 : memref<1x128xi32, #tpu.memory_space<vmem>> -> memref<128xi32, #tpu.memory_space<vmem>>
        %dma_start3A_139 = arith.constant 0 : i32
        %dma_start3A_140 = arith.constant 0 : i32
        %dma_start3A_141 = tpu.memref_slice %arg13[%dma_start3A_139, %dma_start3A_140] : memref<10112x64xf32, #tpu.memory_space<vmem_shared>> -> memref<10112x64xf32, #tpu.memory_space<vmem_shared>>
        tpu.enqueue_indirect_dma source(%arg10 : memref<128x64xf32, #tpu.memory_space<vmem>>) target(%dma_start3A_141 : memref<10112x64xf32, #tpu.memory_space<vmem_shared>>) offsets(%dma_start3A_138 : memref<128xi32, #tpu.memory_space<vmem>>) semaphore(%run_scoped3A : memref<!tpu.dma_semaphore, #tpu.memory_space<semaphore_mem>>) {add = true}
        %dma_wait3A_142 = arith.constant 0 : i32
        %dma_wait3A_143 = tpu.memref_slice %arg8[%add3A_91, %dma_wait3A_142] : memref<148x128xi32, #tpu.memory_space<vmem>> -> memref<1x128xi32, #tpu.memory_space<vmem>>
        %dma_wait3A_144 = tpu.memref_squeeze %dma_wait3A_143 : memref<1x128xi32, #tpu.memory_space<vmem>> -> memref<128xi32, #tpu.memory_space<vmem>>
        %dma_wait3A_145 = arith.constant 0 : i32
        %dma_wait3A_146 = arith.constant 0 : i32
        %dma_wait3A_147 = tpu.memref_slice %arg13[%dma_wait3A_145, %dma_wait3A_146] : memref<10112x64xf32, #tpu.memory_space<vmem_shared>> -> memref<10112x64xf32, #tpu.memory_space<vmem_shared>>
        tpu.wait_indirect_dma semaphore(%run_scoped3A : memref<!tpu.dma_semaphore, #tpu.memory_space<semaphore_mem>>) src(%arg10 : memref<128x64xf32, #tpu.memory_space<vmem>>) dst(%dma_wait3A_147 : memref<10112x64xf32, #tpu.memory_space<vmem_shared>>)
        tpu.yield
      }) : () -> ()
      %add3A_98 = arith.constant 4 : i32
      %add3A_99 = arith.addi %add3A_91, %add3A_98 : i32
      %lt3A_100 = arith.cmpi slt, %add3A_99, %select_n3A : i32
      %convert_element_type3A_101 = arith.extui %lt3A_100 : i1 to i32
      %cond3A_102 = arith.constant 0 : i32
      %cond3A_103 = arith.cmpi ne, %convert_element_type3A_101, %cond3A_102 : i32
      scf.if %cond3A_103 {
        %add3A_136 = arith.constant 4 : i32
        %add3A_137 = arith.addi %add3A_91, %add3A_136 : i32
        %dma_start3A_138 = arith.constant 0 : i32
        %dma_start3A_139 = tpu.memref_slice %arg7[%add3A_137, %dma_start3A_138] : memref<148x128xi32, #tpu.memory_space<vmem>> -> memref<1x128xi32, #tpu.memory_space<vmem>>
        %dma_start3A_140 = tpu.memref_squeeze %dma_start3A_139 : memref<1x128xi32, #tpu.memory_space<vmem>> -> memref<128xi32, #tpu.memory_space<vmem>>
        %dma_start3A_141 = arith.constant 0 : i32
        %dma_start3A_142 = arith.constant 0 : i32
        %dma_start3A_143 = tpu.memref_slice %arg4[%dma_start3A_141, %dma_start3A_142] : memref<10112x64xf32, #tpu.memory_space<hbm>> -> memref<10112x64xf32, #tpu.memory_space<hbm>>
        tpu.enqueue_indirect_dma source(%dma_start3A_143 : memref<10112x64xf32, #tpu.memory_space<hbm>>) target(%arg10 : memref<128x64xf32, #tpu.memory_space<vmem>>) offsets(%dma_start3A_140 : memref<128xi32, #tpu.memory_space<vmem>>) semaphore(%arg15 : memref<!tpu.dma_semaphore, #tpu.memory_space<semaphore_mem>>)
      } else {
      }
      %mul3A_104 = arith.constant 4 : i32
      %mul3A_105 = arith.muli %while3A_75, %mul3A_104 : i32
      %add3A_106 = arith.constant 2 : i32
      %add3A_107 = arith.addi %mul3A_105, %add3A_106 : i32
      %dma_wait3A_108 = arith.constant 0 : i32
      %dma_wait3A_109 = tpu.memref_slice %arg7[%add3A_107, %dma_wait3A_108] : memref<148x128xi32, #tpu.memory_space<vmem>> -> memref<1x128xi32, #tpu.memory_space<vmem>>
      %dma_wait3A_110 = tpu.memref_squeeze %dma_wait3A_109 : memref<1x128xi32, #tpu.memory_space<vmem>> -> memref<128xi32, #tpu.memory_space<vmem>>
      %dma_wait3A_111 = arith.constant 0 : i32
      %dma_wait3A_112 = arith.constant 0 : i32
      %dma_wait3A_113 = tpu.memref_slice %arg4[%dma_wait3A_111, %dma_wait3A_112] : memref<10112x64xf32, #tpu.memory_space<hbm>> -> memref<10112x64xf32, #tpu.memory_space<hbm>>
      tpu.wait_indirect_dma semaphore(%arg16 : memref<!tpu.dma_semaphore, #tpu.memory_space<semaphore_mem>>) src(%dma_wait3A_113 : memref<10112x64xf32, #tpu.memory_space<hbm>>) dst(%arg11 : memref<128x64xf32, #tpu.memory_space<vmem>>)
      "tpu.region"() ({
        %run_scoped3A = tpu.sem_alloc : memref<!tpu.dma_semaphore, #tpu.memory_space<semaphore_mem>>
        %dma_start3A_136 = arith.constant 0 : i32
        %dma_start3A_137 = tpu.memref_slice %arg8[%add3A_107, %dma_start3A_136] : memref<148x128xi32, #tpu.memory_space<vmem>> -> memref<1x128xi32, #tpu.memory_space<vmem>>
        %dma_start3A_138 = tpu.memref_squeeze %dma_start3A_137 : memref<1x128xi32, #tpu.memory_space<vmem>> -> memref<128xi32, #tpu.memory_space<vmem>>
        %dma_start3A_139 = arith.constant 0 : i32
        %dma_start3A_140 = arith.constant 0 : i32
        %dma_start3A_141 = tpu.memref_slice %arg13[%dma_start3A_139, %dma_start3A_140] : memref<10112x64xf32, #tpu.memory_space<vmem_shared>> -> memref<10112x64xf32, #tpu.memory_space<vmem_shared>>
        tpu.enqueue_indirect_dma source(%arg11 : memref<128x64xf32, #tpu.memory_space<vmem>>) target(%dma_start3A_141 : memref<10112x64xf32, #tpu.memory_space<vmem_shared>>) offsets(%dma_start3A_138 : memref<128xi32, #tpu.memory_space<vmem>>) semaphore(%run_scoped3A : memref<!tpu.dma_semaphore, #tpu.memory_space<semaphore_mem>>) {add = true}
        %dma_wait3A_142 = arith.constant 0 : i32
        %dma_wait3A_143 = tpu.memref_slice %arg8[%add3A_107, %dma_wait3A_142] : memref<148x128xi32, #tpu.memory_space<vmem>> -> memref<1x128xi32, #tpu.memory_space<vmem>>
        %dma_wait3A_144 = tpu.memref_squeeze %dma_wait3A_143 : memref<1x128xi32, #tpu.memory_space<vmem>> -> memref<128xi32, #tpu.memory_space<vmem>>
        %dma_wait3A_145 = arith.constant 0 : i32
        %dma_wait3A_146 = arith.constant 0 : i32
        %dma_wait3A_147 = tpu.memref_slice %arg13[%dma_wait3A_145, %dma_wait3A_146] : memref<10112x64xf32, #tpu.memory_space<vmem_shared>> -> memref<10112x64xf32, #tpu.memory_space<vmem_shared>>
        tpu.wait_indirect_dma semaphore(%run_scoped3A : memref<!tpu.dma_semaphore, #tpu.memory_space<semaphore_mem>>) src(%arg11 : memref<128x64xf32, #tpu.memory_space<vmem>>) dst(%dma_wait3A_147 : memref<10112x64xf32, #tpu.memory_space<vmem_shared>>)
        tpu.yield
      }) : () -> ()
      %add3A_114 = arith.constant 4 : i32
      %add3A_115 = arith.addi %add3A_107, %add3A_114 : i32
      %lt3A_116 = arith.cmpi slt, %add3A_115, %select_n3A : i32
      %convert_element_type3A_117 = arith.extui %lt3A_116 : i1 to i32
      %cond3A_118 = arith.constant 0 : i32
      %cond3A_119 = arith.cmpi ne, %convert_element_type3A_117, %cond3A_118 : i32
      scf.if %cond3A_119 {
        %add3A_136 = arith.constant 4 : i32
        %add3A_137 = arith.addi %add3A_107, %add3A_136 : i32
        %dma_start3A_138 = arith.constant 0 : i32
        %dma_start3A_139 = tpu.memref_slice %arg7[%add3A_137, %dma_start3A_138] : memref<148x128xi32, #tpu.memory_space<vmem>> -> memref<1x128xi32, #tpu.memory_space<vmem>>
        %dma_start3A_140 = tpu.memref_squeeze %dma_start3A_139 : memref<1x128xi32, #tpu.memory_space<vmem>> -> memref<128xi32, #tpu.memory_space<vmem>>
        %dma_start3A_141 = arith.constant 0 : i32
        %dma_start3A_142 = arith.constant 0 : i32
        %dma_start3A_143 = tpu.memref_slice %arg4[%dma_start3A_141, %dma_start3A_142] : memref<10112x64xf32, #tpu.memory_space<hbm>> -> memref<10112x64xf32, #tpu.memory_space<hbm>>
        tpu.enqueue_indirect_dma source(%dma_start3A_143 : memref<10112x64xf32, #tpu.memory_space<hbm>>) target(%arg11 : memref<128x64xf32, #tpu.memory_space<vmem>>) offsets(%dma_start3A_140 : memref<128xi32, #tpu.memory_space<vmem>>) semaphore(%arg16 : memref<!tpu.dma_semaphore, #tpu.memory_space<semaphore_mem>>)
      } else {
      }
      %mul3A_120 = arith.constant 4 : i32
      %mul3A_121 = arith.muli %while3A_75, %mul3A_120 : i32
      %add3A_122 = arith.constant 3 : i32
      %add3A_123 = arith.addi %mul3A_121, %add3A_122 : i32
      %dma_wait3A_124 = arith.constant 0 : i32
      %dma_wait3A_125 = tpu.memref_slice %arg7[%add3A_123, %dma_wait3A_124] : memref<148x128xi32, #tpu.memory_space<vmem>> -> memref<1x128xi32, #tpu.memory_space<vmem>>
      %dma_wait3A_126 = tpu.memref_squeeze %dma_wait3A_125 : memref<1x128xi32, #tpu.memory_space<vmem>> -> memref<128xi32, #tpu.memory_space<vmem>>
      %dma_wait3A_127 = arith.constant 0 : i32
      %dma_wait3A_128 = arith.constant 0 : i32
      %dma_wait3A_129 = tpu.memref_slice %arg4[%dma_wait3A_127, %dma_wait3A_128] : memref<10112x64xf32, #tpu.memory_space<hbm>> -> memref<10112x64xf32, #tpu.memory_space<hbm>>
      tpu.wait_indirect_dma semaphore(%arg17 : memref<!tpu.dma_semaphore, #tpu.memory_space<semaphore_mem>>) src(%dma_wait3A_129 : memref<10112x64xf32, #tpu.memory_space<hbm>>) dst(%arg12 : memref<128x64xf32, #tpu.memory_space<vmem>>)
      "tpu.region"() ({
        %run_scoped3A = tpu.sem_alloc : memref<!tpu.dma_semaphore, #tpu.memory_space<semaphore_mem>>
        %dma_start3A_136 = arith.constant 0 : i32
        %dma_start3A_137 = tpu.memref_slice %arg8[%add3A_123, %dma_start3A_136] : memref<148x128xi32, #tpu.memory_space<vmem>> -> memref<1x128xi32, #tpu.memory_space<vmem>>
        %dma_start3A_138 = tpu.memref_squeeze %dma_start3A_137 : memref<1x128xi32, #tpu.memory_space<vmem>> -> memref<128xi32, #tpu.memory_space<vmem>>
        %dma_start3A_139 = arith.constant 0 : i32
        %dma_start3A_140 = arith.constant 0 : i32
        %dma_start3A_141 = tpu.memref_slice %arg13[%dma_start3A_139, %dma_start3A_140] : memref<10112x64xf32, #tpu.memory_space<vmem_shared>> -> memref<10112x64xf32, #tpu.memory_space<vmem_shared>>
        tpu.enqueue_indirect_dma source(%arg12 : memref<128x64xf32, #tpu.memory_space<vmem>>) target(%dma_start3A_141 : memref<10112x64xf32, #tpu.memory_space<vmem_shared>>) offsets(%dma_start3A_138 : memref<128xi32, #tpu.memory_space<vmem>>) semaphore(%run_scoped3A : memref<!tpu.dma_semaphore, #tpu.memory_space<semaphore_mem>>) {add = true}
        %dma_wait3A_142 = arith.constant 0 : i32
        %dma_wait3A_143 = tpu.memref_slice %arg8[%add3A_123, %dma_wait3A_142] : memref<148x128xi32, #tpu.memory_space<vmem>> -> memref<1x128xi32, #tpu.memory_space<vmem>>
        %dma_wait3A_144 = tpu.memref_squeeze %dma_wait3A_143 : memref<1x128xi32, #tpu.memory_space<vmem>> -> memref<128xi32, #tpu.memory_space<vmem>>
        %dma_wait3A_145 = arith.constant 0 : i32
        %dma_wait3A_146 = arith.constant 0 : i32
        %dma_wait3A_147 = tpu.memref_slice %arg13[%dma_wait3A_145, %dma_wait3A_146] : memref<10112x64xf32, #tpu.memory_space<vmem_shared>> -> memref<10112x64xf32, #tpu.memory_space<vmem_shared>>
        tpu.wait_indirect_dma semaphore(%run_scoped3A : memref<!tpu.dma_semaphore, #tpu.memory_space<semaphore_mem>>) src(%arg12 : memref<128x64xf32, #tpu.memory_space<vmem>>) dst(%dma_wait3A_147 : memref<10112x64xf32, #tpu.memory_space<vmem_shared>>)
        tpu.yield
      }) : () -> ()
      %add3A_130 = arith.constant 4 : i32
      %add3A_131 = arith.addi %add3A_123, %add3A_130 : i32
      %lt3A_132 = arith.cmpi slt, %add3A_131, %select_n3A : i32
      %convert_element_type3A_133 = arith.extui %lt3A_132 : i1 to i32
      %cond3A_134 = arith.constant 0 : i32
      %cond3A_135 = arith.cmpi ne, %convert_element_type3A_133, %cond3A_134 : i32
      scf.if %cond3A_135 {
        %add3A_136 = arith.constant 4 : i32
        %add3A_137 = arith.addi %add3A_123, %add3A_136 : i32
        %dma_start3A_138 = arith.constant 0 : i32
        %dma_start3A_139 = tpu.memref_slice %arg7[%add3A_137, %dma_start3A_138] : memref<148x128xi32, #tpu.memory_space<vmem>> -> memref<1x128xi32, #tpu.memory_space<vmem>>
        %dma_start3A_140 = tpu.memref_squeeze %dma_start3A_139 : memref<1x128xi32, #tpu.memory_space<vmem>> -> memref<128xi32, #tpu.memory_space<vmem>>
        %dma_start3A_141 = arith.constant 0 : i32
        %dma_start3A_142 = arith.constant 0 : i32
        %dma_start3A_143 = tpu.memref_slice %arg4[%dma_start3A_141, %dma_start3A_142] : memref<10112x64xf32, #tpu.memory_space<hbm>> -> memref<10112x64xf32, #tpu.memory_space<hbm>>
        tpu.enqueue_indirect_dma source(%dma_start3A_143 : memref<10112x64xf32, #tpu.memory_space<hbm>>) target(%arg12 : memref<128x64xf32, #tpu.memory_space<vmem>>) offsets(%dma_start3A_140 : memref<128xi32, #tpu.memory_space<vmem>>) semaphore(%arg17 : memref<!tpu.dma_semaphore, #tpu.memory_space<semaphore_mem>>)
      } else {
      }
    }
    %barrier3A_70 = arith.constant 0 : index
    tpu.barrier barrier_id(%barrier3A_70)
    %mul3A_71 = arith.constant 632 : i32
    %mul3A_72 = arith.muli %arg1, %mul3A_71 : i32
    %mul3A_73 = arith.constant 632 : i32
    %mul3A_74 = arith.muli %arg1, %mul3A_73 : i32
    "tpu.region"() ({
      %run_scoped3A = tpu.sem_alloc : memref<!tpu.dma_semaphore, #tpu.memory_space<semaphore_mem>>
      %dma_start3A_75 = arith.constant 0 : i32
      %dma_start3A_76 = tpu.memref_slice %arg6[%arg0, %mul3A_74, %dma_start3A_75] : memref<2x10112x64xf32, #tpu.memory_space<hbm>> -> memref<1x632x64xf32, #tpu.memory_space<hbm>>
      %dma_start3A_77 = tpu.memref_squeeze %dma_start3A_76 : memref<1x632x64xf32, #tpu.memory_space<hbm>> -> memref<632x64xf32, #tpu.memory_space<hbm>>
      %dma_start3A_78 = arith.constant 0 : i32
      %dma_start3A_79 = tpu.memref_slice %arg13[%mul3A_72, %dma_start3A_78] : memref<10112x64xf32, #tpu.memory_space<vmem_shared>> -> memref<632x64xf32, #tpu.memory_space<vmem_shared>>
      tpu.enqueue_dma source(%dma_start3A_79 : memref<632x64xf32, #tpu.memory_space<vmem_shared>>) target(%dma_start3A_77 : memref<632x64xf32, #tpu.memory_space<hbm>>) target_semaphore(%run_scoped3A : memref<!tpu.dma_semaphore, #tpu.memory_space<semaphore_mem>>)
      %dma_wait3A = arith.constant 0 : i32
      %dma_wait3A_80 = tpu.memref_slice %arg6[%arg0, %mul3A_74, %dma_wait3A] : memref<2x10112x64xf32, #tpu.memory_space<hbm>> -> memref<1x632x64xf32, #tpu.memory_space<hbm>>
      %dma_wait3A_81 = tpu.memref_squeeze %dma_wait3A_80 : memref<1x632x64xf32, #tpu.memory_space<hbm>> -> memref<632x64xf32, #tpu.memory_space<hbm>>
      %dma_wait3A_82 = arith.constant 0 : i32
      %dma_wait3A_83 = tpu.memref_slice %arg13[%mul3A_72, %dma_wait3A_82] : memref<10112x64xf32, #tpu.memory_space<vmem_shared>> -> memref<632x64xf32, #tpu.memory_space<vmem_shared>>
      tpu.wait_dma2 semaphore(%run_scoped3A : memref<!tpu.dma_semaphore, #tpu.memory_space<semaphore_mem>>) src(%dma_wait3A_83 : memref<632x64xf32, #tpu.memory_space<vmem_shared>>) dst(%dma_wait3A_81 : memref<632x64xf32, #tpu.memory_space<hbm>>)
      tpu.yield
    }) : () -> ()
    return
  }
}

#map = affine_map<(d0, d1) -> (0, 0)>
#map1 = affine_map<(d0, d1) -> (0, 0, 0)>
module attributes {stable_mosaic.version = 14 : i64} {
  func.func @_prop_body(%arg0: i32, %arg1: i32, %arg2: memref<2560x128xi32, #tpu.memory_space<hbm>>, %arg3: memref<2560x128xi32, #tpu.memory_space<hbm>>, %arg4: memref<10112x64xf32, #tpu.memory_space<hbm>>, %arg5: memref<10112x64xf32, #tpu.memory_space<hbm>>, %arg6: memref<2x10112x64xf32, #tpu.memory_space<hbm>>, %arg7: memref<148x128xi32, #tpu.memory_space<vmem>>, %arg8: memref<148x128xi32, #tpu.memory_space<vmem>>, %arg9: memref<128x64xf32, #tpu.memory_space<vmem>>, %arg10: memref<128x64xf32, #tpu.memory_space<vmem>>, %arg11: memref<128x64xf32, #tpu.memory_space<vmem>>, %arg12: memref<128x64xf32, #tpu.memory_space<vmem>>, %arg13: memref<10112x64xf32, #tpu.memory_space<vmem_shared>>, %arg14: memref<!tpu.dma_semaphore, #tpu.memory_space<semaphore_mem>>, %arg15: memref<!tpu.dma_semaphore, #tpu.memory_space<semaphore_mem>>, %arg16: memref<!tpu.dma_semaphore, #tpu.memory_space<semaphore_mem>>, %arg17: memref<!tpu.dma_semaphore, #tpu.memory_space<semaphore_mem>>) attributes {dimension_semantics = [#tpu.dimension_semantics<core_parallel>, #tpu.dimension_semantics<subcore_parallel>], iteration_bounds = array<i64: 2, 16>, scalar_prefetch = 0 : i64, scratch_operands = 11 : i64, tpu.core_type = #tpu.core_type<sc_vector_subcore>, window_params = [{transform_indices = #map}, {transform_indices = #map}, {transform_indices = #map}, {transform_indices = #map}, {transform_indices = #map1}]} {
    %mul3A = arith.constant 16 : i32
    %mul3A_0 = arith.muli %arg0, %mul3A : i32
    %add3A = arith.addi %mul3A_0, %arg1 : i32
    %eq3A = arith.constant 0 : i32
    %eq3A_1 = arith.cmpi eq, %arg0, %eq3A : i32
    %jit3A = arith.constant 148 : i32
    %jit3A_2 = arith.constant 12 : i32
    %select_n3A = arith.select %eq3A_1, %jit3A, %jit3A_2 : i32
    %eq3A_3 = arith.constant 0 : i32
    %eq3A_4 = arith.cmpi eq, %arg0, %eq3A_3 : i32
    %mul3A_5 = arith.constant 148 : i32
    %mul3A_6 = arith.muli %arg1, %mul3A_5 : i32
    %mul3A_7 = arith.constant 12 : i32
    %mul3A_8 = arith.muli %arg1, %mul3A_7 : i32
    %add3A_9 = arith.constant 2368 : i32
    %add3A_10 = arith.addi %add3A_9, %mul3A_8 : i32
    %select_n3A_11 = arith.select %eq3A_4, %mul3A_6, %add3A_10 : i32
    "tpu.region"() ({
      %run_scoped3A = tpu.sem_alloc : memref<!tpu.dma_semaphore, #tpu.memory_space<semaphore_mem>>
      %dma_start3A_75 = arith.constant 0 : i32
      %dma_start3A_76 = tpu.memref_slice %arg2[%select_n3A_11, %dma_start3A_75] : memref<2560x128xi32, #tpu.memory_space<hbm>> -> memref<148x128xi32, #tpu.memory_space<hbm>>
      %dma_start3A_77 = arith.constant 0 : i32
      %dma_start3A_78 = tpu.memref_slice %arg2[%select_n3A_11, %dma_start3A_77] : memref<2560x128xi32, #tpu.memory_space<hbm>> -> memref<148x128xi32, #tpu.memory_space<hbm>>
      tpu.enqueue_dma source(%dma_start3A_78 : memref<148x128xi32, #tpu.memory_space<hbm>>) target(%arg7 : memref<148x128xi32, #tpu.memory_space<vmem>>) target_semaphore(%run_scoped3A : memref<!tpu.dma_semaphore, #tpu.memory_space<semaphore_mem>>)
      %dma_wait3A = arith.constant 0 : i32
      %dma_wait3A_79 = tpu.memref_slice %arg2[%select_n3A_11, %dma_wait3A] : memref<2560x128xi32, #tpu.memory_space<hbm>> -> memref<148x128xi32, #tpu.memory_space<hbm>>
      %dma_wait3A_80 = arith.constant 0 : i32
      %dma_wait3A_81 = tpu.memref_slice %arg2[%select_n3A_11, %dma_wait3A_80] : memref<2560x128xi32, #tpu.memory_space<hbm>> -> memref<148x128xi32, #tpu.memory_space<hbm>>
      tpu.wait_dma2 semaphore(%run_scoped3A : memref<!tpu.dma_semaphore, #tpu.memory_space<semaphore_mem>>) src(%dma_wait3A_81 : memref<148x128xi32, #tpu.memory_space<hbm>>) dst(%arg7 : memref<148x128xi32, #tpu.memory_space<vmem>>)
      tpu.yield
    }) : () -> ()
    "tpu.region"() ({
      %run_scoped3A = tpu.sem_alloc : memref<!tpu.dma_semaphore, #tpu.memory_space<semaphore_mem>>
      %dma_start3A_75 = arith.constant 0 : i32
      %dma_start3A_76 = tpu.memref_slice %arg3[%select_n3A_11, %dma_start3A_75] : memref<2560x128xi32, #tpu.memory_space<hbm>> -> memref<148x128xi32, #tpu.memory_space<hbm>>
      %dma_start3A_77 = arith.constant 0 : i32
      %dma_start3A_78 = tpu.memref_slice %arg3[%select_n3A_11, %dma_start3A_77] : memref<2560x128xi32, #tpu.memory_space<hbm>> -> memref<148x128xi32, #tpu.memory_space<hbm>>
      tpu.enqueue_dma source(%dma_start3A_78 : memref<148x128xi32, #tpu.memory_space<hbm>>) target(%arg8 : memref<148x128xi32, #tpu.memory_space<vmem>>) target_semaphore(%run_scoped3A : memref<!tpu.dma_semaphore, #tpu.memory_space<semaphore_mem>>)
      %dma_wait3A = arith.constant 0 : i32
      %dma_wait3A_79 = tpu.memref_slice %arg3[%select_n3A_11, %dma_wait3A] : memref<2560x128xi32, #tpu.memory_space<hbm>> -> memref<148x128xi32, #tpu.memory_space<hbm>>
      %dma_wait3A_80 = arith.constant 0 : i32
      %dma_wait3A_81 = tpu.memref_slice %arg3[%select_n3A_11, %dma_wait3A_80] : memref<2560x128xi32, #tpu.memory_space<hbm>> -> memref<148x128xi32, #tpu.memory_space<hbm>>
      tpu.wait_dma2 semaphore(%run_scoped3A : memref<!tpu.dma_semaphore, #tpu.memory_space<semaphore_mem>>) src(%dma_wait3A_81 : memref<148x128xi32, #tpu.memory_space<hbm>>) dst(%arg8 : memref<148x128xi32, #tpu.memory_space<vmem>>)
      tpu.yield
    }) : () -> ()
    %mul3A_12 = arith.constant 632 : i32
    %mul3A_13 = arith.muli %arg1, %mul3A_12 : i32
    %mul3A_14 = arith.constant 632 : i32
    %mul3A_15 = arith.muli %arg1, %mul3A_14 : i32
    "tpu.region"() ({
      %run_scoped3A = tpu.sem_alloc : memref<!tpu.dma_semaphore, #tpu.memory_space<semaphore_mem>>
      %dma_start3A_75 = arith.constant 0 : i32
      %dma_start3A_76 = tpu.memref_slice %arg13[%mul3A_15, %dma_start3A_75] : memref<10112x64xf32, #tpu.memory_space<vmem_shared>> -> memref<632x64xf32, #tpu.memory_space<vmem_shared>>
      %dma_start3A_77 = arith.constant 0 : i32
      %dma_start3A_78 = tpu.memref_slice %arg5[%mul3A_13, %dma_start3A_77] : memref<10112x64xf32, #tpu.memory_space<hbm>> -> memref<632x64xf32, #tpu.memory_space<hbm>>
      tpu.enqueue_dma source(%dma_start3A_78 : memref<632x64xf32, #tpu.memory_space<hbm>>) target(%dma_start3A_76 : memref<632x64xf32, #tpu.memory_space<vmem_shared>>) target_semaphore(%run_scoped3A : memref<!tpu.dma_semaphore, #tpu.memory_space<semaphore_mem>>)
      %dma_wait3A = arith.constant 0 : i32
      %dma_wait3A_79 = tpu.memref_slice %arg13[%mul3A_15, %dma_wait3A] : memref<10112x64xf32, #tpu.memory_space<vmem_shared>> -> memref<632x64xf32, #tpu.memory_space<vmem_shared>>
      %dma_wait3A_80 = arith.constant 0 : i32
      %dma_wait3A_81 = tpu.memref_slice %arg5[%mul3A_13, %dma_wait3A_80] : memref<10112x64xf32, #tpu.memory_space<hbm>> -> memref<632x64xf32, #tpu.memory_space<hbm>>
      tpu.wait_dma2 semaphore(%run_scoped3A : memref<!tpu.dma_semaphore, #tpu.memory_space<semaphore_mem>>) src(%dma_wait3A_81 : memref<632x64xf32, #tpu.memory_space<hbm>>) dst(%dma_wait3A_79 : memref<632x64xf32, #tpu.memory_space<vmem_shared>>)
      tpu.yield
    }) : () -> ()
    %barrier3A = arith.constant 0 : index
    tpu.barrier barrier_id(%barrier3A)
    %dma_start3A = arith.constant 0 : i32
    %dma_start3A_16 = arith.constant 0 : i32
    %dma_start3A_17 = tpu.memref_slice %arg7[%dma_start3A, %dma_start3A_16] : memref<148x128xi32, #tpu.memory_space<vmem>> -> memref<1x128xi32, #tpu.memory_space<vmem>>
    %dma_start3A_18 = tpu.memref_squeeze %dma_start3A_17 : memref<1x128xi32, #tpu.memory_space<vmem>> -> memref<128xi32, #tpu.memory_space<vmem>>
    %dma_start3A_19 = arith.constant 0 : i32
    %dma_start3A_20 = arith.constant 0 : i32
    %dma_start3A_21 = tpu.memref_slice %arg4[%dma_start3A_19, %dma_start3A_20] : memref<10112x64xf32, #tpu.memory_space<hbm>> -> memref<10112x64xf32, #tpu.memory_space<hbm>>
    tpu.enqueue_indirect_dma source(%dma_start3A_21 : memref<10112x64xf32, #tpu.memory_space<hbm>>) target(%arg9 : memref<128x64xf32, #tpu.memory_space<vmem>>) offsets(%dma_start3A_18 : memref<128xi32, #tpu.memory_space<vmem>>) semaphore(%arg14 : memref<!tpu.dma_semaphore, #tpu.memory_space<semaphore_mem>>)
    %dma_start3A_22 = arith.constant 1 : i32
    %dma_start3A_23 = arith.constant 0 : i32
    %dma_start3A_24 = tpu.memref_slice %arg7[%dma_start3A_22, %dma_start3A_23] : memref<148x128xi32, #tpu.memory_space<vmem>> -> memref<1x128xi32, #tpu.memory_space<vmem>>
    %dma_start3A_25 = tpu.memref_squeeze %dma_start3A_24 : memref<1x128xi32, #tpu.memory_space<vmem>> -> memref<128xi32, #tpu.memory_space<vmem>>
    %dma_start3A_26 = arith.constant 0 : i32
    %dma_start3A_27 = arith.constant 0 : i32
    %dma_start3A_28 = tpu.memref_slice %arg4[%dma_start3A_26, %dma_start3A_27] : memref<10112x64xf32, #tpu.memory_space<hbm>> -> memref<10112x64xf32, #tpu.memory_space<hbm>>
    tpu.enqueue_indirect_dma source(%dma_start3A_28 : memref<10112x64xf32, #tpu.memory_space<hbm>>) target(%arg10 : memref<128x64xf32, #tpu.memory_space<vmem>>) offsets(%dma_start3A_25 : memref<128xi32, #tpu.memory_space<vmem>>) semaphore(%arg15 : memref<!tpu.dma_semaphore, #tpu.memory_space<semaphore_mem>>)
    %dma_start3A_29 = arith.constant 2 : i32
    %dma_start3A_30 = arith.constant 0 : i32
    %dma_start3A_31 = tpu.memref_slice %arg7[%dma_start3A_29, %dma_start3A_30] : memref<148x128xi32, #tpu.memory_space<vmem>> -> memref<1x128xi32, #tpu.memory_space<vmem>>
    %dma_start3A_32 = tpu.memref_squeeze %dma_start3A_31 : memref<1x128xi32, #tpu.memory_space<vmem>> -> memref<128xi32, #tpu.memory_space<vmem>>
    %dma_start3A_33 = arith.constant 0 : i32
    %dma_start3A_34 = arith.constant 0 : i32
    %dma_start3A_35 = tpu.memref_slice %arg4[%dma_start3A_33, %dma_start3A_34] : memref<10112x64xf32, #tpu.memory_space<hbm>> -> memref<10112x64xf32, #tpu.memory_space<hbm>>
    tpu.enqueue_indirect_dma source(%dma_start3A_35 : memref<10112x64xf32, #tpu.memory_space<hbm>>) target(%arg11 : memref<128x64xf32, #tpu.memory_space<vmem>>) offsets(%dma_start3A_32 : memref<128xi32, #tpu.memory_space<vmem>>) semaphore(%arg16 : memref<!tpu.dma_semaphore, #tpu.memory_space<semaphore_mem>>)
    %dma_start3A_36 = arith.constant 3 : i32
    %dma_start3A_37 = arith.constant 0 : i32
    %dma_start3A_38 = tpu.memref_slice %arg7[%dma_start3A_36, %dma_start3A_37] : memref<148x128xi32, #tpu.memory_space<vmem>> -> memref<1x128xi32, #tpu.memory_space<vmem>>
    %dma_start3A_39 = tpu.memref_squeeze %dma_start3A_38 : memref<1x128xi32, #tpu.memory_space<vmem>> -> memref<128xi32, #tpu.memory_space<vmem>>
    %dma_start3A_40 = arith.constant 0 : i32
    %dma_start3A_41 = arith.constant 0 : i32
    %dma_start3A_42 = tpu.memref_slice %arg4[%dma_start3A_40, %dma_start3A_41] : memref<10112x64xf32, #tpu.memory_space<hbm>> -> memref<10112x64xf32, #tpu.memory_space<hbm>>
    tpu.enqueue_indirect_dma source(%dma_start3A_42 : memref<10112x64xf32, #tpu.memory_space<hbm>>) target(%arg12 : memref<128x64xf32, #tpu.memory_space<vmem>>) offsets(%dma_start3A_39 : memref<128xi32, #tpu.memory_space<vmem>>) semaphore(%arg17 : memref<!tpu.dma_semaphore, #tpu.memory_space<semaphore_mem>>)
    %jit3A_43 = arith.constant 4 : i32
    %div3A = arith.divsi %select_n3A, %jit3A_43 : i32
    %sign3A = arith.constant 0 : i32
    %sign3A_44 = arith.cmpi sgt, %select_n3A, %sign3A : i32
    %sign3A_45 = arith.extui %sign3A_44 : i1 to i32
    %sign3A_46 = arith.constant 0 : i32
    %sign3A_47 = arith.cmpi slt, %select_n3A, %sign3A_46 : i32
    %sign3A_48 = arith.extui %sign3A_47 : i1 to i32
    %sign3A_49 = arith.subi %sign3A_45, %sign3A_48 : i32
    %sign3A_50 = arith.constant 0 : i32
    %sign3A_51 = arith.cmpi sgt, %jit3A_43, %sign3A_50 : i32
    %sign3A_52 = arith.extui %sign3A_51 : i1 to i32
    %sign3A_53 = arith.constant 0 : i32
    %sign3A_54 = arith.cmpi slt, %jit3A_43, %sign3A_53 : i32
    %sign3A_55 = arith.extui %sign3A_54 : i1 to i32
    %sign3A_56 = arith.subi %sign3A_52, %sign3A_55 : i32
    %ne3A = arith.cmpi ne, %sign3A_49, %sign3A_56 : i32
    %rem3A = arith.remsi %select_n3A, %jit3A_43 : i32
    %ne3A_57 = arith.constant 0 : i32
    %ne3A_58 = arith.cmpi ne, %rem3A, %ne3A_57 : i32
    %and3A = arith.andi %ne3A, %ne3A_58 : i1
    %sub3A = arith.constant 1 : i32
    %sub3A_59 = arith.subi %div3A, %sub3A : i32
    %select_n3A_60 = arith.select %and3A, %sub3A_59, %div3A : i32
    %while3A = arith.constant 0 : i32
    %while3A_61 = arith.constant 0 : i32
    %while3A_62 = arith.subi %select_n3A_60, %while3A_61 : i32
    %while3A_63 = arith.addi %while3A_61, %while3A_62 : i32
    %while3A_64 = arith.constant 1 : i32
    %while3A_65 = arith.divsi %while3A_62, %while3A_64 : i32
    %while3A_66 = arith.muli %while3A_65, %while3A_64 : i32
    %while3A_67 = arith.addi %while3A_61, %while3A_66 : i32
    %while3A_68 = arith.constant 1 : i32
    scf.for %while3A_75 = %while3A_61 to %while3A_67 step %while3A_68  : i32 {
      %mul3A_76 = arith.constant 4 : i32
      %mul3A_77 = arith.muli %while3A_75, %mul3A_76 : i32
      %add3A_78 = arith.constant 0 : i32
      %add3A_79 = arith.addi %mul3A_77, %add3A_78 : i32
      %dma_wait3A = arith.constant 0 : i32
      %dma_wait3A_80 = tpu.memref_slice %arg7[%add3A_79, %dma_wait3A] : memref<148x128xi32, #tpu.memory_space<vmem>> -> memref<1x128xi32, #tpu.memory_space<vmem>>
      %dma_wait3A_81 = tpu.memref_squeeze %dma_wait3A_80 : memref<1x128xi32, #tpu.memory_space<vmem>> -> memref<128xi32, #tpu.memory_space<vmem>>
      %dma_wait3A_82 = arith.constant 0 : i32
      %dma_wait3A_83 = arith.constant 0 : i32
      %dma_wait3A_84 = tpu.memref_slice %arg4[%dma_wait3A_82, %dma_wait3A_83] : memref<10112x64xf32, #tpu.memory_space<hbm>> -> memref<10112x64xf32, #tpu.memory_space<hbm>>
      tpu.wait_indirect_dma semaphore(%arg14 : memref<!tpu.dma_semaphore, #tpu.memory_space<semaphore_mem>>) src(%dma_wait3A_84 : memref<10112x64xf32, #tpu.memory_space<hbm>>) dst(%arg9 : memref<128x64xf32, #tpu.memory_space<vmem>>)
      "tpu.region"() ({
        %run_scoped3A = tpu.sem_alloc : memref<!tpu.dma_semaphore, #tpu.memory_space<semaphore_mem>>
        %dma_start3A_136 = arith.constant 0 : i32
        %dma_start3A_137 = tpu.memref_slice %arg8[%add3A_79, %dma_start3A_136] : memref<148x128xi32, #tpu.memory_space<vmem>> -> memref<1x128xi32, #tpu.memory_space<vmem>>
        %dma_start3A_138 = tpu.memref_squeeze %dma_start3A_137 : memref<1x128xi32, #tpu.memory_space<vmem>> -> memref<128xi32, #tpu.memory_space<vmem>>
        %dma_start3A_139 = arith.constant 0 : i32
        %dma_start3A_140 = arith.constant 0 : i32
        %dma_start3A_141 = tpu.memref_slice %arg13[%dma_start3A_139, %dma_start3A_140] : memref<10112x64xf32, #tpu.memory_space<vmem_shared>> -> memref<10112x64xf32, #tpu.memory_space<vmem_shared>>
        tpu.enqueue_indirect_dma source(%arg9 : memref<128x64xf32, #tpu.memory_space<vmem>>) target(%dma_start3A_141 : memref<10112x64xf32, #tpu.memory_space<vmem_shared>>) offsets(%dma_start3A_138 : memref<128xi32, #tpu.memory_space<vmem>>) semaphore(%run_scoped3A : memref<!tpu.dma_semaphore, #tpu.memory_space<semaphore_mem>>) {add = true}
        %dma_wait3A_142 = arith.constant 0 : i32
        %dma_wait3A_143 = tpu.memref_slice %arg8[%add3A_79, %dma_wait3A_142] : memref<148x128xi32, #tpu.memory_space<vmem>> -> memref<1x128xi32, #tpu.memory_space<vmem>>
        %dma_wait3A_144 = tpu.memref_squeeze %dma_wait3A_143 : memref<1x128xi32, #tpu.memory_space<vmem>> -> memref<128xi32, #tpu.memory_space<vmem>>
        %dma_wait3A_145 = arith.constant 0 : i32
        %dma_wait3A_146 = arith.constant 0 : i32
        %dma_wait3A_147 = tpu.memref_slice %arg13[%dma_wait3A_145, %dma_wait3A_146] : memref<10112x64xf32, #tpu.memory_space<vmem_shared>> -> memref<10112x64xf32, #tpu.memory_space<vmem_shared>>
        tpu.wait_indirect_dma semaphore(%run_scoped3A : memref<!tpu.dma_semaphore, #tpu.memory_space<semaphore_mem>>) src(%arg9 : memref<128x64xf32, #tpu.memory_space<vmem>>) dst(%dma_wait3A_147 : memref<10112x64xf32, #tpu.memory_space<vmem_shared>>)
        tpu.yield
      }) : () -> ()
      %add3A_85 = arith.constant 4 : i32
      %add3A_86 = arith.addi %add3A_79, %add3A_85 : i32
      %lt3A = arith.cmpi slt, %add3A_86, %select_n3A : i32
      %convert_element_type3A = arith.extui %lt3A : i1 to i32
      %cond3A = arith.constant 0 : i32
      %cond3A_87 = arith.cmpi ne, %convert_element_type3A, %cond3A : i32
      scf.if %cond3A_87 {
        %add3A_136 = arith.constant 4 : i32
        %add3A_137 = arith.addi %add3A_79, %add3A_136 : i32
        %dma_start3A_138 = arith.constant 0 : i32
        %dma_start3A_139 = tpu.memref_slice %arg7[%add3A_137, %dma_start3A_138] : memref<148x128xi32, #tpu.memory_space<vmem>> -> memref<1x128xi32, #tpu.memory_space<vmem>>
        %dma_start3A_140 = tpu.memref_squeeze %dma_start3A_139 : memref<1x128xi32, #tpu.memory_space<vmem>> -> memref<128xi32, #tpu.memory_space<vmem>>
        %dma_start3A_141 = arith.constant 0 : i32
        %dma_start3A_142 = arith.constant 0 : i32
        %dma_start3A_143 = tpu.memref_slice %arg4[%dma_start3A_141, %dma_start3A_142] : memref<10112x64xf32, #tpu.memory_space<hbm>> -> memref<10112x64xf32, #tpu.memory_space<hbm>>
        tpu.enqueue_indirect_dma source(%dma_start3A_143 : memref<10112x64xf32, #tpu.memory_space<hbm>>) target(%arg9 : memref<128x64xf32, #tpu.memory_space<vmem>>) offsets(%dma_start3A_140 : memref<128xi32, #tpu.memory_space<vmem>>) semaphore(%arg14 : memref<!tpu.dma_semaphore, #tpu.memory_space<semaphore_mem>>)
      } else {
      }
      %mul3A_88 = arith.constant 4 : i32
      %mul3A_89 = arith.muli %while3A_75, %mul3A_88 : i32
      %add3A_90 = arith.constant 1 : i32
      %add3A_91 = arith.addi %mul3A_89, %add3A_90 : i32
      %dma_wait3A_92 = arith.constant 0 : i32
      %dma_wait3A_93 = tpu.memref_slice %arg7[%add3A_91, %dma_wait3A_92] : memref<148x128xi32, #tpu.memory_space<vmem>> -> memref<1x128xi32, #tpu.memory_space<vmem>>
      %dma_wait3A_94 = tpu.memref_squeeze %dma_wait3A_93 : memref<1x128xi32, #tpu.memory_space<vmem>> -> memref<128xi32, #tpu.memory_space<vmem>>
      %dma_wait3A_95 = arith.constant 0 : i32
      %dma_wait3A_96 = arith.constant 0 : i32
      %dma_wait3A_97 = tpu.memref_slice %arg4[%dma_wait3A_95, %dma_wait3A_96] : memref<10112x64xf32, #tpu.memory_space<hbm>> -> memref<10112x64xf32, #tpu.memory_space<hbm>>
      tpu.wait_indirect_dma semaphore(%arg15 : memref<!tpu.dma_semaphore, #tpu.memory_space<semaphore_mem>>) src(%dma_wait3A_97 : memref<10112x64xf32, #tpu.memory_space<hbm>>) dst(%arg10 : memref<128x64xf32, #tpu.memory_space<vmem>>)
      "tpu.region"() ({
        %run_scoped3A = tpu.sem_alloc : memref<!tpu.dma_semaphore, #tpu.memory_space<semaphore_mem>>
        %dma_start3A_136 = arith.constant 0 : i32
        %dma_start3A_137 = tpu.memref_slice %arg8[%add3A_91, %dma_start3A_136] : memref<148x128xi32, #tpu.memory_space<vmem>> -> memref<1x128xi32, #tpu.memory_space<vmem>>
        %dma_start3A_138 = tpu.memref_squeeze %dma_start3A_137 : memref<1x128xi32, #tpu.memory_space<vmem>> -> memref<128xi32, #tpu.memory_space<vmem>>
        %dma_start3A_139 = arith.constant 0 : i32
        %dma_start3A_140 = arith.constant 0 : i32
        %dma_start3A_141 = tpu.memref_slice %arg13[%dma_start3A_139, %dma_start3A_140] : memref<10112x64xf32, #tpu.memory_space<vmem_shared>> -> memref<10112x64xf32, #tpu.memory_space<vmem_shared>>
        tpu.enqueue_indirect_dma source(%arg10 : memref<128x64xf32, #tpu.memory_space<vmem>>) target(%dma_start3A_141 : memref<10112x64xf32, #tpu.memory_space<vmem_shared>>) offsets(%dma_start3A_138 : memref<128xi32, #tpu.memory_space<vmem>>) semaphore(%run_scoped3A : memref<!tpu.dma_semaphore, #tpu.memory_space<semaphore_mem>>) {add = true}
        %dma_wait3A_142 = arith.constant 0 : i32
        %dma_wait3A_143 = tpu.memref_slice %arg8[%add3A_91, %dma_wait3A_142] : memref<148x128xi32, #tpu.memory_space<vmem>> -> memref<1x128xi32, #tpu.memory_space<vmem>>
        %dma_wait3A_144 = tpu.memref_squeeze %dma_wait3A_143 : memref<1x128xi32, #tpu.memory_space<vmem>> -> memref<128xi32, #tpu.memory_space<vmem>>
        %dma_wait3A_145 = arith.constant 0 : i32
        %dma_wait3A_146 = arith.constant 0 : i32
        %dma_wait3A_147 = tpu.memref_slice %arg13[%dma_wait3A_145, %dma_wait3A_146] : memref<10112x64xf32, #tpu.memory_space<vmem_shared>> -> memref<10112x64xf32, #tpu.memory_space<vmem_shared>>
        tpu.wait_indirect_dma semaphore(%run_scoped3A : memref<!tpu.dma_semaphore, #tpu.memory_space<semaphore_mem>>) src(%arg10 : memref<128x64xf32, #tpu.memory_space<vmem>>) dst(%dma_wait3A_147 : memref<10112x64xf32, #tpu.memory_space<vmem_shared>>)
        tpu.yield
      }) : () -> ()
      %add3A_98 = arith.constant 4 : i32
      %add3A_99 = arith.addi %add3A_91, %add3A_98 : i32
      %lt3A_100 = arith.cmpi slt, %add3A_99, %select_n3A : i32
      %convert_element_type3A_101 = arith.extui %lt3A_100 : i1 to i32
      %cond3A_102 = arith.constant 0 : i32
      %cond3A_103 = arith.cmpi ne, %convert_element_type3A_101, %cond3A_102 : i32
      scf.if %cond3A_103 {
        %add3A_136 = arith.constant 4 : i32
        %add3A_137 = arith.addi %add3A_91, %add3A_136 : i32
        %dma_start3A_138 = arith.constant 0 : i32
        %dma_start3A_139 = tpu.memref_slice %arg7[%add3A_137, %dma_start3A_138] : memref<148x128xi32, #tpu.memory_space<vmem>> -> memref<1x128xi32, #tpu.memory_space<vmem>>
        %dma_start3A_140 = tpu.memref_squeeze %dma_start3A_139 : memref<1x128xi32, #tpu.memory_space<vmem>> -> memref<128xi32, #tpu.memory_space<vmem>>
        %dma_start3A_141 = arith.constant 0 : i32
        %dma_start3A_142 = arith.constant 0 : i32
        %dma_start3A_143 = tpu.memref_slice %arg4[%dma_start3A_141, %dma_start3A_142] : memref<10112x64xf32, #tpu.memory_space<hbm>> -> memref<10112x64xf32, #tpu.memory_space<hbm>>
        tpu.enqueue_indirect_dma source(%dma_start3A_143 : memref<10112x64xf32, #tpu.memory_space<hbm>>) target(%arg10 : memref<128x64xf32, #tpu.memory_space<vmem>>) offsets(%dma_start3A_140 : memref<128xi32, #tpu.memory_space<vmem>>) semaphore(%arg15 : memref<!tpu.dma_semaphore, #tpu.memory_space<semaphore_mem>>)
      } else {
      }
      %mul3A_104 = arith.constant 4 : i32
      %mul3A_105 = arith.muli %while3A_75, %mul3A_104 : i32
      %add3A_106 = arith.constant 2 : i32
      %add3A_107 = arith.addi %mul3A_105, %add3A_106 : i32
      %dma_wait3A_108 = arith.constant 0 : i32
      %dma_wait3A_109 = tpu.memref_slice %arg7[%add3A_107, %dma_wait3A_108] : memref<148x128xi32, #tpu.memory_space<vmem>> -> memref<1x128xi32, #tpu.memory_space<vmem>>
      %dma_wait3A_110 = tpu.memref_squeeze %dma_wait3A_109 : memref<1x128xi32, #tpu.memory_space<vmem>> -> memref<128xi32, #tpu.memory_space<vmem>>
      %dma_wait3A_111 = arith.constant 0 : i32
      %dma_wait3A_112 = arith.constant 0 : i32
      %dma_wait3A_113 = tpu.memref_slice %arg4[%dma_wait3A_111, %dma_wait3A_112] : memref<10112x64xf32, #tpu.memory_space<hbm>> -> memref<10112x64xf32, #tpu.memory_space<hbm>>
      tpu.wait_indirect_dma semaphore(%arg16 : memref<!tpu.dma_semaphore, #tpu.memory_space<semaphore_mem>>) src(%dma_wait3A_113 : memref<10112x64xf32, #tpu.memory_space<hbm>>) dst(%arg11 : memref<128x64xf32, #tpu.memory_space<vmem>>)
      "tpu.region"() ({
        %run_scoped3A = tpu.sem_alloc : memref<!tpu.dma_semaphore, #tpu.memory_space<semaphore_mem>>
        %dma_start3A_136 = arith.constant 0 : i32
        %dma_start3A_137 = tpu.memref_slice %arg8[%add3A_107, %dma_start3A_136] : memref<148x128xi32, #tpu.memory_space<vmem>> -> memref<1x128xi32, #tpu.memory_space<vmem>>
        %dma_start3A_138 = tpu.memref_squeeze %dma_start3A_137 : memref<1x128xi32, #tpu.memory_space<vmem>> -> memref<128xi32, #tpu.memory_space<vmem>>
        %dma_start3A_139 = arith.constant 0 : i32
        %dma_start3A_140 = arith.constant 0 : i32
        %dma_start3A_141 = tpu.memref_slice %arg13[%dma_start3A_139, %dma_start3A_140] : memref<10112x64xf32, #tpu.memory_space<vmem_shared>> -> memref<10112x64xf32, #tpu.memory_space<vmem_shared>>
        tpu.enqueue_indirect_dma source(%arg11 : memref<128x64xf32, #tpu.memory_space<vmem>>) target(%dma_start3A_141 : memref<10112x64xf32, #tpu.memory_space<vmem_shared>>) offsets(%dma_start3A_138 : memref<128xi32, #tpu.memory_space<vmem>>) semaphore(%run_scoped3A : memref<!tpu.dma_semaphore, #tpu.memory_space<semaphore_mem>>) {add = true}
        %dma_wait3A_142 = arith.constant 0 : i32
        %dma_wait3A_143 = tpu.memref_slice %arg8[%add3A_107, %dma_wait3A_142] : memref<148x128xi32, #tpu.memory_space<vmem>> -> memref<1x128xi32, #tpu.memory_space<vmem>>
        %dma_wait3A_144 = tpu.memref_squeeze %dma_wait3A_143 : memref<1x128xi32, #tpu.memory_space<vmem>> -> memref<128xi32, #tpu.memory_space<vmem>>
        %dma_wait3A_145 = arith.constant 0 : i32
        %dma_wait3A_146 = arith.constant 0 : i32
        %dma_wait3A_147 = tpu.memref_slice %arg13[%dma_wait3A_145, %dma_wait3A_146] : memref<10112x64xf32, #tpu.memory_space<vmem_shared>> -> memref<10112x64xf32, #tpu.memory_space<vmem_shared>>
        tpu.wait_indirect_dma semaphore(%run_scoped3A : memref<!tpu.dma_semaphore, #tpu.memory_space<semaphore_mem>>) src(%arg11 : memref<128x64xf32, #tpu.memory_space<vmem>>) dst(%dma_wait3A_147 : memref<10112x64xf32, #tpu.memory_space<vmem_shared>>)
        tpu.yield
      }) : () -> ()
      %add3A_114 = arith.constant 4 : i32
      %add3A_115 = arith.addi %add3A_107, %add3A_114 : i32
      %lt3A_116 = arith.cmpi slt, %add3A_115, %select_n3A : i32
      %convert_element_type3A_117 = arith.extui %lt3A_116 : i1 to i32
      %cond3A_118 = arith.constant 0 : i32
      %cond3A_119 = arith.cmpi ne, %convert_element_type3A_117, %cond3A_118 : i32
      scf.if %cond3A_119 {
        %add3A_136 = arith.constant 4 : i32
        %add3A_137 = arith.addi %add3A_107, %add3A_136 : i32
        %dma_start3A_138 = arith.constant 0 : i32
        %dma_start3A_139 = tpu.memref_slice %arg7[%add3A_137, %dma_start3A_138] : memref<148x128xi32, #tpu.memory_space<vmem>> -> memref<1x128xi32, #tpu.memory_space<vmem>>
        %dma_start3A_140 = tpu.memref_squeeze %dma_start3A_139 : memref<1x128xi32, #tpu.memory_space<vmem>> -> memref<128xi32, #tpu.memory_space<vmem>>
        %dma_start3A_141 = arith.constant 0 : i32
        %dma_start3A_142 = arith.constant 0 : i32
        %dma_start3A_143 = tpu.memref_slice %arg4[%dma_start3A_141, %dma_start3A_142] : memref<10112x64xf32, #tpu.memory_space<hbm>> -> memref<10112x64xf32, #tpu.memory_space<hbm>>
        tpu.enqueue_indirect_dma source(%dma_start3A_143 : memref<10112x64xf32, #tpu.memory_space<hbm>>) target(%arg11 : memref<128x64xf32, #tpu.memory_space<vmem>>) offsets(%dma_start3A_140 : memref<128xi32, #tpu.memory_space<vmem>>) semaphore(%arg16 : memref<!tpu.dma_semaphore, #tpu.memory_space<semaphore_mem>>)
      } else {
      }
      %mul3A_120 = arith.constant 4 : i32
      %mul3A_121 = arith.muli %while3A_75, %mul3A_120 : i32
      %add3A_122 = arith.constant 3 : i32
      %add3A_123 = arith.addi %mul3A_121, %add3A_122 : i32
      %dma_wait3A_124 = arith.constant 0 : i32
      %dma_wait3A_125 = tpu.memref_slice %arg7[%add3A_123, %dma_wait3A_124] : memref<148x128xi32, #tpu.memory_space<vmem>> -> memref<1x128xi32, #tpu.memory_space<vmem>>
      %dma_wait3A_126 = tpu.memref_squeeze %dma_wait3A_125 : memref<1x128xi32, #tpu.memory_space<vmem>> -> memref<128xi32, #tpu.memory_space<vmem>>
      %dma_wait3A_127 = arith.constant 0 : i32
      %dma_wait3A_128 = arith.constant 0 : i32
      %dma_wait3A_129 = tpu.memref_slice %arg4[%dma_wait3A_127, %dma_wait3A_128] : memref<10112x64xf32, #tpu.memory_space<hbm>> -> memref<10112x64xf32, #tpu.memory_space<hbm>>
      tpu.wait_indirect_dma semaphore(%arg17 : memref<!tpu.dma_semaphore, #tpu.memory_space<semaphore_mem>>) src(%dma_wait3A_129 : memref<10112x64xf32, #tpu.memory_space<hbm>>) dst(%arg12 : memref<128x64xf32, #tpu.memory_space<vmem>>)
      "tpu.region"() ({
        %run_scoped3A = tpu.sem_alloc : memref<!tpu.dma_semaphore, #tpu.memory_space<semaphore_mem>>
        %dma_start3A_136 = arith.constant 0 : i32
        %dma_start3A_137 = tpu.memref_slice %arg8[%add3A_123, %dma_start3A_136] : memref<148x128xi32, #tpu.memory_space<vmem>> -> memref<1x128xi32, #tpu.memory_space<vmem>>
        %dma_start3A_138 = tpu.memref_squeeze %dma_start3A_137 : memref<1x128xi32, #tpu.memory_space<vmem>> -> memref<128xi32, #tpu.memory_space<vmem>>
        %dma_start3A_139 = arith.constant 0 : i32
        %dma_start3A_140 = arith.constant 0 : i32
        %dma_start3A_141 = tpu.memref_slice %arg13[%dma_start3A_139, %dma_start3A_140] : memref<10112x64xf32, #tpu.memory_space<vmem_shared>> -> memref<10112x64xf32, #tpu.memory_space<vmem_shared>>
        tpu.enqueue_indirect_dma source(%arg12 : memref<128x64xf32, #tpu.memory_space<vmem>>) target(%dma_start3A_141 : memref<10112x64xf32, #tpu.memory_space<vmem_shared>>) offsets(%dma_start3A_138 : memref<128xi32, #tpu.memory_space<vmem>>) semaphore(%run_scoped3A : memref<!tpu.dma_semaphore, #tpu.memory_space<semaphore_mem>>) {add = true}
        %dma_wait3A_142 = arith.constant 0 : i32
        %dma_wait3A_143 = tpu.memref_slice %arg8[%add3A_123, %dma_wait3A_142] : memref<148x128xi32, #tpu.memory_space<vmem>> -> memref<1x128xi32, #tpu.memory_space<vmem>>
        %dma_wait3A_144 = tpu.memref_squeeze %dma_wait3A_143 : memref<1x128xi32, #tpu.memory_space<vmem>> -> memref<128xi32, #tpu.memory_space<vmem>>
        %dma_wait3A_145 = arith.constant 0 : i32
        %dma_wait3A_146 = arith.constant 0 : i32
        %dma_wait3A_147 = tpu.memref_slice %arg13[%dma_wait3A_145, %dma_wait3A_146] : memref<10112x64xf32, #tpu.memory_space<vmem_shared>> -> memref<10112x64xf32, #tpu.memory_space<vmem_shared>>
        tpu.wait_indirect_dma semaphore(%run_scoped3A : memref<!tpu.dma_semaphore, #tpu.memory_space<semaphore_mem>>) src(%arg12 : memref<128x64xf32, #tpu.memory_space<vmem>>) dst(%dma_wait3A_147 : memref<10112x64xf32, #tpu.memory_space<vmem_shared>>)
        tpu.yield
      }) : () -> ()
      %add3A_130 = arith.constant 4 : i32
      %add3A_131 = arith.addi %add3A_123, %add3A_130 : i32
      %lt3A_132 = arith.cmpi slt, %add3A_131, %select_n3A : i32
      %convert_element_type3A_133 = arith.extui %lt3A_132 : i1 to i32
      %cond3A_134 = arith.constant 0 : i32
      %cond3A_135 = arith.cmpi ne, %convert_element_type3A_133, %cond3A_134 : i32
      scf.if %cond3A_135 {
        %add3A_136 = arith.constant 4 : i32
        %add3A_137 = arith.addi %add3A_123, %add3A_136 : i32
        %dma_start3A_138 = arith.constant 0 : i32
        %dma_start3A_139 = tpu.memref_slice %arg7[%add3A_137, %dma_start3A_138] : memref<148x128xi32, #tpu.memory_space<vmem>> -> memref<1x128xi32, #tpu.memory_space<vmem>>
        %dma_start3A_140 = tpu.memref_squeeze %dma_start3A_139 : memref<1x128xi32, #tpu.memory_space<vmem>> -> memref<128xi32, #tpu.memory_space<vmem>>
        %dma_start3A_141 = arith.constant 0 : i32
        %dma_start3A_142 = arith.constant 0 : i32
        %dma_start3A_143 = tpu.memref_slice %arg4[%dma_start3A_141, %dma_start3A_142] : memref<10112x64xf32, #tpu.memory_space<hbm>> -> memref<10112x64xf32, #tpu.memory_space<hbm>>
        tpu.enqueue_indirect_dma source(%dma_start3A_143 : memref<10112x64xf32, #tpu.memory_space<hbm>>) target(%arg12 : memref<128x64xf32, #tpu.memory_space<vmem>>) offsets(%dma_start3A_140 : memref<128xi32, #tpu.memory_space<vmem>>) semaphore(%arg17 : memref<!tpu.dma_semaphore, #tpu.memory_space<semaphore_mem>>)
      } else {
      }
    }
    %while3A_69 = arith.constant 1 : i32
    scf.for %while3A_75 = %while3A_67 to %while3A_63 step %while3A_69  : i32 {
      %mul3A_76 = arith.constant 4 : i32
      %mul3A_77 = arith.muli %while3A_75, %mul3A_76 : i32
      %add3A_78 = arith.constant 0 : i32
      %add3A_79 = arith.addi %mul3A_77, %add3A_78 : i32
      %dma_wait3A = arith.constant 0 : i32
      %dma_wait3A_80 = tpu.memref_slice %arg7[%add3A_79, %dma_wait3A] : memref<148x128xi32, #tpu.memory_space<vmem>> -> memref<1x128xi32, #tpu.memory_space<vmem>>
      %dma_wait3A_81 = tpu.memref_squeeze %dma_wait3A_80 : memref<1x128xi32, #tpu.memory_space<vmem>> -> memref<128xi32, #tpu.memory_space<vmem>>
      %dma_wait3A_82 = arith.constant 0 : i32
      %dma_wait3A_83 = arith.constant 0 : i32
      %dma_wait3A_84 = tpu.memref_slice %arg4[%dma_wait3A_82, %dma_wait3A_83] : memref<10112x64xf32, #tpu.memory_space<hbm>> -> memref<10112x64xf32, #tpu.memory_space<hbm>>
      tpu.wait_indirect_dma semaphore(%arg14 : memref<!tpu.dma_semaphore, #tpu.memory_space<semaphore_mem>>) src(%dma_wait3A_84 : memref<10112x64xf32, #tpu.memory_space<hbm>>) dst(%arg9 : memref<128x64xf32, #tpu.memory_space<vmem>>)
      "tpu.region"() ({
        %run_scoped3A = tpu.sem_alloc : memref<!tpu.dma_semaphore, #tpu.memory_space<semaphore_mem>>
        %dma_start3A_136 = arith.constant 0 : i32
        %dma_start3A_137 = tpu.memref_slice %arg8[%add3A_79, %dma_start3A_136] : memref<148x128xi32, #tpu.memory_space<vmem>> -> memref<1x128xi32, #tpu.memory_space<vmem>>
        %dma_start3A_138 = tpu.memref_squeeze %dma_start3A_137 : memref<1x128xi32, #tpu.memory_space<vmem>> -> memref<128xi32, #tpu.memory_space<vmem>>
        %dma_start3A_139 = arith.constant 0 : i32
        %dma_start3A_140 = arith.constant 0 : i32
        %dma_start3A_141 = tpu.memref_slice %arg13[%dma_start3A_139, %dma_start3A_140] : memref<10112x64xf32, #tpu.memory_space<vmem_shared>> -> memref<10112x64xf32, #tpu.memory_space<vmem_shared>>
        tpu.enqueue_indirect_dma source(%arg9 : memref<128x64xf32, #tpu.memory_space<vmem>>) target(%dma_start3A_141 : memref<10112x64xf32, #tpu.memory_space<vmem_shared>>) offsets(%dma_start3A_138 : memref<128xi32, #tpu.memory_space<vmem>>) semaphore(%run_scoped3A : memref<!tpu.dma_semaphore, #tpu.memory_space<semaphore_mem>>) {add = true}
        %dma_wait3A_142 = arith.constant 0 : i32
        %dma_wait3A_143 = tpu.memref_slice %arg8[%add3A_79, %dma_wait3A_142] : memref<148x128xi32, #tpu.memory_space<vmem>> -> memref<1x128xi32, #tpu.memory_space<vmem>>
        %dma_wait3A_144 = tpu.memref_squeeze %dma_wait3A_143 : memref<1x128xi32, #tpu.memory_space<vmem>> -> memref<128xi32, #tpu.memory_space<vmem>>
        %dma_wait3A_145 = arith.constant 0 : i32
        %dma_wait3A_146 = arith.constant 0 : i32
        %dma_wait3A_147 = tpu.memref_slice %arg13[%dma_wait3A_145, %dma_wait3A_146] : memref<10112x64xf32, #tpu.memory_space<vmem_shared>> -> memref<10112x64xf32, #tpu.memory_space<vmem_shared>>
        tpu.wait_indirect_dma semaphore(%run_scoped3A : memref<!tpu.dma_semaphore, #tpu.memory_space<semaphore_mem>>) src(%arg9 : memref<128x64xf32, #tpu.memory_space<vmem>>) dst(%dma_wait3A_147 : memref<10112x64xf32, #tpu.memory_space<vmem_shared>>)
        tpu.yield
      }) : () -> ()
      %add3A_85 = arith.constant 4 : i32
      %add3A_86 = arith.addi %add3A_79, %add3A_85 : i32
      %lt3A = arith.cmpi slt, %add3A_86, %select_n3A : i32
      %convert_element_type3A = arith.extui %lt3A : i1 to i32
      %cond3A = arith.constant 0 : i32
      %cond3A_87 = arith.cmpi ne, %convert_element_type3A, %cond3A : i32
      scf.if %cond3A_87 {
        %add3A_136 = arith.constant 4 : i32
        %add3A_137 = arith.addi %add3A_79, %add3A_136 : i32
        %dma_start3A_138 = arith.constant 0 : i32
        %dma_start3A_139 = tpu.memref_slice %arg7[%add3A_137, %dma_start3A_138] : memref<148x128xi32, #tpu.memory_space<vmem>> -> memref<1x128xi32, #tpu.memory_space<vmem>>
        %dma_start3A_140 = tpu.memref_squeeze %dma_start3A_139 : memref<1x128xi32, #tpu.memory_space<vmem>> -> memref<128xi32, #tpu.memory_space<vmem>>
        %dma_start3A_141 = arith.constant 0 : i32
        %dma_start3A_142 = arith.constant 0 : i32
        %dma_start3A_143 = tpu.memref_slice %arg4[%dma_start3A_141, %dma_start3A_142] : memref<10112x64xf32, #tpu.memory_space<hbm>> -> memref<10112x64xf32, #tpu.memory_space<hbm>>
        tpu.enqueue_indirect_dma source(%dma_start3A_143 : memref<10112x64xf32, #tpu.memory_space<hbm>>) target(%arg9 : memref<128x64xf32, #tpu.memory_space<vmem>>) offsets(%dma_start3A_140 : memref<128xi32, #tpu.memory_space<vmem>>) semaphore(%arg14 : memref<!tpu.dma_semaphore, #tpu.memory_space<semaphore_mem>>)
      } else {
      }
      %mul3A_88 = arith.constant 4 : i32
      %mul3A_89 = arith.muli %while3A_75, %mul3A_88 : i32
      %add3A_90 = arith.constant 1 : i32
      %add3A_91 = arith.addi %mul3A_89, %add3A_90 : i32
      %dma_wait3A_92 = arith.constant 0 : i32
      %dma_wait3A_93 = tpu.memref_slice %arg7[%add3A_91, %dma_wait3A_92] : memref<148x128xi32, #tpu.memory_space<vmem>> -> memref<1x128xi32, #tpu.memory_space<vmem>>
      %dma_wait3A_94 = tpu.memref_squeeze %dma_wait3A_93 : memref<1x128xi32, #tpu.memory_space<vmem>> -> memref<128xi32, #tpu.memory_space<vmem>>
      %dma_wait3A_95 = arith.constant 0 : i32
      %dma_wait3A_96 = arith.constant 0 : i32
      %dma_wait3A_97 = tpu.memref_slice %arg4[%dma_wait3A_95, %dma_wait3A_96] : memref<10112x64xf32, #tpu.memory_space<hbm>> -> memref<10112x64xf32, #tpu.memory_space<hbm>>
      tpu.wait_indirect_dma semaphore(%arg15 : memref<!tpu.dma_semaphore, #tpu.memory_space<semaphore_mem>>) src(%dma_wait3A_97 : memref<10112x64xf32, #tpu.memory_space<hbm>>) dst(%arg10 : memref<128x64xf32, #tpu.memory_space<vmem>>)
      "tpu.region"() ({
        %run_scoped3A = tpu.sem_alloc : memref<!tpu.dma_semaphore, #tpu.memory_space<semaphore_mem>>
        %dma_start3A_136 = arith.constant 0 : i32
        %dma_start3A_137 = tpu.memref_slice %arg8[%add3A_91, %dma_start3A_136] : memref<148x128xi32, #tpu.memory_space<vmem>> -> memref<1x128xi32, #tpu.memory_space<vmem>>
        %dma_start3A_138 = tpu.memref_squeeze %dma_start3A_137 : memref<1x128xi32, #tpu.memory_space<vmem>> -> memref<128xi32, #tpu.memory_space<vmem>>
        %dma_start3A_139 = arith.constant 0 : i32
        %dma_start3A_140 = arith.constant 0 : i32
        %dma_start3A_141 = tpu.memref_slice %arg13[%dma_start3A_139, %dma_start3A_140] : memref<10112x64xf32, #tpu.memory_space<vmem_shared>> -> memref<10112x64xf32, #tpu.memory_space<vmem_shared>>
        tpu.enqueue_indirect_dma source(%arg10 : memref<128x64xf32, #tpu.memory_space<vmem>>) target(%dma_start3A_141 : memref<10112x64xf32, #tpu.memory_space<vmem_shared>>) offsets(%dma_start3A_138 : memref<128xi32, #tpu.memory_space<vmem>>) semaphore(%run_scoped3A : memref<!tpu.dma_semaphore, #tpu.memory_space<semaphore_mem>>) {add = true}
        %dma_wait3A_142 = arith.constant 0 : i32
        %dma_wait3A_143 = tpu.memref_slice %arg8[%add3A_91, %dma_wait3A_142] : memref<148x128xi32, #tpu.memory_space<vmem>> -> memref<1x128xi32, #tpu.memory_space<vmem>>
        %dma_wait3A_144 = tpu.memref_squeeze %dma_wait3A_143 : memref<1x128xi32, #tpu.memory_space<vmem>> -> memref<128xi32, #tpu.memory_space<vmem>>
        %dma_wait3A_145 = arith.constant 0 : i32
        %dma_wait3A_146 = arith.constant 0 : i32
        %dma_wait3A_147 = tpu.memref_slice %arg13[%dma_wait3A_145, %dma_wait3A_146] : memref<10112x64xf32, #tpu.memory_space<vmem_shared>> -> memref<10112x64xf32, #tpu.memory_space<vmem_shared>>
        tpu.wait_indirect_dma semaphore(%run_scoped3A : memref<!tpu.dma_semaphore, #tpu.memory_space<semaphore_mem>>) src(%arg10 : memref<128x64xf32, #tpu.memory_space<vmem>>) dst(%dma_wait3A_147 : memref<10112x64xf32, #tpu.memory_space<vmem_shared>>)
        tpu.yield
      }) : () -> ()
      %add3A_98 = arith.constant 4 : i32
      %add3A_99 = arith.addi %add3A_91, %add3A_98 : i32
      %lt3A_100 = arith.cmpi slt, %add3A_99, %select_n3A : i32
      %convert_element_type3A_101 = arith.extui %lt3A_100 : i1 to i32
      %cond3A_102 = arith.constant 0 : i32
      %cond3A_103 = arith.cmpi ne, %convert_element_type3A_101, %cond3A_102 : i32
      scf.if %cond3A_103 {
        %add3A_136 = arith.constant 4 : i32
        %add3A_137 = arith.addi %add3A_91, %add3A_136 : i32
        %dma_start3A_138 = arith.constant 0 : i32
        %dma_start3A_139 = tpu.memref_slice %arg7[%add3A_137, %dma_start3A_138] : memref<148x128xi32, #tpu.memory_space<vmem>> -> memref<1x128xi32, #tpu.memory_space<vmem>>
        %dma_start3A_140 = tpu.memref_squeeze %dma_start3A_139 : memref<1x128xi32, #tpu.memory_space<vmem>> -> memref<128xi32, #tpu.memory_space<vmem>>
        %dma_start3A_141 = arith.constant 0 : i32
        %dma_start3A_142 = arith.constant 0 : i32
        %dma_start3A_143 = tpu.memref_slice %arg4[%dma_start3A_141, %dma_start3A_142] : memref<10112x64xf32, #tpu.memory_space<hbm>> -> memref<10112x64xf32, #tpu.memory_space<hbm>>
        tpu.enqueue_indirect_dma source(%dma_start3A_143 : memref<10112x64xf32, #tpu.memory_space<hbm>>) target(%arg10 : memref<128x64xf32, #tpu.memory_space<vmem>>) offsets(%dma_start3A_140 : memref<128xi32, #tpu.memory_space<vmem>>) semaphore(%arg15 : memref<!tpu.dma_semaphore, #tpu.memory_space<semaphore_mem>>)
      } else {
      }
      %mul3A_104 = arith.constant 4 : i32
      %mul3A_105 = arith.muli %while3A_75, %mul3A_104 : i32
      %add3A_106 = arith.constant 2 : i32
      %add3A_107 = arith.addi %mul3A_105, %add3A_106 : i32
      %dma_wait3A_108 = arith.constant 0 : i32
      %dma_wait3A_109 = tpu.memref_slice %arg7[%add3A_107, %dma_wait3A_108] : memref<148x128xi32, #tpu.memory_space<vmem>> -> memref<1x128xi32, #tpu.memory_space<vmem>>
      %dma_wait3A_110 = tpu.memref_squeeze %dma_wait3A_109 : memref<1x128xi32, #tpu.memory_space<vmem>> -> memref<128xi32, #tpu.memory_space<vmem>>
      %dma_wait3A_111 = arith.constant 0 : i32
      %dma_wait3A_112 = arith.constant 0 : i32
      %dma_wait3A_113 = tpu.memref_slice %arg4[%dma_wait3A_111, %dma_wait3A_112] : memref<10112x64xf32, #tpu.memory_space<hbm>> -> memref<10112x64xf32, #tpu.memory_space<hbm>>
      tpu.wait_indirect_dma semaphore(%arg16 : memref<!tpu.dma_semaphore, #tpu.memory_space<semaphore_mem>>) src(%dma_wait3A_113 : memref<10112x64xf32, #tpu.memory_space<hbm>>) dst(%arg11 : memref<128x64xf32, #tpu.memory_space<vmem>>)
      "tpu.region"() ({
        %run_scoped3A = tpu.sem_alloc : memref<!tpu.dma_semaphore, #tpu.memory_space<semaphore_mem>>
        %dma_start3A_136 = arith.constant 0 : i32
        %dma_start3A_137 = tpu.memref_slice %arg8[%add3A_107, %dma_start3A_136] : memref<148x128xi32, #tpu.memory_space<vmem>> -> memref<1x128xi32, #tpu.memory_space<vmem>>
        %dma_start3A_138 = tpu.memref_squeeze %dma_start3A_137 : memref<1x128xi32, #tpu.memory_space<vmem>> -> memref<128xi32, #tpu.memory_space<vmem>>
        %dma_start3A_139 = arith.constant 0 : i32
        %dma_start3A_140 = arith.constant 0 : i32
        %dma_start3A_141 = tpu.memref_slice %arg13[%dma_start3A_139, %dma_start3A_140] : memref<10112x64xf32, #tpu.memory_space<vmem_shared>> -> memref<10112x64xf32, #tpu.memory_space<vmem_shared>>
        tpu.enqueue_indirect_dma source(%arg11 : memref<128x64xf32, #tpu.memory_space<vmem>>) target(%dma_start3A_141 : memref<10112x64xf32, #tpu.memory_space<vmem_shared>>) offsets(%dma_start3A_138 : memref<128xi32, #tpu.memory_space<vmem>>) semaphore(%run_scoped3A : memref<!tpu.dma_semaphore, #tpu.memory_space<semaphore_mem>>) {add = true}
        %dma_wait3A_142 = arith.constant 0 : i32
        %dma_wait3A_143 = tpu.memref_slice %arg8[%add3A_107, %dma_wait3A_142] : memref<148x128xi32, #tpu.memory_space<vmem>> -> memref<1x128xi32, #tpu.memory_space<vmem>>
        %dma_wait3A_144 = tpu.memref_squeeze %dma_wait3A_143 : memref<1x128xi32, #tpu.memory_space<vmem>> -> memref<128xi32, #tpu.memory_space<vmem>>
        %dma_wait3A_145 = arith.constant 0 : i32
        %dma_wait3A_146 = arith.constant 0 : i32
        %dma_wait3A_147 = tpu.memref_slice %arg13[%dma_wait3A_145, %dma_wait3A_146] : memref<10112x64xf32, #tpu.memory_space<vmem_shared>> -> memref<10112x64xf32, #tpu.memory_space<vmem_shared>>
        tpu.wait_indirect_dma semaphore(%run_scoped3A : memref<!tpu.dma_semaphore, #tpu.memory_space<semaphore_mem>>) src(%arg11 : memref<128x64xf32, #tpu.memory_space<vmem>>) dst(%dma_wait3A_147 : memref<10112x64xf32, #tpu.memory_space<vmem_shared>>)
        tpu.yield
      }) : () -> ()
      %add3A_114 = arith.constant 4 : i32
      %add3A_115 = arith.addi %add3A_107, %add3A_114 : i32
      %lt3A_116 = arith.cmpi slt, %add3A_115, %select_n3A : i32
      %convert_element_type3A_117 = arith.extui %lt3A_116 : i1 to i32
      %cond3A_118 = arith.constant 0 : i32
      %cond3A_119 = arith.cmpi ne, %convert_element_type3A_117, %cond3A_118 : i32
      scf.if %cond3A_119 {
        %add3A_136 = arith.constant 4 : i32
        %add3A_137 = arith.addi %add3A_107, %add3A_136 : i32
        %dma_start3A_138 = arith.constant 0 : i32
        %dma_start3A_139 = tpu.memref_slice %arg7[%add3A_137, %dma_start3A_138] : memref<148x128xi32, #tpu.memory_space<vmem>> -> memref<1x128xi32, #tpu.memory_space<vmem>>
        %dma_start3A_140 = tpu.memref_squeeze %dma_start3A_139 : memref<1x128xi32, #tpu.memory_space<vmem>> -> memref<128xi32, #tpu.memory_space<vmem>>
        %dma_start3A_141 = arith.constant 0 : i32
        %dma_start3A_142 = arith.constant 0 : i32
        %dma_start3A_143 = tpu.memref_slice %arg4[%dma_start3A_141, %dma_start3A_142] : memref<10112x64xf32, #tpu.memory_space<hbm>> -> memref<10112x64xf32, #tpu.memory_space<hbm>>
        tpu.enqueue_indirect_dma source(%dma_start3A_143 : memref<10112x64xf32, #tpu.memory_space<hbm>>) target(%arg11 : memref<128x64xf32, #tpu.memory_space<vmem>>) offsets(%dma_start3A_140 : memref<128xi32, #tpu.memory_space<vmem>>) semaphore(%arg16 : memref<!tpu.dma_semaphore, #tpu.memory_space<semaphore_mem>>)
      } else {
      }
      %mul3A_120 = arith.constant 4 : i32
      %mul3A_121 = arith.muli %while3A_75, %mul3A_120 : i32
      %add3A_122 = arith.constant 3 : i32
      %add3A_123 = arith.addi %mul3A_121, %add3A_122 : i32
      %dma_wait3A_124 = arith.constant 0 : i32
      %dma_wait3A_125 = tpu.memref_slice %arg7[%add3A_123, %dma_wait3A_124] : memref<148x128xi32, #tpu.memory_space<vmem>> -> memref<1x128xi32, #tpu.memory_space<vmem>>
      %dma_wait3A_126 = tpu.memref_squeeze %dma_wait3A_125 : memref<1x128xi32, #tpu.memory_space<vmem>> -> memref<128xi32, #tpu.memory_space<vmem>>
      %dma_wait3A_127 = arith.constant 0 : i32
      %dma_wait3A_128 = arith.constant 0 : i32
      %dma_wait3A_129 = tpu.memref_slice %arg4[%dma_wait3A_127, %dma_wait3A_128] : memref<10112x64xf32, #tpu.memory_space<hbm>> -> memref<10112x64xf32, #tpu.memory_space<hbm>>
      tpu.wait_indirect_dma semaphore(%arg17 : memref<!tpu.dma_semaphore, #tpu.memory_space<semaphore_mem>>) src(%dma_wait3A_129 : memref<10112x64xf32, #tpu.memory_space<hbm>>) dst(%arg12 : memref<128x64xf32, #tpu.memory_space<vmem>>)
      "tpu.region"() ({
        %run_scoped3A = tpu.sem_alloc : memref<!tpu.dma_semaphore, #tpu.memory_space<semaphore_mem>>
        %dma_start3A_136 = arith.constant 0 : i32
        %dma_start3A_137 = tpu.memref_slice %arg8[%add3A_123, %dma_start3A_136] : memref<148x128xi32, #tpu.memory_space<vmem>> -> memref<1x128xi32, #tpu.memory_space<vmem>>
        %dma_start3A_138 = tpu.memref_squeeze %dma_start3A_137 : memref<1x128xi32, #tpu.memory_space<vmem>> -> memref<128xi32, #tpu.memory_space<vmem>>
        %dma_start3A_139 = arith.constant 0 : i32
        %dma_start3A_140 = arith.constant 0 : i32
        %dma_start3A_141 = tpu.memref_slice %arg13[%dma_start3A_139, %dma_start3A_140] : memref<10112x64xf32, #tpu.memory_space<vmem_shared>> -> memref<10112x64xf32, #tpu.memory_space<vmem_shared>>
        tpu.enqueue_indirect_dma source(%arg12 : memref<128x64xf32, #tpu.memory_space<vmem>>) target(%dma_start3A_141 : memref<10112x64xf32, #tpu.memory_space<vmem_shared>>) offsets(%dma_start3A_138 : memref<128xi32, #tpu.memory_space<vmem>>) semaphore(%run_scoped3A : memref<!tpu.dma_semaphore, #tpu.memory_space<semaphore_mem>>) {add = true}
        %dma_wait3A_142 = arith.constant 0 : i32
        %dma_wait3A_143 = tpu.memref_slice %arg8[%add3A_123, %dma_wait3A_142] : memref<148x128xi32, #tpu.memory_space<vmem>> -> memref<1x128xi32, #tpu.memory_space<vmem>>
        %dma_wait3A_144 = tpu.memref_squeeze %dma_wait3A_143 : memref<1x128xi32, #tpu.memory_space<vmem>> -> memref<128xi32, #tpu.memory_space<vmem>>
        %dma_wait3A_145 = arith.constant 0 : i32
        %dma_wait3A_146 = arith.constant 0 : i32
        %dma_wait3A_147 = tpu.memref_slice %arg13[%dma_wait3A_145, %dma_wait3A_146] : memref<10112x64xf32, #tpu.memory_space<vmem_shared>> -> memref<10112x64xf32, #tpu.memory_space<vmem_shared>>
        tpu.wait_indirect_dma semaphore(%run_scoped3A : memref<!tpu.dma_semaphore, #tpu.memory_space<semaphore_mem>>) src(%arg12 : memref<128x64xf32, #tpu.memory_space<vmem>>) dst(%dma_wait3A_147 : memref<10112x64xf32, #tpu.memory_space<vmem_shared>>)
        tpu.yield
      }) : () -> ()
      %add3A_130 = arith.constant 4 : i32
      %add3A_131 = arith.addi %add3A_123, %add3A_130 : i32
      %lt3A_132 = arith.cmpi slt, %add3A_131, %select_n3A : i32
      %convert_element_type3A_133 = arith.extui %lt3A_132 : i1 to i32
      %cond3A_134 = arith.constant 0 : i32
      %cond3A_135 = arith.cmpi ne, %convert_element_type3A_133, %cond3A_134 : i32
      scf.if %cond3A_135 {
        %add3A_136 = arith.constant 4 : i32
        %add3A_137 = arith.addi %add3A_123, %add3A_136 : i32
        %dma_start3A_138 = arith.constant 0 : i32
        %dma_start3A_139 = tpu.memref_slice %arg7[%add3A_137, %dma_start3A_138] : memref<148x128xi32, #tpu.memory_space<vmem>> -> memref<1x128xi32, #tpu.memory_space<vmem>>
        %dma_start3A_140 = tpu.memref_squeeze %dma_start3A_139 : memref<1x128xi32, #tpu.memory_space<vmem>> -> memref<128xi32, #tpu.memory_space<vmem>>
        %dma_start3A_141 = arith.constant 0 : i32
        %dma_start3A_142 = arith.constant 0 : i32
        %dma_start3A_143 = tpu.memref_slice %arg4[%dma_start3A_141, %dma_start3A_142] : memref<10112x64xf32, #tpu.memory_space<hbm>> -> memref<10112x64xf32, #tpu.memory_space<hbm>>
        tpu.enqueue_indirect_dma source(%dma_start3A_143 : memref<10112x64xf32, #tpu.memory_space<hbm>>) target(%arg12 : memref<128x64xf32, #tpu.memory_space<vmem>>) offsets(%dma_start3A_140 : memref<128xi32, #tpu.memory_space<vmem>>) semaphore(%arg17 : memref<!tpu.dma_semaphore, #tpu.memory_space<semaphore_mem>>)
      } else {
      }
    }
    %barrier3A_70 = arith.constant 0 : index
    tpu.barrier barrier_id(%barrier3A_70)
    %mul3A_71 = arith.constant 632 : i32
    %mul3A_72 = arith.muli %arg1, %mul3A_71 : i32
    %mul3A_73 = arith.constant 632 : i32
    %mul3A_74 = arith.muli %arg1, %mul3A_73 : i32
    "tpu.region"() ({
      %run_scoped3A = tpu.sem_alloc : memref<!tpu.dma_semaphore, #tpu.memory_space<semaphore_mem>>
      %dma_start3A_75 = arith.constant 0 : i32
      %dma_start3A_76 = tpu.memref_slice %arg6[%arg0, %mul3A_74, %dma_start3A_75] : memref<2x10112x64xf32, #tpu.memory_space<hbm>> -> memref<1x632x64xf32, #tpu.memory_space<hbm>>
      %dma_start3A_77 = tpu.memref_squeeze %dma_start3A_76 : memref<1x632x64xf32, #tpu.memory_space<hbm>> -> memref<632x64xf32, #tpu.memory_space<hbm>>
      %dma_start3A_78 = arith.constant 0 : i32
      %dma_start3A_79 = tpu.memref_slice %arg13[%mul3A_72, %dma_start3A_78] : memref<10112x64xf32, #tpu.memory_space<vmem_shared>> -> memref<632x64xf32, #tpu.memory_space<vmem_shared>>
      tpu.enqueue_dma source(%dma_start3A_79 : memref<632x64xf32, #tpu.memory_space<vmem_shared>>) target(%dma_start3A_77 : memref<632x64xf32, #tpu.memory_space<hbm>>) target_semaphore(%run_scoped3A : memref<!tpu.dma_semaphore, #tpu.memory_space<semaphore_mem>>)
      %dma_wait3A = arith.constant 0 : i32
      %dma_wait3A_80 = tpu.memref_slice %arg6[%arg0, %mul3A_74, %dma_wait3A] : memref<2x10112x64xf32, #tpu.memory_space<hbm>> -> memref<1x632x64xf32, #tpu.memory_space<hbm>>
      %dma_wait3A_81 = tpu.memref_squeeze %dma_wait3A_80 : memref<1x632x64xf32, #tpu.memory_space<hbm>> -> memref<632x64xf32, #tpu.memory_space<hbm>>
      %dma_wait3A_82 = arith.constant 0 : i32
      %dma_wait3A_83 = tpu.memref_slice %arg13[%mul3A_72, %dma_wait3A_82] : memref<10112x64xf32, #tpu.memory_space<vmem_shared>> -> memref<632x64xf32, #tpu.memory_space<vmem_shared>>
      tpu.wait_dma2 semaphore(%run_scoped3A : memref<!tpu.dma_semaphore, #tpu.memory_space<semaphore_mem>>) src(%dma_wait3A_83 : memref<632x64xf32, #tpu.memory_space<vmem_shared>>) dst(%dma_wait3A_81 : memref<632x64xf32, #tpu.memory_space<hbm>>)
      tpu.yield
    }) : () -> ()
    return
  }
}

#map = affine_map<(d0, d1) -> (0, 0)>
module attributes {stable_mosaic.version = 14 : i64} {
  func.func @_link_body(%arg0: i32, %arg1: i32, %arg2: memref<1600x128xi32, #tpu.memory_space<hbm>>, %arg3: memref<1600x128xi32, #tpu.memory_space<hbm>>, %arg4: memref<10112x64xf32, #tpu.memory_space<hbm>>, %arg5: memref<204800x16xf32, #tpu.memory_space<hbm>>, %arg6: memref<92x128xi32, #tpu.memory_space<vmem>>, %arg7: memref<92x128xi32, #tpu.memory_space<vmem>>, %arg8: memref<128x64xf32, #tpu.memory_space<vmem>>, %arg9: memref<128x64xf32, #tpu.memory_space<vmem>>, %arg10: memref<128x64xf32, #tpu.memory_space<vmem>>, %arg11: memref<128x64xf32, #tpu.memory_space<vmem>>, %arg12: memref<128x16xf32, #tpu.memory_space<vmem>>, %arg13: memref<!tpu.dma_semaphore, #tpu.memory_space<semaphore_mem>>, %arg14: memref<!tpu.dma_semaphore, #tpu.memory_space<semaphore_mem>>, %arg15: memref<!tpu.dma_semaphore, #tpu.memory_space<semaphore_mem>>, %arg16: memref<!tpu.dma_semaphore, #tpu.memory_space<semaphore_mem>>) attributes {dimension_semantics = [#tpu.dimension_semantics<core_parallel>, #tpu.dimension_semantics<subcore_parallel>], iteration_bounds = array<i64: 2, 16>, scalar_prefetch = 0 : i64, scratch_operands = 11 : i64, tpu.core_type = #tpu.core_type<sc_vector_subcore>, window_params = [{transform_indices = #map}, {transform_indices = #map}, {transform_indices = #map}, {transform_indices = #map}]} {
    %mul3A = arith.constant 16 : i32
    %mul3A_0 = arith.muli %arg0, %mul3A : i32
    %add3A = arith.addi %mul3A_0, %arg1 : i32
    %eq3A = arith.constant 0 : i32
    %eq3A_1 = arith.cmpi eq, %arg0, %eq3A : i32
    %jit3A = arith.constant 92 : i32
    %jit3A_2 = arith.constant 8 : i32
    %select_n3A = arith.select %eq3A_1, %jit3A, %jit3A_2 : i32
    %eq3A_3 = arith.constant 0 : i32
    %eq3A_4 = arith.cmpi eq, %arg0, %eq3A_3 : i32
    %mul3A_5 = arith.constant 92 : i32
    %mul3A_6 = arith.muli %arg1, %mul3A_5 : i32
    %mul3A_7 = arith.constant 8 : i32
    %mul3A_8 = arith.muli %arg1, %mul3A_7 : i32
    %add3A_9 = arith.constant 1472 : i32
    %add3A_10 = arith.addi %add3A_9, %mul3A_8 : i32
    %select_n3A_11 = arith.select %eq3A_4, %mul3A_6, %add3A_10 : i32
    "tpu.region"() ({
      %run_scoped3A = tpu.sem_alloc : memref<!tpu.dma_semaphore, #tpu.memory_space<semaphore_mem>>
      %dma_start3A_66 = arith.constant 0 : i32
      %dma_start3A_67 = tpu.memref_slice %arg2[%select_n3A_11, %dma_start3A_66] : memref<1600x128xi32, #tpu.memory_space<hbm>> -> memref<92x128xi32, #tpu.memory_space<hbm>>
      %dma_start3A_68 = arith.constant 0 : i32
      %dma_start3A_69 = tpu.memref_slice %arg2[%select_n3A_11, %dma_start3A_68] : memref<1600x128xi32, #tpu.memory_space<hbm>> -> memref<92x128xi32, #tpu.memory_space<hbm>>
      tpu.enqueue_dma source(%dma_start3A_69 : memref<92x128xi32, #tpu.memory_space<hbm>>) target(%arg6 : memref<92x128xi32, #tpu.memory_space<vmem>>) target_semaphore(%run_scoped3A : memref<!tpu.dma_semaphore, #tpu.memory_space<semaphore_mem>>)
      %dma_wait3A = arith.constant 0 : i32
      %dma_wait3A_70 = tpu.memref_slice %arg2[%select_n3A_11, %dma_wait3A] : memref<1600x128xi32, #tpu.memory_space<hbm>> -> memref<92x128xi32, #tpu.memory_space<hbm>>
      %dma_wait3A_71 = arith.constant 0 : i32
      %dma_wait3A_72 = tpu.memref_slice %arg2[%select_n3A_11, %dma_wait3A_71] : memref<1600x128xi32, #tpu.memory_space<hbm>> -> memref<92x128xi32, #tpu.memory_space<hbm>>
      tpu.wait_dma2 semaphore(%run_scoped3A : memref<!tpu.dma_semaphore, #tpu.memory_space<semaphore_mem>>) src(%dma_wait3A_72 : memref<92x128xi32, #tpu.memory_space<hbm>>) dst(%arg6 : memref<92x128xi32, #tpu.memory_space<vmem>>)
      tpu.yield
    }) : () -> ()
    "tpu.region"() ({
      %run_scoped3A = tpu.sem_alloc : memref<!tpu.dma_semaphore, #tpu.memory_space<semaphore_mem>>
      %dma_start3A_66 = arith.constant 0 : i32
      %dma_start3A_67 = tpu.memref_slice %arg3[%select_n3A_11, %dma_start3A_66] : memref<1600x128xi32, #tpu.memory_space<hbm>> -> memref<92x128xi32, #tpu.memory_space<hbm>>
      %dma_start3A_68 = arith.constant 0 : i32
      %dma_start3A_69 = tpu.memref_slice %arg3[%select_n3A_11, %dma_start3A_68] : memref<1600x128xi32, #tpu.memory_space<hbm>> -> memref<92x128xi32, #tpu.memory_space<hbm>>
      tpu.enqueue_dma source(%dma_start3A_69 : memref<92x128xi32, #tpu.memory_space<hbm>>) target(%arg7 : memref<92x128xi32, #tpu.memory_space<vmem>>) target_semaphore(%run_scoped3A : memref<!tpu.dma_semaphore, #tpu.memory_space<semaphore_mem>>)
      %dma_wait3A = arith.constant 0 : i32
      %dma_wait3A_70 = tpu.memref_slice %arg3[%select_n3A_11, %dma_wait3A] : memref<1600x128xi32, #tpu.memory_space<hbm>> -> memref<92x128xi32, #tpu.memory_space<hbm>>
      %dma_wait3A_71 = arith.constant 0 : i32
      %dma_wait3A_72 = tpu.memref_slice %arg3[%select_n3A_11, %dma_wait3A_71] : memref<1600x128xi32, #tpu.memory_space<hbm>> -> memref<92x128xi32, #tpu.memory_space<hbm>>
      tpu.wait_dma2 semaphore(%run_scoped3A : memref<!tpu.dma_semaphore, #tpu.memory_space<semaphore_mem>>) src(%dma_wait3A_72 : memref<92x128xi32, #tpu.memory_space<hbm>>) dst(%arg7 : memref<92x128xi32, #tpu.memory_space<vmem>>)
      tpu.yield
    }) : () -> ()
    %dma_start3A = arith.constant 0 : i32
    %dma_start3A_12 = arith.constant 0 : i32
    %dma_start3A_13 = tpu.memref_slice %arg6[%dma_start3A, %dma_start3A_12] : memref<92x128xi32, #tpu.memory_space<vmem>> -> memref<1x128xi32, #tpu.memory_space<vmem>>
    %dma_start3A_14 = tpu.memref_squeeze %dma_start3A_13 : memref<1x128xi32, #tpu.memory_space<vmem>> -> memref<128xi32, #tpu.memory_space<vmem>>
    %dma_start3A_15 = arith.constant 0 : i32
    %dma_start3A_16 = arith.constant 0 : i32
    %dma_start3A_17 = tpu.memref_slice %arg4[%dma_start3A_15, %dma_start3A_16] : memref<10112x64xf32, #tpu.memory_space<hbm>> -> memref<10112x64xf32, #tpu.memory_space<hbm>>
    tpu.enqueue_indirect_dma source(%dma_start3A_17 : memref<10112x64xf32, #tpu.memory_space<hbm>>) target(%arg8 : memref<128x64xf32, #tpu.memory_space<vmem>>) offsets(%dma_start3A_14 : memref<128xi32, #tpu.memory_space<vmem>>) semaphore(%arg13 : memref<!tpu.dma_semaphore, #tpu.memory_space<semaphore_mem>>)
    %dma_start3A_18 = arith.constant 0 : i32
    %dma_start3A_19 = arith.constant 0 : i32
    %dma_start3A_20 = tpu.memref_slice %arg7[%dma_start3A_18, %dma_start3A_19] : memref<92x128xi32, #tpu.memory_space<vmem>> -> memref<1x128xi32, #tpu.memory_space<vmem>>
    %dma_start3A_21 = tpu.memref_squeeze %dma_start3A_20 : memref<1x128xi32, #tpu.memory_space<vmem>> -> memref<128xi32, #tpu.memory_space<vmem>>
    %dma_start3A_22 = arith.constant 0 : i32
    %dma_start3A_23 = arith.constant 0 : i32
    %dma_start3A_24 = tpu.memref_slice %arg4[%dma_start3A_22, %dma_start3A_23] : memref<10112x64xf32, #tpu.memory_space<hbm>> -> memref<10112x64xf32, #tpu.memory_space<hbm>>
    tpu.enqueue_indirect_dma source(%dma_start3A_24 : memref<10112x64xf32, #tpu.memory_space<hbm>>) target(%arg10 : memref<128x64xf32, #tpu.memory_space<vmem>>) offsets(%dma_start3A_21 : memref<128xi32, #tpu.memory_space<vmem>>) semaphore(%arg15 : memref<!tpu.dma_semaphore, #tpu.memory_space<semaphore_mem>>)
    %dma_start3A_25 = arith.constant 1 : i32
    %dma_start3A_26 = arith.constant 0 : i32
    %dma_start3A_27 = tpu.memref_slice %arg6[%dma_start3A_25, %dma_start3A_26] : memref<92x128xi32, #tpu.memory_space<vmem>> -> memref<1x128xi32, #tpu.memory_space<vmem>>
    %dma_start3A_28 = tpu.memref_squeeze %dma_start3A_27 : memref<1x128xi32, #tpu.memory_space<vmem>> -> memref<128xi32, #tpu.memory_space<vmem>>
    %dma_start3A_29 = arith.constant 0 : i32
    %dma_start3A_30 = arith.constant 0 : i32
    %dma_start3A_31 = tpu.memref_slice %arg4[%dma_start3A_29, %dma_start3A_30] : memref<10112x64xf32, #tpu.memory_space<hbm>> -> memref<10112x64xf32, #tpu.memory_space<hbm>>
    tpu.enqueue_indirect_dma source(%dma_start3A_31 : memref<10112x64xf32, #tpu.memory_space<hbm>>) target(%arg9 : memref<128x64xf32, #tpu.memory_space<vmem>>) offsets(%dma_start3A_28 : memref<128xi32, #tpu.memory_space<vmem>>) semaphore(%arg14 : memref<!tpu.dma_semaphore, #tpu.memory_space<semaphore_mem>>)
    %dma_start3A_32 = arith.constant 1 : i32
    %dma_start3A_33 = arith.constant 0 : i32
    %dma_start3A_34 = tpu.memref_slice %arg7[%dma_start3A_32, %dma_start3A_33] : memref<92x128xi32, #tpu.memory_space<vmem>> -> memref<1x128xi32, #tpu.memory_space<vmem>>
    %dma_start3A_35 = tpu.memref_squeeze %dma_start3A_34 : memref<1x128xi32, #tpu.memory_space<vmem>> -> memref<128xi32, #tpu.memory_space<vmem>>
    %dma_start3A_36 = arith.constant 0 : i32
    %dma_start3A_37 = arith.constant 0 : i32
    %dma_start3A_38 = tpu.memref_slice %arg4[%dma_start3A_36, %dma_start3A_37] : memref<10112x64xf32, #tpu.memory_space<hbm>> -> memref<10112x64xf32, #tpu.memory_space<hbm>>
    tpu.enqueue_indirect_dma source(%dma_start3A_38 : memref<10112x64xf32, #tpu.memory_space<hbm>>) target(%arg11 : memref<128x64xf32, #tpu.memory_space<vmem>>) offsets(%dma_start3A_35 : memref<128xi32, #tpu.memory_space<vmem>>) semaphore(%arg16 : memref<!tpu.dma_semaphore, #tpu.memory_space<semaphore_mem>>)
    %jit3A_39 = arith.constant 2 : i32
    %div3A = arith.divsi %select_n3A, %jit3A_39 : i32
    %sign3A = arith.constant 0 : i32
    %sign3A_40 = arith.cmpi sgt, %select_n3A, %sign3A : i32
    %sign3A_41 = arith.extui %sign3A_40 : i1 to i32
    %sign3A_42 = arith.constant 0 : i32
    %sign3A_43 = arith.cmpi slt, %select_n3A, %sign3A_42 : i32
    %sign3A_44 = arith.extui %sign3A_43 : i1 to i32
    %sign3A_45 = arith.subi %sign3A_41, %sign3A_44 : i32
    %sign3A_46 = arith.constant 0 : i32
    %sign3A_47 = arith.cmpi sgt, %jit3A_39, %sign3A_46 : i32
    %sign3A_48 = arith.extui %sign3A_47 : i1 to i32
    %sign3A_49 = arith.constant 0 : i32
    %sign3A_50 = arith.cmpi slt, %jit3A_39, %sign3A_49 : i32
    %sign3A_51 = arith.extui %sign3A_50 : i1 to i32
    %sign3A_52 = arith.subi %sign3A_48, %sign3A_51 : i32
    %ne3A = arith.cmpi ne, %sign3A_45, %sign3A_52 : i32
    %rem3A = arith.remsi %select_n3A, %jit3A_39 : i32
    %ne3A_53 = arith.constant 0 : i32
    %ne3A_54 = arith.cmpi ne, %rem3A, %ne3A_53 : i32
    %and3A = arith.andi %ne3A, %ne3A_54 : i1
    %sub3A = arith.constant 1 : i32
    %sub3A_55 = arith.subi %div3A, %sub3A : i32
    %select_n3A_56 = arith.select %and3A, %sub3A_55, %div3A : i32
    %while3A = arith.constant 0 : i32
    %while3A_57 = arith.constant 0 : i32
    %while3A_58 = arith.subi %select_n3A_56, %while3A_57 : i32
    %while3A_59 = arith.addi %while3A_57, %while3A_58 : i32
    %while3A_60 = arith.constant 1 : i32
    %while3A_61 = arith.divsi %while3A_58, %while3A_60 : i32
    %while3A_62 = arith.muli %while3A_61, %while3A_60 : i32
    %while3A_63 = arith.addi %while3A_57, %while3A_62 : i32
    %while3A_64 = arith.constant 1 : i32
    scf.for %while3A_66 = %while3A_57 to %while3A_63 step %while3A_64  : i32 {
      %mul3A_67 = arith.constant 2 : i32
      %mul3A_68 = arith.muli %while3A_66, %mul3A_67 : i32
      %add3A_69 = arith.constant 0 : i32
      %add3A_70 = arith.addi %mul3A_68, %add3A_69 : i32
      %dma_wait3A = arith.constant 0 : i32
      %dma_wait3A_71 = tpu.memref_slice %arg6[%add3A_70, %dma_wait3A] : memref<92x128xi32, #tpu.memory_space<vmem>> -> memref<1x128xi32, #tpu.memory_space<vmem>>
      %dma_wait3A_72 = tpu.memref_squeeze %dma_wait3A_71 : memref<1x128xi32, #tpu.memory_space<vmem>> -> memref<128xi32, #tpu.memory_space<vmem>>
      %dma_wait3A_73 = arith.constant 0 : i32
      %dma_wait3A_74 = arith.constant 0 : i32
      %dma_wait3A_75 = tpu.memref_slice %arg4[%dma_wait3A_73, %dma_wait3A_74] : memref<10112x64xf32, #tpu.memory_space<hbm>> -> memref<10112x64xf32, #tpu.memory_space<hbm>>
      tpu.wait_indirect_dma semaphore(%arg13 : memref<!tpu.dma_semaphore, #tpu.memory_space<semaphore_mem>>) src(%dma_wait3A_75 : memref<10112x64xf32, #tpu.memory_space<hbm>>) dst(%arg8 : memref<128x64xf32, #tpu.memory_space<vmem>>)
      %dma_wait3A_76 = arith.constant 0 : i32
      %dma_wait3A_77 = tpu.memref_slice %arg7[%add3A_70, %dma_wait3A_76] : memref<92x128xi32, #tpu.memory_space<vmem>> -> memref<1x128xi32, #tpu.memory_space<vmem>>
      %dma_wait3A_78 = tpu.memref_squeeze %dma_wait3A_77 : memref<1x128xi32, #tpu.memory_space<vmem>> -> memref<128xi32, #tpu.memory_space<vmem>>
      %dma_wait3A_79 = arith.constant 0 : i32
      %dma_wait3A_80 = arith.constant 0 : i32
      %dma_wait3A_81 = tpu.memref_slice %arg4[%dma_wait3A_79, %dma_wait3A_80] : memref<10112x64xf32, #tpu.memory_space<hbm>> -> memref<10112x64xf32, #tpu.memory_space<hbm>>
      tpu.wait_indirect_dma semaphore(%arg15 : memref<!tpu.dma_semaphore, #tpu.memory_space<semaphore_mem>>) src(%dma_wait3A_81 : memref<10112x64xf32, #tpu.memory_space<hbm>>) dst(%arg10 : memref<128x64xf32, #tpu.memory_space<vmem>>)
      %scan3A = arith.constant 0 : i32
      %scan3A_82 = arith.constant 0 : i32
      %scan3A_83 = arith.constant 128 : i32
      %scan3A_84 = arith.addi %scan3A_82, %scan3A_83 : i32
      %scan3A_85 = arith.constant 1 : i32
      scf.for %scan3A_124 = %scan3A_82 to %scan3A_84 step %scan3A_85  : i32 {
        %get3A = arith.index_cast %scan3A_124 : i32 to index
        %get3A_125 = arith.constant 0 : index
        %get3A_126 = tpu.vector_load %arg8[%get3A, %get3A_125] {strides = array<i32>} : memref<128x64xf32, #tpu.memory_space<vmem>>, vector<1x16xf32>,
        %get3A_127 = vector.shape_cast %get3A_126 : vector<1x16xf32> to vector<16xf32>
        %get3A_128 = arith.index_cast %scan3A_124 : i32 to index
        %get3A_129 = arith.constant 0 : index
        %get3A_130 = tpu.vector_load %arg10[%get3A_128, %get3A_129] {strides = array<i32>} : memref<128x64xf32, #tpu.memory_space<vmem>>, vector<1x16xf32>,
        %get3A_131 = vector.shape_cast %get3A_130 : vector<1x16xf32> to vector<16xf32>
        %mul3A_132 = arith.mulf %get3A_127, %get3A_131 : vector<16xf32>
        %get3A_133 = arith.index_cast %scan3A_124 : i32 to index
        %get3A_134 = arith.constant 16 : index
        %get3A_135 = tpu.vector_load %arg8[%get3A_133, %get3A_134] {strides = array<i32>} : memref<128x64xf32, #tpu.memory_space<vmem>>, vector<1x16xf32>,
        %get3A_136 = vector.shape_cast %get3A_135 : vector<1x16xf32> to vector<16xf32>
        %get3A_137 = arith.index_cast %scan3A_124 : i32 to index
        %get3A_138 = arith.constant 16 : index
        %get3A_139 = tpu.vector_load %arg10[%get3A_137, %get3A_138] {strides = array<i32>} : memref<128x64xf32, #tpu.memory_space<vmem>>, vector<1x16xf32>,
        %get3A_140 = vector.shape_cast %get3A_139 : vector<1x16xf32> to vector<16xf32>
        %mul3A_141 = arith.mulf %get3A_136, %get3A_140 : vector<16xf32>
        %add3A_142 = arith.addf %mul3A_132, %mul3A_141 : vector<16xf32>
        %get3A_143 = arith.index_cast %scan3A_124 : i32 to index
        %get3A_144 = arith.constant 32 : index
        %get3A_145 = tpu.vector_load %arg8[%get3A_143, %get3A_144] {strides = array<i32>} : memref<128x64xf32, #tpu.memory_space<vmem>>, vector<1x16xf32>,
        %get3A_146 = vector.shape_cast %get3A_145 : vector<1x16xf32> to vector<16xf32>
        %get3A_147 = arith.index_cast %scan3A_124 : i32 to index
        %get3A_148 = arith.constant 32 : index
        %get3A_149 = tpu.vector_load %arg10[%get3A_147, %get3A_148] {strides = array<i32>} : memref<128x64xf32, #tpu.memory_space<vmem>>, vector<1x16xf32>,
        %get3A_150 = vector.shape_cast %get3A_149 : vector<1x16xf32> to vector<16xf32>
        %mul3A_151 = arith.mulf %get3A_146, %get3A_150 : vector<16xf32>
        %add3A_152 = arith.addf %add3A_142, %mul3A_151 : vector<16xf32>
        %get3A_153 = arith.index_cast %scan3A_124 : i32 to index
        %get3A_154 = arith.constant 48 : index
        %get3A_155 = tpu.vector_load %arg8[%get3A_153, %get3A_154] {strides = array<i32>} : memref<128x64xf32, #tpu.memory_space<vmem>>, vector<1x16xf32>,
        %get3A_156 = vector.shape_cast %get3A_155 : vector<1x16xf32> to vector<16xf32>
        %get3A_157 = arith.index_cast %scan3A_124 : i32 to index
        %get3A_158 = arith.constant 48 : index
        %get3A_159 = tpu.vector_load %arg10[%get3A_157, %get3A_158] {strides = array<i32>} : memref<128x64xf32, #tpu.memory_space<vmem>>, vector<1x16xf32>,
        %get3A_160 = vector.shape_cast %get3A_159 : vector<1x16xf32> to vector<16xf32>
        %mul3A_161 = arith.mulf %get3A_156, %get3A_160 : vector<16xf32>
        %add3A_162 = arith.addf %add3A_152, %mul3A_161 : vector<16xf32>
        %swap3A = arith.index_cast %scan3A_124 : i32 to index
        %swap3A_163 = arith.constant 0 : index
        %swap3A_164 = tpu.vector_load %arg12[%swap3A, %swap3A_163] {strides = array<i32>} : memref<128x16xf32, #tpu.memory_space<vmem>>, vector<1x16xf32>,
        %swap3A_165 = vector.shape_cast %swap3A_164 : vector<1x16xf32> to vector<16xf32>
        %swap3A_166 = vector.shape_cast %add3A_162 : vector<16xf32> to vector<1x16xf32>
        tpu.vector_store %arg12[%swap3A, %swap3A_163], %swap3A_166 {strides = array<i32>} : memref<128x16xf32, #tpu.memory_space<vmem>>, vector<1x16xf32>,
      }
      %scan3A_86 = arith.constant 128 : i32
      %add3A_87 = arith.constant 2 : i32
      %add3A_88 = arith.addi %add3A_70, %add3A_87 : i32
      %lt3A = arith.cmpi slt, %add3A_88, %select_n3A : i32
      %convert_element_type3A = arith.extui %lt3A : i1 to i32
      %cond3A = arith.constant 0 : i32
      %cond3A_89 = arith.cmpi ne, %convert_element_type3A, %cond3A : i32
      scf.if %cond3A_89 {
        %add3A_124 = arith.constant 2 : i32
        %add3A_125 = arith.addi %add3A_70, %add3A_124 : i32
        %dma_start3A_126 = arith.constant 0 : i32
        %dma_start3A_127 = tpu.memref_slice %arg6[%add3A_125, %dma_start3A_126] : memref<92x128xi32, #tpu.memory_space<vmem>> -> memref<1x128xi32, #tpu.memory_space<vmem>>
        %dma_start3A_128 = tpu.memref_squeeze %dma_start3A_127 : memref<1x128xi32, #tpu.memory_space<vmem>> -> memref<128xi32, #tpu.memory_space<vmem>>
        %dma_start3A_129 = arith.constant 0 : i32
        %dma_start3A_130 = arith.constant 0 : i32
        %dma_start3A_131 = tpu.memref_slice %arg4[%dma_start3A_129, %dma_start3A_130] : memref<10112x64xf32, #tpu.memory_space<hbm>> -> memref<10112x64xf32, #tpu.memory_space<hbm>>
        tpu.enqueue_indirect_dma source(%dma_start3A_131 : memref<10112x64xf32, #tpu.memory_space<hbm>>) target(%arg8 : memref<128x64xf32, #tpu.memory_space<vmem>>) offsets(%dma_start3A_128 : memref<128xi32, #tpu.memory_space<vmem>>) semaphore(%arg13 : memref<!tpu.dma_semaphore, #tpu.memory_space<semaphore_mem>>)
        %add3A_132 = arith.constant 2 : i32
        %add3A_133 = arith.addi %add3A_70, %add3A_132 : i32
        %dma_start3A_134 = arith.constant 0 : i32
        %dma_start3A_135 = tpu.memref_slice %arg7[%add3A_133, %dma_start3A_134] : memref<92x128xi32, #tpu.memory_space<vmem>> -> memref<1x128xi32, #tpu.memory_space<vmem>>
        %dma_start3A_136 = tpu.memref_squeeze %dma_start3A_135 : memref<1x128xi32, #tpu.memory_space<vmem>> -> memref<128xi32, #tpu.memory_space<vmem>>
        %dma_start3A_137 = arith.constant 0 : i32
        %dma_start3A_138 = arith.constant 0 : i32
        %dma_start3A_139 = tpu.memref_slice %arg4[%dma_start3A_137, %dma_start3A_138] : memref<10112x64xf32, #tpu.memory_space<hbm>> -> memref<10112x64xf32, #tpu.memory_space<hbm>>
        tpu.enqueue_indirect_dma source(%dma_start3A_139 : memref<10112x64xf32, #tpu.memory_space<hbm>>) target(%arg10 : memref<128x64xf32, #tpu.memory_space<vmem>>) offsets(%dma_start3A_136 : memref<128xi32, #tpu.memory_space<vmem>>) semaphore(%arg15 : memref<!tpu.dma_semaphore, #tpu.memory_space<semaphore_mem>>)
      } else {
      }
      %add3A_90 = arith.addi %select_n3A_11, %add3A_70 : i32
      %mul3A_91 = arith.constant 128 : i32
      %mul3A_92 = arith.muli %add3A_90, %mul3A_91 : i32
      "tpu.region"() ({
        %run_scoped3A = tpu.sem_alloc : memref<!tpu.dma_semaphore, #tpu.memory_space<semaphore_mem>>
        %dma_start3A_124 = arith.constant 0 : i32
        %dma_start3A_125 = tpu.memref_slice %arg5[%mul3A_92, %dma_start3A_124] : memref<204800x16xf32, #tpu.memory_space<hbm>> -> memref<128x16xf32, #tpu.memory_space<hbm>>
        %dma_start3A_126 = arith.constant 0 : i32
        %dma_start3A_127 = tpu.memref_slice %arg5[%mul3A_92, %dma_start3A_126] : memref<204800x16xf32, #tpu.memory_space<hbm>> -> memref<128x16xf32, #tpu.memory_space<hbm>>
        tpu.enqueue_dma source(%arg12 : memref<128x16xf32, #tpu.memory_space<vmem>>) target(%dma_start3A_127 : memref<128x16xf32, #tpu.memory_space<hbm>>) target_semaphore(%run_scoped3A : memref<!tpu.dma_semaphore, #tpu.memory_space<semaphore_mem>>)
        %dma_wait3A_128 = arith.constant 0 : i32
        %dma_wait3A_129 = tpu.memref_slice %arg5[%mul3A_92, %dma_wait3A_128] : memref<204800x16xf32, #tpu.memory_space<hbm>> -> memref<128x16xf32, #tpu.memory_space<hbm>>
        %dma_wait3A_130 = arith.constant 0 : i32
        %dma_wait3A_131 = tpu.memref_slice %arg5[%mul3A_92, %dma_wait3A_130] : memref<204800x16xf32, #tpu.memory_space<hbm>> -> memref<128x16xf32, #tpu.memory_space<hbm>>
        tpu.wait_dma2 semaphore(%run_scoped3A : memref<!tpu.dma_semaphore, #tpu.memory_space<semaphore_mem>>) src(%arg12 : memref<128x16xf32, #tpu.memory_space<vmem>>) dst(%dma_wait3A_131 : memref<128x16xf32, #tpu.memory_space<hbm>>)
        tpu.yield
      }) : () -> ()
      %mul3A_93 = arith.constant 2 : i32
      %mul3A_94 = arith.muli %while3A_66, %mul3A_93 : i32
      %add3A_95 = arith.constant 1 : i32
      %add3A_96 = arith.addi %mul3A_94, %add3A_95 : i32
      %dma_wait3A_97 = arith.constant 0 : i32
      %dma_wait3A_98 = tpu.memref_slice %arg6[%add3A_96, %dma_wait3A_97] : memref<92x128xi32, #tpu.memory_space<vmem>> -> memref<1x128xi32, #tpu.memory_space<vmem>>
      %dma_wait3A_99 = tpu.memref_squeeze %dma_wait3A_98 : memref<1x128xi32, #tpu.memory_space<vmem>> -> memref<128xi32, #tpu.memory_space<vmem>>
      %dma_wait3A_100 = arith.constant 0 : i32
      %dma_wait3A_101 = arith.constant 0 : i32
      %dma_wait3A_102 = tpu.memref_slice %arg4[%dma_wait3A_100, %dma_wait3A_101] : memref<10112x64xf32, #tpu.memory_space<hbm>> -> memref<10112x64xf32, #tpu.memory_space<hbm>>
      tpu.wait_indirect_dma semaphore(%arg14 : memref<!tpu.dma_semaphore, #tpu.memory_space<semaphore_mem>>) src(%dma_wait3A_102 : memref<10112x64xf32, #tpu.memory_space<hbm>>) dst(%arg9 : memref<128x64xf32, #tpu.memory_space<vmem>>)
      %dma_wait3A_103 = arith.constant 0 : i32
      %dma_wait3A_104 = tpu.memref_slice %arg7[%add3A_96, %dma_wait3A_103] : memref<92x128xi32, #tpu.memory_space<vmem>> -> memref<1x128xi32, #tpu.memory_space<vmem>>
      %dma_wait3A_105 = tpu.memref_squeeze %dma_wait3A_104 : memref<1x128xi32, #tpu.memory_space<vmem>> -> memref<128xi32, #tpu.memory_space<vmem>>
      %dma_wait3A_106 = arith.constant 0 : i32
      %dma_wait3A_107 = arith.constant 0 : i32
      %dma_wait3A_108 = tpu.memref_slice %arg4[%dma_wait3A_106, %dma_wait3A_107] : memref<10112x64xf32, #tpu.memory_space<hbm>> -> memref<10112x64xf32, #tpu.memory_space<hbm>>
      tpu.wait_indirect_dma semaphore(%arg16 : memref<!tpu.dma_semaphore, #tpu.memory_space<semaphore_mem>>) src(%dma_wait3A_108 : memref<10112x64xf32, #tpu.memory_space<hbm>>) dst(%arg11 : memref<128x64xf32, #tpu.memory_space<vmem>>)
      %scan3A_109 = arith.constant 0 : i32
      %scan3A_110 = arith.constant 0 : i32
      %scan3A_111 = arith.constant 128 : i32
      %scan3A_112 = arith.addi %scan3A_110, %scan3A_111 : i32
      %scan3A_113 = arith.constant 1 : i32
      scf.for %scan3A_124 = %scan3A_110 to %scan3A_112 step %scan3A_113  : i32 {
        %get3A = arith.index_cast %scan3A_124 : i32 to index
        %get3A_125 = arith.constant 0 : index
        %get3A_126 = tpu.vector_load %arg9[%get3A, %get3A_125] {strides = array<i32>} : memref<128x64xf32, #tpu.memory_space<vmem>>, vector<1x16xf32>,
        %get3A_127 = vector.shape_cast %get3A_126 : vector<1x16xf32> to vector<16xf32>
        %get3A_128 = arith.index_cast %scan3A_124 : i32 to index
        %get3A_129 = arith.constant 0 : index
        %get3A_130 = tpu.vector_load %arg11[%get3A_128, %get3A_129] {strides = array<i32>} : memref<128x64xf32, #tpu.memory_space<vmem>>, vector<1x16xf32>,
        %get3A_131 = vector.shape_cast %get3A_130 : vector<1x16xf32> to vector<16xf32>
        %mul3A_132 = arith.mulf %get3A_127, %get3A_131 : vector<16xf32>
        %get3A_133 = arith.index_cast %scan3A_124 : i32 to index
        %get3A_134 = arith.constant 16 : index
        %get3A_135 = tpu.vector_load %arg9[%get3A_133, %get3A_134] {strides = array<i32>} : memref<128x64xf32, #tpu.memory_space<vmem>>, vector<1x16xf32>,
        %get3A_136 = vector.shape_cast %get3A_135 : vector<1x16xf32> to vector<16xf32>
        %get3A_137 = arith.index_cast %scan3A_124 : i32 to index
        %get3A_138 = arith.constant 16 : index
        %get3A_139 = tpu.vector_load %arg11[%get3A_137, %get3A_138] {strides = array<i32>} : memref<128x64xf32, #tpu.memory_space<vmem>>, vector<1x16xf32>,
        %get3A_140 = vector.shape_cast %get3A_139 : vector<1x16xf32> to vector<16xf32>
        %mul3A_141 = arith.mulf %get3A_136, %get3A_140 : vector<16xf32>
        %add3A_142 = arith.addf %mul3A_132, %mul3A_141 : vector<16xf32>
        %get3A_143 = arith.index_cast %scan3A_124 : i32 to index
        %get3A_144 = arith.constant 32 : index
        %get3A_145 = tpu.vector_load %arg9[%get3A_143, %get3A_144] {strides = array<i32>} : memref<128x64xf32, #tpu.memory_space<vmem>>, vector<1x16xf32>,
        %get3A_146 = vector.shape_cast %get3A_145 : vector<1x16xf32> to vector<16xf32>
        %get3A_147 = arith.index_cast %scan3A_124 : i32 to index
        %get3A_148 = arith.constant 32 : index
        %get3A_149 = tpu.vector_load %arg11[%get3A_147, %get3A_148] {strides = array<i32>} : memref<128x64xf32, #tpu.memory_space<vmem>>, vector<1x16xf32>,
        %get3A_150 = vector.shape_cast %get3A_149 : vector<1x16xf32> to vector<16xf32>
        %mul3A_151 = arith.mulf %get3A_146, %get3A_150 : vector<16xf32>
        %add3A_152 = arith.addf %add3A_142, %mul3A_151 : vector<16xf32>
        %get3A_153 = arith.index_cast %scan3A_124 : i32 to index
        %get3A_154 = arith.constant 48 : index
        %get3A_155 = tpu.vector_load %arg9[%get3A_153, %get3A_154] {strides = array<i32>} : memref<128x64xf32, #tpu.memory_space<vmem>>, vector<1x16xf32>,
        %get3A_156 = vector.shape_cast %get3A_155 : vector<1x16xf32> to vector<16xf32>
        %get3A_157 = arith.index_cast %scan3A_124 : i32 to index
        %get3A_158 = arith.constant 48 : index
        %get3A_159 = tpu.vector_load %arg11[%get3A_157, %get3A_158] {strides = array<i32>} : memref<128x64xf32, #tpu.memory_space<vmem>>, vector<1x16xf32>,
        %get3A_160 = vector.shape_cast %get3A_159 : vector<1x16xf32> to vector<16xf32>
        %mul3A_161 = arith.mulf %get3A_156, %get3A_160 : vector<16xf32>
        %add3A_162 = arith.addf %add3A_152, %mul3A_161 : vector<16xf32>
        %swap3A = arith.index_cast %scan3A_124 : i32 to index
        %swap3A_163 = arith.constant 0 : index
        %swap3A_164 = tpu.vector_load %arg12[%swap3A, %swap3A_163] {strides = array<i32>} : memref<128x16xf32, #tpu.memory_space<vmem>>, vector<1x16xf32>,
        %swap3A_165 = vector.shape_cast %swap3A_164 : vector<1x16xf32> to vector<16xf32>
        %swap3A_166 = vector.shape_cast %add3A_162 : vector<16xf32> to vector<1x16xf32>
        tpu.vector_store %arg12[%swap3A, %swap3A_163], %swap3A_166 {strides = array<i32>} : memref<128x16xf32, #tpu.memory_space<vmem>>, vector<1x16xf32>,
      }
      %scan3A_114 = arith.constant 128 : i32
      %add3A_115 = arith.constant 2 : i32
      %add3A_116 = arith.addi %add3A_96, %add3A_115 : i32
      %lt3A_117 = arith.cmpi slt, %add3A_116, %select_n3A : i32
      %convert_element_type3A_118 = arith.extui %lt3A_117 : i1 to i32
      %cond3A_119 = arith.constant 0 : i32
      %cond3A_120 = arith.cmpi ne, %convert_element_type3A_118, %cond3A_119 : i32
      scf.if %cond3A_120 {
        %add3A_124 = arith.constant 2 : i32
        %add3A_125 = arith.addi %add3A_96, %add3A_124 : i32
        %dma_start3A_126 = arith.constant 0 : i32
        %dma_start3A_127 = tpu.memref_slice %arg6[%add3A_125, %dma_start3A_126] : memref<92x128xi32, #tpu.memory_space<vmem>> -> memref<1x128xi32, #tpu.memory_space<vmem>>
        %dma_start3A_128 = tpu.memref_squeeze %dma_start3A_127 : memref<1x128xi32, #tpu.memory_space<vmem>> -> memref<128xi32, #tpu.memory_space<vmem>>
        %dma_start3A_129 = arith.constant 0 : i32
        %dma_start3A_130 = arith.constant 0 : i32
        %dma_start3A_131 = tpu.memref_slice %arg4[%dma_start3A_129, %dma_start3A_130] : memref<10112x64xf32, #tpu.memory_space<hbm>> -> memref<10112x64xf32, #tpu.memory_space<hbm>>
        tpu.enqueue_indirect_dma source(%dma_start3A_131 : memref<10112x64xf32, #tpu.memory_space<hbm>>) target(%arg9 : memref<128x64xf32, #tpu.memory_space<vmem>>) offsets(%dma_start3A_128 : memref<128xi32, #tpu.memory_space<vmem>>) semaphore(%arg14 : memref<!tpu.dma_semaphore, #tpu.memory_space<semaphore_mem>>)
        %add3A_132 = arith.constant 2 : i32
        %add3A_133 = arith.addi %add3A_96, %add3A_132 : i32
        %dma_start3A_134 = arith.constant 0 : i32
        %dma_start3A_135 = tpu.memref_slice %arg7[%add3A_133, %dma_start3A_134] : memref<92x128xi32, #tpu.memory_space<vmem>> -> memref<1x128xi32, #tpu.memory_space<vmem>>
        %dma_start3A_136 = tpu.memref_squeeze %dma_start3A_135 : memref<1x128xi32, #tpu.memory_space<vmem>> -> memref<128xi32, #tpu.memory_space<vmem>>
        %dma_start3A_137 = arith.constant 0 : i32
        %dma_start3A_138 = arith.constant 0 : i32
        %dma_start3A_139 = tpu.memref_slice %arg4[%dma_start3A_137, %dma_start3A_138] : memref<10112x64xf32, #tpu.memory_space<hbm>> -> memref<10112x64xf32, #tpu.memory_space<hbm>>
        tpu.enqueue_indirect_dma source(%dma_start3A_139 : memref<10112x64xf32, #tpu.memory_space<hbm>>) target(%arg11 : memref<128x64xf32, #tpu.memory_space<vmem>>) offsets(%dma_start3A_136 : memref<128xi32, #tpu.memory_space<vmem>>) semaphore(%arg16 : memref<!tpu.dma_semaphore, #tpu.memory_space<semaphore_mem>>)
      } else {
      }
      %add3A_121 = arith.addi %select_n3A_11, %add3A_96 : i32
      %mul3A_122 = arith.constant 128 : i32
      %mul3A_123 = arith.muli %add3A_121, %mul3A_122 : i32
      "tpu.region"() ({
        %run_scoped3A = tpu.sem_alloc : memref<!tpu.dma_semaphore, #tpu.memory_space<semaphore_mem>>
        %dma_start3A_124 = arith.constant 0 : i32
        %dma_start3A_125 = tpu.memref_slice %arg5[%mul3A_123, %dma_start3A_124] : memref<204800x16xf32, #tpu.memory_space<hbm>> -> memref<128x16xf32, #tpu.memory_space<hbm>>
        %dma_start3A_126 = arith.constant 0 : i32
        %dma_start3A_127 = tpu.memref_slice %arg5[%mul3A_123, %dma_start3A_126] : memref<204800x16xf32, #tpu.memory_space<hbm>> -> memref<128x16xf32, #tpu.memory_space<hbm>>
        tpu.enqueue_dma source(%arg12 : memref<128x16xf32, #tpu.memory_space<vmem>>) target(%dma_start3A_127 : memref<128x16xf32, #tpu.memory_space<hbm>>) target_semaphore(%run_scoped3A : memref<!tpu.dma_semaphore, #tpu.memory_space<semaphore_mem>>)
        %dma_wait3A_128 = arith.constant 0 : i32
        %dma_wait3A_129 = tpu.memref_slice %arg5[%mul3A_123, %dma_wait3A_128] : memref<204800x16xf32, #tpu.memory_space<hbm>> -> memref<128x16xf32, #tpu.memory_space<hbm>>
        %dma_wait3A_130 = arith.constant 0 : i32
        %dma_wait3A_131 = tpu.memref_slice %arg5[%mul3A_123, %dma_wait3A_130] : memref<204800x16xf32, #tpu.memory_space<hbm>> -> memref<128x16xf32, #tpu.memory_space<hbm>>
        tpu.wait_dma2 semaphore(%run_scoped3A : memref<!tpu.dma_semaphore, #tpu.memory_space<semaphore_mem>>) src(%arg12 : memref<128x16xf32, #tpu.memory_space<vmem>>) dst(%dma_wait3A_131 : memref<128x16xf32, #tpu.memory_space<hbm>>)
        tpu.yield
      }) : () -> ()
    }
    %while3A_65 = arith.constant 1 : i32
    scf.for %while3A_66 = %while3A_63 to %while3A_59 step %while3A_65  : i32 {
      %mul3A_67 = arith.constant 2 : i32
      %mul3A_68 = arith.muli %while3A_66, %mul3A_67 : i32
      %add3A_69 = arith.constant 0 : i32
      %add3A_70 = arith.addi %mul3A_68, %add3A_69 : i32
      %dma_wait3A = arith.constant 0 : i32
      %dma_wait3A_71 = tpu.memref_slice %arg6[%add3A_70, %dma_wait3A] : memref<92x128xi32, #tpu.memory_space<vmem>> -> memref<1x128xi32, #tpu.memory_space<vmem>>
      %dma_wait3A_72 = tpu.memref_squeeze %dma_wait3A_71 : memref<1x128xi32, #tpu.memory_space<vmem>> -> memref<128xi32, #tpu.memory_space<vmem>>
      %dma_wait3A_73 = arith.constant 0 : i32
      %dma_wait3A_74 = arith.constant 0 : i32
      %dma_wait3A_75 = tpu.memref_slice %arg4[%dma_wait3A_73, %dma_wait3A_74] : memref<10112x64xf32, #tpu.memory_space<hbm>> -> memref<10112x64xf32, #tpu.memory_space<hbm>>
      tpu.wait_indirect_dma semaphore(%arg13 : memref<!tpu.dma_semaphore, #tpu.memory_space<semaphore_mem>>) src(%dma_wait3A_75 : memref<10112x64xf32, #tpu.memory_space<hbm>>) dst(%arg8 : memref<128x64xf32, #tpu.memory_space<vmem>>)
      %dma_wait3A_76 = arith.constant 0 : i32
      %dma_wait3A_77 = tpu.memref_slice %arg7[%add3A_70, %dma_wait3A_76] : memref<92x128xi32, #tpu.memory_space<vmem>> -> memref<1x128xi32, #tpu.memory_space<vmem>>
      %dma_wait3A_78 = tpu.memref_squeeze %dma_wait3A_77 : memref<1x128xi32, #tpu.memory_space<vmem>> -> memref<128xi32, #tpu.memory_space<vmem>>
      %dma_wait3A_79 = arith.constant 0 : i32
      %dma_wait3A_80 = arith.constant 0 : i32
      %dma_wait3A_81 = tpu.memref_slice %arg4[%dma_wait3A_79, %dma_wait3A_80] : memref<10112x64xf32, #tpu.memory_space<hbm>> -> memref<10112x64xf32, #tpu.memory_space<hbm>>
      tpu.wait_indirect_dma semaphore(%arg15 : memref<!tpu.dma_semaphore, #tpu.memory_space<semaphore_mem>>) src(%dma_wait3A_81 : memref<10112x64xf32, #tpu.memory_space<hbm>>) dst(%arg10 : memref<128x64xf32, #tpu.memory_space<vmem>>)
      %scan3A = arith.constant 0 : i32
      %scan3A_82 = arith.constant 0 : i32
      %scan3A_83 = arith.constant 128 : i32
      %scan3A_84 = arith.addi %scan3A_82, %scan3A_83 : i32
      %scan3A_85 = arith.constant 1 : i32
      scf.for %scan3A_124 = %scan3A_82 to %scan3A_84 step %scan3A_85  : i32 {
        %get3A = arith.index_cast %scan3A_124 : i32 to index
        %get3A_125 = arith.constant 0 : index
        %get3A_126 = tpu.vector_load %arg8[%get3A, %get3A_125] {strides = array<i32>} : memref<128x64xf32, #tpu.memory_space<vmem>>, vector<1x16xf32>,
        %get3A_127 = vector.shape_cast %get3A_126 : vector<1x16xf32> to vector<16xf32>
        %get3A_128 = arith.index_cast %scan3A_124 : i32 to index
        %get3A_129 = arith.constant 0 : index
        %get3A_130 = tpu.vector_load %arg10[%get3A_128, %get3A_129] {strides = array<i32>} : memref<128x64xf32, #tpu.memory_space<vmem>>, vector<1x16xf32>,
        %get3A_131 = vector.shape_cast %get3A_130 : vector<1x16xf32> to vector<16xf32>
        %mul3A_132 = arith.mulf %get3A_127, %get3A_131 : vector<16xf32>
        %get3A_133 = arith.index_cast %scan3A_124 : i32 to index
        %get3A_134 = arith.constant 16 : index
        %get3A_135 = tpu.vector_load %arg8[%get3A_133, %get3A_134] {strides = array<i32>} : memref<128x64xf32, #tpu.memory_space<vmem>>, vector<1x16xf32>,
        %get3A_136 = vector.shape_cast %get3A_135 : vector<1x16xf32> to vector<16xf32>
        %get3A_137 = arith.index_cast %scan3A_124 : i32 to index
        %get3A_138 = arith.constant 16 : index
        %get3A_139 = tpu.vector_load %arg10[%get3A_137, %get3A_138] {strides = array<i32>} : memref<128x64xf32, #tpu.memory_space<vmem>>, vector<1x16xf32>,
        %get3A_140 = vector.shape_cast %get3A_139 : vector<1x16xf32> to vector<16xf32>
        %mul3A_141 = arith.mulf %get3A_136, %get3A_140 : vector<16xf32>
        %add3A_142 = arith.addf %mul3A_132, %mul3A_141 : vector<16xf32>
        %get3A_143 = arith.index_cast %scan3A_124 : i32 to index
        %get3A_144 = arith.constant 32 : index
        %get3A_145 = tpu.vector_load %arg8[%get3A_143, %get3A_144] {strides = array<i32>} : memref<128x64xf32, #tpu.memory_space<vmem>>, vector<1x16xf32>,
        %get3A_146 = vector.shape_cast %get3A_145 : vector<1x16xf32> to vector<16xf32>
        %get3A_147 = arith.index_cast %scan3A_124 : i32 to index
        %get3A_148 = arith.constant 32 : index
        %get3A_149 = tpu.vector_load %arg10[%get3A_147, %get3A_148] {strides = array<i32>} : memref<128x64xf32, #tpu.memory_space<vmem>>, vector<1x16xf32>,
        %get3A_150 = vector.shape_cast %get3A_149 : vector<1x16xf32> to vector<16xf32>
        %mul3A_151 = arith.mulf %get3A_146, %get3A_150 : vector<16xf32>
        %add3A_152 = arith.addf %add3A_142, %mul3A_151 : vector<16xf32>
        %get3A_153 = arith.index_cast %scan3A_124 : i32 to index
        %get3A_154 = arith.constant 48 : index
        %get3A_155 = tpu.vector_load %arg8[%get3A_153, %get3A_154] {strides = array<i32>} : memref<128x64xf32, #tpu.memory_space<vmem>>, vector<1x16xf32>,
        %get3A_156 = vector.shape_cast %get3A_155 : vector<1x16xf32> to vector<16xf32>
        %get3A_157 = arith.index_cast %scan3A_124 : i32 to index
        %get3A_158 = arith.constant 48 : index
        %get3A_159 = tpu.vector_load %arg10[%get3A_157, %get3A_158] {strides = array<i32>} : memref<128x64xf32, #tpu.memory_space<vmem>>, vector<1x16xf32>,
        %get3A_160 = vector.shape_cast %get3A_159 : vector<1x16xf32> to vector<16xf32>
        %mul3A_161 = arith.mulf %get3A_156, %get3A_160 : vector<16xf32>
        %add3A_162 = arith.addf %add3A_152, %mul3A_161 : vector<16xf32>
        %swap3A = arith.index_cast %scan3A_124 : i32 to index
        %swap3A_163 = arith.constant 0 : index
        %swap3A_164 = tpu.vector_load %arg12[%swap3A, %swap3A_163] {strides = array<i32>} : memref<128x16xf32, #tpu.memory_space<vmem>>, vector<1x16xf32>,
        %swap3A_165 = vector.shape_cast %swap3A_164 : vector<1x16xf32> to vector<16xf32>
        %swap3A_166 = vector.shape_cast %add3A_162 : vector<16xf32> to vector<1x16xf32>
        tpu.vector_store %arg12[%swap3A, %swap3A_163], %swap3A_166 {strides = array<i32>} : memref<128x16xf32, #tpu.memory_space<vmem>>, vector<1x16xf32>,
      }
      %scan3A_86 = arith.constant 128 : i32
      %add3A_87 = arith.constant 2 : i32
      %add3A_88 = arith.addi %add3A_70, %add3A_87 : i32
      %lt3A = arith.cmpi slt, %add3A_88, %select_n3A : i32
      %convert_element_type3A = arith.extui %lt3A : i1 to i32
      %cond3A = arith.constant 0 : i32
      %cond3A_89 = arith.cmpi ne, %convert_element_type3A, %cond3A : i32
      scf.if %cond3A_89 {
        %add3A_124 = arith.constant 2 : i32
        %add3A_125 = arith.addi %add3A_70, %add3A_124 : i32
        %dma_start3A_126 = arith.constant 0 : i32
        %dma_start3A_127 = tpu.memref_slice %arg6[%add3A_125, %dma_start3A_126] : memref<92x128xi32, #tpu.memory_space<vmem>> -> memref<1x128xi32, #tpu.memory_space<vmem>>
        %dma_start3A_128 = tpu.memref_squeeze %dma_start3A_127 : memref<1x128xi32, #tpu.memory_space<vmem>> -> memref<128xi32, #tpu.memory_space<vmem>>
        %dma_start3A_129 = arith.constant 0 : i32
        %dma_start3A_130 = arith.constant 0 : i32
        %dma_start3A_131 = tpu.memref_slice %arg4[%dma_start3A_129, %dma_start3A_130] : memref<10112x64xf32, #tpu.memory_space<hbm>> -> memref<10112x64xf32, #tpu.memory_space<hbm>>
        tpu.enqueue_indirect_dma source(%dma_start3A_131 : memref<10112x64xf32, #tpu.memory_space<hbm>>) target(%arg8 : memref<128x64xf32, #tpu.memory_space<vmem>>) offsets(%dma_start3A_128 : memref<128xi32, #tpu.memory_space<vmem>>) semaphore(%arg13 : memref<!tpu.dma_semaphore, #tpu.memory_space<semaphore_mem>>)
        %add3A_132 = arith.constant 2 : i32
        %add3A_133 = arith.addi %add3A_70, %add3A_132 : i32
        %dma_start3A_134 = arith.constant 0 : i32
        %dma_start3A_135 = tpu.memref_slice %arg7[%add3A_133, %dma_start3A_134] : memref<92x128xi32, #tpu.memory_space<vmem>> -> memref<1x128xi32, #tpu.memory_space<vmem>>
        %dma_start3A_136 = tpu.memref_squeeze %dma_start3A_135 : memref<1x128xi32, #tpu.memory_space<vmem>> -> memref<128xi32, #tpu.memory_space<vmem>>
        %dma_start3A_137 = arith.constant 0 : i32
        %dma_start3A_138 = arith.constant 0 : i32
        %dma_start3A_139 = tpu.memref_slice %arg4[%dma_start3A_137, %dma_start3A_138] : memref<10112x64xf32, #tpu.memory_space<hbm>> -> memref<10112x64xf32, #tpu.memory_space<hbm>>
        tpu.enqueue_indirect_dma source(%dma_start3A_139 : memref<10112x64xf32, #tpu.memory_space<hbm>>) target(%arg10 : memref<128x64xf32, #tpu.memory_space<vmem>>) offsets(%dma_start3A_136 : memref<128xi32, #tpu.memory_space<vmem>>) semaphore(%arg15 : memref<!tpu.dma_semaphore, #tpu.memory_space<semaphore_mem>>)
      } else {
      }
      %add3A_90 = arith.addi %select_n3A_11, %add3A_70 : i32
      %mul3A_91 = arith.constant 128 : i32
      %mul3A_92 = arith.muli %add3A_90, %mul3A_91 : i32
      "tpu.region"() ({
        %run_scoped3A = tpu.sem_alloc : memref<!tpu.dma_semaphore, #tpu.memory_space<semaphore_mem>>
        %dma_start3A_124 = arith.constant 0 : i32
        %dma_start3A_125 = tpu.memref_slice %arg5[%mul3A_92, %dma_start3A_124] : memref<204800x16xf32, #tpu.memory_space<hbm>> -> memref<128x16xf32, #tpu.memory_space<hbm>>
        %dma_start3A_126 = arith.constant 0 : i32
        %dma_start3A_127 = tpu.memref_slice %arg5[%mul3A_92, %dma_start3A_126] : memref<204800x16xf32, #tpu.memory_space<hbm>> -> memref<128x16xf32, #tpu.memory_space<hbm>>
        tpu.enqueue_dma source(%arg12 : memref<128x16xf32, #tpu.memory_space<vmem>>) target(%dma_start3A_127 : memref<128x16xf32, #tpu.memory_space<hbm>>) target_semaphore(%run_scoped3A : memref<!tpu.dma_semaphore, #tpu.memory_space<semaphore_mem>>)
        %dma_wait3A_128 = arith.constant 0 : i32
        %dma_wait3A_129 = tpu.memref_slice %arg5[%mul3A_92, %dma_wait3A_128] : memref<204800x16xf32, #tpu.memory_space<hbm>> -> memref<128x16xf32, #tpu.memory_space<hbm>>
        %dma_wait3A_130 = arith.constant 0 : i32
        %dma_wait3A_131 = tpu.memref_slice %arg5[%mul3A_92, %dma_wait3A_130] : memref<204800x16xf32, #tpu.memory_space<hbm>> -> memref<128x16xf32, #tpu.memory_space<hbm>>
        tpu.wait_dma2 semaphore(%run_scoped3A : memref<!tpu.dma_semaphore, #tpu.memory_space<semaphore_mem>>) src(%arg12 : memref<128x16xf32, #tpu.memory_space<vmem>>) dst(%dma_wait3A_131 : memref<128x16xf32, #tpu.memory_space<hbm>>)
        tpu.yield
      }) : () -> ()
      %mul3A_93 = arith.constant 2 : i32
      %mul3A_94 = arith.muli %while3A_66, %mul3A_93 : i32
      %add3A_95 = arith.constant 1 : i32
      %add3A_96 = arith.addi %mul3A_94, %add3A_95 : i32
      %dma_wait3A_97 = arith.constant 0 : i32
      %dma_wait3A_98 = tpu.memref_slice %arg6[%add3A_96, %dma_wait3A_97] : memref<92x128xi32, #tpu.memory_space<vmem>> -> memref<1x128xi32, #tpu.memory_space<vmem>>
      %dma_wait3A_99 = tpu.memref_squeeze %dma_wait3A_98 : memref<1x128xi32, #tpu.memory_space<vmem>> -> memref<128xi32, #tpu.memory_space<vmem>>
      %dma_wait3A_100 = arith.constant 0 : i32
      %dma_wait3A_101 = arith.constant 0 : i32
      %dma_wait3A_102 = tpu.memref_slice %arg4[%dma_wait3A_100, %dma_wait3A_101] : memref<10112x64xf32, #tpu.memory_space<hbm>> -> memref<10112x64xf32, #tpu.memory_space<hbm>>
      tpu.wait_indirect_dma semaphore(%arg14 : memref<!tpu.dma_semaphore, #tpu.memory_space<semaphore_mem>>) src(%dma_wait3A_102 : memref<10112x64xf32, #tpu.memory_space<hbm>>) dst(%arg9 : memref<128x64xf32, #tpu.memory_space<vmem>>)
      %dma_wait3A_103 = arith.constant 0 : i32
      %dma_wait3A_104 = tpu.memref_slice %arg7[%add3A_96, %dma_wait3A_103] : memref<92x128xi32, #tpu.memory_space<vmem>> -> memref<1x128xi32, #tpu.memory_space<vmem>>
      %dma_wait3A_105 = tpu.memref_squeeze %dma_wait3A_104 : memref<1x128xi32, #tpu.memory_space<vmem>> -> memref<128xi32, #tpu.memory_space<vmem>>
      %dma_wait3A_106 = arith.constant 0 : i32
      %dma_wait3A_107 = arith.constant 0 : i32
      %dma_wait3A_108 = tpu.memref_slice %arg4[%dma_wait3A_106, %dma_wait3A_107] : memref<10112x64xf32, #tpu.memory_space<hbm>> -> memref<10112x64xf32, #tpu.memory_space<hbm>>
      tpu.wait_indirect_dma semaphore(%arg16 : memref<!tpu.dma_semaphore, #tpu.memory_space<semaphore_mem>>) src(%dma_wait3A_108 : memref<10112x64xf32, #tpu.memory_space<hbm>>) dst(%arg11 : memref<128x64xf32, #tpu.memory_space<vmem>>)
      %scan3A_109 = arith.constant 0 : i32
      %scan3A_110 = arith.constant 0 : i32
      %scan3A_111 = arith.constant 128 : i32
      %scan3A_112 = arith.addi %scan3A_110, %scan3A_111 : i32
      %scan3A_113 = arith.constant 1 : i32
      scf.for %scan3A_124 = %scan3A_110 to %scan3A_112 step %scan3A_113  : i32 {
        %get3A = arith.index_cast %scan3A_124 : i32 to index
        %get3A_125 = arith.constant 0 : index
        %get3A_126 = tpu.vector_load %arg9[%get3A, %get3A_125] {strides = array<i32>} : memref<128x64xf32, #tpu.memory_space<vmem>>, vector<1x16xf32>,
        %get3A_127 = vector.shape_cast %get3A_126 : vector<1x16xf32> to vector<16xf32>
        %get3A_128 = arith.index_cast %scan3A_124 : i32 to index
        %get3A_129 = arith.constant 0 : index
        %get3A_130 = tpu.vector_load %arg11[%get3A_128, %get3A_129] {strides = array<i32>} : memref<128x64xf32, #tpu.memory_space<vmem>>, vector<1x16xf32>,
        %get3A_131 = vector.shape_cast %get3A_130 : vector<1x16xf32> to vector<16xf32>
        %mul3A_132 = arith.mulf %get3A_127, %get3A_131 : vector<16xf32>
        %get3A_133 = arith.index_cast %scan3A_124 : i32 to index
        %get3A_134 = arith.constant 16 : index
        %get3A_135 = tpu.vector_load %arg9[%get3A_133, %get3A_134] {strides = array<i32>} : memref<128x64xf32, #tpu.memory_space<vmem>>, vector<1x16xf32>,
        %get3A_136 = vector.shape_cast %get3A_135 : vector<1x16xf32> to vector<16xf32>
        %get3A_137 = arith.index_cast %scan3A_124 : i32 to index
        %get3A_138 = arith.constant 16 : index
        %get3A_139 = tpu.vector_load %arg11[%get3A_137, %get3A_138] {strides = array<i32>} : memref<128x64xf32, #tpu.memory_space<vmem>>, vector<1x16xf32>,
        %get3A_140 = vector.shape_cast %get3A_139 : vector<1x16xf32> to vector<16xf32>
        %mul3A_141 = arith.mulf %get3A_136, %get3A_140 : vector<16xf32>
        %add3A_142 = arith.addf %mul3A_132, %mul3A_141 : vector<16xf32>
        %get3A_143 = arith.index_cast %scan3A_124 : i32 to index
        %get3A_144 = arith.constant 32 : index
        %get3A_145 = tpu.vector_load %arg9[%get3A_143, %get3A_144] {strides = array<i32>} : memref<128x64xf32, #tpu.memory_space<vmem>>, vector<1x16xf32>,
        %get3A_146 = vector.shape_cast %get3A_145 : vector<1x16xf32> to vector<16xf32>
        %get3A_147 = arith.index_cast %scan3A_124 : i32 to index
        %get3A_148 = arith.constant 32 : index
        %get3A_149 = tpu.vector_load %arg11[%get3A_147, %get3A_148] {strides = array<i32>} : memref<128x64xf32, #tpu.memory_space<vmem>>, vector<1x16xf32>,
        %get3A_150 = vector.shape_cast %get3A_149 : vector<1x16xf32> to vector<16xf32>
        %mul3A_151 = arith.mulf %get3A_146, %get3A_150 : vector<16xf32>
        %add3A_152 = arith.addf %add3A_142, %mul3A_151 : vector<16xf32>
        %get3A_153 = arith.index_cast %scan3A_124 : i32 to index
        %get3A_154 = arith.constant 48 : index
        %get3A_155 = tpu.vector_load %arg9[%get3A_153, %get3A_154] {strides = array<i32>} : memref<128x64xf32, #tpu.memory_space<vmem>>, vector<1x16xf32>,
        %get3A_156 = vector.shape_cast %get3A_155 : vector<1x16xf32> to vector<16xf32>
        %get3A_157 = arith.index_cast %scan3A_124 : i32 to index
        %get3A_158 = arith.constant 48 : index
        %get3A_159 = tpu.vector_load %arg11[%get3A_157, %get3A_158] {strides = array<i32>} : memref<128x64xf32, #tpu.memory_space<vmem>>, vector<1x16xf32>,
        %get3A_160 = vector.shape_cast %get3A_159 : vector<1x16xf32> to vector<16xf32>
        %mul3A_161 = arith.mulf %get3A_156, %get3A_160 : vector<16xf32>
        %add3A_162 = arith.addf %add3A_152, %mul3A_161 : vector<16xf32>
        %swap3A = arith.index_cast %scan3A_124 : i32 to index
        %swap3A_163 = arith.constant 0 : index
        %swap3A_164 = tpu.vector_load %arg12[%swap3A, %swap3A_163] {strides = array<i32>} : memref<128x16xf32, #tpu.memory_space<vmem>>, vector<1x16xf32>,
        %swap3A_165 = vector.shape_cast %swap3A_164 : vector<1x16xf32> to vector<16xf32>
        %swap3A_166 = vector.shape_cast %add3A_162 : vector<16xf32> to vector<1x16xf32>
        tpu.vector_store %arg12[%swap3A, %swap3A_163], %swap3A_166 {strides = array<i32>} : memref<128x16xf32, #tpu.memory_space<vmem>>, vector<1x16xf32>,
      }
      %scan3A_114 = arith.constant 128 : i32
      %add3A_115 = arith.constant 2 : i32
      %add3A_116 = arith.addi %add3A_96, %add3A_115 : i32
      %lt3A_117 = arith.cmpi slt, %add3A_116, %select_n3A : i32
      %convert_element_type3A_118 = arith.extui %lt3A_117 : i1 to i32
      %cond3A_119 = arith.constant 0 : i32
      %cond3A_120 = arith.cmpi ne, %convert_element_type3A_118, %cond3A_119 : i32
      scf.if %cond3A_120 {
        %add3A_124 = arith.constant 2 : i32
        %add3A_125 = arith.addi %add3A_96, %add3A_124 : i32
        %dma_start3A_126 = arith.constant 0 : i32
        %dma_start3A_127 = tpu.memref_slice %arg6[%add3A_125, %dma_start3A_126] : memref<92x128xi32, #tpu.memory_space<vmem>> -> memref<1x128xi32, #tpu.memory_space<vmem>>
        %dma_start3A_128 = tpu.memref_squeeze %dma_start3A_127 : memref<1x128xi32, #tpu.memory_space<vmem>> -> memref<128xi32, #tpu.memory_space<vmem>>
        %dma_start3A_129 = arith.constant 0 : i32
        %dma_start3A_130 = arith.constant 0 : i32
        %dma_start3A_131 = tpu.memref_slice %arg4[%dma_start3A_129, %dma_start3A_130] : memref<10112x64xf32, #tpu.memory_space<hbm>> -> memref<10112x64xf32, #tpu.memory_space<hbm>>
        tpu.enqueue_indirect_dma source(%dma_start3A_131 : memref<10112x64xf32, #tpu.memory_space<hbm>>) target(%arg9 : memref<128x64xf32, #tpu.memory_space<vmem>>) offsets(%dma_start3A_128 : memref<128xi32, #tpu.memory_space<vmem>>) semaphore(%arg14 : memref<!tpu.dma_semaphore, #tpu.memory_space<semaphore_mem>>)
        %add3A_132 = arith.constant 2 : i32
        %add3A_133 = arith.addi %add3A_96, %add3A_132 : i32
        %dma_start3A_134 = arith.constant 0 : i32
        %dma_start3A_135 = tpu.memref_slice %arg7[%add3A_133, %dma_start3A_134] : memref<92x128xi32, #tpu.memory_space<vmem>> -> memref<1x128xi32, #tpu.memory_space<vmem>>
        %dma_start3A_136 = tpu.memref_squeeze %dma_start3A_135 : memref<1x128xi32, #tpu.memory_space<vmem>> -> memref<128xi32, #tpu.memory_space<vmem>>
        %dma_start3A_137 = arith.constant 0 : i32
        %dma_start3A_138 = arith.constant 0 : i32
        %dma_start3A_139 = tpu.memref_slice %arg4[%dma_start3A_137, %dma_start3A_138] : memref<10112x64xf32, #tpu.memory_space<hbm>> -> memref<10112x64xf32, #tpu.memory_space<hbm>>
        tpu.enqueue_indirect_dma source(%dma_start3A_139 : memref<10112x64xf32, #tpu.memory_space<hbm>>) target(%arg11 : memref<128x64xf32, #tpu.memory_space<vmem>>) offsets(%dma_start3A_136 : memref<128xi32, #tpu.memory_space<vmem>>) semaphore(%arg16 : memref<!tpu.dma_semaphore, #tpu.memory_space<semaphore_mem>>)
      } else {
      }
      %add3A_121 = arith.addi %select_n3A_11, %add3A_96 : i32
      %mul3A_122 = arith.constant 128 : i32
      %mul3A_123 = arith.muli %add3A_121, %mul3A_122 : i32
      "tpu.region"() ({
        %run_scoped3A = tpu.sem_alloc : memref<!tpu.dma_semaphore, #tpu.memory_space<semaphore_mem>>
        %dma_start3A_124 = arith.constant 0 : i32
        %dma_start3A_125 = tpu.memref_slice %arg5[%mul3A_123, %dma_start3A_124] : memref<204800x16xf32, #tpu.memory_space<hbm>> -> memref<128x16xf32, #tpu.memory_space<hbm>>
        %dma_start3A_126 = arith.constant 0 : i32
        %dma_start3A_127 = tpu.memref_slice %arg5[%mul3A_123, %dma_start3A_126] : memref<204800x16xf32, #tpu.memory_space<hbm>> -> memref<128x16xf32, #tpu.memory_space<hbm>>
        tpu.enqueue_dma source(%arg12 : memref<128x16xf32, #tpu.memory_space<vmem>>) target(%dma_start3A_127 : memref<128x16xf32, #tpu.memory_space<hbm>>) target_semaphore(%run_scoped3A : memref<!tpu.dma_semaphore, #tpu.memory_space<semaphore_mem>>)
        %dma_wait3A_128 = arith.constant 0 : i32
        %dma_wait3A_129 = tpu.memref_slice %arg5[%mul3A_123, %dma_wait3A_128] : memref<204800x16xf32, #tpu.memory_space<hbm>> -> memref<128x16xf32, #tpu.memory_space<hbm>>
        %dma_wait3A_130 = arith.constant 0 : i32
        %dma_wait3A_131 = tpu.memref_slice %arg5[%mul3A_123, %dma_wait3A_130] : memref<204800x16xf32, #tpu.memory_space<hbm>> -> memref<128x16xf32, #tpu.memory_space<hbm>>
        tpu.wait_dma2 semaphore(%run_scoped3A : memref<!tpu.dma_semaphore, #tpu.memory_space<semaphore_mem>>) src(%arg12 : memref<128x16xf32, #tpu.memory_space<vmem>>) dst(%dma_wait3A_131 : memref<128x16xf32, #tpu.memory_space<hbm>>)
        tpu.yield
      }) : () -> ()
    }
    return
  }
}

module attributes {stable_mosaic.version = 14 : i64} {
  func.func @_tc_layer1(%arg0: memref<10112x32xf32, #tpu.memory_space<vmem>>, %arg1: memref<10112x128xf32, #tpu.memory_space<vmem>>, %arg2: memref<128x128xf32, #tpu.memory_space<vmem>>, %arg3: memref<128x64xf32, #tpu.memory_space<vmem>>, %arg4: memref<10112x1xf32, #tpu.memory_space<vmem>>, %arg5: memref<10112x64xf32, #tpu.memory_space<vmem>>) attributes {dimension_semantics = [], scalar_prefetch = 0 : i64, scratch_operands = 0 : i64, tpu.core_type = #tpu.core_type<tc>} {
    %get3A = arith.constant 0 : index
    %get3A_0 = arith.constant 0 : index
    %get3A_1 = vector.load %arg0[%get3A, %get3A_0] : memref<10112x32xf32, #tpu.memory_space<vmem>>, vector<10112x32xf32>
    %reduce_sum3A = arith.constant dense<0.000000e+00> : vector<10112xf32>
    %reduce_sum3A_2 = vector.multi_reduction <add>, %get3A_1, %reduce_sum3A [1] : vector<10112x32xf32> to vector<10112xf32>
    %broadcast_in_dim3A = vector.shape_cast %reduce_sum3A_2 : vector<10112xf32> to vector<10112x1xf32>
    %add3A = arith.constant 1.000000e+00 : f32
    %add3A_3 = vector.broadcast %add3A : f32 to vector<10112x1xf32>
    %add3A_4 = arith.addf %broadcast_in_dim3A, %add3A_3 : vector<10112x1xf32>
    %max3A = arith.constant 1.000000e+00 : f32
    %max3A_5 = vector.broadcast %max3A : f32 to vector<10112x1xf32>
    %max3A_6 = arith.maximumf %add3A_4, %max3A_5 : vector<10112x1xf32>
    %rsqrt3A = math.rsqrt %max3A_6 : vector<10112x1xf32>
    %get3A_7 = arith.constant 0 : index
    %get3A_8 = arith.constant 0 : index
    %get3A_9 = vector.load %arg1[%get3A_7, %get3A_8] : memref<10112x128xf32, #tpu.memory_space<vmem>>, vector<10112x128xf32>
    %get3A_10 = arith.constant 0 : index
    %get3A_11 = arith.constant 0 : index
    %get3A_12 = vector.load %arg2[%get3A_10, %get3A_11] : memref<128x128xf32, #tpu.memory_space<vmem>>, vector<128x128xf32>
    %dot_general3A = arith.constant dense<0.000000e+00> : vector<10112x128xf32>
    %dot_general3A_13 = tpu.matmul %get3A_9, %get3A_12, %dot_general3A {dimension_numbers = #tpu.dot_dimension_numbers<[1], [0], [0], [1], [0, 0, 1, 1], [], []>, transpose_lhs_hint = false} : vector<10112x128xf32>, vector<128x128xf32>, vector<10112x128xf32> -> vector<10112x128xf32>
    %get3A_14 = arith.constant 0 : index
    %get3A_15 = arith.constant 0 : index
    %get3A_16 = vector.load %arg3[%get3A_14, %get3A_15] : memref<128x64xf32, #tpu.memory_space<vmem>>, vector<128x64xf32>
    %dot_general3A_17 = arith.constant dense<0.000000e+00> : vector<10112x64xf32>
    %dot_general3A_18 = tpu.matmul %dot_general3A_13, %get3A_16, %dot_general3A_17 {dimension_numbers = #tpu.dot_dimension_numbers<[1], [0], [0], [1], [0, 0, 1, 1], [], []>, transpose_lhs_hint = false} : vector<10112x128xf32>, vector<128x64xf32>, vector<10112x64xf32> -> vector<10112x64xf32>
    %swap3A = arith.constant 0 : index
    %swap3A_19 = arith.constant 0 : index
    %swap3A_20 = vector.load %arg4[%swap3A, %swap3A_19] : memref<10112x1xf32, #tpu.memory_space<vmem>>, vector<10112x1xf32>
    tpu.vector_store %arg4[%swap3A, %swap3A_19], %rsqrt3A {strides = array<i32>} : memref<10112x1xf32, #tpu.memory_space<vmem>>, vector<10112x1xf32>,
    %mul3A = vector.broadcast %rsqrt3A : vector<10112x1xf32> to vector<10112x64xf32>
    %mul3A_21 = arith.mulf %dot_general3A_18, %mul3A : vector<10112x64xf32>
    %swap3A_22 = arith.constant 0 : index
    %swap3A_23 = arith.constant 0 : index
    %swap3A_24 = vector.load %arg5[%swap3A_22, %swap3A_23] : memref<10112x64xf32, #tpu.memory_space<vmem>>, vector<10112x64xf32>
    tpu.vector_store %arg5[%swap3A_22, %swap3A_23], %mul3A_21 {strides = array<i32>} : memref<10112x64xf32, #tpu.memory_space<vmem>>, vector<10112x64xf32>,
    return
  }
}

module attributes {stable_mosaic.version = 14 : i64} {
  func.func @_tc_mid(%arg0: memref<2x10112x64xf32, #tpu.memory_space<vmem>>, %arg1: memref<10112x64xf32, #tpu.memory_space<vmem>>, %arg2: memref<10112x1xf32, #tpu.memory_space<vmem>>, %arg3: memref<64xf32, #tpu.memory_space<vmem>>, %arg4: memref<64x64xf32, #tpu.memory_space<vmem>>, %arg5: memref<10112x64xf32, #tpu.memory_space<vmem>>) attributes {dimension_semantics = [], scalar_prefetch = 0 : i64, scratch_operands = 0 : i64, tpu.core_type = #tpu.core_type<tc>} {
    %get3A = arith.constant 0 : index
    %get3A_0 = arith.constant 0 : index
    %get3A_1 = vector.load %arg2[%get3A, %get3A_0] : memref<10112x1xf32, #tpu.memory_space<vmem>>, vector<10112x1xf32>
    %get3A_2 = arith.constant 0 : index
    %get3A_3 = arith.constant 0 : index
    %get3A_4 = arith.constant 0 : index
    %get3A_5 = vector.load %arg0[%get3A_2, %get3A_3, %get3A_4] : memref<2x10112x64xf32, #tpu.memory_space<vmem>>, vector<1x10112x64xf32>
    %get3A_6 = vector.shape_cast %get3A_5 : vector<1x10112x64xf32> to vector<10112x64xf32>
    %get3A_7 = arith.constant 1 : index
    %get3A_8 = arith.constant 0 : index
    %get3A_9 = arith.constant 0 : index
    %get3A_10 = vector.load %arg0[%get3A_7, %get3A_8, %get3A_9] : memref<2x10112x64xf32, #tpu.memory_space<vmem>>, vector<1x10112x64xf32>
    %get3A_11 = vector.shape_cast %get3A_10 : vector<1x10112x64xf32> to vector<10112x64xf32>
    %add3A = arith.addf %get3A_6, %get3A_11 : vector<10112x64xf32>
    %get3A_12 = arith.constant 0 : index
    %get3A_13 = arith.constant 0 : index
    %get3A_14 = vector.load %arg1[%get3A_12, %get3A_13] : memref<10112x64xf32, #tpu.memory_space<vmem>>, vector<10112x64xf32>
    %add3A_15 = arith.addf %add3A, %get3A_14 : vector<10112x64xf32>
    %mul3A = vector.broadcast %get3A_1 : vector<10112x1xf32> to vector<10112x64xf32>
    %mul3A_16 = arith.mulf %mul3A, %add3A_15 : vector<10112x64xf32>
    %get3A_17 = arith.constant 0 : index
    %get3A_18 = vector.load %arg3[%get3A_17] : memref<64xf32, #tpu.memory_space<vmem>>, vector<64xf32>
    %broadcast_in_dim3A = vector.shape_cast %get3A_18 : vector<64xf32> to vector<1x64xf32>
    %add3A_19 = vector.broadcast %broadcast_in_dim3A : vector<1x64xf32> to vector<10112x64xf32>
    %add3A_20 = arith.addf %mul3A_16, %add3A_19 : vector<10112x64xf32>
    %max3A = arith.constant 0.000000e+00 : f32
    %max3A_21 = vector.broadcast %max3A : f32 to vector<10112x64xf32>
    %max3A_22 = arith.maximumf %add3A_20, %max3A_21 : vector<10112x64xf32>
    %get3A_23 = arith.constant 0 : index
    %get3A_24 = arith.constant 0 : index
    %get3A_25 = vector.load %arg4[%get3A_23, %get3A_24] : memref<64x64xf32, #tpu.memory_space<vmem>>, vector<64x64xf32>
    %dot_general3A = arith.constant dense<0.000000e+00> : vector<10112x64xf32>
    %dot_general3A_26 = tpu.matmul %max3A_22, %get3A_25, %dot_general3A {dimension_numbers = #tpu.dot_dimension_numbers<[1], [0], [0], [1], [0, 0, 1, 1], [], []>, transpose_lhs_hint = false} : vector<10112x64xf32>, vector<64x64xf32>, vector<10112x64xf32> -> vector<10112x64xf32>
    %mul3A_27 = vector.broadcast %get3A_1 : vector<10112x1xf32> to vector<10112x64xf32>
    %mul3A_28 = arith.mulf %dot_general3A_26, %mul3A_27 : vector<10112x64xf32>
    %swap3A = arith.constant 0 : index
    %swap3A_29 = arith.constant 0 : index
    %swap3A_30 = vector.load %arg5[%swap3A, %swap3A_29] : memref<10112x64xf32, #tpu.memory_space<vmem>>, vector<10112x64xf32>
    tpu.vector_store %arg5[%swap3A, %swap3A_29], %mul3A_28 {strides = array<i32>} : memref<10112x64xf32, #tpu.memory_space<vmem>>, vector<10112x64xf32>,
    return
  }
}

module attributes {stable_mosaic.version = 14 : i64} {
  func.func @_tc_mid(%arg0: memref<2x10112x64xf32, #tpu.memory_space<vmem>>, %arg1: memref<10112x64xf32, #tpu.memory_space<vmem>>, %arg2: memref<10112x1xf32, #tpu.memory_space<vmem>>, %arg3: memref<64xf32, #tpu.memory_space<vmem>>, %arg4: memref<64x64xf32, #tpu.memory_space<vmem>>, %arg5: memref<10112x64xf32, #tpu.memory_space<vmem>>) attributes {dimension_semantics = [], scalar_prefetch = 0 : i64, scratch_operands = 0 : i64, tpu.core_type = #tpu.core_type<tc>} {
    %get3A = arith.constant 0 : index
    %get3A_0 = arith.constant 0 : index
    %get3A_1 = vector.load %arg2[%get3A, %get3A_0] : memref<10112x1xf32, #tpu.memory_space<vmem>>, vector<10112x1xf32>
    %get3A_2 = arith.constant 0 : index
    %get3A_3 = arith.constant 0 : index
    %get3A_4 = arith.constant 0 : index
    %get3A_5 = vector.load %arg0[%get3A_2, %get3A_3, %get3A_4] : memref<2x10112x64xf32, #tpu.memory_space<vmem>>, vector<1x10112x64xf32>
    %get3A_6 = vector.shape_cast %get3A_5 : vector<1x10112x64xf32> to vector<10112x64xf32>
    %get3A_7 = arith.constant 1 : index
    %get3A_8 = arith.constant 0 : index
    %get3A_9 = arith.constant 0 : index
    %get3A_10 = vector.load %arg0[%get3A_7, %get3A_8, %get3A_9] : memref<2x10112x64xf32, #tpu.memory_space<vmem>>, vector<1x10112x64xf32>
    %get3A_11 = vector.shape_cast %get3A_10 : vector<1x10112x64xf32> to vector<10112x64xf32>
    %add3A = arith.addf %get3A_6, %get3A_11 : vector<10112x64xf32>
    %get3A_12 = arith.constant 0 : index
    %get3A_13 = arith.constant 0 : index
    %get3A_14 = vector.load %arg1[%get3A_12, %get3A_13] : memref<10112x64xf32, #tpu.memory_space<vmem>>, vector<10112x64xf32>
    %add3A_15 = arith.addf %add3A, %get3A_14 : vector<10112x64xf32>
    %mul3A = vector.broadcast %get3A_1 : vector<10112x1xf32> to vector<10112x64xf32>
    %mul3A_16 = arith.mulf %mul3A, %add3A_15 : vector<10112x64xf32>
    %get3A_17 = arith.constant 0 : index
    %get3A_18 = vector.load %arg3[%get3A_17] : memref<64xf32, #tpu.memory_space<vmem>>, vector<64xf32>
    %broadcast_in_dim3A = vector.shape_cast %get3A_18 : vector<64xf32> to vector<1x64xf32>
    %add3A_19 = vector.broadcast %broadcast_in_dim3A : vector<1x64xf32> to vector<10112x64xf32>
    %add3A_20 = arith.addf %mul3A_16, %add3A_19 : vector<10112x64xf32>
    %get3A_21 = arith.constant 0 : index
    %get3A_22 = arith.constant 0 : index
    %get3A_23 = vector.load %arg4[%get3A_21, %get3A_22] : memref<64x64xf32, #tpu.memory_space<vmem>>, vector<64x64xf32>
    %dot_general3A = arith.constant dense<0.000000e+00> : vector<10112x64xf32>
    %dot_general3A_24 = tpu.matmul %add3A_20, %get3A_23, %dot_general3A {dimension_numbers = #tpu.dot_dimension_numbers<[1], [0], [0], [1], [0, 0, 1, 1], [], []>, transpose_lhs_hint = false} : vector<10112x64xf32>, vector<64x64xf32>, vector<10112x64xf32> -> vector<10112x64xf32>
    %mul3A_25 = vector.broadcast %get3A_1 : vector<10112x1xf32> to vector<10112x64xf32>
    %mul3A_26 = arith.mulf %dot_general3A_24, %mul3A_25 : vector<10112x64xf32>
    %swap3A = arith.constant 0 : index
    %swap3A_27 = arith.constant 0 : index
    %swap3A_28 = vector.load %arg5[%swap3A, %swap3A_27] : memref<10112x64xf32, #tpu.memory_space<vmem>>, vector<10112x64xf32>
    tpu.vector_store %arg5[%swap3A, %swap3A_27], %mul3A_26 {strides = array<i32>} : memref<10112x64xf32, #tpu.memory_space<vmem>>, vector<10112x64xf32>,
    return
  }
}

module attributes {stable_mosaic.version = 14 : i64} {
  func.func @_tc_feat(%arg0: memref<2x10112x64xf32, #tpu.memory_space<vmem>>, %arg1: memref<10112x64xf32, #tpu.memory_space<vmem>>, %arg2: memref<10112x1xf32, #tpu.memory_space<vmem>>, %arg3: memref<64xf32, #tpu.memory_space<vmem>>, %arg4: memref<10112x64xf32, #tpu.memory_space<vmem>>, %arg5: memref<10112x64xf32, #tpu.memory_space<vmem>>) attributes {dimension_semantics = [], scalar_prefetch = 0 : i64, scratch_operands = 0 : i64, tpu.core_type = #tpu.core_type<tc>} {
    %get3A = arith.constant 0 : index
    %get3A_0 = arith.constant 0 : index
    %get3A_1 = vector.load %arg2[%get3A, %get3A_0] : memref<10112x1xf32, #tpu.memory_space<vmem>>, vector<10112x1xf32>
    %get3A_2 = arith.constant 0 : index
    %get3A_3 = arith.constant 0 : index
    %get3A_4 = arith.constant 0 : index
    %get3A_5 = vector.load %arg0[%get3A_2, %get3A_3, %get3A_4] : memref<2x10112x64xf32, #tpu.memory_space<vmem>>, vector<1x10112x64xf32>
    %get3A_6 = vector.shape_cast %get3A_5 : vector<1x10112x64xf32> to vector<10112x64xf32>
    %get3A_7 = arith.constant 1 : index
    %get3A_8 = arith.constant 0 : index
    %get3A_9 = arith.constant 0 : index
    %get3A_10 = vector.load %arg0[%get3A_7, %get3A_8, %get3A_9] : memref<2x10112x64xf32, #tpu.memory_space<vmem>>, vector<1x10112x64xf32>
    %get3A_11 = vector.shape_cast %get3A_10 : vector<1x10112x64xf32> to vector<10112x64xf32>
    %add3A = arith.addf %get3A_6, %get3A_11 : vector<10112x64xf32>
    %get3A_12 = arith.constant 0 : index
    %get3A_13 = arith.constant 0 : index
    %get3A_14 = vector.load %arg1[%get3A_12, %get3A_13] : memref<10112x64xf32, #tpu.memory_space<vmem>>, vector<10112x64xf32>
    %add3A_15 = arith.addf %add3A, %get3A_14 : vector<10112x64xf32>
    %mul3A = vector.broadcast %get3A_1 : vector<10112x1xf32> to vector<10112x64xf32>
    %mul3A_16 = arith.mulf %mul3A, %add3A_15 : vector<10112x64xf32>
    %get3A_17 = arith.constant 0 : index
    %get3A_18 = vector.load %arg3[%get3A_17] : memref<64xf32, #tpu.memory_space<vmem>>, vector<64xf32>
    %broadcast_in_dim3A = vector.shape_cast %get3A_18 : vector<64xf32> to vector<1x64xf32>
    %add3A_19 = vector.broadcast %broadcast_in_dim3A : vector<1x64xf32> to vector<10112x64xf32>
    %add3A_20 = arith.addf %mul3A_16, %add3A_19 : vector<10112x64xf32>
    %swap3A = arith.constant 0 : index
    %swap3A_21 = arith.constant 0 : index
    %swap3A_22 = vector.load %arg4[%swap3A, %swap3A_21] : memref<10112x64xf32, #tpu.memory_space<vmem>>, vector<10112x64xf32>
    tpu.vector_store %arg4[%swap3A, %swap3A_21], %add3A_20 {strides = array<i32>} : memref<10112x64xf32, #tpu.memory_space<vmem>>, vector<10112x64xf32>,
    %mul3A_23 = vector.broadcast %get3A_1 : vector<10112x1xf32> to vector<10112x64xf32>
    %mul3A_24 = arith.mulf %add3A_20, %mul3A_23 : vector<10112x64xf32>
    %swap3A_25 = arith.constant 0 : index
    %swap3A_26 = arith.constant 0 : index
    %swap3A_27 = vector.load %arg5[%swap3A_25, %swap3A_26] : memref<10112x64xf32, #tpu.memory_space<vmem>>, vector<10112x64xf32>
    tpu.vector_store %arg5[%swap3A_25, %swap3A_26], %mul3A_24 {strides = array<i32>} : memref<10112x64xf32, #tpu.memory_space<vmem>>, vector<10112x64xf32>,
    return
  }
}

module attributes {stable_mosaic.version = 14 : i64} {
  func.func @_tc_final(%arg0: memref<2x10112x64xf32, #tpu.memory_space<vmem>>, %arg1: memref<10112x64xf32, #tpu.memory_space<vmem>>, %arg2: memref<10112x1xf32, #tpu.memory_space<vmem>>, %arg3: memref<64x40xf32, #tpu.memory_space<vmem>>, %arg4: memref<40xf32, #tpu.memory_space<vmem>>, %arg5: memref<64x40xf32, #tpu.memory_space<vmem>>, %arg6: memref<40xf32, #tpu.memory_space<vmem>>, %arg7: memref<12800x256xf32, #tpu.memory_space<vmem>>, %arg8: memref<256x16xf32, #tpu.memory_space<vmem>>, %arg9: memref<10112x40xf32, #tpu.memory_space<vmem>>, %arg10: memref<10112x40xf32, #tpu.memory_space<vmem>>, %arg11: memref<12800x16xf32, #tpu.memory_space<vmem>>) attributes {dimension_semantics = [], scalar_prefetch = 0 : i64, scratch_operands = 0 : i64, tpu.core_type = #tpu.core_type<tc>} {
    %get3A = arith.constant 0 : index
    %get3A_0 = arith.constant 0 : index
    %get3A_1 = vector.load %arg2[%get3A, %get3A_0] : memref<10112x1xf32, #tpu.memory_space<vmem>>, vector<10112x1xf32>
    %get3A_2 = arith.constant 0 : index
    %get3A_3 = arith.constant 0 : index
    %get3A_4 = arith.constant 0 : index
    %get3A_5 = vector.load %arg0[%get3A_2, %get3A_3, %get3A_4] : memref<2x10112x64xf32, #tpu.memory_space<vmem>>, vector<1x10112x64xf32>
    %get3A_6 = vector.shape_cast %get3A_5 : vector<1x10112x64xf32> to vector<10112x64xf32>
    %get3A_7 = arith.constant 1 : index
    %get3A_8 = arith.constant 0 : index
    %get3A_9 = arith.constant 0 : index
    %get3A_10 = vector.load %arg0[%get3A_7, %get3A_8, %get3A_9] : memref<2x10112x64xf32, #tpu.memory_space<vmem>>, vector<1x10112x64xf32>
    %get3A_11 = vector.shape_cast %get3A_10 : vector<1x10112x64xf32> to vector<10112x64xf32>
    %add3A = arith.addf %get3A_6, %get3A_11 : vector<10112x64xf32>
    %get3A_12 = arith.constant 0 : index
    %get3A_13 = arith.constant 0 : index
    %get3A_14 = vector.load %arg1[%get3A_12, %get3A_13] : memref<10112x64xf32, #tpu.memory_space<vmem>>, vector<10112x64xf32>
    %add3A_15 = arith.addf %add3A, %get3A_14 : vector<10112x64xf32>
    %mul3A = vector.broadcast %get3A_1 : vector<10112x1xf32> to vector<10112x64xf32>
    %mul3A_16 = arith.mulf %mul3A, %add3A_15 : vector<10112x64xf32>
    %get3A_17 = arith.constant 0 : index
    %get3A_18 = arith.constant 0 : index
    %get3A_19 = vector.load %arg3[%get3A_17, %get3A_18] : memref<64x40xf32, #tpu.memory_space<vmem>>, vector<64x40xf32>
    %dot_general3A = arith.constant dense<0.000000e+00> : vector<10112x40xf32>
    %dot_general3A_20 = tpu.matmul %mul3A_16, %get3A_19, %dot_general3A {dimension_numbers = #tpu.dot_dimension_numbers<[1], [0], [0], [1], [0, 0, 1, 1], [], []>, transpose_lhs_hint = false} : vector<10112x64xf32>, vector<64x40xf32>, vector<10112x40xf32> -> vector<10112x40xf32>
    %get3A_21 = arith.constant 0 : index
    %get3A_22 = vector.load %arg4[%get3A_21] : memref<40xf32, #tpu.memory_space<vmem>>, vector<40xf32>
    %broadcast_in_dim3A = vector.shape_cast %get3A_22 : vector<40xf32> to vector<1x40xf32>
    %add3A_23 = vector.broadcast %broadcast_in_dim3A : vector<1x40xf32> to vector<10112x40xf32>
    %add3A_24 = arith.addf %dot_general3A_20, %add3A_23 : vector<10112x40xf32>
    %get3A_25 = arith.constant 0 : index
    %get3A_26 = arith.constant 0 : index
    %get3A_27 = vector.load %arg5[%get3A_25, %get3A_26] : memref<64x40xf32, #tpu.memory_space<vmem>>, vector<64x40xf32>
    %dot_general3A_28 = arith.constant dense<0.000000e+00> : vector<10112x40xf32>
    %dot_general3A_29 = tpu.matmul %mul3A_16, %get3A_27, %dot_general3A_28 {dimension_numbers = #tpu.dot_dimension_numbers<[1], [0], [0], [1], [0, 0, 1, 1], [], []>, transpose_lhs_hint = false} : vector<10112x64xf32>, vector<64x40xf32>, vector<10112x40xf32> -> vector<10112x40xf32>
    %get3A_30 = arith.constant 0 : index
    %get3A_31 = vector.load %arg6[%get3A_30] : memref<40xf32, #tpu.memory_space<vmem>>, vector<40xf32>
    %broadcast_in_dim3A_32 = vector.shape_cast %get3A_31 : vector<40xf32> to vector<1x40xf32>
    %add3A_33 = vector.broadcast %broadcast_in_dim3A_32 : vector<1x40xf32> to vector<10112x40xf32>
    %add3A_34 = arith.addf %dot_general3A_29, %add3A_33 : vector<10112x40xf32>
    %reduce_max3A = arith.constant dense<0xFF800000> : vector<10112xf32>
    %reduce_max3A_35 = vector.multi_reduction <maximumf>, %add3A_24, %reduce_max3A [1] : vector<10112x40xf32> to vector<10112xf32>
    %broadcast_in_dim3A_36 = vector.shape_cast %reduce_max3A_35 : vector<10112xf32> to vector<10112x1xf32>
    %sub3A = vector.broadcast %broadcast_in_dim3A_36 : vector<10112x1xf32> to vector<10112x40xf32>
    %sub3A_37 = arith.subf %add3A_24, %sub3A : vector<10112x40xf32>
    %exp3A = math.exp %sub3A_37 : vector<10112x40xf32>
    %reduce_sum3A = arith.constant dense<0.000000e+00> : vector<10112xf32>
    %reduce_sum3A_38 = vector.multi_reduction <add>, %exp3A, %reduce_sum3A [1] : vector<10112x40xf32> to vector<10112xf32>
    %broadcast_in_dim3A_39 = vector.shape_cast %reduce_sum3A_38 : vector<10112xf32> to vector<10112x1xf32>
    %log3A = math.log %broadcast_in_dim3A_39 : vector<10112x1xf32>
    %add3A_40 = arith.addf %broadcast_in_dim3A_36, %log3A : vector<10112x1xf32>
    %sub3A_41 = vector.broadcast %add3A_40 : vector<10112x1xf32> to vector<10112x40xf32>
    %sub3A_42 = arith.subf %add3A_24, %sub3A_41 : vector<10112x40xf32>
    %swap3A = arith.constant 0 : index
    %swap3A_43 = arith.constant 0 : index
    %swap3A_44 = vector.load %arg9[%swap3A, %swap3A_43] : memref<10112x40xf32, #tpu.memory_space<vmem>>, vector<10112x40xf32>
    tpu.vector_store %arg9[%swap3A, %swap3A_43], %sub3A_42 {strides = array<i32>} : memref<10112x40xf32, #tpu.memory_space<vmem>>, vector<10112x40xf32>,
    %swap3A_45 = arith.constant 0 : index
    %swap3A_46 = arith.constant 0 : index
    %swap3A_47 = vector.load %arg10[%swap3A_45, %swap3A_46] : memref<10112x40xf32, #tpu.memory_space<vmem>>, vector<10112x40xf32>
    tpu.vector_store %arg10[%swap3A_45, %swap3A_46], %add3A_34 {strides = array<i32>} : memref<10112x40xf32, #tpu.memory_space<vmem>>, vector<10112x40xf32>,
    %get3A_48 = arith.constant 0 : index
    %get3A_49 = arith.constant 0 : index
    %get3A_50 = vector.load %arg7[%get3A_48, %get3A_49] : memref<12800x256xf32, #tpu.memory_space<vmem>>, vector<12800x256xf32>
    %get3A_51 = arith.constant 0 : index
    %get3A_52 = arith.constant 0 : index
    %get3A_53 = vector.load %arg8[%get3A_51, %get3A_52] : memref<256x16xf32, #tpu.memory_space<vmem>>, vector<256x16xf32>
    %dot_general3A_54 = arith.constant dense<0.000000e+00> : vector<12800x16xf32>
    %dot_general3A_55 = tpu.matmul %get3A_50, %get3A_53, %dot_general3A_54 {dimension_numbers = #tpu.dot_dimension_numbers<[1], [0], [0], [1], [0, 0, 1, 1], [], []>, transpose_lhs_hint = false} : vector<12800x256xf32>, vector<256x16xf32>, vector<12800x16xf32> -> vector<12800x16xf32>
    %swap3A_56 = arith.constant 0 : index
    %swap3A_57 = arith.constant 0 : index
    %swap3A_58 = vector.load %arg11[%swap3A_56, %swap3A_57] : memref<12800x16xf32, #tpu.memory_space<vmem>>, vector<12800x16xf32>
    tpu.vector_store %arg11[%swap3A_56, %swap3A_57], %dot_general3A_55 {strides = array<i32>} : memref<12800x16xf32, #tpu.memory_space<vmem>>, vector<12800x16xf32>,
    return
  }
}

</mosaic_0001>

<sc_bundles>
// kernel: kernel.13.cloned.1.call-start
scs
__scs_entry_jumppad:
0x0: {  	(pc) =	sbr.rel $0x88, $3  }
0x1: {  	(tag) =	ssettag $0x0;
	lr =	simm.s32 $0x1  }
0x2: {  	[smem:$0x3F92] =	sst lr;
	_ =	strace $0xD0000000  }
0x3: {  	_ = 	snop  }
0x4: {  	_ = 	snop  }
0x5: {  	_ = 	snop  }
0x6: {  	_ = 	snop  }
0x7: {  	_ = 	snop  }
__scs_overlays_trampoline_lowered:
0x8: {  	[smem:$0x3FA1] =	sst s0  }
0x9: {  	[smem:$0x3FA2] =	sst s1  }
0xa: {  	[smem:$0x3FA3] =	sst s2  }
0xb: {  	[smem:$0x3FA4] =	sst s3  }
0xc: {  	[smem:$0x3FA5] =	sst s4  }
0xd: {  	[smem:$0x3FA6] =	sst s5  }
0xe: {  	[smem:$0x3FA7] =	sst s6  }
0xf: {  	[smem:$0x3FA8] =	sst s7  }
0x10: {  	[smem:$0x3FA9] =	sst s8  }
0x11: {  	[smem:$0x3FAA] =	sst s9;
	s0 =	simm.s32 @!p0 $0x0  }
0x12: {  	s1 =	sld [smem:$0x3F90];
	s0 =	simm.s32 @p0 $0x1  }
0x13: {  	[smem:$0x3FAB] =	sst s0;
	s0 =	simm.s32 @!p1 $0x0  }
0x14: {  	s2 =	sld [smem:$0x3F8F];
	s0 =	simm.s32 @p1 $0x1  }
0x15: {  	[smem:$0x3FAC] =	sst s0;
	s0 =	simm.s32 @!p2 $0x0  }
0x16: {  	s3 =	sld [smem:$0x3FDB];
	s0 =	simm.s32 @p2 $0x1  }
0x17: {  	s4 =	simm.s32 $0x1BF5;
	[smem:$0x3FAE] =	sst s0  }
0x18: {  	s0 =	sld [smem:$0x3F91];
	_ =	swait.ge [sflag:s4], $0x0  }
0x19: {  	s7 =	sld [smem:$0x3F92]  }
0x1a: {  	s8 =	sadd.s32 $0xFFFFE003, lr  }
0x1b: {  	s9 =	sadd.s32 $0xFFFFFEF7, lr;
	s5 =	simm.s32 $0xFFFFFFFF;
	p2 =	slt.u32 s8, $0xFFFFF086  }
0x1c: {  	p1 =	slt.u32 s9, $0xF7A;
	s5 =	simm.s32 @!p2 $0x0  }
0x1d: {  	s5 =	simm.s32 @p1 $0x1;
	p0 =	seq.s32 s7, s2  }
0x1e: {  	s7 =	smul.u32 @!p0 $0xF7A, s2;
	p2 =	seq.s32 @!p0 s5, $0x0  }
0x1f: {  	s9 =	smul.u32 $0xF7A, s1;
	s8 =	simm.s32 @!p0 $0x1BF5;
	p2 =	por !p2, p0  }
0x20: {  	[sflag:s8] =	ssyncset.s32 @!p0 $0xFFFFF086;
	s6 =	sadd.s32 @!p0 s3, s7;
	s7 =	simm.s32 @!p0 $0x108  }
0x21: {  	s3 =	sadd.s32 s3, s9;
	s6 =	sadd.s32 @!p0 $0x88, s6;
	s7 =	simm.s32 @p2 $0x1082  }
0x22: {  	[simem:s7], [sflag:s8] =	dma.local @!p0 [hbm:s6], $0xF7A  }
0x23: {  	s9 =	sor.u32 $0xD0000000, s2;
	s6 =	simm.s32 $0x108;
	_ =	swait.ge @!p0 [sflag:s8], $0x0  }
0x24: {  	s3 =	sadd.s32 $0x88, s3;
	s6 =	simm.s32 @!p1 $0x1082;
	[sflag:s4] =	ssyncset.s32 $0xFFFFF086  }
0x25: {  	[simem:s6], [sflag:s4] =	dma.local [hbm:s3], $0xF7A  }
0x26: {  	[smem:$0x3F92] =	sst s1;
	(tag) =	ssettag s2;
	_ =	strace s9  }
0x27: {  	s1 =	sld [smem:$0x3FA2]  }
0x28: {  	s2 =	sld [smem:$0x3FA3]  }
0x29: {  	s4 =	sld [smem:$0x3FA5]  }
0x2a: {  	p0 =	seq.s32 s5, $0x0;
	s5 =	sld [smem:$0x3FA6]  }
0x2b: {  	s6 =	sld [smem:$0x3FA7]  }
0x2c: {  	s7 =	sld [smem:$0x3FA8]  }
0x2d: {  	s3 =	simm.s32 $0x108;
	s8 =	sld [smem:$0x3FA9]  }
0x2e: {  	s3 =	simm.s32 @!p0 $0x1082;
	s9 =	sld [smem:$0x3FAA]  }
0x2f: {  	lr =	sadd.s32 s0, s3;
	s0 =	sld [smem:$0x3FA1]  }
0x30: {  	s3 =	sld [smem:$0x3FA4]  }
0x31: {  	[smem:$0x3FAD] =	sst s10  }
0x32: {  	s10 =	sld [smem:$0x3FAB];
	_ =	sdelay $0x3  }
0x33: {  	p0 =	seq.s32 s10, $0x1;
	s10 =	sld [smem:$0x3FAD];
	_ =	sdelay $0x3  }
0x34: {  	[smem:$0x3FAD] =	sst s10  }
0x35: {  	s10 =	sld [smem:$0x3FAC];
	_ =	sdelay $0x3  }
0x36: {  	p1 =	seq.s32 s10, $0x1;
	s10 =	sld [smem:$0x3FAD];
	_ =	sdelay $0x3  }
0x37: {  	[smem:$0x3FAD] =	sst s10  }
0x38: {  	s10 =	sld [smem:$0x3FAE]  }
0x39: {  	_ = 	snop;
	(pc) =	sbr.ind lr, $3  }
0x3a: {  	_ = 	snop  }
0x3b: {  	_ = 	snop  }
0x3c: {  	p2 =	seq.s32 s10, $0x1;
	s10 =	sld [smem:$0x3FAD]  }
0x3d: {  	_ =	shalt  }
0x3e: {  	_ =	shalt  }
0x3f: {  	_ =	shalt  }
0x40: {  	_ =	shalt  }
0x41: {  	_ =	shalt  }
0x42: {  	_ =	shalt  }
0x43: {  	_ =	shalt  }
0x44: {  	_ =	shalt  }
0x45: {  	_ =	shalt  }
0x46: {  	_ =	shalt  }
0x47: {  	_ =	shalt  }
0x48: {  	_ =	shalt  }
0x49: {  	_ =	shalt  }
0x4a: {  	_ =	shalt  }
0x4b: {  	_ =	shalt  }
0x4c: {  	_ =	shalt  }
0x4d: {  	_ =	shalt  }
0x4e: {  	_ =	shalt  }
0x4f: {  	_ =	shalt  }
0x50: {  	_ =	shalt  }
0x51: {  	_ =	shalt  }
0x52: {  	_ =	shalt  }
0x53: {  	_ =	shalt  }
0x54: {  	_ =	shalt  }
0x55: {  	_ =	shalt  }
0x56: {  	_ =	shalt  }
0x57: {  	_ =	shalt  }
0x58: {  	_ =	shalt  }
0x59: {  	_ =	shalt  }
0x5a: {  	_ =	shalt  }
0x5b: {  	_ =	shalt  }
0x5c: {  	_ =	shalt  }
0x5d: {  	_ =	shalt  }
0x5e: {  	_ =	shalt  }
0x5f: {  	_ =	shalt  }
0x60: {  	_ =	shalt  }
0x61: {  	_ =	shalt  }
0x62: {  	_ =	shalt  }
0x63: {  	_ =	shalt  }
0x64: {  	_ =	shalt  }
0x65: {  	_ =	shalt  }
0x66: {  	_ =	shalt  }
0x67: {  	_ =	shalt  }
0x68: {  	_ =	shalt  }
0x69: {  	_ =	shalt  }
0x6a: {  	_ =	shalt  }
0x6b: {  	_ =	shalt  }
0x6c: {  	_ =	shalt  }
0x6d: {  	_ =	shalt  }
0x6e: {  	_ =	shalt  }
0x6f: {  	_ =	shalt  }
0x70: {  	_ =	shalt  }
0x71: {  	_ =	shalt  }
0x72: {  	_ =	shalt  }
0x73: {  	_ =	shalt  }
0x74: {  	_ =	shalt  }
0x75: {  	_ =	shalt  }
0x76: {  	_ =	shalt  }
0x77: {  	_ =	shalt  }
0x78: {  	_ =	shalt  }
0x79: {  	_ =	shalt  }
0x7a: {  	_ =	shalt  }
0x7b: {  	_ =	shalt  }
0x7c: {  	_ =	shalt  }
0x7d: {  	_ =	shalt  }
0x7e: {  	_ =	shalt  }
0x7f: {  	_ =	shalt  }
0x80: {  	_ =	shalt  }
0x81: {  	_ =	shalt  }
0x82: {  	_ =	shalt  }
0x83: {  	_ =	shalt  }
0x84: {  	_ =	shalt  }
0x85: {  	_ =	shalt  }
0x86: {  	_ =	shalt  }
0x87: {  	_ =	shalt  }
.Lfunc_end0:
.L_simem_size_0:
called_computation_lowered:
.L_overlay_start_0:
0x88: {  	s2 =	sld [smem:$0x3FD9]  }
0x89: {  	s3 =	sld [smem:$0x3FFE];
	_ =	sdelay $0x1  }
0x8a: {  	s1 =	srdreg.scid  }
0x8b: {  	s0 =	sand.u32 $0x1, s1  }
0x8c: {  	s15 =	sshll.u32 s0, $0xA;
	s2 =	sadd.s32 s3, s2  }
0x8d: {  	s2 =	sadd.s32 s2, s15  }
0x8e: {  	[smem:$0x3FB9] =	sst s2  }
0x8f: {  	_ = 	snop  }
0x90: {  	s2 =	sld [smem:$0x3FD0];
	_ =	sdelay $0x2  }
0x91: {  	s16 =	simm.s32 $0xB;
	s4 =	simm.s32 $0x10  }
0x92: {  	[smem:s4], [sflag:s16] =	dma.local [hbm:s2], $0x1  }
0x93: {  	_ =	swait.eq [sflag:s16], $0x1  }
0x94: {  	[sflag:s16] =	ssyncset.done $0x0  }
0x95: {  	s17 =	sld [smem:$0x11];
	[sflag:s16] =	ssyncadd.s32 $0xFFFFFFFF  }
0x96: {  	s18 =	sld [smem:$0x13];
	(tm) =	ssettm $0x1  }
0x97: {  	s19 =	sld [smem:$0x3FFB];
	_ =	sdelay $0x3  }
0x98: {  	_ =	strace s19  }
0x99: {  	s4 =	sld [smem:$0x3FFC];
	_ =	sdelay $0x3  }
0x9a: {  	_ =	strace s4  }
0x9b: {  	s4 =	sld [smem:$0x3FFD];
	_ =	sdelay $0x3  }
0x9c: {  	_ =	strace s4  }
0x9d: {  	_ =	strace $0x8FFFFFFF  }
0x9e: {  	s20 =	sld [smem:$0x3FDB];
	_ =	sdelay $0x1  }
0x9f: {  	s5 =	simm.s32 $_scs_section_size  }
0xa0: {  	s6 =	simm.s32 $_size__tile_overlayer_lowered;
	s7 =	simm.s32 $_tile_overlayer_lowered  }
0xa1: {  	s23 =	simm.s32 $0x1BFF;
	s22 =	sshll.u32 s7, $0x1;
	s4 =	sadd.s32 s5, s20  }
0xa2: {  	s8 =	simm.s32 $0x0;
	s21 =	sshll.u32 s6, $0x1;
	s6 =	sadd.s32 s22, s4  }
0xa3: {  	[timem:s8], [sflag:s23] =	dma.local [hbm:s6], s21  }
0xa4: {  	_ =	swait.ge [sflag:s23], s21  }
0xa5: {  	s5 =	ssub.s32 $0x0, s21;
	[sflag:s23] =	ssyncset.done $0x0  }
0xa6: {  	[sflag:s23] =	ssyncadd.s32 s5;
	_ =	sdelay $0x1  }
0xa7: {  	s24 =	simm.s32 $0x1B8B  }
0xa8: {  	_ =	swait.ge [sflag:s24], $0x1  }
0xa9: {  	[sflag:s24] =	ssyncset.done $0x0  }
0xaa: {  	s25 =	simm.s32 $0x1B8E;
	[sflag:s24] =	ssyncadd.s32 $0xFFFFFFFF  }
0xab: {  	s26 =	simm.s32 $execute0_lowered;
	[smem:$0x3FD2] =	sst s25  }
0xac: {  	s5 =	sshll.u32 s26, $0x1;
	_ =	strace $0x80000046;
	[dreg:$0x1] =	wrdreg $0xFFFFFFFF  }
0xad: {  	s28 =	simm.s32 $_size_execute0_lowered;
	s4 =	sadd.s32 s4, s5;
	[dreg:$0x0] =	wrdreg $0x0  }
0xae: {  	s5 =	sshll.u32 s28, $0x1;
	[dreg:$0x2] =	wrdreg s4  }
0xaf: {  	[dreg:$0x3] =	wrdreg s5  }
0xb0: {  	[dreg:$0x4] =	wrdreg $0xC0  }
0xb1: {  	_ =	task [dreg:s8], $0x5FFFF  }
0xb2: {  	[dreg:$0x1] =	wrdreg $0xFFFFFFFF  }
0xb3: {  	[dreg:$0x0] =	wrdreg $0x60  }
0xb4: {  	[dreg:$0x2] =	wrdreg s17  }
0xb5: {  	[dreg:$0x3] =	wrdreg s18  }
0xb6: {  	[dreg:$0x4] =	wrdreg $0x9  }
0xb7: {  	_ =	task.clear_ibuf [dreg:s8], $0x5FFFF;
	_ =	strace $0x90000046  }
0xb8: {  	s29 =	simm.s32 $0x9;
	_ =	strace $0x80000048  }
0xb9: {  	_ =	swait.ge [sflag:s29], $0x1  }
0xba: {  	[sflag:s29] =	ssyncadd.s32 $0xFFFFFFFF  }
0xbb: {  	_ =	strace $0x90000048  }
0xbc: {  	_ =	sfence  }
0xbd: {  	s30 =	sld [smem:$0x0];
	_ =	sdelay $0x2  }
0xbe: {  	s31 =	sshll.u32 s1, $0xD;
	s1 =	sshrl.u32 s1, $0x2  }
0xbf: {  	s3 =	sand.u32 $0x4000, s31;
	s1 =	sadd.s32 s1, s30  }
0xc0: {  	s0 =	sor.u32 s3, s0;
	s1 =	sshll.u32 s1, $0x11  }
0xc1: {  	s0 =	sor.u32 s1, s0  }
0xc2: {  	s0 =	sadd.s32 $0x8F2B, s0  }
0xc3: {  	[sflag:s0] =	ssyncadd.remote.s32 $0x1  }
0xc4: {  	_ =	sfence.sel $0xFFFF  }
0xc5: {  	[dreg:$0x0] =	wrdreg $0xFFFFFFFF;
	(pc) =	sbr.abs _section_cstart, $3  }
0xc6: {  	[dreg:$0x1] =	wrdreg $0xFFFFFFFF  }
0xc7: {  	_ =	task.clear_ibuf [dreg:s8], $0x2FFFF;
	_ =	strace $0x9FFFFFFF  }
0xc8: {  	(tm) =	ssettm $0x7FFFFFFF  }
0xc9: {  	_ =	shalt  }
tec
execute0_lowered:
.L_overlay_start_1:
0x0: {  	(tag) =	ssettag $0x1  }
0x1: {  	s0 =	srdreg.scid  }
0x2: {  	s4 =	sand.u32 $0x1, s0  }
0x3: {  	s3 =	rddreg [dreg:$0x0];
	s1 =	stileid.u32;
	s2 =	sshll.u32 s4, $0x4  }
0x4: {  	s5 =	rddreg [dreg:$0x1];
	s6 =	sor.u32 s1, s2  }
0x5: {  	s4 =	ssub.s32 $0x2, s4;
	s2 =	simm.s32 $0x0;
	s7 =	smul.u32 $0x500, s6  }
0x6: {  	s8 =	sshrl.u32 s4, $0x1;
	[smem:$0x7FF] =	sst s2;
	s6 =	smul.u32 $0x4F0, s6  }
0x7: {  	s0 =	rddreg [dreg:$0x2];
	s8 =	ssub.s32 s4, s8;
	_ =	strace $0x80000047  }
0x8: {  	s3 =	sadd.s32 s3, s7;
	s4 =	sadd.s32 s5, s6;
	s5 =	smax.u32 s8, $0x1  }
0x9: {  	v0 =	vimm.f32 $0.0e+00;
	v1 =	vimm.f32 $1.000000000e+00;
	s6 =	simm.s32 $0x1;
	s7 =	simm.s32 $0x2800;
	s8 =	simm.s32 $0x0  }
.LBB2_1:
0xa: {  	[tilespmem:s2], [sflag:$0x1] =	stream.linear.gather [hbm4b:s3+s2], $0x2800, $0x38;
	[tilespmem:$0x4F80] =	vst v63  }
0xb: {  	_ =	swait.ge [sflag:s6], $0x2800  }
0xc: {  	[sflag:s6] =	ssyncset.done $0x0  }
0xd: {  	s9 =	simm.s32 $0x0;
	[sflag:s6] =	ssyncadd.s32 $0xFFFFD800  }
.LBB2_2:
0xe: {  	p0 =	sne.s32 s9, $0x9DC0  }
.Ltmp0:
0xf: {  	_ = 	snop;
	(pc) =	sbr.rel @p0 .LBB2_2-.Ltmp0, $3  }
0x10: {  	_ =	sdelay $0x1  }
0x11: {  	s10 =	sshra.s32 s9, $0x2  }
0x12: {  	s9 =	sadd.s32 $0x40, s9;
	[tilespmem:s10+$0x2800] =	vst v0  }
0x13: {  	s9 =	simm.s32 $0x0  }
0x14: {  	s10 =	sand.u32 $0xFE00, s9  }
0x15: {  	s9 =	sand.u32 $0x70, s9;
	s10 =	sshrl.u32 s10, $0x2  }
0x16: {  	s9 =	sor.u32 s9, s10  }
0x17: {  	v2 =	vld [tilespmem:s9+$0x0];
	_ =	sdelay $0x4  }
0x18: {  	s11 =	simm.s32 $0x40  }
0x19: {  	s11 =	sand.u32 $0xFE00, s11;
	s10 =	simm.s32 $0x80;
	s9 =	simm.s32 $0x10  }
.LBB2_4:
0x1a: {  	p0 =	sne.s32 s10, $0x9FC0;
	s12 =	sand.u32 $0x70, s9;
	s11 =	sshrl.u32 s11, $0x2  }
0x1b: {  	s11 =	sor.u32 s12, s11;
	[tilespmem:v2+s7+$0x0] =	vst.idx.add.f32.msk $0xffff, v1  }
0x1c: {  	v2 =	vld [tilespmem:s11+$0x0];
	_ =	sdelay $0x1  }
.Ltmp1:
0x1d: {  	(pc) =	sbr.rel @p0 .LBB2_4-.Ltmp1, $2  }
0x1e: {  	_ =	sdelay $0x2  }
0x1f: {  	s9 =	sadd.s32 $0x10, s9;
	s11 =	sand.u32 $0xFE00, s10;
	s10 =	sadd.s32 $0x40, s10  }
0x20: {  	_ =	sdelay $0x2  }
0x21: {  	s9 =	sand.u32 $0x70, s9;
	s10 =	sshrl.u32 s11, $0x2  }
0x22: {  	[tilespmem:v2+s7+$0x0] =	vst.idx.add.f32.msk $0xffff, v1;
	s9 =	sor.u32 s9, s10  }
0x23: {  	v2 =	vld [tilespmem:s9+$0x0];
	_ =	sdelay $0x5  }
0x24: {  	s8 =	sadd.s32 $0x1, s8  }
0x25: {  	p0 =	sne.s32 s8, s5  }
.Ltmp2:
0x26: {  	[tilespmem:v2+s7+$0x0] =	vst.idx.add.f32.msk $0xffff, v1;
	(pc) =	sbr.rel @p0 .LBB2_1-.Ltmp2, $4  }
0x27: {  	[hbm4b:s4+s2] =	stream.linear.scatter [tilespmem:s7], [sflag:$0x1], $0x2780, $0x38;
	[tilespmem:$0x4F80] =	vst v63  }
0x28: {  	_ =	swait.ge [sflag:s6], $0x2780  }
0x29: {  	[sflag:s6] =	ssyncset.done $0x0  }
0x2a: {  	[sflag:s6] =	ssyncadd.s32 $0xFFFFD880  }
0x2b: {  	_ =	sfence.sel $0x180000  }
0x2c: {  	[bflag:$0x0] =	sbarrier.arrive $0xFFFF  }
0x2d: {  	p0 =	sne.s32 s1, $0x0;
	_ =	strace $0x90000047  }
0x2e: {  	s0 =	sadd.s32 @!p0 $0x100000, s0;
	[bflag:$0x2] =	sbarrier.arrive $0xFFFF  }
0x2f: {  	[sflag:s0] =	ssyncadd.tile.s32 @!p0 $0x1;
	_ =	shalt  }
.Lfunc_end2:
_tile_overlayer_lowered:
.L_overlay_start_2:
0x30: {  	(tag) =	ssettag $0x2  }
0x31: {  	s0 =	rddreg [dreg:$0x0];
	s2 =	stileid.u32  }
0x32: {  	s1 =	rddreg [dreg:$0x1];
	p0 =	sne.s32 s2, $0x0  }
0x33: {  	s3 =	rddreg [dreg:$0x2];
	[bflag:$0x3] =	sbarrier.arrive $0xFFFF;
	s2 =	simm.s32 @!p0 $0x1C01  }
0x34: {  	[timem:s3], [sflag:s2] =	dma.local @!p0 [hbm:s0], s1  }
0x35: {  	s0 =	simm.s32 @!p0 $0x1  }
0x36: {  	_ =	swait.ge @!p0 [sflag:s0], s1  }
0x37: {  	s1 =	ssub.s32 @!p0 $0x0, s1;
	[sflag:s0] =	ssyncset.done @!p0 $0x0  }
0x38: {  	[sflag:s0] =	ssyncadd.s32 @!p0 s1  }
0x39: {  	[bflag:$0x3] =	sbarrier.arrive $0xFFFF  }
0x3a: {  	_ =	shalt  }

// kernel: kernel.16.cloned.1.call-start
scs
__scs_entry_jumppad:
0x0: {  	(pc) =	sbr.rel $0x88, $3  }
0x1: {  	(tag) =	ssettag $0x0;
	lr =	simm.s32 $0x1  }
0x2: {  	[smem:$0x3F92] =	sst lr;
	_ =	strace $0xD0000000  }
0x3: {  	_ = 	snop  }
0x4: {  	_ = 	snop  }
0x5: {  	_ = 	snop  }
0x6: {  	_ = 	snop  }
0x7: {  	_ = 	snop  }
__scs_overlays_trampoline_lowered:
0x8: {  	[smem:$0x3FA1] =	sst s0  }
0x9: {  	[smem:$0x3FA2] =	sst s1  }
0xa: {  	[smem:$0x3FA3] =	sst s2  }
0xb: {  	[smem:$0x3FA4] =	sst s3  }
0xc: {  	[smem:$0x3FA5] =	sst s4  }
0xd: {  	[smem:$0x3FA6] =	sst s5  }
0xe: {  	[smem:$0x3FA7] =	sst s6  }
0xf: {  	[smem:$0x3FA8] =	sst s7  }
0x10: {  	[smem:$0x3FA9] =	sst s8  }
0x11: {  	[smem:$0x3FAA] =	sst s9;
	s0 =	simm.s32 @!p0 $0x0  }
0x12: {  	s1 =	sld [smem:$0x3F90];
	s0 =	simm.s32 @p0 $0x1  }
0x13: {  	[smem:$0x3FAB] =	sst s0;
	s0 =	simm.s32 @!p1 $0x0  }
0x14: {  	s2 =	sld [smem:$0x3F8F];
	s0 =	simm.s32 @p1 $0x1  }
0x15: {  	[smem:$0x3FAC] =	sst s0;
	s0 =	simm.s32 @!p2 $0x0  }
0x16: {  	s3 =	sld [smem:$0x3FDB];
	s0 =	simm.s32 @p2 $0x1  }
0x17: {  	s4 =	simm.s32 $0x1BF5;
	[smem:$0x3FAE] =	sst s0  }
0x18: {  	s0 =	sld [smem:$0x3F91];
	_ =	swait.ge [sflag:s4], $0x0  }
0x19: {  	s7 =	sld [smem:$0x3F92]  }
0x1a: {  	s8 =	sadd.s32 $0xFFFFE003, lr  }
0x1b: {  	s9 =	sadd.s32 $0xFFFFFEF7, lr;
	s5 =	simm.s32 $0xFFFFFFFF;
	p2 =	slt.u32 s8, $0xFFFFF086  }
0x1c: {  	p1 =	slt.u32 s9, $0xF7A;
	s5 =	simm.s32 @!p2 $0x0  }
0x1d: {  	s5 =	simm.s32 @p1 $0x1;
	p0 =	seq.s32 s7, s2  }
0x1e: {  	s7 =	smul.u32 @!p0 $0xF7A, s2;
	p2 =	seq.s32 @!p0 s5, $0x0  }
0x1f: {  	s9 =	smul.u32 $0xF7A, s1;
	s8 =	simm.s32 @!p0 $0x1BF5;
	p2 =	por !p2, p0  }
0x20: {  	[sflag:s8] =	ssyncset.s32 @!p0 $0xFFFFF086;
	s6 =	sadd.s32 @!p0 s3, s7;
	s7 =	simm.s32 @!p0 $0x108  }
0x21: {  	s3 =	sadd.s32 s3, s9;
	s6 =	sadd.s32 @!p0 $0x88, s6;
	s7 =	simm.s32 @p2 $0x1082  }
0x22: {  	[simem:s7], [sflag:s8] =	dma.local @!p0 [hbm:s6], $0xF7A  }
0x23: {  	s9 =	sor.u32 $0xD0000000, s2;
	s6 =	simm.s32 $0x108;
	_ =	swait.ge @!p0 [sflag:s8], $0x0  }
0x24: {  	s3 =	sadd.s32 $0x88, s3;
	s6 =	simm.s32 @!p1 $0x1082;
	[sflag:s4] =	ssyncset.s32 $0xFFFFF086  }
0x25: {  	[simem:s6], [sflag:s4] =	dma.local [hbm:s3], $0xF7A  }
0x26: {  	[smem:$0x3F92] =	sst s1;
	(tag) =	ssettag s2;
	_ =	strace s9  }
0x27: {  	s1 =	sld [smem:$0x3FA2]  }
0x28: {  	s2 =	sld [smem:$0x3FA3]  }
0x29: {  	s4 =	sld [smem:$0x3FA5]  }
0x2a: {  	p0 =	seq.s32 s5, $0x0;
	s5 =	sld [smem:$0x3FA6]  }
0x2b: {  	s6 =	sld [smem:$0x3FA7]  }
0x2c: {  	s7 =	sld [smem:$0x3FA8]  }
0x2d: {  	s3 =	simm.s32 $0x108;
	s8 =	sld [smem:$0x3FA9]  }
0x2e: {  	s3 =	simm.s32 @!p0 $0x1082;
	s9 =	sld [smem:$0x3FAA]  }
0x2f: {  	lr =	sadd.s32 s0, s3;
	s0 =	sld [smem:$0x3FA1]  }
0x30: {  	s3 =	sld [smem:$0x3FA4]  }
0x31: {  	[smem:$0x3FAD] =	sst s10  }
0x32: {  	s10 =	sld [smem:$0x3FAB];
	_ =	sdelay $0x3  }
0x33: {  	p0 =	seq.s32 s10, $0x1;
	s10 =	sld [smem:$0x3FAD];
	_ =	sdelay $0x3  }
0x34: {  	[smem:$0x3FAD] =	sst s10  }
0x35: {  	s10 =	sld [smem:$0x3FAC];
	_ =	sdelay $0x3  }
0x36: {  	p1 =	seq.s32 s10, $0x1;
	s10 =	sld [smem:$0x3FAD];
	_ =	sdelay $0x3  }
0x37: {  	[smem:$0x3FAD] =	sst s10  }
0x38: {  	s10 =	sld [smem:$0x3FAE]  }
0x39: {  	_ = 	snop;
	(pc) =	sbr.ind lr, $3  }
0x3a: {  	_ = 	snop  }
0x3b: {  	_ = 	snop  }
0x3c: {  	p2 =	seq.s32 s10, $0x1;
	s10 =	sld [smem:$0x3FAD]  }
0x3d: {  	_ =	shalt  }
0x3e: {  	_ =	shalt  }
0x3f: {  	_ =	shalt  }
0x40: {  	_ =	shalt  }
0x41: {  	_ =	shalt  }
0x42: {  	_ =	shalt  }
0x43: {  	_ =	shalt  }
0x44: {  	_ =	shalt  }
0x45: {  	_ =	shalt  }
0x46: {  	_ =	shalt  }
0x47: {  	_ =	shalt  }
0x48: {  	_ =	shalt  }
0x49: {  	_ =	shalt  }
0x4a: {  	_ =	shalt  }
0x4b: {  	_ =	shalt  }
0x4c: {  	_ =	shalt  }
0x4d: {  	_ =	shalt  }
0x4e: {  	_ =	shalt  }
0x4f: {  	_ =	shalt  }
0x50: {  	_ =	shalt  }
0x51: {  	_ =	shalt  }
0x52: {  	_ =	shalt  }
0x53: {  	_ =	shalt  }
0x54: {  	_ =	shalt  }
0x55: {  	_ =	shalt  }
0x56: {  	_ =	shalt  }
0x57: {  	_ =	shalt  }
0x58: {  	_ =	shalt  }
0x59: {  	_ =	shalt  }
0x5a: {  	_ =	shalt  }
0x5b: {  	_ =	shalt  }
0x5c: {  	_ =	shalt  }
0x5d: {  	_ =	shalt  }
0x5e: {  	_ =	shalt  }
0x5f: {  	_ =	shalt  }
0x60: {  	_ =	shalt  }
0x61: {  	_ =	shalt  }
0x62: {  	_ =	shalt  }
0x63: {  	_ =	shalt  }
0x64: {  	_ =	shalt  }
0x65: {  	_ =	shalt  }
0x66: {  	_ =	shalt  }
0x67: {  	_ =	shalt  }
0x68: {  	_ =	shalt  }
0x69: {  	_ =	shalt  }
0x6a: {  	_ =	shalt  }
0x6b: {  	_ =	shalt  }
0x6c: {  	_ =	shalt  }
0x6d: {  	_ =	shalt  }
0x6e: {  	_ =	shalt  }
0x6f: {  	_ =	shalt  }
0x70: {  	_ =	shalt  }
0x71: {  	_ =	shalt  }
0x72: {  	_ =	shalt  }
0x73: {  	_ =	shalt  }
0x74: {  	_ =	shalt  }
0x75: {  	_ =	shalt  }
0x76: {  	_ =	shalt  }
0x77: {  	_ =	shalt  }
0x78: {  	_ =	shalt  }
0x79: {  	_ =	shalt  }
0x7a: {  	_ =	shalt  }
0x7b: {  	_ =	shalt  }
0x7c: {  	_ =	shalt  }
0x7d: {  	_ =	shalt  }
0x7e: {  	_ =	shalt  }
0x7f: {  	_ =	shalt  }
0x80: {  	_ =	shalt  }
0x81: {  	_ =	shalt  }
0x82: {  	_ =	shalt  }
0x83: {  	_ =	shalt  }
0x84: {  	_ =	shalt  }
0x85: {  	_ =	shalt  }
0x86: {  	_ =	shalt  }
0x87: {  	_ =	shalt  }
.Lfunc_end0:
.L_simem_size_0:
called_computation.1_lowered:
.L_overlay_start_0:
0x88: {  	s2 =	sld [smem:$0x3FD9]  }
0x89: {  	s3 =	sld [smem:$0x3FFE];
	_ =	sdelay $0x1  }
0x8a: {  	s1 =	srdreg.scid  }
0x8b: {  	s0 =	sand.u32 $0x1, s1  }
0x8c: {  	s14 =	sshll.u32 s0, $0xA;
	s2 =	sadd.s32 s3, s2  }
0x8d: {  	s2 =	sadd.s32 s2, s14  }
0x8e: {  	[smem:$0x3FB9] =	sst s2  }
0x8f: {  	_ = 	snop  }
0x90: {  	s2 =	sld [smem:$0x3FD0];
	_ =	sdelay $0x2  }
0x91: {  	s15 =	simm.s32 $0xB;
	s4 =	simm.s32 $0x10  }
0x92: {  	[smem:s4], [sflag:s15] =	dma.local [hbm:s2], $0x1  }
0x93: {  	_ =	swait.eq [sflag:s15], $0x1  }
0x94: {  	s16 =	sld [smem:$0x11];
	[sflag:s15] =	ssyncset.done $0x0  }
0x95: {  	s17 =	sld [smem:$0x12];
	[sflag:s15] =	ssyncadd.s32 $0xFFFFFFFF  }
0x96: {  	s18 =	sld [smem:$0x13];
	(tm) =	ssettm $0x1  }
0x97: {  	s5 =	sld [smem:$0x3FFB];
	_ =	sdelay $0x3  }
0x98: {  	_ =	strace s5  }
0x99: {  	s5 =	sld [smem:$0x3FFC];
	_ =	sdelay $0x3  }
0x9a: {  	_ =	strace s5  }
0x9b: {  	s5 =	sld [smem:$0x3FFD];
	_ =	sdelay $0x3  }
0x9c: {  	_ =	strace s5  }
0x9d: {  	_ =	strace $0x8FFFFFFF  }
0x9e: {  	s19 =	sld [smem:$0x3FDB];
	_ =	sdelay $0x1  }
0x9f: {  	s6 =	simm.s32 $_scs_section_size  }
0xa0: {  	s7 =	simm.s32 $_size__tile_overlayer_lowered;
	s8 =	simm.s32 $_tile_overlayer_lowered  }
0xa1: {  	s22 =	simm.s32 $0x1BFF;
	s21 =	sshll.u32 s8, $0x1;
	s5 =	sadd.s32 s6, s19  }
0xa2: {  	s9 =	simm.s32 $0x0;
	s20 =	sshll.u32 s7, $0x1;
	s7 =	sadd.s32 s21, s5  }
0xa3: {  	[timem:s9], [sflag:s22] =	dma.local [hbm:s7], s20  }
0xa4: {  	_ =	swait.ge [sflag:s22], s20  }
0xa5: {  	s6 =	ssub.s32 $0x0, s20;
	[sflag:s22] =	ssyncset.done $0x0  }
0xa6: {  	[sflag:s22] =	ssyncadd.s32 s6;
	_ =	sdelay $0x1  }
0xa7: {  	s23 =	simm.s32 $0x1B8B  }
0xa8: {  	_ =	swait.ge [sflag:s23], $0x1  }
0xa9: {  	[sflag:s23] =	ssyncset.done $0x0  }
0xaa: {  	s25 =	simm.s32 $0x1B8E;
	s24 =	sld [smem:$0x3FFE];
	[sflag:s23] =	ssyncadd.s32 $0xFFFFFFFF  }
0xab: {  	s26 =	simm.s32 $execute0_lowered;
	[smem:$0x3FD2] =	sst s25  }
0xac: {  	s7 =	sshll.u32 s26, $0x1;
	_ =	strace $0x80000049;
	[dreg:$0x1] =	wrdreg $0xFFFFFFFF  }
0xad: {  	s28 =	simm.s32 $_size_execute0_lowered;
	s5 =	sadd.s32 s5, s7;
	[dreg:$0x0] =	wrdreg $0x0  }
0xae: {  	s7 =	sshll.u32 s28, $0x1;
	[dreg:$0x2] =	wrdreg s5  }
0xaf: {  	[dreg:$0x3] =	wrdreg s7  }
0xb0: {  	[dreg:$0x4] =	wrdreg $0xC0  }
0xb1: {  	_ =	task [dreg:s9], $0x5FFFF  }
0xb2: {  	[dreg:$0x1] =	wrdreg $0xFFFFFFFF  }
0xb3: {  	[dreg:$0x0] =	wrdreg $0x60  }
0xb4: {  	[dreg:$0x2] =	wrdreg s17  }
0xb5: {  	[dreg:$0x3] =	wrdreg s16  }
0xb6: {  	[dreg:$0x4] =	wrdreg s18  }
0xb7: {  	[dreg:$0x5] =	wrdreg s24  }
0xb8: {  	[dreg:$0x6] =	wrdreg $0x114000  }
0xb9: {  	[dreg:$0x7] =	wrdreg $0x9  }
0xba: {  	_ =	task.clear_ibuf [dreg:s9], $0x8FFFF;
	_ =	strace $0x90000049  }
0xbb: {  	s29 =	simm.s32 $0x9;
	_ =	strace $0x8000004B  }
0xbc: {  	_ =	swait.ge [sflag:s29], $0x1  }
0xbd: {  	[sflag:s29] =	ssyncadd.s32 $0xFFFFFFFF  }
0xbe: {  	_ =	strace $0x9000004B  }
0xbf: {  	_ =	sfence  }
0xc0: {  	s30 =	sld [smem:$0x0];
	_ =	sdelay $0x2  }
0xc1: {  	s31 =	sshll.u32 s1, $0xD;
	s1 =	sshrl.u32 s1, $0x2  }
0xc2: {  	s3 =	sand.u32 $0x4000, s31;
	s1 =	sadd.s32 s1, s30  }
0xc3: {  	s0 =	sor.u32 s3, s0;
	s1 =	sshll.u32 s1, $0x11  }
0xc4: {  	s0 =	sor.u32 s1, s0  }
0xc5: {  	s0 =	sadd.s32 $0x8F2B, s0  }
0xc6: {  	[sflag:s0] =	ssyncadd.remote.s32 $0x1  }
0xc7: {  	_ =	sfence.sel $0xFFFF  }
0xc8: {  	[dreg:$0x0] =	wrdreg $0xFFFFFFFF;
	(pc) =	sbr.abs _section_cstart, $3  }
0xc9: {  	[dreg:$0x1] =	wrdreg $0xFFFFFFFF  }
0xca: {  	_ =	task.clear_ibuf [dreg:s9], $0x2FFFF;
	_ =	strace $0x9FFFFFFF  }
0xcb: {  	(tm) =	ssettm $0x7FFFFFFF  }
tec
execute0_lowered:
.L_overlay_start_1:
0x0: {  	(tag) =	ssettag $0x1  }
0x1: {  	s6 =	rddreg [dreg:$0x0]  }
0x2: {  	s7 =	rddreg [dreg:$0x1]  }
0x3: {  	s2 =	rddreg [dreg:$0x2]  }
0x4: {  	s5 =	rddreg [dreg:$0x3]  }
0x5: {  	s3 =	rddreg [dreg:$0x4];
	s0 =	stileid.u32  }
0x6: {  	s8 =	srdreg.scid;
	s4 =	simm.s32 $0x0;
	s15 =	simm.s32 $0x80  }
0x7: {  	s16 =	simm.s32 $0x9400;
	s17 =	simm.s32 $0xB400;
	s18 =	simm.s32 $0x100  }
0x8: {  	s19 =	simm.s32 $0xD400;
	s20 =	simm.s32 $0x180;
	s21 =	simm.s32 $0xF400  }
0x9: {  	s22 =	simm.s32 $0x1;
	s23 =	simm.s32 $0x2;
	s9 =	smul.u32 $0x9E00, s0  }
0xa: {  	s24 =	simm.s32 $0x3;
	s25 =	simm.s32 $0x4;
	s12 =	smul.u32 $0xC, s0  }
0xb: {  	s26 =	simm.s32 $0x0;
	s8 =	sand.u32 $0x1, s8;
	s13 =	smul.u32 $0x94, s0  }
0xc: {  	[smem:$0x7FF] =	sst s4;
	s31 =	sshll.u32 s0, $0x6;
	s10 =	smul.u32 $0x9E000, s8  }
0xd: {  	_ =	strace $0x8000004A;
	p0 =	seq.s32 s8, $0x0;
	s8 =	ssub.s32 $0x2, s8  }
0xe: {  	s11 =	sshrl.u32 s9, $0x3;
	s12 =	sadd.s32 $0x940, s12;
	s29 =	sshrl.u32 s8, $0x1  }
0xf: {  	s14 =	sadd.s32 s9, s3;
	s11 =	sadd.s32 s11, s5;
	s10 =	sadd.s32 s9, s10  }
0x10: {  	s12 =	smov.u32 @p0 s13;
	s13 =	ssub.s32 s8, s29;
	s14 =	sshrl.u32 s14, $0x3  }
0x11: {  	s10 =	sshrl.u32 s10, $0x3;
	s12 =	sshll.u32 s12, $0x4;
	s8 =	sadd.s32 $0x2A400, s11  }
0x12: {  	s11 =	simm.s32 $0x5;
	s10 =	sadd.s32 s10, s5;
	s5 =	simm.s32 $0x94  }
0x13: {  	s6 =	sadd.s32 s6, s12;
	s7 =	sadd.s32 s7, s12;
	s5 =	simm.s32 @!p0 $0xC  }
0x14: {  	s12 =	simm.s32 $0x4A00;
	s9 =	sadd.s32 $0x3E000, s10;
	s30 =	sshll.u32 s5, $0x9  }
0x15: {  	s10 =	smax.u32 s13, $0x1;
	s13 =	sor.u32 $0x1C05, s31;
	[dreg:$0x6] =	wrdreg s30  }
.LBB2_1:
0x16: {  	[tilespmem:s4], [sflag:$0x5] =	stream.linear.gather [hbm4b:s6+s4], $0x4A00, $0x38;
	[tilespmem:$0x1B200] =	vst v63  }
0x17: {  	_ =	swait.ge [sflag:s11], $0x4A00  }
0x18: {  	[sflag:s11] =	ssyncset.done $0x0  }
0x19: {  	[sflag:s11] =	ssyncadd.s32 $0xFFFFB600  }
0x1a: {  	[tilespmem:s12], [sflag:$0x5] =	stream.linear.gather [hbm4b:s7+s4], $0x4A00, $0x38;
	[tilespmem:$0x1B200] =	vst v63  }
0x1b: {  	_ =	swait.ge [sflag:s11], $0x4A00  }
0x1c: {  	[sflag:s11] =	ssyncset.done $0x0  }
0x1d: {  	[sflag:s11] =	ssyncadd.s32 $0xFFFFB600  }
0x1e: {  	[spmem:s14], [sflag:s13] =	dma.local [hbm:s8], $0x13C0  }
0x1f: {  	_ =	swait.ge [sflag:s11], $0x13C0  }
0x20: {  	[sflag:s11] =	ssyncset.done $0x0  }
0x21: {  	[sflag:s11] =	ssyncadd.s32 $0xFFFFEC40  }
0x22: {  	[bflag:$0x0] =	sbarrier.arrive $0xFFFF  }
0x23: {  	[tilespmem:s16], [sflag:$0x1] =	stream.indirect.gather [hbm4b:s2+s15], $0x40, s4, s15, $0xb8;
	[tilespmem:$0x1B200] =	vst v63  }
0x24: {  	_ = 	snop  }
0x25: {  	[tilespmem:s17], [sflag:$0x2] =	stream.indirect.gather [hbm4b:s2+s15], $0x40, s15, s15, $0xb8;
	[tilespmem:$0x1B200] =	vst v63  }
0x26: {  	_ = 	snop  }
0x27: {  	[tilespmem:s19], [sflag:$0x3] =	stream.indirect.gather [hbm4b:s2+s15], $0x40, s18, s15, $0xb8;
	[tilespmem:$0x1B200] =	vst v63  }
0x28: {  	s28 =	simm.s32 $0x4;
	s29 =	simm.s32 $0x0  }
0x29: {  	[tilespmem:s21], [sflag:$0x4] =	stream.indirect.gather [hbm4b:s2+s15], $0x40, s20, s15, $0xb8;
	[tilespmem:$0x1B200] =	vst v63  }
.LBB2_2:
0x2a: {  	_ =	swait.ge [sflag:s22], $0x2000  }
0x2b: {  	s30 =	sshra.s32 s29, $0x2;
	[sflag:s22] =	ssyncset.done $0x0  }
0x2c: {  	s31 =	sadd.s32 $0x4A00, s30;
	[sflag:s22] =	ssyncadd.s32 $0xFFFFE000  }
0x2d: {  	[spmem:s3] =	stream.indirect.scatter.add.f32 [tilespmem:s16], [sflag:$0x5], $0x40, s31, s15, $0xb8;
	[tilespmem:$0x1B200] =	vst v63  }
0x2e: {  	p0 =	sge.u32 s28, s5;
	_ =	swait.ge [sflag:s11], $0x2000  }
0x2f: {  	s0 =	simm.s32 @!p0 $0x80;
	s31 =	sshra.s32 @!p0 s29, $0x2;
	[sflag:s11] =	ssyncset.done $0x0  }
0x30: {  	s1 =	simm.s32 @!p0 $0x9400;
	s31 =	sadd.s32 @!p0 $0x200, s31;
	[sflag:s11] =	ssyncadd.s32 $0xFFFFE000  }
0x31: {  	[tilespmem:s1], [sflag:$0x1] =	stream.indirect.gather @!p0 [hbm4b:s2+s0], $0x40, s31, s0, $0xb8;
	[tilespmem:$0x1B200] =	vst v63  }
0x32: {  	_ =	swait.ge [sflag:s23], $0x2000  }
0x33: {  	[sflag:s23] =	ssyncset.done $0x0  }
0x34: {  	s31 =	sadd.s32 $0x4A80, s30;
	s1 =	sadd.s32 $0x1, s28;
	[sflag:s23] =	ssyncadd.s32 $0xFFFFE000  }
0x35: {  	[spmem:s3] =	stream.indirect.scatter.add.f32 [tilespmem:s17], [sflag:$0x5], $0x40, s31, s15, $0xb8;
	[tilespmem:$0x1B200] =	vst v63  }
0x36: {  	p0 =	sge.u32 s1, s5;
	_ =	swait.ge [sflag:s11], $0x2000  }
0x37: {  	s0 =	sshra.s32 @!p0 s29, $0x2;
	s1 =	simm.s32 @!p0 $0x80;
	[sflag:s11] =	ssyncset.done $0x0  }
0x38: {  	s0 =	sadd.s32 @!p0 $0x280, s0;
	s31 =	simm.s32 @!p0 $0xB400;
	[sflag:s11] =	ssyncadd.s32 $0xFFFFE000  }
0x39: {  	[tilespmem:s31], [sflag:$0x2] =	stream.indirect.gather @!p0 [hbm4b:s2+s1], $0x40, s0, s1, $0xb8;
	[tilespmem:$0x1B200] =	vst v63  }
0x3a: {  	_ =	swait.ge [sflag:s24], $0x2000  }
0x3b: {  	[sflag:s24] =	ssyncset.done $0x0  }
0x3c: {  	s31 =	sadd.s32 $0x4B00, s30;
	s1 =	sadd.s32 $0x2, s28;
	[sflag:s24] =	ssyncadd.s32 $0xFFFFE000  }
0x3d: {  	[spmem:s3] =	stream.indirect.scatter.add.f32 [tilespmem:s19], [sflag:$0x5], $0x40, s31, s15, $0xb8;
	[tilespmem:$0x1B200] =	vst v63  }
0x3e: {  	p0 =	sge.u32 s1, s5;
	_ =	swait.ge [sflag:s11], $0x2000  }
0x3f: {  	s0 =	sshra.s32 @!p0 s29, $0x2;
	s1 =	simm.s32 @!p0 $0x80;
	[sflag:s11] =	ssyncset.done $0x0  }
0x40: {  	s0 =	sadd.s32 @!p0 $0x300, s0;
	s31 =	simm.s32 @!p0 $0xD400;
	[sflag:s11] =	ssyncadd.s32 $0xFFFFE000  }
0x41: {  	[tilespmem:s31], [sflag:$0x3] =	stream.indirect.gather @!p0 [hbm4b:s2+s1], $0x40, s0, s1, $0xb8;
	[tilespmem:$0x1B200] =	vst v63  }
0x42: {  	_ =	swait.ge [sflag:s25], $0x2000  }
0x43: {  	s31 =	sadd.s32 $0x3, s28;
	[sflag:s25] =	ssyncset.done $0x0  }
0x44: {  	s30 =	sadd.s32 $0x4B80, s30;
	p0 =	sge.u32 s31, s5;
	[sflag:s25] =	ssyncadd.s32 $0xFFFFE000  }
0x45: {  	[spmem:s3] =	stream.indirect.scatter.add.f32 [tilespmem:s21], [sflag:$0x5], $0x40, s30, s15, $0xb8;
	[tilespmem:$0x1B200] =	vst v63  }
0x46: {  	s0 =	sshra.s32 @!p0 s29, $0x2;
	s1 =	simm.s32 @!p0 $0x80;
	_ =	swait.ge [sflag:s11], $0x2000  }
0x47: {  	s29 =	sadd.s32 $0x800, s29;
	s0 =	sadd.s32 @!p0 $0x380, s0;
	[sflag:s11] =	ssyncset.done $0x0  }
0x48: {  	s30 =	simm.s32 @!p0 $0xF400;
	s31 =	rddreg [dreg:$0x6];
	[sflag:s11] =	ssyncadd.s32 $0xFFFFE000  }
0x49: {  	[tilespmem:s30], [sflag:$0x4] =	stream.indirect.gather @!p0 [hbm4b:s2+s1], $0x40, s0, s1, $0xb8;
	[tilespmem:$0x1B200] =	vst v63  }
0x4a: {  	p0 =	sne.s32 s31, s29  }
.Ltmp0:
0x4b: {  	_ = 	snop;
	(pc) =	sbr.rel @p0 .LBB2_2-.Ltmp0, $2  }
0x4c: {  	_ =	sdelay $0x2  }
0x4d: {  	s28 =	sadd.s32 $0x4, s28  }
0x4e: {  	s26 =	sadd.s32 $0x1, s26  }
0x4f: {  	p0 =	sne.s32 s26, s10  }
.Ltmp1:
0x50: {  	[bflag:$0x0] =	sbarrier.arrive $0xFFFF;
	(pc) =	sbr.rel @p0 .LBB2_1-.Ltmp1, $4  }
0x51: {  	[hbm:s9], [sflag:s13] =	dma.local [spmem:s14], $0x13C0  }
0x52: {  	_ =	swait.ge [sflag:s11], $0x13C0  }
0x53: {  	[sflag:s11] =	ssyncset.done $0x0  }
0x54: {  	[sflag:s11] =	ssyncadd.s32 $0xFFFFEC40  }
0x55: {  	_ =	sfence.sel $0x180000  }
0x56: {  	[bflag:$0x0] =	sbarrier.arrive $0xFFFF  }
0x57: {  	_ =	strace $0x9000004A  }
0x58: {  	s0 =	stileid.u32;
	[bflag:$0x2] =	sbarrier.arrive $0xFFFF  }
0x59: {  	p0 =	sne.s32 s0, $0x0;
	s0 =	rddreg [dreg:$0x5]  }
0x5a: {  	s0 =	sadd.s32 @!p0 $0x100000, s0  }
0x5b: {  	[sflag:s0] =	ssyncadd.tile.s32 @!p0 $0x1;
	_ =	shalt  }
.Lfunc_end2:
_tile_overlayer_lowered:
.L_overlay_start_2:
0x5c: {  	(tag) =	ssettag $0x2  }
0x5d: {  	s0 =	rddreg [dreg:$0x0];
	s2 =	stileid.u32  }
0x5e: {  	s1 =	rddreg [dreg:$0x1];
	p0 =	sne.s32 s2, $0x0  }
0x5f: {  	s3 =	rddreg [dreg:$0x2];
	[bflag:$0x3] =	sbarrier.arrive $0xFFFF;
	s2 =	simm.s32 @!p0 $0x1C05  }
0x60: {  	[timem:s3], [sflag:s2] =	dma.local @!p0 [hbm:s0], s1  }
0x61: {  	s0 =	simm.s32 @!p0 $0x5  }
0x62: {  	_ =	swait.ge @!p0 [sflag:s0], s1  }
0x63: {  	s1 =	ssub.s32 @!p0 $0x0, s1;
	[sflag:s0] =	ssyncset.done @!p0 $0x0  }
0x64: {  	[sflag:s0] =	ssyncadd.s32 @!p0 s1  }
0x65: {  	[bflag:$0x3] =	sbarrier.arrive $0xFFFF  }
0x66: {  	_ =	shalt  }

// kernel: kernel.19.cloned.1.call-start
scs
__scs_entry_jumppad:
0x0: {  	(pc) =	sbr.rel $0x88, $3  }
0x1: {  	(tag) =	ssettag $0x0;
	lr =	simm.s32 $0x1  }
0x2: {  	[smem:$0x3F92] =	sst lr;
	_ =	strace $0xD0000000  }
0x3: {  	_ = 	snop  }
0x4: {  	_ = 	snop  }
0x5: {  	_ = 	snop  }
0x6: {  	_ = 	snop  }
0x7: {  	_ = 	snop  }
__scs_overlays_trampoline_lowered:
0x8: {  	[smem:$0x3FA1] =	sst s0  }
0x9: {  	[smem:$0x3FA2] =	sst s1  }
0xa: {  	[smem:$0x3FA3] =	sst s2  }
0xb: {  	[smem:$0x3FA4] =	sst s3  }
0xc: {  	[smem:$0x3FA5] =	sst s4  }
0xd: {  	[smem:$0x3FA6] =	sst s5  }
0xe: {  	[smem:$0x3FA7] =	sst s6  }
0xf: {  	[smem:$0x3FA8] =	sst s7  }
0x10: {  	[smem:$0x3FA9] =	sst s8  }
0x11: {  	[smem:$0x3FAA] =	sst s9;
	s0 =	simm.s32 @!p0 $0x0  }
0x12: {  	s1 =	sld [smem:$0x3F90];
	s0 =	simm.s32 @p0 $0x1  }
0x13: {  	[smem:$0x3FAB] =	sst s0;
	s0 =	simm.s32 @!p1 $0x0  }
0x14: {  	s2 =	sld [smem:$0x3F8F];
	s0 =	simm.s32 @p1 $0x1  }
0x15: {  	[smem:$0x3FAC] =	sst s0;
	s0 =	simm.s32 @!p2 $0x0  }
0x16: {  	s3 =	sld [smem:$0x3FDB];
	s0 =	simm.s32 @p2 $0x1  }
0x17: {  	s4 =	simm.s32 $0x1BF5;
	[smem:$0x3FAE] =	sst s0  }
0x18: {  	s0 =	sld [smem:$0x3F91];
	_ =	swait.ge [sflag:s4], $0x0  }
0x19: {  	s7 =	sld [smem:$0x3F92]  }
0x1a: {  	s8 =	sadd.s32 $0xFFFFE003, lr  }
0x1b: {  	s9 =	sadd.s32 $0xFFFFFEF7, lr;
	s5 =	simm.s32 $0xFFFFFFFF;
	p2 =	slt.u32 s8, $0xFFFFF086  }
0x1c: {  	p1 =	slt.u32 s9, $0xF7A;
	s5 =	simm.s32 @!p2 $0x0  }
0x1d: {  	s5 =	simm.s32 @p1 $0x1;
	p0 =	seq.s32 s7, s2  }
0x1e: {  	s7 =	smul.u32 @!p0 $0xF7A, s2;
	p2 =	seq.s32 @!p0 s5, $0x0  }
0x1f: {  	s9 =	smul.u32 $0xF7A, s1;
	s8 =	simm.s32 @!p0 $0x1BF5;
	p2 =	por !p2, p0  }
0x20: {  	[sflag:s8] =	ssyncset.s32 @!p0 $0xFFFFF086;
	s6 =	sadd.s32 @!p0 s3, s7;
	s7 =	simm.s32 @!p0 $0x108  }
0x21: {  	s3 =	sadd.s32 s3, s9;
	s6 =	sadd.s32 @!p0 $0x88, s6;
	s7 =	simm.s32 @p2 $0x1082  }
0x22: {  	[simem:s7], [sflag:s8] =	dma.local @!p0 [hbm:s6], $0xF7A  }
0x23: {  	s9 =	sor.u32 $0xD0000000, s2;
	s6 =	simm.s32 $0x108;
	_ =	swait.ge @!p0 [sflag:s8], $0x0  }
0x24: {  	s3 =	sadd.s32 $0x88, s3;
	s6 =	simm.s32 @!p1 $0x1082;
	[sflag:s4] =	ssyncset.s32 $0xFFFFF086  }
0x25: {  	[simem:s6], [sflag:s4] =	dma.local [hbm:s3], $0xF7A  }
0x26: {  	[smem:$0x3F92] =	sst s1;
	(tag) =	ssettag s2;
	_ =	strace s9  }
0x27: {  	s1 =	sld [smem:$0x3FA2]  }
0x28: {  	s2 =	sld [smem:$0x3FA3]  }
0x29: {  	s4 =	sld [smem:$0x3FA5]  }
0x2a: {  	p0 =	seq.s32 s5, $0x0;
	s5 =	sld [smem:$0x3FA6]  }
0x2b: {  	s6 =	sld [smem:$0x3FA7]  }
0x2c: {  	s7 =	sld [smem:$0x3FA8]  }
0x2d: {  	s3 =	simm.s32 $0x108;
	s8 =	sld [smem:$0x3FA9]  }
0x2e: {  	s3 =	simm.s32 @!p0 $0x1082;
	s9 =	sld [smem:$0x3FAA]  }
0x2f: {  	lr =	sadd.s32 s0, s3;
	s0 =	sld [smem:$0x3FA1]  }
0x30: {  	s3 =	sld [smem:$0x3FA4]  }
0x31: {  	[smem:$0x3FAD] =	sst s10  }
0x32: {  	s10 =	sld [smem:$0x3FAB];
	_ =	sdelay $0x3  }
0x33: {  	p0 =	seq.s32 s10, $0x1;
	s10 =	sld [smem:$0x3FAD];
	_ =	sdelay $0x3  }
0x34: {  	[smem:$0x3FAD] =	sst s10  }
0x35: {  	s10 =	sld [smem:$0x3FAC];
	_ =	sdelay $0x3  }
0x36: {  	p1 =	seq.s32 s10, $0x1;
	s10 =	sld [smem:$0x3FAD];
	_ =	sdelay $0x3  }
0x37: {  	[smem:$0x3FAD] =	sst s10  }
0x38: {  	s10 =	sld [smem:$0x3FAE]  }
0x39: {  	_ = 	snop;
	(pc) =	sbr.ind lr, $3  }
0x3a: {  	_ = 	snop  }
0x3b: {  	_ = 	snop  }
0x3c: {  	p2 =	seq.s32 s10, $0x1;
	s10 =	sld [smem:$0x3FAD]  }
0x3d: {  	_ =	shalt  }
0x3e: {  	_ =	shalt  }
0x3f: {  	_ =	shalt  }
0x40: {  	_ =	shalt  }
0x41: {  	_ =	shalt  }
0x42: {  	_ =	shalt  }
0x43: {  	_ =	shalt  }
0x44: {  	_ =	shalt  }
0x45: {  	_ =	shalt  }
0x46: {  	_ =	shalt  }
0x47: {  	_ =	shalt  }
0x48: {  	_ =	shalt  }
0x49: {  	_ =	shalt  }
0x4a: {  	_ =	shalt  }
0x4b: {  	_ =	shalt  }
0x4c: {  	_ =	shalt  }
0x4d: {  	_ =	shalt  }
0x4e: {  	_ =	shalt  }
0x4f: {  	_ =	shalt  }
0x50: {  	_ =	shalt  }
0x51: {  	_ =	shalt  }
0x52: {  	_ =	shalt  }
0x53: {  	_ =	shalt  }
0x54: {  	_ =	shalt  }
0x55: {  	_ =	shalt  }
0x56: {  	_ =	shalt  }
0x57: {  	_ =	shalt  }
0x58: {  	_ =	shalt  }
0x59: {  	_ =	shalt  }
0x5a: {  	_ =	shalt  }
0x5b: {  	_ =	shalt  }
0x5c: {  	_ =	shalt  }
0x5d: {  	_ =	shalt  }
0x5e: {  	_ =	shalt  }
0x5f: {  	_ =	shalt  }
0x60: {  	_ =	shalt  }
0x61: {  	_ =	shalt  }
0x62: {  	_ =	shalt  }
0x63: {  	_ =	shalt  }
0x64: {  	_ =	shalt  }
0x65: {  	_ =	shalt  }
0x66: {  	_ =	shalt  }
0x67: {  	_ =	shalt  }
0x68: {  	_ =	shalt  }
0x69: {  	_ =	shalt  }
0x6a: {  	_ =	shalt  }
0x6b: {  	_ =	shalt  }
0x6c: {  	_ =	shalt  }
0x6d: {  	_ =	shalt  }
0x6e: {  	_ =	shalt  }
0x6f: {  	_ =	shalt  }
0x70: {  	_ =	shalt  }
0x71: {  	_ =	shalt  }
0x72: {  	_ =	shalt  }
0x73: {  	_ =	shalt  }
0x74: {  	_ =	shalt  }
0x75: {  	_ =	shalt  }
0x76: {  	_ =	shalt  }
0x77: {  	_ =	shalt  }
0x78: {  	_ =	shalt  }
0x79: {  	_ =	shalt  }
0x7a: {  	_ =	shalt  }
0x7b: {  	_ =	shalt  }
0x7c: {  	_ =	shalt  }
0x7d: {  	_ =	shalt  }
0x7e: {  	_ =	shalt  }
0x7f: {  	_ =	shalt  }
0x80: {  	_ =	shalt  }
0x81: {  	_ =	shalt  }
0x82: {  	_ =	shalt  }
0x83: {  	_ =	shalt  }
0x84: {  	_ =	shalt  }
0x85: {  	_ =	shalt  }
0x86: {  	_ =	shalt  }
0x87: {  	_ =	shalt  }
.Lfunc_end0:
.L_simem_size_0:
called_computation.2_lowered:
.L_overlay_start_0:
0x88: {  	s2 =	sld [smem:$0x3FD9]  }
0x89: {  	s3 =	sld [smem:$0x3FFE];
	_ =	sdelay $0x1  }
0x8a: {  	s1 =	srdreg.scid  }
0x8b: {  	s0 =	sand.u32 $0x1, s1  }
0x8c: {  	s14 =	sshll.u32 s0, $0xA;
	s2 =	sadd.s32 s3, s2  }
0x8d: {  	s2 =	sadd.s32 s2, s14  }
0x8e: {  	[smem:$0x3FB9] =	sst s2  }
0x8f: {  	_ = 	snop  }
0x90: {  	s2 =	sld [smem:$0x3FD0];
	_ =	sdelay $0x2  }
0x91: {  	s15 =	simm.s32 $0xB;
	s4 =	simm.s32 $0x10  }
0x92: {  	[smem:s4], [sflag:s15] =	dma.local [hbm:s2], $0x1  }
0x93: {  	_ =	swait.eq [sflag:s15], $0x1  }
0x94: {  	s16 =	sld [smem:$0x11];
	[sflag:s15] =	ssyncset.done $0x0  }
0x95: {  	s17 =	sld [smem:$0x12];
	[sflag:s15] =	ssyncadd.s32 $0xFFFFFFFF  }
0x96: {  	s18 =	sld [smem:$0x13];
	(tm) =	ssettm $0x1  }
0x97: {  	s5 =	sld [smem:$0x3FFB];
	_ =	sdelay $0x3  }
0x98: {  	_ =	strace s5  }
0x99: {  	s5 =	sld [smem:$0x3FFC];
	_ =	sdelay $0x3  }
0x9a: {  	_ =	strace s5  }
0x9b: {  	s5 =	sld [smem:$0x3FFD];
	_ =	sdelay $0x3  }
0x9c: {  	_ =	strace s5  }
0x9d: {  	_ =	strace $0x8FFFFFFF  }
0x9e: {  	s19 =	sld [smem:$0x3FDB];
	_ =	sdelay $0x1  }
0x9f: {  	s6 =	simm.s32 $_scs_section_size  }
0xa0: {  	s7 =	simm.s32 $_size__tile_overlayer_lowered;
	s8 =	simm.s32 $_tile_overlayer_lowered  }
0xa1: {  	s22 =	simm.s32 $0x1BFF;
	s21 =	sshll.u32 s8, $0x1;
	s5 =	sadd.s32 s6, s19  }
0xa2: {  	s9 =	simm.s32 $0x0;
	s20 =	sshll.u32 s7, $0x1;
	s7 =	sadd.s32 s21, s5  }
0xa3: {  	[timem:s9], [sflag:s22] =	dma.local [hbm:s7], s20  }
0xa4: {  	_ =	swait.ge [sflag:s22], s20  }
0xa5: {  	s6 =	ssub.s32 $0x0, s20;
	[sflag:s22] =	ssyncset.done $0x0  }
0xa6: {  	[sflag:s22] =	ssyncadd.s32 s6;
	_ =	sdelay $0x1  }
0xa7: {  	s23 =	simm.s32 $0x1B8B  }
0xa8: {  	_ =	swait.ge [sflag:s23], $0x1  }
0xa9: {  	[sflag:s23] =	ssyncset.done $0x0  }
0xaa: {  	s25 =	simm.s32 $0x1B8E;
	s24 =	sld [smem:$0x3FFE];
	[sflag:s23] =	ssyncadd.s32 $0xFFFFFFFF  }
0xab: {  	s26 =	simm.s32 $execute0_lowered;
	[smem:$0x3FD2] =	sst s25  }
0xac: {  	s7 =	sshll.u32 s26, $0x1;
	_ =	strace $0x8000004C;
	[dreg:$0x1] =	wrdreg $0xFFFFFFFF  }
0xad: {  	s28 =	simm.s32 $_size_execute0_lowered;
	s5 =	sadd.s32 s5, s7;
	[dreg:$0x0] =	wrdreg $0x0  }
0xae: {  	s7 =	sshll.u32 s28, $0x1;
	[dreg:$0x2] =	wrdreg s5  }
0xaf: {  	[dreg:$0x3] =	wrdreg s7  }
0xb0: {  	[dreg:$0x4] =	wrdreg $0xC0  }
0xb1: {  	_ =	task [dreg:s9], $0x5FFFF  }
0xb2: {  	[dreg:$0x1] =	wrdreg $0xFFFFFFFF  }
0xb3: {  	[dreg:$0x0] =	wrdreg $0x60  }
0xb4: {  	[dreg:$0x2] =	wrdreg s17  }
0xb5: {  	[dreg:$0x3] =	wrdreg s16  }
0xb6: {  	[dreg:$0x4] =	wrdreg s18  }
0xb7: {  	[dreg:$0x5] =	wrdreg s24  }
0xb8: {  	[dreg:$0x6] =	wrdreg $0x114000  }
0xb9: {  	[dreg:$0x7] =	wrdreg $0x9  }
0xba: {  	_ =	task.clear_ibuf [dreg:s9], $0x8FFFF;
	_ =	strace $0x9000004C  }
0xbb: {  	s29 =	simm.s32 $0x9;
	_ =	strace $0x8000004E  }
0xbc: {  	_ =	swait.ge [sflag:s29], $0x1  }
0xbd: {  	[sflag:s29] =	ssyncadd.s32 $0xFFFFFFFF  }
0xbe: {  	_ =	strace $0x9000004E  }
0xbf: {  	_ =	sfence  }
0xc0: {  	s30 =	sld [smem:$0x0];
	_ =	sdelay $0x2  }
0xc1: {  	s31 =	sshll.u32 s1, $0xD;
	s1 =	sshrl.u32 s1, $0x2  }
0xc2: {  	s3 =	sand.u32 $0x4000, s31;
	s1 =	sadd.s32 s1, s30  }
0xc3: {  	s0 =	sor.u32 s3, s0;
	s1 =	sshll.u32 s1, $0x11  }
0xc4: {  	s0 =	sor.u32 s1, s0  }
0xc5: {  	s0 =	sadd.s32 $0x8F2B, s0  }
0xc6: {  	[sflag:s0] =	ssyncadd.remote.s32 $0x1  }
0xc7: {  	_ =	sfence.sel $0xFFFF  }
0xc8: {  	[dreg:$0x0] =	wrdreg $0xFFFFFFFF;
	(pc) =	sbr.abs _section_cstart, $3  }
0xc9: {  	[dreg:$0x1] =	wrdreg $0xFFFFFFFF  }
0xca: {  	_ =	task.clear_ibuf [dreg:s9], $0x2FFFF;
	_ =	strace $0x9FFFFFFF  }
0xcb: {  	(tm) =	ssettm $0x7FFFFFFF  }
tec
execute0_lowered:
.L_overlay_start_1:
0x0: {  	(tag) =	ssettag $0x1  }
0x1: {  	s6 =	rddreg [dreg:$0x0]  }
0x2: {  	s7 =	rddreg [dreg:$0x1]  }
0x3: {  	s2 =	rddreg [dreg:$0x2]  }
0x4: {  	s5 =	rddreg [dreg:$0x3]  }
0x5: {  	s3 =	rddreg [dreg:$0x4];
	s0 =	stileid.u32  }
0x6: {  	s8 =	srdreg.scid;
	s4 =	simm.s32 $0x0;
	s15 =	simm.s32 $0x80  }
0x7: {  	s16 =	simm.s32 $0x9400;
	s17 =	simm.s32 $0xB400;
	s18 =	simm.s32 $0x100  }
0x8: {  	s19 =	simm.s32 $0xD400;
	s20 =	simm.s32 $0x180;
	s21 =	simm.s32 $0xF400  }
0x9: {  	s22 =	simm.s32 $0x1;
	s23 =	simm.s32 $0x2;
	s9 =	smul.u32 $0x9E00, s0  }
0xa: {  	s24 =	simm.s32 $0x3;
	s25 =	simm.s32 $0x4;
	s12 =	smul.u32 $0xC, s0  }
0xb: {  	s26 =	simm.s32 $0x0;
	s8 =	sand.u32 $0x1, s8;
	s13 =	smul.u32 $0x94, s0  }
0xc: {  	[smem:$0x7FF] =	sst s4;
	s31 =	sshll.u32 s0, $0x6;
	s10 =	smul.u32 $0x9E000, s8  }
0xd: {  	_ =	strace $0x8000004D;
	p0 =	seq.s32 s8, $0x0;
	s8 =	ssub.s32 $0x2, s8  }
0xe: {  	s11 =	sshrl.u32 s9, $0x3;
	s12 =	sadd.s32 $0x940, s12;
	s29 =	sshrl.u32 s8, $0x1  }
0xf: {  	s14 =	sadd.s32 s9, s3;
	s11 =	sadd.s32 s11, s5;
	s10 =	sadd.s32 s9, s10  }
0x10: {  	s12 =	smov.u32 @p0 s13;
	s13 =	ssub.s32 s8, s29;
	s14 =	sshrl.u32 s14, $0x3  }
0x11: {  	s10 =	sshrl.u32 s10, $0x3;
	s12 =	sshll.u32 s12, $0x4;
	s8 =	sadd.s32 $0x2A400, s11  }
0x12: {  	s11 =	simm.s32 $0x5;
	s10 =	sadd.s32 s10, s5;
	s5 =	simm.s32 $0x94  }
0x13: {  	s6 =	sadd.s32 s6, s12;
	s7 =	sadd.s32 s7, s12;
	s5 =	simm.s32 @!p0 $0xC  }
0x14: {  	s12 =	simm.s32 $0x4A00;
	s9 =	sadd.s32 $0x3E000, s10;
	s30 =	sshll.u32 s5, $0x9  }
0x15: {  	s10 =	smax.u32 s13, $0x1;
	s13 =	sor.u32 $0x1C05, s31;
	[dreg:$0x6] =	wrdreg s30  }
.LBB2_1:
0x16: {  	[tilespmem:s4], [sflag:$0x5] =	stream.linear.gather [hbm4b:s6+s4], $0x4A00, $0x38;
	[tilespmem:$0x1B200] =	vst v63  }
0x17: {  	_ =	swait.ge [sflag:s11], $0x4A00  }
0x18: {  	[sflag:s11] =	ssyncset.done $0x0  }
0x19: {  	[sflag:s11] =	ssyncadd.s32 $0xFFFFB600  }
0x1a: {  	[tilespmem:s12], [sflag:$0x5] =	stream.linear.gather [hbm4b:s7+s4], $0x4A00, $0x38;
	[tilespmem:$0x1B200] =	vst v63  }
0x1b: {  	_ =	swait.ge [sflag:s11], $0x4A00  }
0x1c: {  	[sflag:s11] =	ssyncset.done $0x0  }
0x1d: {  	[sflag:s11] =	ssyncadd.s32 $0xFFFFB600  }
0x1e: {  	[spmem:s14], [sflag:s13] =	dma.local [hbm:s8], $0x13C0  }
0x1f: {  	_ =	swait.ge [sflag:s11], $0x13C0  }
0x20: {  	[sflag:s11] =	ssyncset.done $0x0  }
0x21: {  	[sflag:s11] =	ssyncadd.s32 $0xFFFFEC40  }
0x22: {  	[bflag:$0x0] =	sbarrier.arrive $0xFFFF  }
0x23: {  	[tilespmem:s16], [sflag:$0x1] =	stream.indirect.gather [hbm4b:s2+s15], $0x40, s4, s15, $0xb8;
	[tilespmem:$0x1B200] =	vst v63  }
0x24: {  	_ = 	snop  }
0x25: {  	[tilespmem:s17], [sflag:$0x2] =	stream.indirect.gather [hbm4b:s2+s15], $0x40, s15, s15, $0xb8;
	[tilespmem:$0x1B200] =	vst v63  }
0x26: {  	_ = 	snop  }
0x27: {  	[tilespmem:s19], [sflag:$0x3] =	stream.indirect.gather [hbm4b:s2+s15], $0x40, s18, s15, $0xb8;
	[tilespmem:$0x1B200] =	vst v63  }
0x28: {  	s28 =	simm.s32 $0x4;
	s29 =	simm.s32 $0x0  }
0x29: {  	[tilespmem:s21], [sflag:$0x4] =	stream.indirect.gather [hbm4b:s2+s15], $0x40, s20, s15, $0xb8;
	[tilespmem:$0x1B200] =	vst v63  }
.LBB2_2:
0x2a: {  	_ =	swait.ge [sflag:s22], $0x2000  }
0x2b: {  	s30 =	sshra.s32 s29, $0x2;
	[sflag:s22] =	ssyncset.done $0x0  }
0x2c: {  	s31 =	sadd.s32 $0x4A00, s30;
	[sflag:s22] =	ssyncadd.s32 $0xFFFFE000  }
0x2d: {  	[spmem:s3] =	stream.indirect.scatter.add.f32 [tilespmem:s16], [sflag:$0x5], $0x40, s31, s15, $0xb8;
	[tilespmem:$0x1B200] =	vst v63  }
0x2e: {  	p0 =	sge.u32 s28, s5;
	_ =	swait.ge [sflag:s11], $0x2000  }
0x2f: {  	s0 =	simm.s32 @!p0 $0x80;
	s31 =	sshra.s32 @!p0 s29, $0x2;
	[sflag:s11] =	ssyncset.done $0x0  }
0x30: {  	s1 =	simm.s32 @!p0 $0x9400;
	s31 =	sadd.s32 @!p0 $0x200, s31;
	[sflag:s11] =	ssyncadd.s32 $0xFFFFE000  }
0x31: {  	[tilespmem:s1], [sflag:$0x1] =	stream.indirect.gather @!p0 [hbm4b:s2+s0], $0x40, s31, s0, $0xb8;
	[tilespmem:$0x1B200] =	vst v63  }
0x32: {  	_ =	swait.ge [sflag:s23], $0x2000  }
0x33: {  	[sflag:s23] =	ssyncset.done $0x0  }
0x34: {  	s31 =	sadd.s32 $0x4A80, s30;
	s1 =	sadd.s32 $0x1, s28;
	[sflag:s23] =	ssyncadd.s32 $0xFFFFE000  }
0x35: {  	[spmem:s3] =	stream.indirect.scatter.add.f32 [tilespmem:s17], [sflag:$0x5], $0x40, s31, s15, $0xb8;
	[tilespmem:$0x1B200] =	vst v63  }
0x36: {  	p0 =	sge.u32 s1, s5;
	_ =	swait.ge [sflag:s11], $0x2000  }
0x37: {  	s0 =	sshra.s32 @!p0 s29, $0x2;
	s1 =	simm.s32 @!p0 $0x80;
	[sflag:s11] =	ssyncset.done $0x0  }
0x38: {  	s0 =	sadd.s32 @!p0 $0x280, s0;
	s31 =	simm.s32 @!p0 $0xB400;
	[sflag:s11] =	ssyncadd.s32 $0xFFFFE000  }
0x39: {  	[tilespmem:s31], [sflag:$0x2] =	stream.indirect.gather @!p0 [hbm4b:s2+s1], $0x40, s0, s1, $0xb8;
	[tilespmem:$0x1B200] =	vst v63  }
0x3a: {  	_ =	swait.ge [sflag:s24], $0x2000  }
0x3b: {  	[sflag:s24] =	ssyncset.done $0x0  }
0x3c: {  	s31 =	sadd.s32 $0x4B00, s30;
	s1 =	sadd.s32 $0x2, s28;
	[sflag:s24] =	ssyncadd.s32 $0xFFFFE000  }
0x3d: {  	[spmem:s3] =	stream.indirect.scatter.add.f32 [tilespmem:s19], [sflag:$0x5], $0x40, s31, s15, $0xb8;
	[tilespmem:$0x1B200] =	vst v63  }
0x3e: {  	p0 =	sge.u32 s1, s5;
	_ =	swait.ge [sflag:s11], $0x2000  }
0x3f: {  	s0 =	sshra.s32 @!p0 s29, $0x2;
	s1 =	simm.s32 @!p0 $0x80;
	[sflag:s11] =	ssyncset.done $0x0  }
0x40: {  	s0 =	sadd.s32 @!p0 $0x300, s0;
	s31 =	simm.s32 @!p0 $0xD400;
	[sflag:s11] =	ssyncadd.s32 $0xFFFFE000  }
0x41: {  	[tilespmem:s31], [sflag:$0x3] =	stream.indirect.gather @!p0 [hbm4b:s2+s1], $0x40, s0, s1, $0xb8;
	[tilespmem:$0x1B200] =	vst v63  }
0x42: {  	_ =	swait.ge [sflag:s25], $0x2000  }
0x43: {  	s31 =	sadd.s32 $0x3, s28;
	[sflag:s25] =	ssyncset.done $0x0  }
0x44: {  	s30 =	sadd.s32 $0x4B80, s30;
	p0 =	sge.u32 s31, s5;
	[sflag:s25] =	ssyncadd.s32 $0xFFFFE000  }
0x45: {  	[spmem:s3] =	stream.indirect.scatter.add.f32 [tilespmem:s21], [sflag:$0x5], $0x40, s30, s15, $0xb8;
	[tilespmem:$0x1B200] =	vst v63  }
0x46: {  	s0 =	sshra.s32 @!p0 s29, $0x2;
	s1 =	simm.s32 @!p0 $0x80;
	_ =	swait.ge [sflag:s11], $0x2000  }
0x47: {  	s29 =	sadd.s32 $0x800, s29;
	s0 =	sadd.s32 @!p0 $0x380, s0;
	[sflag:s11] =	ssyncset.done $0x0  }
0x48: {  	s30 =	simm.s32 @!p0 $0xF400;
	s31 =	rddreg [dreg:$0x6];
	[sflag:s11] =	ssyncadd.s32 $0xFFFFE000  }
0x49: {  	[tilespmem:s30], [sflag:$0x4] =	stream.indirect.gather @!p0 [hbm4b:s2+s1], $0x40, s0, s1, $0xb8;
	[tilespmem:$0x1B200] =	vst v63  }
0x4a: {  	p0 =	sne.s32 s31, s29  }
.Ltmp0:
0x4b: {  	_ = 	snop;
	(pc) =	sbr.rel @p0 .LBB2_2-.Ltmp0, $2  }
0x4c: {  	_ =	sdelay $0x2  }
0x4d: {  	s28 =	sadd.s32 $0x4, s28  }
0x4e: {  	s26 =	sadd.s32 $0x1, s26  }
0x4f: {  	p0 =	sne.s32 s26, s10  }
.Ltmp1:
0x50: {  	[bflag:$0x0] =	sbarrier.arrive $0xFFFF;
	(pc) =	sbr.rel @p0 .LBB2_1-.Ltmp1, $4  }
0x51: {  	[hbm:s9], [sflag:s13] =	dma.local [spmem:s14], $0x13C0  }
0x52: {  	_ =	swait.ge [sflag:s11], $0x13C0  }
0x53: {  	[sflag:s11] =	ssyncset.done $0x0  }
0x54: {  	[sflag:s11] =	ssyncadd.s32 $0xFFFFEC40  }
0x55: {  	_ =	sfence.sel $0x180000  }
0x56: {  	[bflag:$0x0] =	sbarrier.arrive $0xFFFF  }
0x57: {  	_ =	strace $0x9000004D  }
0x58: {  	s0 =	stileid.u32;
	[bflag:$0x2] =	sbarrier.arrive $0xFFFF  }
0x59: {  	p0 =	sne.s32 s0, $0x0;
	s0 =	rddreg [dreg:$0x5]  }
0x5a: {  	s0 =	sadd.s32 @!p0 $0x100000, s0  }
0x5b: {  	[sflag:s0] =	ssyncadd.tile.s32 @!p0 $0x1;
	_ =	shalt  }
.Lfunc_end2:
_tile_overlayer_lowered:
.L_overlay_start_2:
0x5c: {  	(tag) =	ssettag $0x2  }
0x5d: {  	s0 =	rddreg [dreg:$0x0];
	s2 =	stileid.u32  }
0x5e: {  	s1 =	rddreg [dreg:$0x1];
	p0 =	sne.s32 s2, $0x0  }
0x5f: {  	s3 =	rddreg [dreg:$0x2];
	[bflag:$0x3] =	sbarrier.arrive $0xFFFF;
	s2 =	simm.s32 @!p0 $0x1C05  }
0x60: {  	[timem:s3], [sflag:s2] =	dma.local @!p0 [hbm:s0], s1  }
0x61: {  	s0 =	simm.s32 @!p0 $0x5  }
0x62: {  	_ =	swait.ge @!p0 [sflag:s0], s1  }
0x63: {  	s1 =	ssub.s32 @!p0 $0x0, s1;
	[sflag:s0] =	ssyncset.done @!p0 $0x0  }
0x64: {  	[sflag:s0] =	ssyncadd.s32 @!p0 s1  }
0x65: {  	[bflag:$0x3] =	sbarrier.arrive $0xFFFF  }
0x66: {  	_ =	shalt  }

// kernel: kernel.22.cloned.1.call-start
scs
__scs_entry_jumppad:
0x0: {  	(pc) =	sbr.rel $0x88, $3  }
0x1: {  	(tag) =	ssettag $0x0;
	lr =	simm.s32 $0x1  }
0x2: {  	[smem:$0x3F92] =	sst lr;
	_ =	strace $0xD0000000  }
0x3: {  	_ = 	snop  }
0x4: {  	_ = 	snop  }
0x5: {  	_ = 	snop  }
0x6: {  	_ = 	snop  }
0x7: {  	_ = 	snop  }
__scs_overlays_trampoline_lowered:
0x8: {  	[smem:$0x3FA1] =	sst s0  }
0x9: {  	[smem:$0x3FA2] =	sst s1  }
0xa: {  	[smem:$0x3FA3] =	sst s2  }
0xb: {  	[smem:$0x3FA4] =	sst s3  }
0xc: {  	[smem:$0x3FA5] =	sst s4  }
0xd: {  	[smem:$0x3FA6] =	sst s5  }
0xe: {  	[smem:$0x3FA7] =	sst s6  }
0xf: {  	[smem:$0x3FA8] =	sst s7  }
0x10: {  	[smem:$0x3FA9] =	sst s8  }
0x11: {  	[smem:$0x3FAA] =	sst s9;
	s0 =	simm.s32 @!p0 $0x0  }
0x12: {  	s1 =	sld [smem:$0x3F90];
	s0 =	simm.s32 @p0 $0x1  }
0x13: {  	[smem:$0x3FAB] =	sst s0;
	s0 =	simm.s32 @!p1 $0x0  }
0x14: {  	s2 =	sld [smem:$0x3F8F];
	s0 =	simm.s32 @p1 $0x1  }
0x15: {  	[smem:$0x3FAC] =	sst s0;
	s0 =	simm.s32 @!p2 $0x0  }
0x16: {  	s3 =	sld [smem:$0x3FDB];
	s0 =	simm.s32 @p2 $0x1  }
0x17: {  	s4 =	simm.s32 $0x1BF5;
	[smem:$0x3FAE] =	sst s0  }
0x18: {  	s0 =	sld [smem:$0x3F91];
	_ =	swait.ge [sflag:s4], $0x0  }
0x19: {  	s7 =	sld [smem:$0x3F92]  }
0x1a: {  	s8 =	sadd.s32 $0xFFFFE003, lr  }
0x1b: {  	s9 =	sadd.s32 $0xFFFFFEF7, lr;
	s5 =	simm.s32 $0xFFFFFFFF;
	p2 =	slt.u32 s8, $0xFFFFF086  }
0x1c: {  	p1 =	slt.u32 s9, $0xF7A;
	s5 =	simm.s32 @!p2 $0x0  }
0x1d: {  	s5 =	simm.s32 @p1 $0x1;
	p0 =	seq.s32 s7, s2  }
0x1e: {  	s7 =	smul.u32 @!p0 $0xF7A, s2;
	p2 =	seq.s32 @!p0 s5, $0x0  }
0x1f: {  	s9 =	smul.u32 $0xF7A, s1;
	s8 =	simm.s32 @!p0 $0x1BF5;
	p2 =	por !p2, p0  }
0x20: {  	[sflag:s8] =	ssyncset.s32 @!p0 $0xFFFFF086;
	s6 =	sadd.s32 @!p0 s3, s7;
	s7 =	simm.s32 @!p0 $0x108  }
0x21: {  	s3 =	sadd.s32 s3, s9;
	s6 =	sadd.s32 @!p0 $0x88, s6;
	s7 =	simm.s32 @p2 $0x1082  }
0x22: {  	[simem:s7], [sflag:s8] =	dma.local @!p0 [hbm:s6], $0xF7A  }
0x23: {  	s9 =	sor.u32 $0xD0000000, s2;
	s6 =	simm.s32 $0x108;
	_ =	swait.ge @!p0 [sflag:s8], $0x0  }
0x24: {  	s3 =	sadd.s32 $0x88, s3;
	s6 =	simm.s32 @!p1 $0x1082;
	[sflag:s4] =	ssyncset.s32 $0xFFFFF086  }
0x25: {  	[simem:s6], [sflag:s4] =	dma.local [hbm:s3], $0xF7A  }
0x26: {  	[smem:$0x3F92] =	sst s1;
	(tag) =	ssettag s2;
	_ =	strace s9  }
0x27: {  	s1 =	sld [smem:$0x3FA2]  }
0x28: {  	s2 =	sld [smem:$0x3FA3]  }
0x29: {  	s4 =	sld [smem:$0x3FA5]  }
0x2a: {  	p0 =	seq.s32 s5, $0x0;
	s5 =	sld [smem:$0x3FA6]  }
0x2b: {  	s6 =	sld [smem:$0x3FA7]  }
0x2c: {  	s7 =	sld [smem:$0x3FA8]  }
0x2d: {  	s3 =	simm.s32 $0x108;
	s8 =	sld [smem:$0x3FA9]  }
0x2e: {  	s3 =	simm.s32 @!p0 $0x1082;
	s9 =	sld [smem:$0x3FAA]  }
0x2f: {  	lr =	sadd.s32 s0, s3;
	s0 =	sld [smem:$0x3FA1]  }
0x30: {  	s3 =	sld [smem:$0x3FA4]  }
0x31: {  	[smem:$0x3FAD] =	sst s10  }
0x32: {  	s10 =	sld [smem:$0x3FAB];
	_ =	sdelay $0x3  }
0x33: {  	p0 =	seq.s32 s10, $0x1;
	s10 =	sld [smem:$0x3FAD];
	_ =	sdelay $0x3  }
0x34: {  	[smem:$0x3FAD] =	sst s10  }
0x35: {  	s10 =	sld [smem:$0x3FAC];
	_ =	sdelay $0x3  }
0x36: {  	p1 =	seq.s32 s10, $0x1;
	s10 =	sld [smem:$0x3FAD];
	_ =	sdelay $0x3  }
0x37: {  	[smem:$0x3FAD] =	sst s10  }
0x38: {  	s10 =	sld [smem:$0x3FAE]  }
0x39: {  	_ = 	snop;
	(pc) =	sbr.ind lr, $3  }
0x3a: {  	_ = 	snop  }
0x3b: {  	_ = 	snop  }
0x3c: {  	p2 =	seq.s32 s10, $0x1;
	s10 =	sld [smem:$0x3FAD]  }
0x3d: {  	_ =	shalt  }
0x3e: {  	_ =	shalt  }
0x3f: {  	_ =	shalt  }
0x40: {  	_ =	shalt  }
0x41: {  	_ =	shalt  }
0x42: {  	_ =	shalt  }
0x43: {  	_ =	shalt  }
0x44: {  	_ =	shalt  }
0x45: {  	_ =	shalt  }
0x46: {  	_ =	shalt  }
0x47: {  	_ =	shalt  }
0x48: {  	_ =	shalt  }
0x49: {  	_ =	shalt  }
0x4a: {  	_ =	shalt  }
0x4b: {  	_ =	shalt  }
0x4c: {  	_ =	shalt  }
0x4d: {  	_ =	shalt  }
0x4e: {  	_ =	shalt  }
0x4f: {  	_ =	shalt  }
0x50: {  	_ =	shalt  }
0x51: {  	_ =	shalt  }
0x52: {  	_ =	shalt  }
0x53: {  	_ =	shalt  }
0x54: {  	_ =	shalt  }
0x55: {  	_ =	shalt  }
0x56: {  	_ =	shalt  }
0x57: {  	_ =	shalt  }
0x58: {  	_ =	shalt  }
0x59: {  	_ =	shalt  }
0x5a: {  	_ =	shalt  }
0x5b: {  	_ =	shalt  }
0x5c: {  	_ =	shalt  }
0x5d: {  	_ =	shalt  }
0x5e: {  	_ =	shalt  }
0x5f: {  	_ =	shalt  }
0x60: {  	_ =	shalt  }
0x61: {  	_ =	shalt  }
0x62: {  	_ =	shalt  }
0x63: {  	_ =	shalt  }
0x64: {  	_ =	shalt  }
0x65: {  	_ =	shalt  }
0x66: {  	_ =	shalt  }
0x67: {  	_ =	shalt  }
0x68: {  	_ =	shalt  }
0x69: {  	_ =	shalt  }
0x6a: {  	_ =	shalt  }
0x6b: {  	_ =	shalt  }
0x6c: {  	_ =	shalt  }
0x6d: {  	_ =	shalt  }
0x6e: {  	_ =	shalt  }
0x6f: {  	_ =	shalt  }
0x70: {  	_ =	shalt  }
0x71: {  	_ =	shalt  }
0x72: {  	_ =	shalt  }
0x73: {  	_ =	shalt  }
0x74: {  	_ =	shalt  }
0x75: {  	_ =	shalt  }
0x76: {  	_ =	shalt  }
0x77: {  	_ =	shalt  }
0x78: {  	_ =	shalt  }
0x79: {  	_ =	shalt  }
0x7a: {  	_ =	shalt  }
0x7b: {  	_ =	shalt  }
0x7c: {  	_ =	shalt  }
0x7d: {  	_ =	shalt  }
0x7e: {  	_ =	shalt  }
0x7f: {  	_ =	shalt  }
0x80: {  	_ =	shalt  }
0x81: {  	_ =	shalt  }
0x82: {  	_ =	shalt  }
0x83: {  	_ =	shalt  }
0x84: {  	_ =	shalt  }
0x85: {  	_ =	shalt  }
0x86: {  	_ =	shalt  }
0x87: {  	_ =	shalt  }
.Lfunc_end0:
.L_simem_size_0:
called_computation.3_lowered:
.L_overlay_start_0:
0x88: {  	s2 =	sld [smem:$0x3FD9]  }
0x89: {  	s3 =	sld [smem:$0x3FFE];
	_ =	sdelay $0x1  }
0x8a: {  	s1 =	srdreg.scid  }
0x8b: {  	s0 =	sand.u32 $0x1, s1  }
0x8c: {  	s14 =	sshll.u32 s0, $0xA;
	s2 =	sadd.s32 s3, s2  }
0x8d: {  	s2 =	sadd.s32 s2, s14  }
0x8e: {  	[smem:$0x3FB9] =	sst s2  }
0x8f: {  	_ = 	snop  }
0x90: {  	s2 =	sld [smem:$0x3FD0];
	_ =	sdelay $0x2  }
0x91: {  	s15 =	simm.s32 $0xB;
	s4 =	simm.s32 $0x10  }
0x92: {  	[smem:s4], [sflag:s15] =	dma.local [hbm:s2], $0x1  }
0x93: {  	_ =	swait.eq [sflag:s15], $0x1  }
0x94: {  	s16 =	sld [smem:$0x11];
	[sflag:s15] =	ssyncset.done $0x0  }
0x95: {  	s17 =	sld [smem:$0x12];
	[sflag:s15] =	ssyncadd.s32 $0xFFFFFFFF  }
0x96: {  	s18 =	sld [smem:$0x13];
	(tm) =	ssettm $0x1  }
0x97: {  	s5 =	sld [smem:$0x3FFB];
	_ =	sdelay $0x3  }
0x98: {  	_ =	strace s5  }
0x99: {  	s5 =	sld [smem:$0x3FFC];
	_ =	sdelay $0x3  }
0x9a: {  	_ =	strace s5  }
0x9b: {  	s5 =	sld [smem:$0x3FFD];
	_ =	sdelay $0x3  }
0x9c: {  	_ =	strace s5  }
0x9d: {  	_ =	strace $0x8FFFFFFF  }
0x9e: {  	s19 =	sld [smem:$0x3FDB];
	_ =	sdelay $0x1  }
0x9f: {  	s6 =	simm.s32 $_scs_section_size  }
0xa0: {  	s7 =	simm.s32 $_size__tile_overlayer_lowered;
	s8 =	simm.s32 $_tile_overlayer_lowered  }
0xa1: {  	s22 =	simm.s32 $0x1BFF;
	s21 =	sshll.u32 s8, $0x1;
	s5 =	sadd.s32 s6, s19  }
0xa2: {  	s9 =	simm.s32 $0x0;
	s20 =	sshll.u32 s7, $0x1;
	s7 =	sadd.s32 s21, s5  }
0xa3: {  	[timem:s9], [sflag:s22] =	dma.local [hbm:s7], s20  }
0xa4: {  	_ =	swait.ge [sflag:s22], s20  }
0xa5: {  	s6 =	ssub.s32 $0x0, s20;
	[sflag:s22] =	ssyncset.done $0x0  }
0xa6: {  	[sflag:s22] =	ssyncadd.s32 s6;
	_ =	sdelay $0x1  }
0xa7: {  	s23 =	simm.s32 $0x1B8B  }
0xa8: {  	_ =	swait.ge [sflag:s23], $0x1  }
0xa9: {  	[sflag:s23] =	ssyncset.done $0x0  }
0xaa: {  	s25 =	simm.s32 $0x1B8E;
	s24 =	sld [smem:$0x3FFE];
	[sflag:s23] =	ssyncadd.s32 $0xFFFFFFFF  }
0xab: {  	s26 =	simm.s32 $execute0_lowered;
	[smem:$0x3FD2] =	sst s25  }
0xac: {  	s7 =	sshll.u32 s26, $0x1;
	_ =	strace $0x8000004F;
	[dreg:$0x1] =	wrdreg $0xFFFFFFFF  }
0xad: {  	s28 =	simm.s32 $_size_execute0_lowered;
	s5 =	sadd.s32 s5, s7;
	[dreg:$0x0] =	wrdreg $0x0  }
0xae: {  	s7 =	sshll.u32 s28, $0x1;
	[dreg:$0x2] =	wrdreg s5  }
0xaf: {  	[dreg:$0x3] =	wrdreg s7  }
0xb0: {  	[dreg:$0x4] =	wrdreg $0xC0  }
0xb1: {  	_ =	task [dreg:s9], $0x5FFFF  }
0xb2: {  	[dreg:$0x1] =	wrdreg $0xFFFFFFFF  }
0xb3: {  	[dreg:$0x0] =	wrdreg $0x60  }
0xb4: {  	[dreg:$0x2] =	wrdreg s17  }
0xb5: {  	[dreg:$0x3] =	wrdreg s16  }
0xb6: {  	[dreg:$0x4] =	wrdreg s18  }
0xb7: {  	[dreg:$0x5] =	wrdreg s24  }
0xb8: {  	[dreg:$0x6] =	wrdreg $0x114000  }
0xb9: {  	[dreg:$0x7] =	wrdreg $0x9  }
0xba: {  	_ =	task.clear_ibuf [dreg:s9], $0x8FFFF;
	_ =	strace $0x9000004F  }
0xbb: {  	s29 =	simm.s32 $0x9;
	_ =	strace $0x80000051  }
0xbc: {  	_ =	swait.ge [sflag:s29], $0x1  }
0xbd: {  	[sflag:s29] =	ssyncadd.s32 $0xFFFFFFFF  }
0xbe: {  	_ =	strace $0x90000051  }
0xbf: {  	_ =	sfence  }
0xc0: {  	s30 =	sld [smem:$0x0];
	_ =	sdelay $0x2  }
0xc1: {  	s31 =	sshll.u32 s1, $0xD;
	s1 =	sshrl.u32 s1, $0x2  }
0xc2: {  	s3 =	sand.u32 $0x4000, s31;
	s1 =	sadd.s32 s1, s30  }
0xc3: {  	s0 =	sor.u32 s3, s0;
	s1 =	sshll.u32 s1, $0x11  }
0xc4: {  	s0 =	sor.u32 s1, s0  }
0xc5: {  	s0 =	sadd.s32 $0x8F2B, s0  }
0xc6: {  	[sflag:s0] =	ssyncadd.remote.s32 $0x1  }
0xc7: {  	_ =	sfence.sel $0xFFFF  }
0xc8: {  	[dreg:$0x0] =	wrdreg $0xFFFFFFFF;
	(pc) =	sbr.abs _section_cstart, $3  }
0xc9: {  	[dreg:$0x1] =	wrdreg $0xFFFFFFFF  }
0xca: {  	_ =	task.clear_ibuf [dreg:s9], $0x2FFFF;
	_ =	strace $0x9FFFFFFF  }
0xcb: {  	(tm) =	ssettm $0x7FFFFFFF  }
tec
execute0_lowered:
.L_overlay_start_1:
0x0: {  	(tag) =	ssettag $0x1  }
0x1: {  	s6 =	rddreg [dreg:$0x0]  }
0x2: {  	s7 =	rddreg [dreg:$0x1]  }
0x3: {  	s2 =	rddreg [dreg:$0x2]  }
0x4: {  	s5 =	rddreg [dreg:$0x3]  }
0x5: {  	s3 =	rddreg [dreg:$0x4];
	s0 =	stileid.u32  }
0x6: {  	s8 =	srdreg.scid;
	s4 =	simm.s32 $0x0;
	s15 =	simm.s32 $0x80  }
0x7: {  	s16 =	simm.s32 $0x9400;
	s17 =	simm.s32 $0xB400;
	s18 =	simm.s32 $0x100  }
0x8: {  	s19 =	simm.s32 $0xD400;
	s20 =	simm.s32 $0x180;
	s21 =	simm.s32 $0xF400  }
0x9: {  	s22 =	simm.s32 $0x1;
	s23 =	simm.s32 $0x2;
	s9 =	smul.u32 $0x9E00, s0  }
0xa: {  	s24 =	simm.s32 $0x3;
	s25 =	simm.s32 $0x4;
	s12 =	smul.u32 $0xC, s0  }
0xb: {  	s26 =	simm.s32 $0x0;
	s8 =	sand.u32 $0x1, s8;
	s13 =	smul.u32 $0x94, s0  }
0xc: {  	[smem:$0x7FF] =	sst s4;
	s31 =	sshll.u32 s0, $0x6;
	s10 =	smul.u32 $0x9E000, s8  }
0xd: {  	_ =	strace $0x80000050;
	p0 =	seq.s32 s8, $0x0;
	s8 =	ssub.s32 $0x2, s8  }
0xe: {  	s11 =	sshrl.u32 s9, $0x3;
	s12 =	sadd.s32 $0x940, s12;
	s29 =	sshrl.u32 s8, $0x1  }
0xf: {  	s14 =	sadd.s32 s9, s3;
	s11 =	sadd.s32 s11, s5;
	s10 =	sadd.s32 s9, s10  }
0x10: {  	s12 =	smov.u32 @p0 s13;
	s13 =	ssub.s32 s8, s29;
	s14 =	sshrl.u32 s14, $0x3  }
0x11: {  	s10 =	sshrl.u32 s10, $0x3;
	s12 =	sshll.u32 s12, $0x4;
	s8 =	sadd.s32 $0x2A400, s11  }
0x12: {  	s11 =	simm.s32 $0x5;
	s10 =	sadd.s32 s10, s5;
	s5 =	simm.s32 $0x94  }
0x13: {  	s6 =	sadd.s32 s6, s12;
	s7 =	sadd.s32 s7, s12;
	s5 =	simm.s32 @!p0 $0xC  }
0x14: {  	s12 =	simm.s32 $0x4A00;
	s9 =	sadd.s32 $0x3E000, s10;
	s30 =	sshll.u32 s5, $0x9  }
0x15: {  	s10 =	smax.u32 s13, $0x1;
	s13 =	sor.u32 $0x1C05, s31;
	[dreg:$0x6] =	wrdreg s30  }
.LBB2_1:
0x16: {  	[tilespmem:s4], [sflag:$0x5] =	stream.linear.gather [hbm4b:s6+s4], $0x4A00, $0x38;
	[tilespmem:$0x1B200] =	vst v63  }
0x17: {  	_ =	swait.ge [sflag:s11], $0x4A00  }
0x18: {  	[sflag:s11] =	ssyncset.done $0x0  }
0x19: {  	[sflag:s11] =	ssyncadd.s32 $0xFFFFB600  }
0x1a: {  	[tilespmem:s12], [sflag:$0x5] =	stream.linear.gather [hbm4b:s7+s4], $0x4A00, $0x38;
	[tilespmem:$0x1B200] =	vst v63  }
0x1b: {  	_ =	swait.ge [sflag:s11], $0x4A00  }
0x1c: {  	[sflag:s11] =	ssyncset.done $0x0  }
0x1d: {  	[sflag:s11] =	ssyncadd.s32 $0xFFFFB600  }
0x1e: {  	[spmem:s14], [sflag:s13] =	dma.local [hbm:s8], $0x13C0  }
0x1f: {  	_ =	swait.ge [sflag:s11], $0x13C0  }
0x20: {  	[sflag:s11] =	ssyncset.done $0x0  }
0x21: {  	[sflag:s11] =	ssyncadd.s32 $0xFFFFEC40  }
0x22: {  	[bflag:$0x0] =	sbarrier.arrive $0xFFFF  }
0x23: {  	[tilespmem:s16], [sflag:$0x1] =	stream.indirect.gather [hbm4b:s2+s15], $0x40, s4, s15, $0xb8;
	[tilespmem:$0x1B200] =	vst v63  }
0x24: {  	_ = 	snop  }
0x25: {  	[tilespmem:s17], [sflag:$0x2] =	stream.indirect.gather [hbm4b:s2+s15], $0x40, s15, s15, $0xb8;
	[tilespmem:$0x1B200] =	vst v63  }
0x26: {  	_ = 	snop  }
0x27: {  	[tilespmem:s19], [sflag:$0x3] =	stream.indirect.gather [hbm4b:s2+s15], $0x40, s18, s15, $0xb8;
	[tilespmem:$0x1B200] =	vst v63  }
0x28: {  	s28 =	simm.s32 $0x4;
	s29 =	simm.s32 $0x0  }
0x29: {  	[tilespmem:s21], [sflag:$0x4] =	stream.indirect.gather [hbm4b:s2+s15], $0x40, s20, s15, $0xb8;
	[tilespmem:$0x1B200] =	vst v63  }
.LBB2_2:
0x2a: {  	_ =	swait.ge [sflag:s22], $0x2000  }
0x2b: {  	s30 =	sshra.s32 s29, $0x2;
	[sflag:s22] =	ssyncset.done $0x0  }
0x2c: {  	s31 =	sadd.s32 $0x4A00, s30;
	[sflag:s22] =	ssyncadd.s32 $0xFFFFE000  }
0x2d: {  	[spmem:s3] =	stream.indirect.scatter.add.f32 [tilespmem:s16], [sflag:$0x5], $0x40, s31, s15, $0xb8;
	[tilespmem:$0x1B200] =	vst v63  }
0x2e: {  	p0 =	sge.u32 s28, s5;
	_ =	swait.ge [sflag:s11], $0x2000  }
0x2f: {  	s0 =	simm.s32 @!p0 $0x80;
	s31 =	sshra.s32 @!p0 s29, $0x2;
	[sflag:s11] =	ssyncset.done $0x0  }
0x30: {  	s1 =	simm.s32 @!p0 $0x9400;
	s31 =	sadd.s32 @!p0 $0x200, s31;
	[sflag:s11] =	ssyncadd.s32 $0xFFFFE000  }
0x31: {  	[tilespmem:s1], [sflag:$0x1] =	stream.indirect.gather @!p0 [hbm4b:s2+s0], $0x40, s31, s0, $0xb8;
	[tilespmem:$0x1B200] =	vst v63  }
0x32: {  	_ =	swait.ge [sflag:s23], $0x2000  }
0x33: {  	[sflag:s23] =	ssyncset.done $0x0  }
0x34: {  	s31 =	sadd.s32 $0x4A80, s30;
	s1 =	sadd.s32 $0x1, s28;
	[sflag:s23] =	ssyncadd.s32 $0xFFFFE000  }
0x35: {  	[spmem:s3] =	stream.indirect.scatter.add.f32 [tilespmem:s17], [sflag:$0x5], $0x40, s31, s15, $0xb8;
	[tilespmem:$0x1B200] =	vst v63  }
0x36: {  	p0 =	sge.u32 s1, s5;
	_ =	swait.ge [sflag:s11], $0x2000  }
0x37: {  	s0 =	sshra.s32 @!p0 s29, $0x2;
	s1 =	simm.s32 @!p0 $0x80;
	[sflag:s11] =	ssyncset.done $0x0  }
0x38: {  	s0 =	sadd.s32 @!p0 $0x280, s0;
	s31 =	simm.s32 @!p0 $0xB400;
	[sflag:s11] =	ssyncadd.s32 $0xFFFFE000  }
0x39: {  	[tilespmem:s31], [sflag:$0x2] =	stream.indirect.gather @!p0 [hbm4b:s2+s1], $0x40, s0, s1, $0xb8;
	[tilespmem:$0x1B200] =	vst v63  }
0x3a: {  	_ =	swait.ge [sflag:s24], $0x2000  }
0x3b: {  	[sflag:s24] =	ssyncset.done $0x0  }
0x3c: {  	s31 =	sadd.s32 $0x4B00, s30;
	s1 =	sadd.s32 $0x2, s28;
	[sflag:s24] =	ssyncadd.s32 $0xFFFFE000  }
0x3d: {  	[spmem:s3] =	stream.indirect.scatter.add.f32 [tilespmem:s19], [sflag:$0x5], $0x40, s31, s15, $0xb8;
	[tilespmem:$0x1B200] =	vst v63  }
0x3e: {  	p0 =	sge.u32 s1, s5;
	_ =	swait.ge [sflag:s11], $0x2000  }
0x3f: {  	s0 =	sshra.s32 @!p0 s29, $0x2;
	s1 =	simm.s32 @!p0 $0x80;
	[sflag:s11] =	ssyncset.done $0x0  }
0x40: {  	s0 =	sadd.s32 @!p0 $0x300, s0;
	s31 =	simm.s32 @!p0 $0xD400;
	[sflag:s11] =	ssyncadd.s32 $0xFFFFE000  }
0x41: {  	[tilespmem:s31], [sflag:$0x3] =	stream.indirect.gather @!p0 [hbm4b:s2+s1], $0x40, s0, s1, $0xb8;
	[tilespmem:$0x1B200] =	vst v63  }
0x42: {  	_ =	swait.ge [sflag:s25], $0x2000  }
0x43: {  	s31 =	sadd.s32 $0x3, s28;
	[sflag:s25] =	ssyncset.done $0x0  }
0x44: {  	s30 =	sadd.s32 $0x4B80, s30;
	p0 =	sge.u32 s31, s5;
	[sflag:s25] =	ssyncadd.s32 $0xFFFFE000  }
0x45: {  	[spmem:s3] =	stream.indirect.scatter.add.f32 [tilespmem:s21], [sflag:$0x5], $0x40, s30, s15, $0xb8;
	[tilespmem:$0x1B200] =	vst v63  }
0x46: {  	s0 =	sshra.s32 @!p0 s29, $0x2;
	s1 =	simm.s32 @!p0 $0x80;
	_ =	swait.ge [sflag:s11], $0x2000  }
0x47: {  	s29 =	sadd.s32 $0x800, s29;
	s0 =	sadd.s32 @!p0 $0x380, s0;
	[sflag:s11] =	ssyncset.done $0x0  }
0x48: {  	s30 =	simm.s32 @!p0 $0xF400;
	s31 =	rddreg [dreg:$0x6];
	[sflag:s11] =	ssyncadd.s32 $0xFFFFE000  }
0x49: {  	[tilespmem:s30], [sflag:$0x4] =	stream.indirect.gather @!p0 [hbm4b:s2+s1], $0x40, s0, s1, $0xb8;
	[tilespmem:$0x1B200] =	vst v63  }
0x4a: {  	p0 =	sne.s32 s31, s29  }
.Ltmp0:
0x4b: {  	_ = 	snop;
	(pc) =	sbr.rel @p0 .LBB2_2-.Ltmp0, $2  }
0x4c: {  	_ =	sdelay $0x2  }
0x4d: {  	s28 =	sadd.s32 $0x4, s28  }
0x4e: {  	s26 =	sadd.s32 $0x1, s26  }
0x4f: {  	p0 =	sne.s32 s26, s10  }
.Ltmp1:
0x50: {  	[bflag:$0x0] =	sbarrier.arrive $0xFFFF;
	(pc) =	sbr.rel @p0 .LBB2_1-.Ltmp1, $4  }
0x51: {  	[hbm:s9], [sflag:s13] =	dma.local [spmem:s14], $0x13C0  }
0x52: {  	_ =	swait.ge [sflag:s11], $0x13C0  }
0x53: {  	[sflag:s11] =	ssyncset.done $0x0  }
0x54: {  	[sflag:s11] =	ssyncadd.s32 $0xFFFFEC40  }
0x55: {  	_ =	sfence.sel $0x180000  }
0x56: {  	[bflag:$0x0] =	sbarrier.arrive $0xFFFF  }
0x57: {  	_ =	strace $0x90000050  }
0x58: {  	s0 =	stileid.u32;
	[bflag:$0x2] =	sbarrier.arrive $0xFFFF  }
0x59: {  	p0 =	sne.s32 s0, $0x0;
	s0 =	rddreg [dreg:$0x5]  }
0x5a: {  	s0 =	sadd.s32 @!p0 $0x100000, s0  }
0x5b: {  	[sflag:s0] =	ssyncadd.tile.s32 @!p0 $0x1;
	_ =	shalt  }
.Lfunc_end2:
_tile_overlayer_lowered:
.L_overlay_start_2:
0x5c: {  	(tag) =	ssettag $0x2  }
0x5d: {  	s0 =	rddreg [dreg:$0x0];
	s2 =	stileid.u32  }
0x5e: {  	s1 =	rddreg [dreg:$0x1];
	p0 =	sne.s32 s2, $0x0  }
0x5f: {  	s3 =	rddreg [dreg:$0x2];
	[bflag:$0x3] =	sbarrier.arrive $0xFFFF;
	s2 =	simm.s32 @!p0 $0x1C05  }
0x60: {  	[timem:s3], [sflag:s2] =	dma.local @!p0 [hbm:s0], s1  }
0x61: {  	s0 =	simm.s32 @!p0 $0x5  }
0x62: {  	_ =	swait.ge @!p0 [sflag:s0], s1  }
0x63: {  	s1 =	ssub.s32 @!p0 $0x0, s1;
	[sflag:s0] =	ssyncset.done @!p0 $0x0  }
0x64: {  	[sflag:s0] =	ssyncadd.s32 @!p0 s1  }
0x65: {  	[bflag:$0x3] =	sbarrier.arrive $0xFFFF  }
0x66: {  	_ =	shalt  }

// kernel: kernel.25.cloned.1.call-start
scs
__scs_entry_jumppad:
0x0: {  	(pc) =	sbr.rel $0x88, $3  }
0x1: {  	(tag) =	ssettag $0x0;
	lr =	simm.s32 $0x1  }
0x2: {  	[smem:$0x3F92] =	sst lr;
	_ =	strace $0xD0000000  }
0x3: {  	_ = 	snop  }
0x4: {  	_ = 	snop  }
0x5: {  	_ = 	snop  }
0x6: {  	_ = 	snop  }
0x7: {  	_ = 	snop  }
__scs_overlays_trampoline_lowered:
0x8: {  	[smem:$0x3FA1] =	sst s0  }
0x9: {  	[smem:$0x3FA2] =	sst s1  }
0xa: {  	[smem:$0x3FA3] =	sst s2  }
0xb: {  	[smem:$0x3FA4] =	sst s3  }
0xc: {  	[smem:$0x3FA5] =	sst s4  }
0xd: {  	[smem:$0x3FA6] =	sst s5  }
0xe: {  	[smem:$0x3FA7] =	sst s6  }
0xf: {  	[smem:$0x3FA8] =	sst s7  }
0x10: {  	[smem:$0x3FA9] =	sst s8  }
0x11: {  	[smem:$0x3FAA] =	sst s9;
	s0 =	simm.s32 @!p0 $0x0  }
0x12: {  	s1 =	sld [smem:$0x3F90];
	s0 =	simm.s32 @p0 $0x1  }
0x13: {  	[smem:$0x3FAB] =	sst s0;
	s0 =	simm.s32 @!p1 $0x0  }
0x14: {  	s2 =	sld [smem:$0x3F8F];
	s0 =	simm.s32 @p1 $0x1  }
0x15: {  	[smem:$0x3FAC] =	sst s0;
	s0 =	simm.s32 @!p2 $0x0  }
0x16: {  	s3 =	sld [smem:$0x3FDB];
	s0 =	simm.s32 @p2 $0x1  }
0x17: {  	s4 =	simm.s32 $0x1BF5;
	[smem:$0x3FAE] =	sst s0  }
0x18: {  	s0 =	sld [smem:$0x3F91];
	_ =	swait.ge [sflag:s4], $0x0  }
0x19: {  	s7 =	sld [smem:$0x3F92]  }
0x1a: {  	s8 =	sadd.s32 $0xFFFFE003, lr  }
0x1b: {  	s9 =	sadd.s32 $0xFFFFFEF7, lr;
	s5 =	simm.s32 $0xFFFFFFFF;
	p2 =	slt.u32 s8, $0xFFFFF086  }
0x1c: {  	p1 =	slt.u32 s9, $0xF7A;
	s5 =	simm.s32 @!p2 $0x0  }
0x1d: {  	s5 =	simm.s32 @p1 $0x1;
	p0 =	seq.s32 s7, s2  }
0x1e: {  	s7 =	smul.u32 @!p0 $0xF7A, s2;
	p2 =	seq.s32 @!p0 s5, $0x0  }
0x1f: {  	s9 =	smul.u32 $0xF7A, s1;
	s8 =	simm.s32 @!p0 $0x1BF5;
	p2 =	por !p2, p0  }
0x20: {  	[sflag:s8] =	ssyncset.s32 @!p0 $0xFFFFF086;
	s6 =	sadd.s32 @!p0 s3, s7;
	s7 =	simm.s32 @!p0 $0x108  }
0x21: {  	s3 =	sadd.s32 s3, s9;
	s6 =	sadd.s32 @!p0 $0x88, s6;
	s7 =	simm.s32 @p2 $0x1082  }
0x22: {  	[simem:s7], [sflag:s8] =	dma.local @!p0 [hbm:s6], $0xF7A  }
0x23: {  	s9 =	sor.u32 $0xD0000000, s2;
	s6 =	simm.s32 $0x108;
	_ =	swait.ge @!p0 [sflag:s8], $0x0  }
0x24: {  	s3 =	sadd.s32 $0x88, s3;
	s6 =	simm.s32 @!p1 $0x1082;
	[sflag:s4] =	ssyncset.s32 $0xFFFFF086  }
0x25: {  	[simem:s6], [sflag:s4] =	dma.local [hbm:s3], $0xF7A  }
0x26: {  	[smem:$0x3F92] =	sst s1;
	(tag) =	ssettag s2;
	_ =	strace s9  }
0x27: {  	s1 =	sld [smem:$0x3FA2]  }
0x28: {  	s2 =	sld [smem:$0x3FA3]  }
0x29: {  	s4 =	sld [smem:$0x3FA5]  }
0x2a: {  	p0 =	seq.s32 s5, $0x0;
	s5 =	sld [smem:$0x3FA6]  }
0x2b: {  	s6 =	sld [smem:$0x3FA7]  }
0x2c: {  	s7 =	sld [smem:$0x3FA8]  }
0x2d: {  	s3 =	simm.s32 $0x108;
	s8 =	sld [smem:$0x3FA9]  }
0x2e: {  	s3 =	simm.s32 @!p0 $0x1082;
	s9 =	sld [smem:$0x3FAA]  }
0x2f: {  	lr =	sadd.s32 s0, s3;
	s0 =	sld [smem:$0x3FA1]  }
0x30: {  	s3 =	sld [smem:$0x3FA4]  }
0x31: {  	[smem:$0x3FAD] =	sst s10  }
0x32: {  	s10 =	sld [smem:$0x3FAB];
	_ =	sdelay $0x3  }
0x33: {  	p0 =	seq.s32 s10, $0x1;
	s10 =	sld [smem:$0x3FAD];
	_ =	sdelay $0x3  }
0x34: {  	[smem:$0x3FAD] =	sst s10  }
0x35: {  	s10 =	sld [smem:$0x3FAC];
	_ =	sdelay $0x3  }
0x36: {  	p1 =	seq.s32 s10, $0x1;
	s10 =	sld [smem:$0x3FAD];
	_ =	sdelay $0x3  }
0x37: {  	[smem:$0x3FAD] =	sst s10  }
0x38: {  	s10 =	sld [smem:$0x3FAE]  }
0x39: {  	_ = 	snop;
	(pc) =	sbr.ind lr, $3  }
0x3a: {  	_ = 	snop  }
0x3b: {  	_ = 	snop  }
0x3c: {  	p2 =	seq.s32 s10, $0x1;
	s10 =	sld [smem:$0x3FAD]  }
0x3d: {  	_ =	shalt  }
0x3e: {  	_ =	shalt  }
0x3f: {  	_ =	shalt  }
0x40: {  	_ =	shalt  }
0x41: {  	_ =	shalt  }
0x42: {  	_ =	shalt  }
0x43: {  	_ =	shalt  }
0x44: {  	_ =	shalt  }
0x45: {  	_ =	shalt  }
0x46: {  	_ =	shalt  }
0x47: {  	_ =	shalt  }
0x48: {  	_ =	shalt  }
0x49: {  	_ =	shalt  }
0x4a: {  	_ =	shalt  }
0x4b: {  	_ =	shalt  }
0x4c: {  	_ =	shalt  }
0x4d: {  	_ =	shalt  }
0x4e: {  	_ =	shalt  }
0x4f: {  	_ =	shalt  }
0x50: {  	_ =	shalt  }
0x51: {  	_ =	shalt  }
0x52: {  	_ =	shalt  }
0x53: {  	_ =	shalt  }
0x54: {  	_ =	shalt  }
0x55: {  	_ =	shalt  }
0x56: {  	_ =	shalt  }
0x57: {  	_ =	shalt  }
0x58: {  	_ =	shalt  }
0x59: {  	_ =	shalt  }
0x5a: {  	_ =	shalt  }
0x5b: {  	_ =	shalt  }
0x5c: {  	_ =	shalt  }
0x5d: {  	_ =	shalt  }
0x5e: {  	_ =	shalt  }
0x5f: {  	_ =	shalt  }
0x60: {  	_ =	shalt  }
0x61: {  	_ =	shalt  }
0x62: {  	_ =	shalt  }
0x63: {  	_ =	shalt  }
0x64: {  	_ =	shalt  }
0x65: {  	_ =	shalt  }
0x66: {  	_ =	shalt  }
0x67: {  	_ =	shalt  }
0x68: {  	_ =	shalt  }
0x69: {  	_ =	shalt  }
0x6a: {  	_ =	shalt  }
0x6b: {  	_ =	shalt  }
0x6c: {  	_ =	shalt  }
0x6d: {  	_ =	shalt  }
0x6e: {  	_ =	shalt  }
0x6f: {  	_ =	shalt  }
0x70: {  	_ =	shalt  }
0x71: {  	_ =	shalt  }
0x72: {  	_ =	shalt  }
0x73: {  	_ =	shalt  }
0x74: {  	_ =	shalt  }
0x75: {  	_ =	shalt  }
0x76: {  	_ =	shalt  }
0x77: {  	_ =	shalt  }
0x78: {  	_ =	shalt  }
0x79: {  	_ =	shalt  }
0x7a: {  	_ =	shalt  }
0x7b: {  	_ =	shalt  }
0x7c: {  	_ =	shalt  }
0x7d: {  	_ =	shalt  }
0x7e: {  	_ =	shalt  }
0x7f: {  	_ =	shalt  }
0x80: {  	_ =	shalt  }
0x81: {  	_ =	shalt  }
0x82: {  	_ =	shalt  }
0x83: {  	_ =	shalt  }
0x84: {  	_ =	shalt  }
0x85: {  	_ =	shalt  }
0x86: {  	_ =	shalt  }
0x87: {  	_ =	shalt  }
.Lfunc_end0:
.L_simem_size_0:
called_computation.4_lowered:
.L_overlay_start_0:
0x88: {  	s2 =	sld [smem:$0x3FD9]  }
0x89: {  	s3 =	sld [smem:$0x3FFE];
	_ =	sdelay $0x1  }
0x8a: {  	s1 =	srdreg.scid  }
0x8b: {  	s0 =	sand.u32 $0x1, s1  }
0x8c: {  	s14 =	sshll.u32 s0, $0xA;
	s2 =	sadd.s32 s3, s2  }
0x8d: {  	s2 =	sadd.s32 s2, s14  }
0x8e: {  	[smem:$0x3FB9] =	sst s2  }
0x8f: {  	_ = 	snop  }
0x90: {  	s2 =	sld [smem:$0x3FD0];
	_ =	sdelay $0x2  }
0x91: {  	s15 =	simm.s32 $0xB;
	s4 =	simm.s32 $0x10  }
0x92: {  	[smem:s4], [sflag:s15] =	dma.local [hbm:s2], $0x1  }
0x93: {  	_ =	swait.eq [sflag:s15], $0x1  }
0x94: {  	[sflag:s15] =	ssyncset.done $0x0  }
0x95: {  	s16 =	sld [smem:$0x11];
	[sflag:s15] =	ssyncadd.s32 $0xFFFFFFFF  }
0x96: {  	s17 =	sld [smem:$0x12];
	(tm) =	ssettm $0x1  }
0x97: {  	s18 =	sld [smem:$0x3FFB];
	_ =	sdelay $0x3  }
0x98: {  	_ =	strace s18  }
0x99: {  	s4 =	sld [smem:$0x3FFC];
	_ =	sdelay $0x3  }
0x9a: {  	_ =	strace s4  }
0x9b: {  	s4 =	sld [smem:$0x3FFD];
	_ =	sdelay $0x3  }
0x9c: {  	_ =	strace s4  }
0x9d: {  	_ =	strace $0x8FFFFFFF  }
0x9e: {  	s19 =	sld [smem:$0x3FDB];
	_ =	sdelay $0x1  }
0x9f: {  	s5 =	simm.s32 $_scs_section_size  }
0xa0: {  	s6 =	simm.s32 $_size__tile_overlayer_lowered;
	s7 =	simm.s32 $_tile_overlayer_lowered  }
0xa1: {  	s22 =	simm.s32 $0x1BFF;
	s21 =	sshll.u32 s7, $0x1;
	s4 =	sadd.s32 s5, s19  }
0xa2: {  	s8 =	simm.s32 $0x0;
	s20 =	sshll.u32 s6, $0x1;
	s6 =	sadd.s32 s21, s4  }
0xa3: {  	[timem:s8], [sflag:s22] =	dma.local [hbm:s6], s20  }
0xa4: {  	_ =	swait.ge [sflag:s22], s20  }
0xa5: {  	s5 =	ssub.s32 $0x0, s20;
	[sflag:s22] =	ssyncset.done $0x0  }
0xa6: {  	[sflag:s22] =	ssyncadd.s32 s5;
	_ =	sdelay $0x1  }
0xa7: {  	s23 =	simm.s32 $0x1B8B  }
0xa8: {  	_ =	swait.ge [sflag:s23], $0x1  }
0xa9: {  	[sflag:s23] =	ssyncset.done $0x0  }
0xaa: {  	s25 =	simm.s32 $0x1B8E;
	s24 =	sld [smem:$0x3FFE];
	[sflag:s23] =	ssyncadd.s32 $0xFFFFFFFF  }
0xab: {  	s26 =	simm.s32 $execute0_lowered;
	[smem:$0x3FD2] =	sst s25  }
0xac: {  	s6 =	sshll.u32 s26, $0x1;
	_ =	strace $0x80000052;
	[dreg:$0x1] =	wrdreg $0xFFFFFFFF  }
0xad: {  	s28 =	simm.s32 $_size_execute0_lowered;
	s4 =	sadd.s32 s4, s6;
	[dreg:$0x0] =	wrdreg $0x0  }
0xae: {  	s6 =	sshll.u32 s28, $0x1;
	[dreg:$0x2] =	wrdreg s4  }
0xaf: {  	[dreg:$0x3] =	wrdreg s6  }
0xb0: {  	[dreg:$0x4] =	wrdreg $0xC0  }
0xb1: {  	_ =	task [dreg:s8], $0x5FFFF  }
0xb2: {  	[dreg:$0x1] =	wrdreg $0xFFFFFFFF  }
0xb3: {  	[dreg:$0x0] =	wrdreg $0x60  }
0xb4: {  	[dreg:$0x2] =	wrdreg s17  }
0xb5: {  	[dreg:$0x3] =	wrdreg s16  }
0xb6: {  	[dreg:$0x4] =	wrdreg s24  }
0xb7: {  	[dreg:$0x5] =	wrdreg $0x114000  }
0xb8: {  	[dreg:$0x6] =	wrdreg $0x9  }
0xb9: {  	_ =	task.clear_ibuf [dreg:s8], $0x7FFFF;
	_ =	strace $0x90000052  }
0xba: {  	s29 =	simm.s32 $0x9;
	_ =	strace $0x80000054  }
0xbb: {  	_ =	swait.ge [sflag:s29], $0x1  }
0xbc: {  	[sflag:s29] =	ssyncadd.s32 $0xFFFFFFFF  }
0xbd: {  	_ =	strace $0x90000054  }
0xbe: {  	_ =	sfence  }
0xbf: {  	s30 =	sld [smem:$0x0];
	_ =	sdelay $0x2  }
0xc0: {  	s31 =	sshll.u32 s1, $0xD;
	s1 =	sshrl.u32 s1, $0x2  }
0xc1: {  	s3 =	sand.u32 $0x4000, s31;
	s1 =	sadd.s32 s1, s30  }
0xc2: {  	s0 =	sor.u32 s3, s0;
	s1 =	sshll.u32 s1, $0x11  }
0xc3: {  	s0 =	sor.u32 s1, s0  }
0xc4: {  	s0 =	sadd.s32 $0x8F2B, s0  }
0xc5: {  	[sflag:s0] =	ssyncadd.remote.s32 $0x1  }
0xc6: {  	_ =	sfence.sel $0xFFFF  }
0xc7: {  	[dreg:$0x0] =	wrdreg $0xFFFFFFFF;
	(pc) =	sbr.abs _section_cstart, $3  }
0xc8: {  	[dreg:$0x1] =	wrdreg $0xFFFFFFFF  }
0xc9: {  	_ =	task.clear_ibuf [dreg:s8], $0x2FFFF;
	_ =	strace $0x9FFFFFFF  }
0xca: {  	(tm) =	ssettm $0x7FFFFFFF  }
0xcb: {  	_ =	shalt  }
tec
execute0_lowered:
.L_overlay_start_1:
0x0: {  	(tag) =	ssettag $0x1  }
0x1: {  	s6 =	rddreg [dreg:$0x0]  }
0x2: {  	s7 =	rddreg [dreg:$0x1]  }
0x3: {  	s5 =	rddreg [dreg:$0x2]  }
0x4: {  	s2 =	rddreg [dreg:$0x3];
	s3 =	simm.s32 $0x0;
	s0 =	stileid.u32  }
0x5: {  	s4 =	srdreg.scid;
	s15 =	simm.s32 $0x80;
	s16 =	simm.s32 $0x9400  }
0x6: {  	s17 =	simm.s32 $0xB400;
	s18 =	simm.s32 $0x100;
	s19 =	simm.s32 $0xD400  }
0x7: {  	s20 =	simm.s32 $0x180;
	s21 =	simm.s32 $0xF400;
	s22 =	simm.s32 $0x1  }
0x8: {  	s23 =	simm.s32 $0x2;
	s24 =	simm.s32 $0x3;
	s25 =	simm.s32 $0x4  }
0x9: {  	s26 =	simm.s32 $0x0;
	[smem:$0x7FF] =	sst s3;
	s8 =	smul.u32 $0x9E00, s0  }
0xa: {  	s9 =	sand.u32 $0x1, s4;
	s4 =	sadd.s32 $0x65800, s5;
	s12 =	smul.u32 $0xC, s0  }
0xb: {  	s13 =	smul.u32 $0x94, s0;
	s31 =	sshll.u32 s0, $0x6;
	_ =	strace $0x80000053  }
0xc: {  	s10 =	smul.u32 $0x9E000, s9;
	p0 =	seq.s32 s9, $0x0;
	s9 =	ssub.s32 $0x2, s9  }
0xd: {  	s11 =	sshrl.u32 s8, $0x3;
	s12 =	sadd.s32 $0x940, s12;
	s29 =	sshrl.u32 s9, $0x1  }
0xe: {  	s14 =	sadd.s32 s8, s2;
	s11 =	sadd.s32 s11, s5;
	s10 =	sadd.s32 s8, s10  }
0xf: {  	s12 =	smov.u32 @p0 s13;
	s13 =	ssub.s32 s9, s29;
	s14 =	sshrl.u32 s14, $0x3  }
0x10: {  	s10 =	sshrl.u32 s10, $0x3;
	s12 =	sshll.u32 s12, $0x4;
	s8 =	sadd.s32 $0x2A400, s11  }
0x11: {  	s11 =	simm.s32 $0x5;
	s10 =	sadd.s32 s10, s5;
	s5 =	simm.s32 $0x94  }
0x12: {  	s6 =	sadd.s32 s6, s12;
	s7 =	sadd.s32 s7, s12;
	s5 =	simm.s32 @!p0 $0xC  }
0x13: {  	s12 =	simm.s32 $0x4A00;
	s9 =	sadd.s32 $0x79400, s10;
	s30 =	sshll.u32 s5, $0x9  }
0x14: {  	s10 =	smax.u32 s13, $0x1;
	s13 =	sor.u32 $0x1C05, s31;
	[dreg:$0x5] =	wrdreg s30  }
.LBB2_1:
0x15: {  	[tilespmem:s3], [sflag:$0x5] =	stream.linear.gather [hbm4b:s6+s3], $0x4A00, $0x38;
	[tilespmem:$0x1B200] =	vst v63  }
0x16: {  	_ =	swait.ge [sflag:s11], $0x4A00  }
0x17: {  	[sflag:s11] =	ssyncset.done $0x0  }
0x18: {  	[sflag:s11] =	ssyncadd.s32 $0xFFFFB600  }
0x19: {  	[tilespmem:s12], [sflag:$0x5] =	stream.linear.gather [hbm4b:s7+s3], $0x4A00, $0x38;
	[tilespmem:$0x1B200] =	vst v63  }
0x1a: {  	_ =	swait.ge [sflag:s11], $0x4A00  }
0x1b: {  	[sflag:s11] =	ssyncset.done $0x0  }
0x1c: {  	[sflag:s11] =	ssyncadd.s32 $0xFFFFB600  }
0x1d: {  	[spmem:s14], [sflag:s13] =	dma.local [hbm:s8], $0x13C0  }
0x1e: {  	_ =	swait.ge [sflag:s11], $0x13C0  }
0x1f: {  	[sflag:s11] =	ssyncset.done $0x0  }
0x20: {  	[sflag:s11] =	ssyncadd.s32 $0xFFFFEC40  }
0x21: {  	[bflag:$0x0] =	sbarrier.arrive $0xFFFF  }
0x22: {  	[tilespmem:s16], [sflag:$0x1] =	stream.indirect.gather [hbm4b:s4+s15], $0x40, s3, s15, $0xb8;
	[tilespmem:$0x1B200] =	vst v63  }
0x23: {  	_ = 	snop  }
0x24: {  	[tilespmem:s17], [sflag:$0x2] =	stream.indirect.gather [hbm4b:s4+s15], $0x40, s15, s15, $0xb8;
	[tilespmem:$0x1B200] =	vst v63  }
0x25: {  	_ = 	snop  }
0x26: {  	[tilespmem:s19], [sflag:$0x3] =	stream.indirect.gather [hbm4b:s4+s15], $0x40, s18, s15, $0xb8;
	[tilespmem:$0x1B200] =	vst v63  }
0x27: {  	s28 =	simm.s32 $0x4;
	s29 =	simm.s32 $0x0  }
0x28: {  	[tilespmem:s21], [sflag:$0x4] =	stream.indirect.gather [hbm4b:s4+s15], $0x40, s20, s15, $0xb8;
	[tilespmem:$0x1B200] =	vst v63  }
.LBB2_2:
0x29: {  	_ =	swait.ge [sflag:s22], $0x2000  }
0x2a: {  	s30 =	sshra.s32 s29, $0x2;
	[sflag:s22] =	ssyncset.done $0x0  }
0x2b: {  	s31 =	sadd.s32 $0x4A00, s30;
	[sflag:s22] =	ssyncadd.s32 $0xFFFFE000  }
0x2c: {  	[spmem:s2] =	stream.indirect.scatter.add.f32 [tilespmem:s16], [sflag:$0x5], $0x40, s31, s15, $0xb8;
	[tilespmem:$0x1B200] =	vst v63  }
0x2d: {  	p0 =	sge.u32 s28, s5;
	_ =	swait.ge [sflag:s11], $0x2000  }
0x2e: {  	s0 =	simm.s32 @!p0 $0x80;
	s31 =	sshra.s32 @!p0 s29, $0x2;
	[sflag:s11] =	ssyncset.done $0x0  }
0x2f: {  	s1 =	simm.s32 @!p0 $0x9400;
	s31 =	sadd.s32 @!p0 $0x200, s31;
	[sflag:s11] =	ssyncadd.s32 $0xFFFFE000  }
0x30: {  	[tilespmem:s1], [sflag:$0x1] =	stream.indirect.gather @!p0 [hbm4b:s4+s0], $0x40, s31, s0, $0xb8;
	[tilespmem:$0x1B200] =	vst v63  }
0x31: {  	_ =	swait.ge [sflag:s23], $0x2000  }
0x32: {  	[sflag:s23] =	ssyncset.done $0x0  }
0x33: {  	s31 =	sadd.s32 $0x4A80, s30;
	s1 =	sadd.s32 $0x1, s28;
	[sflag:s23] =	ssyncadd.s32 $0xFFFFE000  }
0x34: {  	[spmem:s2] =	stream.indirect.scatter.add.f32 [tilespmem:s17], [sflag:$0x5], $0x40, s31, s15, $0xb8;
	[tilespmem:$0x1B200] =	vst v63  }
0x35: {  	p0 =	sge.u32 s1, s5;
	_ =	swait.ge [sflag:s11], $0x2000  }
0x36: {  	s0 =	sshra.s32 @!p0 s29, $0x2;
	s1 =	simm.s32 @!p0 $0x80;
	[sflag:s11] =	ssyncset.done $0x0  }
0x37: {  	s0 =	sadd.s32 @!p0 $0x280, s0;
	s31 =	simm.s32 @!p0 $0xB400;
	[sflag:s11] =	ssyncadd.s32 $0xFFFFE000  }
0x38: {  	[tilespmem:s31], [sflag:$0x2] =	stream.indirect.gather @!p0 [hbm4b:s4+s1], $0x40, s0, s1, $0xb8;
	[tilespmem:$0x1B200] =	vst v63  }
0x39: {  	_ =	swait.ge [sflag:s24], $0x2000  }
0x3a: {  	[sflag:s24] =	ssyncset.done $0x0  }
0x3b: {  	s31 =	sadd.s32 $0x4B00, s30;
	s1 =	sadd.s32 $0x2, s28;
	[sflag:s24] =	ssyncadd.s32 $0xFFFFE000  }
0x3c: {  	[spmem:s2] =	stream.indirect.scatter.add.f32 [tilespmem:s19], [sflag:$0x5], $0x40, s31, s15, $0xb8;
	[tilespmem:$0x1B200] =	vst v63  }
0x3d: {  	p0 =	sge.u32 s1, s5;
	_ =	swait.ge [sflag:s11], $0x2000  }
0x3e: {  	s0 =	sshra.s32 @!p0 s29, $0x2;
	s1 =	simm.s32 @!p0 $0x80;
	[sflag:s11] =	ssyncset.done $0x0  }
0x3f: {  	s0 =	sadd.s32 @!p0 $0x300, s0;
	s31 =	simm.s32 @!p0 $0xD400;
	[sflag:s11] =	ssyncadd.s32 $0xFFFFE000  }
0x40: {  	[tilespmem:s31], [sflag:$0x3] =	stream.indirect.gather @!p0 [hbm4b:s4+s1], $0x40, s0, s1, $0xb8;
	[tilespmem:$0x1B200] =	vst v63  }
0x41: {  	_ =	swait.ge [sflag:s25], $0x2000  }
0x42: {  	s31 =	sadd.s32 $0x3, s28;
	[sflag:s25] =	ssyncset.done $0x0  }
0x43: {  	s30 =	sadd.s32 $0x4B80, s30;
	p0 =	sge.u32 s31, s5;
	[sflag:s25] =	ssyncadd.s32 $0xFFFFE000  }
0x44: {  	[spmem:s2] =	stream.indirect.scatter.add.f32 [tilespmem:s21], [sflag:$0x5], $0x40, s30, s15, $0xb8;
	[tilespmem:$0x1B200] =	vst v63  }
0x45: {  	s0 =	sshra.s32 @!p0 s29, $0x2;
	s1 =	simm.s32 @!p0 $0x80;
	_ =	swait.ge [sflag:s11], $0x2000  }
0x46: {  	s29 =	sadd.s32 $0x800, s29;
	s0 =	sadd.s32 @!p0 $0x380, s0;
	[sflag:s11] =	ssyncset.done $0x0  }
0x47: {  	s30 =	simm.s32 @!p0 $0xF400;
	s31 =	rddreg [dreg:$0x5];
	[sflag:s11] =	ssyncadd.s32 $0xFFFFE000  }
0x48: {  	[tilespmem:s30], [sflag:$0x4] =	stream.indirect.gather @!p0 [hbm4b:s4+s1], $0x40, s0, s1, $0xb8;
	[tilespmem:$0x1B200] =	vst v63  }
0x49: {  	p0 =	sne.s32 s31, s29  }
.Ltmp0:
0x4a: {  	_ = 	snop;
	(pc) =	sbr.rel @p0 .LBB2_2-.Ltmp0, $2  }
0x4b: {  	_ =	sdelay $0x2  }
0x4c: {  	s28 =	sadd.s32 $0x4, s28  }
0x4d: {  	s26 =	sadd.s32 $0x1, s26  }
0x4e: {  	p0 =	sne.s32 s26, s10  }
.Ltmp1:
0x4f: {  	[bflag:$0x0] =	sbarrier.arrive $0xFFFF;
	(pc) =	sbr.rel @p0 .LBB2_1-.Ltmp1, $4  }
0x50: {  	[hbm:s9], [sflag:s13] =	dma.local [spmem:s14], $0x13C0  }
0x51: {  	_ =	swait.ge [sflag:s11], $0x13C0  }
0x52: {  	[sflag:s11] =	ssyncset.done $0x0  }
0x53: {  	[sflag:s11] =	ssyncadd.s32 $0xFFFFEC40  }
0x54: {  	_ =	sfence.sel $0x180000  }
0x55: {  	[bflag:$0x0] =	sbarrier.arrive $0xFFFF  }
0x56: {  	_ =	strace $0x90000053  }
0x57: {  	s0 =	stileid.u32;
	[bflag:$0x2] =	sbarrier.arrive $0xFFFF  }
0x58: {  	p0 =	sne.s32 s0, $0x0;
	s0 =	rddreg [dreg:$0x4]  }
0x59: {  	s0 =	sadd.s32 @!p0 $0x100000, s0  }
0x5a: {  	[sflag:s0] =	ssyncadd.tile.s32 @!p0 $0x1;
	_ =	shalt  }
.Lfunc_end2:
_tile_overlayer_lowered:
.L_overlay_start_2:
0x5b: {  	(tag) =	ssettag $0x2  }
0x5c: {  	s0 =	rddreg [dreg:$0x0];
	s2 =	stileid.u32  }
0x5d: {  	s1 =	rddreg [dreg:$0x1];
	p0 =	sne.s32 s2, $0x0  }
0x5e: {  	s3 =	rddreg [dreg:$0x2];
	[bflag:$0x3] =	sbarrier.arrive $0xFFFF;
	s2 =	simm.s32 @!p0 $0x1C05  }
0x5f: {  	[timem:s3], [sflag:s2] =	dma.local @!p0 [hbm:s0], s1  }
0x60: {  	s0 =	simm.s32 @!p0 $0x5  }
0x61: {  	_ =	swait.ge @!p0 [sflag:s0], s1  }
0x62: {  	s1 =	ssub.s32 @!p0 $0x0, s1;
	[sflag:s0] =	ssyncset.done @!p0 $0x0  }
0x63: {  	[sflag:s0] =	ssyncadd.s32 @!p0 s1  }
0x64: {  	[bflag:$0x3] =	sbarrier.arrive $0xFFFF  }
0x65: {  	_ =	shalt  }

// kernel: kernel.28.cloned.1.call-start
scs
__scs_entry_jumppad:
0x0: {  	(pc) =	sbr.rel $0x88, $3  }
0x1: {  	(tag) =	ssettag $0x0;
	lr =	simm.s32 $0x1  }
0x2: {  	[smem:$0x3F92] =	sst lr;
	_ =	strace $0xD0000000  }
0x3: {  	_ = 	snop  }
0x4: {  	_ = 	snop  }
0x5: {  	_ = 	snop  }
0x6: {  	_ = 	snop  }
0x7: {  	_ = 	snop  }
__scs_overlays_trampoline_lowered:
0x8: {  	[smem:$0x3FA1] =	sst s0  }
0x9: {  	[smem:$0x3FA2] =	sst s1  }
0xa: {  	[smem:$0x3FA3] =	sst s2  }
0xb: {  	[smem:$0x3FA4] =	sst s3  }
0xc: {  	[smem:$0x3FA5] =	sst s4  }
0xd: {  	[smem:$0x3FA6] =	sst s5  }
0xe: {  	[smem:$0x3FA7] =	sst s6  }
0xf: {  	[smem:$0x3FA8] =	sst s7  }
0x10: {  	[smem:$0x3FA9] =	sst s8  }
0x11: {  	[smem:$0x3FAA] =	sst s9;
	s0 =	simm.s32 @!p0 $0x0  }
0x12: {  	s1 =	sld [smem:$0x3F90];
	s0 =	simm.s32 @p0 $0x1  }
0x13: {  	[smem:$0x3FAB] =	sst s0;
	s0 =	simm.s32 @!p1 $0x0  }
0x14: {  	s2 =	sld [smem:$0x3F8F];
	s0 =	simm.s32 @p1 $0x1  }
0x15: {  	[smem:$0x3FAC] =	sst s0;
	s0 =	simm.s32 @!p2 $0x0  }
0x16: {  	s3 =	sld [smem:$0x3FDB];
	s0 =	simm.s32 @p2 $0x1  }
0x17: {  	s4 =	simm.s32 $0x1BF5;
	[smem:$0x3FAE] =	sst s0  }
0x18: {  	s0 =	sld [smem:$0x3F91];
	_ =	swait.ge [sflag:s4], $0x0  }
0x19: {  	s7 =	sld [smem:$0x3F92]  }
0x1a: {  	s8 =	sadd.s32 $0xFFFFE003, lr  }
0x1b: {  	s9 =	sadd.s32 $0xFFFFFEF7, lr;
	s5 =	simm.s32 $0xFFFFFFFF;
	p2 =	slt.u32 s8, $0xFFFFF086  }
0x1c: {  	p1 =	slt.u32 s9, $0xF7A;
	s5 =	simm.s32 @!p2 $0x0  }
0x1d: {  	s5 =	simm.s32 @p1 $0x1;
	p0 =	seq.s32 s7, s2  }
0x1e: {  	s7 =	smul.u32 @!p0 $0xF7A, s2;
	p2 =	seq.s32 @!p0 s5, $0x0  }
0x1f: {  	s9 =	smul.u32 $0xF7A, s1;
	s8 =	simm.s32 @!p0 $0x1BF5;
	p2 =	por !p2, p0  }
0x20: {  	[sflag:s8] =	ssyncset.s32 @!p0 $0xFFFFF086;
	s6 =	sadd.s32 @!p0 s3, s7;
	s7 =	simm.s32 @!p0 $0x108  }
0x21: {  	s3 =	sadd.s32 s3, s9;
	s6 =	sadd.s32 @!p0 $0x88, s6;
	s7 =	simm.s32 @p2 $0x1082  }
0x22: {  	[simem:s7], [sflag:s8] =	dma.local @!p0 [hbm:s6], $0xF7A  }
0x23: {  	s9 =	sor.u32 $0xD0000000, s2;
	s6 =	simm.s32 $0x108;
	_ =	swait.ge @!p0 [sflag:s8], $0x0  }
0x24: {  	s3 =	sadd.s32 $0x88, s3;
	s6 =	simm.s32 @!p1 $0x1082;
	[sflag:s4] =	ssyncset.s32 $0xFFFFF086  }
0x25: {  	[simem:s6], [sflag:s4] =	dma.local [hbm:s3], $0xF7A  }
0x26: {  	[smem:$0x3F92] =	sst s1;
	(tag) =	ssettag s2;
	_ =	strace s9  }
0x27: {  	s1 =	sld [smem:$0x3FA2]  }
0x28: {  	s2 =	sld [smem:$0x3FA3]  }
0x29: {  	s4 =	sld [smem:$0x3FA5]  }
0x2a: {  	p0 =	seq.s32 s5, $0x0;
	s5 =	sld [smem:$0x3FA6]  }
0x2b: {  	s6 =	sld [smem:$0x3FA7]  }
0x2c: {  	s7 =	sld [smem:$0x3FA8]  }
0x2d: {  	s3 =	simm.s32 $0x108;
	s8 =	sld [smem:$0x3FA9]  }
0x2e: {  	s3 =	simm.s32 @!p0 $0x1082;
	s9 =	sld [smem:$0x3FAA]  }
0x2f: {  	lr =	sadd.s32 s0, s3;
	s0 =	sld [smem:$0x3FA1]  }
0x30: {  	s3 =	sld [smem:$0x3FA4]  }
0x31: {  	[smem:$0x3FAD] =	sst s10  }
0x32: {  	s10 =	sld [smem:$0x3FAB];
	_ =	sdelay $0x3  }
0x33: {  	p0 =	seq.s32 s10, $0x1;
	s10 =	sld [smem:$0x3FAD];
	_ =	sdelay $0x3  }
0x34: {  	[smem:$0x3FAD] =	sst s10  }
0x35: {  	s10 =	sld [smem:$0x3FAC];
	_ =	sdelay $0x3  }
0x36: {  	p1 =	seq.s32 s10, $0x1;
	s10 =	sld [smem:$0x3FAD];
	_ =	sdelay $0x3  }
0x37: {  	[smem:$0x3FAD] =	sst s10  }
0x38: {  	s10 =	sld [smem:$0x3FAE]  }
0x39: {  	_ = 	snop;
	(pc) =	sbr.ind lr, $3  }
0x3a: {  	_ = 	snop  }
0x3b: {  	_ = 	snop  }
0x3c: {  	p2 =	seq.s32 s10, $0x1;
	s10 =	sld [smem:$0x3FAD]  }
0x3d: {  	_ =	shalt  }
0x3e: {  	_ =	shalt  }
0x3f: {  	_ =	shalt  }
0x40: {  	_ =	shalt  }
0x41: {  	_ =	shalt  }
0x42: {  	_ =	shalt  }
0x43: {  	_ =	shalt  }
0x44: {  	_ =	shalt  }
0x45: {  	_ =	shalt  }
0x46: {  	_ =	shalt  }
0x47: {  	_ =	shalt  }
0x48: {  	_ =	shalt  }
0x49: {  	_ =	shalt  }
0x4a: {  	_ =	shalt  }
0x4b: {  	_ =	shalt  }
0x4c: {  	_ =	shalt  }
0x4d: {  	_ =	shalt  }
0x4e: {  	_ =	shalt  }
0x4f: {  	_ =	shalt  }
0x50: {  	_ =	shalt  }
0x51: {  	_ =	shalt  }
0x52: {  	_ =	shalt  }
0x53: {  	_ =	shalt  }
0x54: {  	_ =	shalt  }
0x55: {  	_ =	shalt  }
0x56: {  	_ =	shalt  }
0x57: {  	_ =	shalt  }
0x58: {  	_ =	shalt  }
0x59: {  	_ =	shalt  }
0x5a: {  	_ =	shalt  }
0x5b: {  	_ =	shalt  }
0x5c: {  	_ =	shalt  }
0x5d: {  	_ =	shalt  }
0x5e: {  	_ =	shalt  }
0x5f: {  	_ =	shalt  }
0x60: {  	_ =	shalt  }
0x61: {  	_ =	shalt  }
0x62: {  	_ =	shalt  }
0x63: {  	_ =	shalt  }
0x64: {  	_ =	shalt  }
0x65: {  	_ =	shalt  }
0x66: {  	_ =	shalt  }
0x67: {  	_ =	shalt  }
0x68: {  	_ =	shalt  }
0x69: {  	_ =	shalt  }
0x6a: {  	_ =	shalt  }
0x6b: {  	_ =	shalt  }
0x6c: {  	_ =	shalt  }
0x6d: {  	_ =	shalt  }
0x6e: {  	_ =	shalt  }
0x6f: {  	_ =	shalt  }
0x70: {  	_ =	shalt  }
0x71: {  	_ =	shalt  }
0x72: {  	_ =	shalt  }
0x73: {  	_ =	shalt  }
0x74: {  	_ =	shalt  }
0x75: {  	_ =	shalt  }
0x76: {  	_ =	shalt  }
0x77: {  	_ =	shalt  }
0x78: {  	_ =	shalt  }
0x79: {  	_ =	shalt  }
0x7a: {  	_ =	shalt  }
0x7b: {  	_ =	shalt  }
0x7c: {  	_ =	shalt  }
0x7d: {  	_ =	shalt  }
0x7e: {  	_ =	shalt  }
0x7f: {  	_ =	shalt  }
0x80: {  	_ =	shalt  }
0x81: {  	_ =	shalt  }
0x82: {  	_ =	shalt  }
0x83: {  	_ =	shalt  }
0x84: {  	_ =	shalt  }
0x85: {  	_ =	shalt  }
0x86: {  	_ =	shalt  }
0x87: {  	_ =	shalt  }
.Lfunc_end0:
.L_simem_size_0:
called_computation.5_lowered:
.L_overlay_start_0:
0x88: {  	s2 =	sld [smem:$0x3FD9]  }
0x89: {  	s3 =	sld [smem:$0x3FFE];
	_ =	sdelay $0x1  }
0x8a: {  	s1 =	srdreg.scid  }
0x8b: {  	s0 =	sand.u32 $0x1, s1  }
0x8c: {  	s17 =	sshll.u32 s0, $0xA;
	s2 =	sadd.s32 s3, s2  }
0x8d: {  	s2 =	sadd.s32 s2, s17  }
0x8e: {  	[smem:$0x3FB9] =	sst s2  }
0x8f: {  	_ = 	snop  }
0x90: {  	(tm) =	ssettm $0x1  }
0x91: {  	s18 =	sld [smem:$0x3FFB];
	_ =	sdelay $0x3  }
0x92: {  	_ =	strace s18  }
0x93: {  	s2 =	sld [smem:$0x3FFC];
	_ =	sdelay $0x3  }
0x94: {  	_ =	strace s2  }
0x95: {  	s2 =	sld [smem:$0x3FFD];
	_ =	sdelay $0x3  }
0x96: {  	_ =	strace s2  }
0x97: {  	_ =	strace $0x8FFFFFFF  }
0x98: {  	s19 =	sld [smem:$0x3FDB];
	_ =	sdelay $0x1  }
0x99: {  	s20 =	simm.s32 $_scs_section_size  }
0x9a: {  	s4 =	simm.s32 $_size__tile_overlayer_lowered;
	s5 =	simm.s32 $_tile_overlayer_lowered  }
0x9b: {  	s6 =	simm.s32 $0x1BFF;
	s21 =	sshll.u32 s5, $0x1;
	s3 =	sadd.s32 s20, s19  }
0x9c: {  	s22 =	simm.s32 $0x0;
	s4 =	sshll.u32 s4, $0x1;
	s5 =	sadd.s32 s21, s3  }
0x9d: {  	[timem:s22], [sflag:s6] =	dma.local [hbm:s5], s4  }
0x9e: {  	_ =	swait.ge [sflag:s6], s4  }
0x9f: {  	s4 =	ssub.s32 $0x0, s4;
	[sflag:s6] =	ssyncset.done $0x0  }
0xa0: {  	[sflag:s6] =	ssyncadd.s32 s4;
	_ =	sdelay $0x1  }
0xa1: {  	s23 =	simm.s32 $0x1B8B  }
0xa2: {  	_ =	swait.ge [sflag:s23], $0x1  }
0xa3: {  	[sflag:s23] =	ssyncset.done $0x0  }
0xa4: {  	[sflag:s23] =	ssyncadd.s32 $0xFFFFFFFF  }
0xa5: {  	s4 =	sld [smem:$0x0]  }
0xa6: {  	s5 =	sand.u32 $0xFFFFFFFE, s1  }
0xa7: {  	p0 =	sne.s32 s1, s5  }
0xa8: {  	s5 =	sshll.u32 @p0 s5, $0xE  }
0xa9: {  	s5 =	sadd.s32 @p0 $0x11B8D, s5;
	s6 =	sshll.u32 @p0 s4, $0x11  }
0xaa: {  	s5 =	sor.u32 @p0 s6, s5  }
0xab: {  	[sflag:s5] =	ssyncadd.remote.s32 @p0 $0x1;
	_ =	sdelay $0x1  }
0xac: {  	s5 =	simm.s32 @p0 $0x1B8D  }
0xad: {  	_ =	swait.eq @p0 [sflag:s5], $0x1  }
0xae: {  	[sflag:s5] =	ssyncadd.s32 @p0 $0xFFFFFFFF  }
0xaf: {  	s6 =	sshll.u32 @!p0 s1, $0xE  }
0xb0: {  	s6 =	sor.u32 @!p0 $0x4000, s6;
	s5 =	simm.s32 @!p0 $0x1B8D  }
0xb1: {  	s4 =	sshll.u32 @!p0 s4, $0x11;
	s6 =	sadd.s32 @!p0 $0x11B8D, s6;
	_ =	swait.eq @!p0 [sflag:s5], $0x1  }
0xb2: {  	s4 =	sor.u32 @!p0 s4, s6;
	[sflag:s5] =	ssyncadd.s32 @!p0 $0xFFFFFFFF  }
0xb3: {  	s25 =	simm.s32 $0x1B8E;
	s24 =	sld [smem:$0x3FFE];
	[sflag:s4] =	ssyncadd.remote.s32 @!p0 $0x1  }
0xb4: {  	s26 =	simm.s32 $execute0_lowered;
	[smem:$0x3FD2] =	sst s25  }
0xb5: {  	s5 =	sshll.u32 s26, $0x1;
	_ =	strace $0x80000055;
	[dreg:$0x1] =	wrdreg $0xFFFFFFFF  }
0xb6: {  	s28 =	simm.s32 $_size_execute0_lowered;
	s3 =	sadd.s32 s3, s5;
	[dreg:$0x0] =	wrdreg $0x0  }
0xb7: {  	s5 =	sshll.u32 s28, $0x1;
	[dreg:$0x2] =	wrdreg s3  }
0xb8: {  	[dreg:$0x3] =	wrdreg s5  }
0xb9: {  	[dreg:$0x4] =	wrdreg $0xC0  }
0xba: {  	_ =	task [dreg:s22], $0x5FFFF  }
0xbb: {  	[dreg:$0x1] =	wrdreg $0xFFFFFFFF  }
0xbc: {  	[dreg:$0x0] =	wrdreg $0x60  }
0xbd: {  	[dreg:$0x2] =	wrdreg s24  }
0xbe: {  	[dreg:$0x3] =	wrdreg $0xA  }
0xbf: {  	_ =	task.clear_ibuf [dreg:s22], $0x4FFFF;
	_ =	strace $0x90000055  }
0xc0: {  	s29 =	simm.s32 $0xA;
	_ =	strace $0x80000057  }
0xc1: {  	_ =	swait.ge [sflag:s29], $0x1  }
0xc2: {  	[sflag:s29] =	ssyncadd.s32 $0xFFFFFFFF  }
0xc3: {  	_ =	strace $0x90000057  }
0xc4: {  	_ =	sfence  }
0xc5: {  	s30 =	sld [smem:$0x0];
	_ =	sdelay $0x2  }
0xc6: {  	s31 =	sshll.u32 s1, $0xD;
	s1 =	sshrl.u32 s1, $0x2  }
0xc7: {  	s4 =	sand.u32 $0x4000, s31;
	s1 =	sadd.s32 s1, s30  }
0xc8: {  	s0 =	sor.u32 s4, s0;
	s1 =	sshll.u32 s1, $0x11  }
0xc9: {  	s0 =	sor.u32 s1, s0  }
0xca: {  	s0 =	sadd.s32 $0x8F2B, s0  }
0xcb: {  	[sflag:s0] =	ssyncadd.remote.s32 $0x1  }
0xcc: {  	_ =	sfence.sel $0xFFFF  }
0xcd: {  	[dreg:$0x0] =	wrdreg $0xFFFFFFFF;
	(pc) =	sbr.abs _section_cstart, $3  }
0xce: {  	[dreg:$0x1] =	wrdreg $0xFFFFFFFF  }
0xcf: {  	_ =	task.clear_ibuf [dreg:s22], $0x2FFFF;
	_ =	strace $0x9FFFFFFF  }
0xd0: {  	(tm) =	ssettm $0x7FFFFFFF  }
0xd1: {  	_ =	shalt  }
tec
execute0_lowered:
.L_overlay_start_1:
0x0: {  	(tag) =	ssettag $0x1  }
0x1: {  	s5 =	rddreg [dreg:$0x0]  }
0x2: {  	s0 =	rddreg [dreg:$0x1]  }
0x3: {  	s2 =	srdreg.scid;
	s1 =	stileid.u32;
	s12 =	simm.s32 $0x5  }
0x4: {  	s13 =	simm.s32 $0x2E00;
	s14 =	simm.s32 $0x80;
	s15 =	simm.s32 $0x5C00  }
0x5: {  	s16 =	simm.s32 $0x9C00;
	s17 =	simm.s32 $0x7C00;
	s18 =	simm.s32 $0x2E80  }
0x6: {  	s19 =	simm.s32 $0xBC00;
	s20 =	simm.s32 $0x1;
	s21 =	simm.s32 $0x3  }
0x7: {  	s22 =	simm.s32 $0x2;
	s23 =	simm.s32 $0x4;
	s24 =	simm.s32 $0xDC00  }
0x8: {  	s25 =	simm.s32 $0x0;
	s6 =	sand.u32 $0x1, s2;
	s4 =	smul.u32 $0x5C, s1  }
0x9: {  	s3 =	sshll.u32 s1, $0x3;
	s2 =	simm.s32 $0x0;
	p0 =	seq.s32 s6, $0x0  }
0xa: {  	s3 =	sadd.s32 $0x5C0, s3;
	[smem:$0x7FF] =	sst s2;
	s7 =	ssub.s32 $0x2, s6  }
0xb: {  	s6 =	simm.s32 $0x5C;
	s3 =	smov.u32 @p0 s4;
	_ =	strace $0x80000056  }
0xc: {  	s9 =	sshrl.u32 s7, $0x1;
	s6 =	simm.s32 @!p0 $0x8;
	s4 =	sshll.u32 s3, $0x4  }
0xd: {  	s11 =	ssub.s32 s7, s9;
	s9 =	sshrl.u32 s6, $0x1;
	s10 =	sor.u32 $0x1, s3  }
0xe: {  	s8 =	sadd.s32 s4, s5;
	s4 =	sadd.s32 $0xAD400, s5;
	s5 =	sadd.s32 $0xC1000, s5  }
0xf: {  	s11 =	smax.u32 s11, $0x1;
	s7 =	sadd.s32 $0xA7000, s8;
	s8 =	sadd.s32 $0xA0C00, s8  }
.LBB2_1:
0x10: {  	[tilespmem:s2], [sflag:$0x5] =	stream.linear.gather [hbm4b:s7+s2], $0x2E00, $0x38;
	[tilespmem:$0xE400] =	vst v63  }
0x11: {  	_ =	swait.ge [sflag:s12], $0x2E00  }
0x12: {  	[sflag:s12] =	ssyncset.done $0x0  }
0x13: {  	[sflag:s12] =	ssyncadd.s32 $0xFFFFD200  }
0x14: {  	[tilespmem:s13], [sflag:$0x5] =	stream.linear.gather [hbm4b:s8+s2], $0x2E00, $0x38;
	[tilespmem:$0xE400] =	vst v63  }
0x15: {  	_ =	swait.ge [sflag:s12], $0x2E00  }
0x16: {  	[sflag:s12] =	ssyncset.done $0x0  }
0x17: {  	[sflag:s12] =	ssyncadd.s32 $0xFFFFD200  }
0x18: {  	[tilespmem:s15], [sflag:$0x1] =	stream.indirect.gather [hbm4b:s4+s14], $0x40, s2, s14, $0xb8;
	[tilespmem:$0xE400] =	vst v63  }
0x19: {  	_ = 	snop  }
0x1a: {  	[tilespmem:s16], [sflag:$0x3] =	stream.indirect.gather [hbm4b:s4+s14], $0x40, s13, s14, $0xb8;
	[tilespmem:$0xE400] =	vst v63  }
0x1b: {  	_ = 	snop  }
0x1c: {  	[tilespmem:s17], [sflag:$0x2] =	stream.indirect.gather [hbm4b:s4+s14], $0x40, s14, s14, $0xb8;
	[tilespmem:$0xE400] =	vst v63  }
0x1d: {  	s26 =	simm.s32 $0x0  }
0x1e: {  	[tilespmem:s19], [sflag:$0x4] =	stream.indirect.gather [hbm4b:s4+s14], $0x40, s18, s14, $0xb8;
	[tilespmem:$0xE400] =	vst v63  }
.LBB2_2:
0x1f: {  	_ =	swait.ge [sflag:s20], $0x2000  }
0x20: {  	[sflag:s20] =	ssyncset.done $0x0  }
0x21: {  	[sflag:s20] =	ssyncadd.s32 $0xFFFFE000  }
0x22: {  	_ =	swait.ge [sflag:s21], $0x2000  }
0x23: {  	[sflag:s21] =	ssyncset.done $0x0  }
0x24: {  	s28 =	simm.s32 $0x0;
	[sflag:s21] =	ssyncadd.s32 $0xFFFFE000  }
0x25: {  	v0 =	vld [tilespmem:s28+$0x9C00]  }
0x26: {  	v1 =	vld [tilespmem:s28+$0x5C00]  }
0x27: {  	v2 =	vld [tilespmem:s28+$0x5C10]  }
0x28: {  	v3 =	vld [tilespmem:s28+$0x9C10]  }
0x29: {  	v4 =	vld [tilespmem:s28+$0x5C20]  }
0x2a: {  	v5 =	vld [tilespmem:s28+$0x9C20]  }
0x2b: {  	v6 =	vld [tilespmem:s28+$0x5C30]  }
0x2c: {  	v7 =	vld [tilespmem:s28+$0x9C30]  }
0x2d: {  	v0 =	vmul.f32 v0, v1;
	v1 =	vmul.f32 v3, v2;
	_ =	sdelay $0x1  }
0x2e: {  	v0 =	vadd.f32 v1, v0;
	v1 =	vmul.f32 v5, v4;
	_ =	sdelay $0x1  }
0x2f: {  	v0 =	vadd.f32 v1, v0;
	v1 =	vmul.f32 v7, v6;
	_ =	sdelay $0x1  }
0x30: {  	v0 =	vadd.f32 v1, v0  }
0x31: {  	s29 =	simm.s32 $0xDC00  }
0x32: {  	s30 =	simm.s32 $0x40;
	[tilespmem:s29+$0x0] =	vst v0  }
0x33: {  	v0 =	vld [tilespmem:s30+$0x9C00]  }
0x34: {  	v1 =	vld [tilespmem:s30+$0x5C00]  }
0x35: {  	s28 =	simm.s32 $0x200;
	v2 =	vld [tilespmem:s30+$0x5C10]  }
.LBB2_3:
0x36: {  	p0 =	sne.s32 s28, $0x7F00;
	v3 =	vld [tilespmem:s30+$0x9C10]  }
0x37: {  	v4 =	vld [tilespmem:s30+$0x5C20]  }
0x38: {  	v5 =	vld [tilespmem:s30+$0x9C20]  }
0x39: {  	v6 =	vld [tilespmem:s30+$0x5C30]  }
0x3a: {  	v7 =	vld [tilespmem:s30+$0x9C30]  }
0x3b: {  	v0 =	vmul.f32 v0, v1;
	v1 =	vmul.f32 v3, v2;
	_ =	sdelay $0x1  }
0x3c: {  	v0 =	vadd.f32 v1, v0;
	v1 =	vmul.f32 v5, v4;
	_ =	sdelay $0x1  }
0x3d: {  	v0 =	vadd.f32 v1, v0;
	v1 =	vmul.f32 v7, v6;
	_ =	sdelay $0x1  }
0x3e: {  	v0 =	vadd.f32 v1, v0  }
.Ltmp0:
0x3f: {  	s29 =	sadd.s32 $0x10, s29;
	(pc) =	sbr.rel @p0 .LBB2_3-.Ltmp0, $4  }
0x40: {  	s30 =	sshra.s32 s28, $0x2;
	[tilespmem:s29+$0x0] =	vst v0  }
0x41: {  	v0 =	vld [tilespmem:s30+$0x9C00]  }
0x42: {  	v1 =	vld [tilespmem:s30+$0x5C00]  }
0x43: {  	s28 =	sadd.s32 $0x100, s28;
	v2 =	vld [tilespmem:s30+$0x5C10]  }
0x44: {  	v3 =	vld [tilespmem:s30+$0x9C10]  }
0x45: {  	v4 =	vld [tilespmem:s30+$0x5C20]  }
0x46: {  	v5 =	vld [tilespmem:s30+$0x9C20]  }
0x47: {  	v6 =	vld [tilespmem:s30+$0x5C30]  }
0x48: {  	v7 =	vld [tilespmem:s30+$0x9C30]  }
0x49: {  	v0 =	vmul.f32 v0, v1;
	v1 =	vmul.f32 v3, v2;
	_ =	sdelay $0x1  }
0x4a: {  	v0 =	vadd.f32 v1, v0;
	v1 =	vmul.f32 v5, v4;
	_ =	sdelay $0x1  }
0x4b: {  	v0 =	vadd.f32 v1, v0;
	v1 =	vmul.f32 v7, v6  }
0x4c: {  	s28 =	sshll.u32 s26, $0x1  }
0x4d: {  	s30 =	sadd.s32 $0x2, s28;
	v0 =	vadd.f32 v1, v0  }
0x4e: {  	s29 =	sadd.s32 $0x10, s29;
	p0 =	sge.u32 s30, s6  }
0x4f: {  	s31 =	simm.s32 @!p0 $0x5C00;
	[tilespmem:s29+$0x0] =	vst v0;
	s29 =	sshll.u32 @!p0 s30, $0x7;
	s30 =	simm.s32 @!p0 $0x80  }
0x50: {  	[tilespmem:s31], [sflag:$0x1] =	stream.indirect.gather @!p0 [hbm4b:s4+s30], $0x40, s29, s30, $0xb8;
	[tilespmem:$0xE400] =	vst v63  }
0x51: {  	s29 =	sadd.s32 @!p0 $0x2E00, s29;
	s31 =	simm.s32 @!p0 $0x9C00  }
0x52: {  	[tilespmem:s31], [sflag:$0x3] =	stream.indirect.gather @!p0 [hbm4b:s4+s30], $0x40, s29, s30, $0xb8;
	[tilespmem:$0xE400] =	vst v63  }
0x53: {  	s29 =	sadd.s32 s3, s28  }
0x54: {  	s29 =	sshll.u32 s29, $0x8  }
0x55: {  	s29 =	sand.u32 $0x1FFFFE00, s29  }
0x56: {  	s31 =	simm.s32 $0x0;
	s30 =	sadd.s32 s5, s29;
	s29 =	simm.s32 $0xDC00  }
0x57: {  	[hbm4b:s30+s31] =	stream.linear.scatter [tilespmem:s29], [sflag:$0x5], $0x800, $0x38;
	[tilespmem:$0xE400] =	vst v63  }
0x58: {  	_ =	swait.ge [sflag:s12], $0x800  }
0x59: {  	[sflag:s12] =	ssyncset.done $0x0  }
0x5a: {  	[sflag:s12] =	ssyncadd.s32 $0xFFFFF800  }
0x5b: {  	_ =	swait.ge [sflag:s22], $0x2000  }
0x5c: {  	[sflag:s22] =	ssyncset.done $0x0  }
0x5d: {  	[sflag:s22] =	ssyncadd.s32 $0xFFFFE000  }
0x5e: {  	_ =	swait.ge [sflag:s23], $0x2000  }
0x5f: {  	[sflag:s23] =	ssyncset.done $0x0  }
0x60: {  	s30 =	simm.s32 $0x0;
	[sflag:s23] =	ssyncadd.s32 $0xFFFFE000  }
0x61: {  	v0 =	vld [tilespmem:s30+$0xBC00]  }
0x62: {  	v1 =	vld [tilespmem:s30+$0x7C00]  }
0x63: {  	v2 =	vld [tilespmem:s30+$0x7C10]  }
0x64: {  	v3 =	vld [tilespmem:s30+$0xBC10]  }
0x65: {  	v60 =	vld [tilespmem:s30+$0x7C20]  }
0x66: {  	v61 =	vld [tilespmem:s30+$0xBC20]  }
0x67: {  	v62 =	vld [tilespmem:s30+$0x7C30]  }
0x68: {  	v63 =	vld [tilespmem:s30+$0xBC30]  }
0x69: {  	v0 =	vmul.f32 v0, v1;
	v1 =	vmul.f32 v3, v2;
	_ =	sdelay $0x1  }
0x6a: {  	v0 =	vadd.f32 v1, v0;
	v1 =	vmul.f32 v61, v60;
	_ =	sdelay $0x1  }
0x6b: {  	v0 =	vadd.f32 v1, v0;
	v1 =	vmul.f32 v63, v62;
	_ =	sdelay $0x1  }
0x6c: {  	v0 =	vadd.f32 v1, v0;
	_ =	sdelay $0x1  }
0x6d: {  	s31 =	simm.s32 $0x40;
	[tilespmem:s29+$0x0] =	vst v0  }
0x6e: {  	v0 =	vld [tilespmem:s31+$0xBC00]  }
0x6f: {  	v1 =	vld [tilespmem:s31+$0x7C00]  }
0x70: {  	s30 =	simm.s32 $0x200;
	v2 =	vld [tilespmem:s31+$0x7C10]  }
.LBB2_5:
0x71: {  	p0 =	sne.s32 s30, $0x7F00;
	v3 =	vld [tilespmem:s31+$0xBC10]  }
0x72: {  	v4 =	vld [tilespmem:s31+$0x7C20]  }
0x73: {  	v5 =	vld [tilespmem:s31+$0xBC20]  }
0x74: {  	v6 =	vld [tilespmem:s31+$0x7C30]  }
0x75: {  	v7 =	vld [tilespmem:s31+$0xBC30]  }
0x76: {  	v0 =	vmul.f32 v0, v1;
	v1 =	vmul.f32 v3, v2;
	_ =	sdelay $0x1  }
0x77: {  	v0 =	vadd.f32 v1, v0;
	v1 =	vmul.f32 v5, v4;
	_ =	sdelay $0x1  }
0x78: {  	v0 =	vadd.f32 v1, v0;
	v1 =	vmul.f32 v7, v6;
	_ =	sdelay $0x1  }
0x79: {  	v0 =	vadd.f32 v1, v0  }
.Ltmp1:
0x7a: {  	s29 =	sadd.s32 $0x10, s29;
	(pc) =	sbr.rel @p0 .LBB2_5-.Ltmp1, $4  }
0x7b: {  	s31 =	sshra.s32 s30, $0x2;
	[tilespmem:s29+$0x0] =	vst v0  }
0x7c: {  	v0 =	vld [tilespmem:s31+$0xBC00]  }
0x7d: {  	v1 =	vld [tilespmem:s31+$0x7C00]  }
0x7e: {  	s30 =	sadd.s32 $0x100, s30;
	v2 =	vld [tilespmem:s31+$0x7C10]  }
0x7f: {  	v3 =	vld [tilespmem:s31+$0xBC10]  }
0x80: {  	v4 =	vld [tilespmem:s31+$0x7C20]  }
0x81: {  	v5 =	vld [tilespmem:s31+$0xBC20]  }
0x82: {  	v6 =	vld [tilespmem:s31+$0x7C30]  }
0x83: {  	v7 =	vld [tilespmem:s31+$0xBC30]  }
0x84: {  	v0 =	vmul.f32 v0, v1;
	v61 =	vmul.f32 v3, v2;
	_ =	sdelay $0x1  }
0x85: {  	v62 =	vmul.f32 v5, v4;
	v0 =	vadd.f32 v61, v0;
	_ =	sdelay $0x1  }
0x86: {  	v63 =	vmul.f32 v7, v6;
	v0 =	vadd.f32 v62, v0;
	_ =	sdelay $0x1  }
0x87: {  	s30 =	sadd.s32 $0x3, s28;
	v0 =	vadd.f32 v63, v0  }
0x88: {  	s29 =	sadd.s32 $0x10, s29;
	p0 =	sge.u32 s30, s6  }
0x89: {  	s31 =	simm.s32 @!p0 $0x7C00;
	[tilespmem:s29+$0x0] =	vst v0;
	s29 =	sshll.u32 @!p0 s30, $0x7;
	s30 =	simm.s32 @!p0 $0x80  }
0x8a: {  	[tilespmem:s31], [sflag:$0x2] =	stream.indirect.gather @!p0 [hbm4b:s4+s30], $0x40, s29, s30, $0xb8;
	[tilespmem:$0xE400] =	vst v63  }
0x8b: {  	s29 =	sadd.s32 @!p0 $0x2E00, s29;
	s31 =	simm.s32 @!p0 $0xBC00  }
0x8c: {  	[tilespmem:s31], [sflag:$0x4] =	stream.indirect.gather @!p0 [hbm4b:s4+s30], $0x40, s29, s30, $0xb8;
	[tilespmem:$0xE400] =	vst v63  }
0x8d: {  	s26 =	sadd.s32 $0x1, s26;
	s31 =	sadd.s32 s28, s10  }
0x8e: {  	p0 =	sne.s32 s26, s9;
	s28 =	sshll.u32 s31, $0x8  }
.Ltmp2:
0x8f: {  	s28 =	sadd.s32 s5, s28;
	(pc) =	sbr.rel @p0 .LBB2_2-.Ltmp2, $4  }
0x90: {  	[hbm4b:s28+s2] =	stream.linear.scatter [tilespmem:s24], [sflag:$0x5], $0x800, $0x38;
	[tilespmem:$0xE400] =	vst v63  }
0x91: {  	_ =	swait.ge [sflag:s12], $0x800  }
0x92: {  	[sflag:s12] =	ssyncset.done $0x0  }
0x93: {  	[sflag:s12] =	ssyncadd.s32 $0xFFFFF800  }
0x94: {  	s25 =	sadd.s32 $0x1, s25  }
0x95: {  	p0 =	sne.s32 s25, s11  }
.Ltmp3:
0x96: {  	_ = 	snop;
	(pc) =	sbr.rel @p0 .LBB2_1-.Ltmp3, $1  }
0x97: {  	_ =	sdelay $0x3  }
0x98: {  	_ =	sfence.sel $0x180000  }
0x99: {  	[bflag:$0x0] =	sbarrier.arrive $0xFFFF  }
0x9a: {  	p0 =	sne.s32 s1, $0x0;
	_ =	strace $0x90000056  }
0x9b: {  	s0 =	sadd.s32 @!p0 $0x100000, s0;
	[bflag:$0x2] =	sbarrier.arrive $0xFFFF  }
0x9c: {  	[sflag:s0] =	ssyncadd.tile.s32 @!p0 $0x1;
	_ =	shalt  }
.Lfunc_end2:
_tile_overlayer_lowered:
.L_overlay_start_2:
0x9d: {  	(tag) =	ssettag $0x2  }
0x9e: {  	s0 =	rddreg [dreg:$0x0];
	s2 =	stileid.u32  }
0x9f: {  	s1 =	rddreg [dreg:$0x1];
	p0 =	sne.s32 s2, $0x0  }
0xa0: {  	s3 =	rddreg [dreg:$0x2];
	[bflag:$0x3] =	sbarrier.arrive $0xFFFF;
	s2 =	simm.s32 @!p0 $0x1C05  }
0xa1: {  	[timem:s3], [sflag:s2] =	dma.local @!p0 [hbm:s0], s1  }
0xa2: {  	s0 =	simm.s32 @!p0 $0x5  }
0xa3: {  	_ =	swait.ge @!p0 [sflag:s0], s1  }
0xa4: {  	s1 =	ssub.s32 @!p0 $0x0, s1;
	[sflag:s0] =	ssyncset.done @!p0 $0x0  }
0xa5: {  	[sflag:s0] =	ssyncadd.s32 @!p0 s1  }
0xa6: {  	[bflag:$0x3] =	sbarrier.arrive $0xFFFF  }
0xa7: {  	_ =	shalt  }

</sc_bundles>
